<compile_context>
chip_gen: v7x
topology: tpu7x:2x2x1
jax: 0.10.2.dev20260603
libtpu: 0.0.44.dev20260713+nightly
codegen_flags: <defaults>
</compile_context>

<pallas_src>
import functools

import jax
import jax.numpy as jnp
from jax import lax
from jax.experimental import pallas as pl
from jax.experimental.pallas import tpu as pltpu
from jax.experimental.pallas import tpu_sc as plsc

GAMMA = 12.0
HIDDEN = 128
LANES = 16
VPR = HIDDEN // LANES
CHUNK = 16
NBUF = 16


def kernel(entity_emb, relation_emb, head_ids, rel_ids, tail_ids):
    B = head_ids.shape[0]
    info = plsc.get_sparse_core_info()
    NC, NS = info.num_cores, info.num_subcores
    NW = NC * NS
    per_w = B // NW
    n_chunks = per_w // CHUNK

    mesh = plsc.VectorSubcoreMesh(core_axis_name="c", subcore_axis_name="s")

    @functools.partial(
        pl.kernel,
        mesh=mesh,
        out_type=jax.ShapeDtypeStruct((B,), jnp.float32),
        scratch_types=[
            pltpu.VMEM((per_w,), jnp.int32),
            pltpu.VMEM((per_w,), jnp.int32),
            pltpu.VMEM((per_w,), jnp.int32),
            pltpu.VMEM((NBUF * CHUNK, HIDDEN), jnp.float32),
            pltpu.VMEM((NBUF * CHUNK, HIDDEN), jnp.float32),
            pltpu.VMEM((NBUF * CHUNK, HIDDEN), jnp.float32),
            pltpu.VMEM((per_w,), jnp.float32),
            pltpu.VMEM((LANES * LANES,), jnp.float32),
            pltpu.SemaphoreType.DMA((NBUF + 2,)),
        ],
        compiler_params=pltpu.CompilerParams(needs_layout_passes=False),
    )
    def tec_kernel(ent_hbm, rel_hbm, hid_hbm, rid_hbm, tid_hbm, out_hbm,
                   hi_v, ti_v, ri_v, h_v, t_v, r_v, out_v, ts_v, semarr):
        wid = lax.axis_index("s") * NC + lax.axis_index("c")
        wbase = wid * per_w
        lanes = lax.iota(jnp.int32, LANES)

        wsl = pl.ds(wbase, per_w)
        id_descs = (
            pltpu.make_async_copy(hid_hbm.at[wsl], hi_v, semarr.at[NBUF]),
            pltpu.make_async_copy(tid_hbm.at[wsl], ti_v, semarr.at[NBUF]),
            pltpu.make_async_copy(rid_hbm.at[wsl], ri_v, semarr.at[NBUF]),
        )
        for d in id_descs:
            d.start()
        for d in id_descs:
            d.wait()

        def gather_descs(c, bo, sem):
            sl = pl.ds(c * CHUNK, CHUNK)
            dst = pl.ds(bo, CHUNK)
            return (
                pltpu.make_async_copy(ent_hbm.at[hi_v.at[sl]], h_v.at[dst], sem),
                pltpu.make_async_copy(ent_hbm.at[ti_v.at[sl]], t_v.at[dst], sem),
                pltpu.make_async_copy(rel_hbm.at[ri_v.at[sl]], r_v.at[dst], sem),
            )

        for b in range(NBUF):
            for d in gather_descs(b, b * CHUNK, semarr.at[b]):
                d.start()

        def compute_chunk(c, bo):
            def body(g, carry):
                base = g * LANES
                ilv = 4
                for tp in range(0, LANES, ilv):
                    accs = [jnp.zeros((LANES,), jnp.float32)] * ilv
                    for j in range(VPR):
                        for k in range(ilv):
                            i = bo + base + tp + k
                            hv = h_v[i, pl.ds(j * LANES, LANES)]
                            rv = r_v[i, pl.ds(j * LANES, LANES)]
                            tv = t_v[i, pl.ds(j * LANES, LANES)]
                            accs[k] = accs[k] + jnp.abs(hv + rv - tv)
                    for k in range(ilv):
                        col = jnp.full((LANES,), tp + k, jnp.int32)
                        plsc.store_scatter(ts_v, [lanes * LANES + col], accs[k])
                vals = [ts_v[pl.ds(l * LANES, LANES)] for l in range(LANES)]
                while len(vals) > 1:
                    vals = [a + b for a, b in zip(vals[::2], vals[1::2])]
                tot = vals[0]
                score = jnp.full((LANES,), GAMMA, jnp.float32) - tot
                obase = jnp.full((LANES,), c * CHUNK, jnp.int32) + base
                plsc.store_scatter(out_v, [obase + lanes], score)
                return carry

            if CHUNK == LANES:
                body(0, 0)
            else:
                lax.fori_loop(0, CHUNK // LANES, body, 0)

        def out_desc(c):
            return pltpu.make_async_copy(
                out_v.at[pl.ds(c * CHUNK, CHUNK)],
                out_hbm.at[pl.ds(wbase + c * CHUNK, CHUNK)],
                semarr.at[NBUF + 1],
            )

        def chunk_body(c, carry):
            par = lax.rem(c, NBUF)
            bo = par * CHUNK
            sem = semarr.at[par]
            for d in gather_descs(c, bo, sem):
                d.wait()
            compute_chunk(c, bo)

            @pl.when(c + NBUF < n_chunks)
            def _():
                for d in gather_descs(c + NBUF, bo, sem):
                    d.start()

            out_desc(c).start()
            return carry

        lax.fori_loop(0, n_chunks, chunk_body, 0)

        def drain_body(c, carry):
            out_desc(c).wait()
            return carry

        lax.fori_loop(0, n_chunks, drain_body, 0)

    return tec_kernel(entity_emb, relation_emb, head_ids, rel_ids, tail_ids)

# --- scband reference (transcript-rebuilt; emitter-appended) ---
"""Pipeline reference for scband-kemodel-76124000354703 (READ-ONLY COPY).

The authoritative reference and input builder live on the scoring server;
editing this copy changes nothing except your own understanding.
"""

import jax, jax.numpy as jnp
import numpy as np

GAMMA = 12.0
EPS = 2.0
HIDDEN = 128
EMB_INIT = (GAMMA + EPS) / HIDDEN
N_ENT = 1000000
N_REL = 1000
B = 16384


def setup_inputs(seed: int = 0) -> dict:
    key = jax.random.key(seed)
    k1, k2, k3, k4, k5 = jax.random.split(key, 5)
    head_ids = jax.random.randint(k1, (B,), 0, N_ENT, dtype=jnp.int64 if jax.config.jax_enable_x64 else jnp.int32)
    tail_ids = jax.random.randint(k2, (B,), 0, N_ENT, dtype=jnp.int64 if jax.config.jax_enable_x64 else jnp.int32)
    rel_ids = jax.random.randint(k3, (B,), 0, N_REL, dtype=jnp.int64 if jax.config.jax_enable_x64 else jnp.int32)
    entity_emb = jax.random.uniform(k4, (N_ENT, HIDDEN), minval=-EMB_INIT, maxval=EMB_INIT, dtype=jnp.float32)
    relation_emb = jax.random.uniform(k5, (N_REL, HIDDEN), minval=-EMB_INIT, maxval=EMB_INIT, dtype=jnp.float32)
    return {
        "entity_emb": entity_emb,
        "relation_emb": relation_emb,
        "head_ids": head_ids,
        "rel_ids": rel_ids,
        "tail_ids": tail_ids,
    }


def reference(entity_emb, relation_emb, head_ids, rel_ids, tail_ids):
    # KEModel forward (TransE scoring on a batch of positive triples):
    #   emb lookups (entity_emb, relation_emb) then
    #   score = gamma - || head + rel - tail ||_1
    head = jnp.take(entity_emb, head_ids, axis=0)
    tail = jnp.take(entity_emb, tail_ids, axis=0)
    rel = jnp.take(relation_emb, rel_ids, axis=0)
    score = head + rel - tail
    return GAMMA - jnp.sum(jnp.abs(score), axis=-1)

if __name__ == "__main__":
    import jax
    _d = setup_inputs()
    print(jax.jit(kernel)(*tuple(_d.values())))

</pallas_src>

<mosaic_0001>
#map = affine_map<(d0, d1) -> (0, 0)>
#map1 = affine_map<(d0, d1) -> (0)>
module attributes {stable_mosaic.version = 14 : i64} {
  func.func @tec_kernel(%arg0: i32, %arg1: i32, %arg2: memref<1000000x128xf32, #tpu.memory_space<hbm>>, %arg3: memref<1000x128xf32, #tpu.memory_space<hbm>>, %arg4: memref<16384xi32, #tpu.memory_space<hbm>>, %arg5: memref<16384xi32, #tpu.memory_space<hbm>>, %arg6: memref<16384xi32, #tpu.memory_space<hbm>>, %arg7: memref<16384xf32, #tpu.memory_space<hbm>>, %arg8: memref<512xi32, #tpu.memory_space<vmem>>, %arg9: memref<512xi32, #tpu.memory_space<vmem>>, %arg10: memref<512xi32, #tpu.memory_space<vmem>>, %arg11: memref<256x128xf32, #tpu.memory_space<vmem>>, %arg12: memref<256x128xf32, #tpu.memory_space<vmem>>, %arg13: memref<256x128xf32, #tpu.memory_space<vmem>>, %arg14: memref<512xf32, #tpu.memory_space<vmem>>, %arg15: memref<256xf32, #tpu.memory_space<vmem>>, %arg16: memref<18x!tpu.dma_semaphore, #tpu.memory_space<semaphore_mem>>) attributes {dimension_semantics = [#tpu.dimension_semantics<core_parallel>, #tpu.dimension_semantics<subcore_parallel>], iteration_bounds = array<i64: 2, 16>, scalar_prefetch = 0 : i64, scratch_operands = 9 : i64, tpu.core_type = #tpu.core_type<sc_vector_subcore>, window_params = [{transform_indices = #map}, {transform_indices = #map}, {transform_indices = #map1}, {transform_indices = #map1}, {transform_indices = #map1}, {transform_indices = #map1}]} {
    %mul3A = arith.constant 2 : i32
    %mul3A_0 = arith.muli %arg1, %mul3A : i32
    %add3A = arith.addi %mul3A_0, %arg0 : i32
    %mul3A_1 = arith.constant 512 : i32
    %mul3A_2 = arith.muli %add3A, %mul3A_1 : i32
    %iota3A = tpu.iota {dimensions = array<i32: 0>} : vector<16xi32>
    %dma_start3A = arith.constant 16 : i32
    %dma_start3A_3 = tpu.memref_slice %arg4[%mul3A_2] : memref<16384xi32, #tpu.memory_space<hbm>> -> memref<512xi32, #tpu.memory_space<hbm>>
    %dma_start3A_4 = tpu.memref_slice %arg16[%dma_start3A] : memref<18x!tpu.dma_semaphore, #tpu.memory_space<semaphore_mem>> -> memref<1x!tpu.dma_semaphore, #tpu.memory_space<semaphore_mem>>
    %dma_start3A_5 = tpu.memref_squeeze %dma_start3A_4 : memref<1x!tpu.dma_semaphore, #tpu.memory_space<semaphore_mem>> -> memref<!tpu.dma_semaphore, #tpu.memory_space<semaphore_mem>>
    %dma_start3A_6 = tpu.memref_slice %arg4[%mul3A_2] : memref<16384xi32, #tpu.memory_space<hbm>> -> memref<512xi32, #tpu.memory_space<hbm>>
    tpu.enqueue_dma source(%dma_start3A_6 : memref<512xi32, #tpu.memory_space<hbm>>) target(%arg8 : memref<512xi32, #tpu.memory_space<vmem>>) target_semaphore(%dma_start3A_5 : memref<!tpu.dma_semaphore, #tpu.memory_space<semaphore_mem>>)
    %dma_start3A_7 = arith.constant 16 : i32
    %dma_start3A_8 = tpu.memref_slice %arg6[%mul3A_2] : memref<16384xi32, #tpu.memory_space<hbm>> -> memref<512xi32, #tpu.memory_space<hbm>>
    %dma_start3A_9 = tpu.memref_slice %arg16[%dma_start3A_7] : memref<18x!tpu.dma_semaphore, #tpu.memory_space<semaphore_mem>> -> memref<1x!tpu.dma_semaphore, #tpu.memory_space<semaphore_mem>>
    %dma_start3A_10 = tpu.memref_squeeze %dma_start3A_9 : memref<1x!tpu.dma_semaphore, #tpu.memory_space<semaphore_mem>> -> memref<!tpu.dma_semaphore, #tpu.memory_space<semaphore_mem>>
    %dma_start3A_11 = tpu.memref_slice %arg6[%mul3A_2] : memref<16384xi32, #tpu.memory_space<hbm>> -> memref<512xi32, #tpu.memory_space<hbm>>
    tpu.enqueue_dma source(%dma_start3A_11 : memref<512xi32, #tpu.memory_space<hbm>>) target(%arg9 : memref<512xi32, #tpu.memory_space<vmem>>) target_semaphore(%dma_start3A_10 : memref<!tpu.dma_semaphore, #tpu.memory_space<semaphore_mem>>)
    %dma_start3A_12 = arith.constant 16 : i32
    %dma_start3A_13 = tpu.memref_slice %arg5[%mul3A_2] : memref<16384xi32, #tpu.memory_space<hbm>> -> memref<512xi32, #tpu.memory_space<hbm>>
    %dma_start3A_14 = tpu.memref_slice %arg16[%dma_start3A_12] : memref<18x!tpu.dma_semaphore, #tpu.memory_space<semaphore_mem>> -> memref<1x!tpu.dma_semaphore, #tpu.memory_space<semaphore_mem>>
    %dma_start3A_15 = tpu.memref_squeeze %dma_start3A_14 : memref<1x!tpu.dma_semaphore, #tpu.memory_space<semaphore_mem>> -> memref<!tpu.dma_semaphore, #tpu.memory_space<semaphore_mem>>
    %dma_start3A_16 = tpu.memref_slice %arg5[%mul3A_2] : memref<16384xi32, #tpu.memory_space<hbm>> -> memref<512xi32, #tpu.memory_space<hbm>>
    tpu.enqueue_dma source(%dma_start3A_16 : memref<512xi32, #tpu.memory_space<hbm>>) target(%arg10 : memref<512xi32, #tpu.memory_space<vmem>>) target_semaphore(%dma_start3A_15 : memref<!tpu.dma_semaphore, #tpu.memory_space<semaphore_mem>>)
    %dma_wait3A = arith.constant 16 : i32
    %dma_wait3A_17 = tpu.memref_slice %arg4[%mul3A_2] : memref<16384xi32, #tpu.memory_space<hbm>> -> memref<512xi32, #tpu.memory_space<hbm>>
    %dma_wait3A_18 = tpu.memref_slice %arg16[%dma_wait3A] : memref<18x!tpu.dma_semaphore, #tpu.memory_space<semaphore_mem>> -> memref<1x!tpu.dma_semaphore, #tpu.memory_space<semaphore_mem>>
    %dma_wait3A_19 = tpu.memref_squeeze %dma_wait3A_18 : memref<1x!tpu.dma_semaphore, #tpu.memory_space<semaphore_mem>> -> memref<!tpu.dma_semaphore, #tpu.memory_space<semaphore_mem>>
    %dma_wait3A_20 = tpu.memref_slice %arg4[%mul3A_2] : memref<16384xi32, #tpu.memory_space<hbm>> -> memref<512xi32, #tpu.memory_space<hbm>>
    tpu.wait_dma2 semaphore(%dma_wait3A_19 : memref<!tpu.dma_semaphore, #tpu.memory_space<semaphore_mem>>) src(%dma_wait3A_20 : memref<512xi32, #tpu.memory_space<hbm>>) dst(%arg8 : memref<512xi32, #tpu.memory_space<vmem>>)
    %dma_wait3A_21 = arith.constant 16 : i32
    %dma_wait3A_22 = tpu.memref_slice %arg6[%mul3A_2] : memref<16384xi32, #tpu.memory_space<hbm>> -> memref<512xi32, #tpu.memory_space<hbm>>
    %dma_wait3A_23 = tpu.memref_slice %arg16[%dma_wait3A_21] : memref<18x!tpu.dma_semaphore, #tpu.memory_space<semaphore_mem>> -> memref<1x!tpu.dma_semaphore, #tpu.memory_space<semaphore_mem>>
    %dma_wait3A_24 = tpu.memref_squeeze %dma_wait3A_23 : memref<1x!tpu.dma_semaphore, #tpu.memory_space<semaphore_mem>> -> memref<!tpu.dma_semaphore, #tpu.memory_space<semaphore_mem>>
    %dma_wait3A_25 = tpu.memref_slice %arg6[%mul3A_2] : memref<16384xi32, #tpu.memory_space<hbm>> -> memref<512xi32, #tpu.memory_space<hbm>>
    tpu.wait_dma2 semaphore(%dma_wait3A_24 : memref<!tpu.dma_semaphore, #tpu.memory_space<semaphore_mem>>) src(%dma_wait3A_25 : memref<512xi32, #tpu.memory_space<hbm>>) dst(%arg9 : memref<512xi32, #tpu.memory_space<vmem>>)
    %dma_wait3A_26 = arith.constant 16 : i32
    %dma_wait3A_27 = tpu.memref_slice %arg5[%mul3A_2] : memref<16384xi32, #tpu.memory_space<hbm>> -> memref<512xi32, #tpu.memory_space<hbm>>
    %dma_wait3A_28 = tpu.memref_slice %arg16[%dma_wait3A_26] : memref<18x!tpu.dma_semaphore, #tpu.memory_space<semaphore_mem>> -> memref<1x!tpu.dma_semaphore, #tpu.memory_space<semaphore_mem>>
    %dma_wait3A_29 = tpu.memref_squeeze %dma_wait3A_28 : memref<1x!tpu.dma_semaphore, #tpu.memory_space<semaphore_mem>> -> memref<!tpu.dma_semaphore, #tpu.memory_space<semaphore_mem>>
    %dma_wait3A_30 = tpu.memref_slice %arg5[%mul3A_2] : memref<16384xi32, #tpu.memory_space<hbm>> -> memref<512xi32, #tpu.memory_space<hbm>>
    tpu.wait_dma2 semaphore(%dma_wait3A_29 : memref<!tpu.dma_semaphore, #tpu.memory_space<semaphore_mem>>) src(%dma_wait3A_30 : memref<512xi32, #tpu.memory_space<hbm>>) dst(%arg10 : memref<512xi32, #tpu.memory_space<vmem>>)
    %dma_start3A_31 = arith.constant 0 : i32
    %dma_start3A_32 = arith.constant 0 : i32
    %dma_start3A_33 = arith.constant 0 : i32
    %dma_start3A_34 = tpu.memref_slice %arg11[%dma_start3A_32, %dma_start3A_33] : memref<256x128xf32, #tpu.memory_space<vmem>> -> memref<16x128xf32, #tpu.memory_space<vmem>>
    %dma_start3A_35 = arith.constant 0 : i32
    %dma_start3A_36 = tpu.memref_slice %arg8[%dma_start3A_35] : memref<512xi32, #tpu.memory_space<vmem>> -> memref<16xi32, #tpu.memory_space<vmem>>
    %dma_start3A_37 = arith.constant 0 : i32
    %dma_start3A_38 = arith.constant 0 : i32
    %dma_start3A_39 = tpu.memref_slice %arg2[%dma_start3A_37, %dma_start3A_38] : memref<1000000x128xf32, #tpu.memory_space<hbm>> -> memref<1000000x128xf32, #tpu.memory_space<hbm>>
    %dma_start3A_40 = tpu.memref_slice %arg16[%dma_start3A_31] : memref<18x!tpu.dma_semaphore, #tpu.memory_space<semaphore_mem>> -> memref<1x!tpu.dma_semaphore, #tpu.memory_space<semaphore_mem>>
    %dma_start3A_41 = tpu.memref_squeeze %dma_start3A_40 : memref<1x!tpu.dma_semaphore, #tpu.memory_space<semaphore_mem>> -> memref<!tpu.dma_semaphore, #tpu.memory_space<semaphore_mem>>
    tpu.enqueue_indirect_dma source(%dma_start3A_39 : memref<1000000x128xf32, #tpu.memory_space<hbm>>) target(%dma_start3A_34 : memref<16x128xf32, #tpu.memory_space<vmem>>) offsets(%dma_start3A_36 : memref<16xi32, #tpu.memory_space<vmem>>) semaphore(%dma_start3A_41 : memref<!tpu.dma_semaphore, #tpu.memory_space<semaphore_mem>>)
    %dma_start3A_42 = arith.constant 0 : i32
    %dma_start3A_43 = arith.constant 0 : i32
    %dma_start3A_44 = arith.constant 0 : i32
    %dma_start3A_45 = tpu.memref_slice %arg12[%dma_start3A_43, %dma_start3A_44] : memref<256x128xf32, #tpu.memory_space<vmem>> -> memref<16x128xf32, #tpu.memory_space<vmem>>
    %dma_start3A_46 = arith.constant 0 : i32
    %dma_start3A_47 = tpu.memref_slice %arg9[%dma_start3A_46] : memref<512xi32, #tpu.memory_space<vmem>> -> memref<16xi32, #tpu.memory_space<vmem>>
    %dma_start3A_48 = arith.constant 0 : i32
    %dma_start3A_49 = arith.constant 0 : i32
    %dma_start3A_50 = tpu.memref_slice %arg2[%dma_start3A_48, %dma_start3A_49] : memref<1000000x128xf32, #tpu.memory_space<hbm>> -> memref<1000000x128xf32, #tpu.memory_space<hbm>>
    %dma_start3A_51 = tpu.memref_slice %arg16[%dma_start3A_42] : memref<18x!tpu.dma_semaphore, #tpu.memory_space<semaphore_mem>> -> memref<1x!tpu.dma_semaphore, #tpu.memory_space<semaphore_mem>>
    %dma_start3A_52 = tpu.memref_squeeze %dma_start3A_51 : memref<1x!tpu.dma_semaphore, #tpu.memory_space<semaphore_mem>> -> memref<!tpu.dma_semaphore, #tpu.memory_space<semaphore_mem>>
    tpu.enqueue_indirect_dma source(%dma_start3A_50 : memref<1000000x128xf32, #tpu.memory_space<hbm>>) target(%dma_start3A_45 : memref<16x128xf32, #tpu.memory_space<vmem>>) offsets(%dma_start3A_47 : memref<16xi32, #tpu.memory_space<vmem>>) semaphore(%dma_start3A_52 : memref<!tpu.dma_semaphore, #tpu.memory_space<semaphore_mem>>)
    %dma_start3A_53 = arith.constant 0 : i32
    %dma_start3A_54 = arith.constant 0 : i32
    %dma_start3A_55 = arith.constant 0 : i32
    %dma_start3A_56 = tpu.memref_slice %arg13[%dma_start3A_54, %dma_start3A_55] : memref<256x128xf32, #tpu.memory_space<vmem>> -> memref<16x128xf32, #tpu.memory_space<vmem>>
    %dma_start3A_57 = arith.constant 0 : i32
    %dma_start3A_58 = tpu.memref_slice %arg10[%dma_start3A_57] : memref<512xi32, #tpu.memory_space<vmem>> -> memref<16xi32, #tpu.memory_space<vmem>>
    %dma_start3A_59 = arith.constant 0 : i32
    %dma_start3A_60 = arith.constant 0 : i32
    %dma_start3A_61 = tpu.memref_slice %arg3[%dma_start3A_59, %dma_start3A_60] : memref<1000x128xf32, #tpu.memory_space<hbm>> -> memref<1000x128xf32, #tpu.memory_space<hbm>>
    %dma_start3A_62 = tpu.memref_slice %arg16[%dma_start3A_53] : memref<18x!tpu.dma_semaphore, #tpu.memory_space<semaphore_mem>> -> memref<1x!tpu.dma_semaphore, #tpu.memory_space<semaphore_mem>>
    %dma_start3A_63 = tpu.memref_squeeze %dma_start3A_62 : memref<1x!tpu.dma_semaphore, #tpu.memory_space<semaphore_mem>> -> memref<!tpu.dma_semaphore, #tpu.memory_space<semaphore_mem>>
    tpu.enqueue_indirect_dma source(%dma_start3A_61 : memref<1000x128xf32, #tpu.memory_space<hbm>>) target(%dma_start3A_56 : memref<16x128xf32, #tpu.memory_space<vmem>>) offsets(%dma_start3A_58 : memref<16xi32, #tpu.memory_space<vmem>>) semaphore(%dma_start3A_63 : memref<!tpu.dma_semaphore, #tpu.memory_space<semaphore_mem>>)
    %dma_start3A_64 = arith.constant 1 : i32
    %dma_start3A_65 = arith.constant 16 : i32
    %dma_start3A_66 = arith.constant 0 : i32
    %dma_start3A_67 = tpu.memref_slice %arg11[%dma_start3A_65, %dma_start3A_66] : memref<256x128xf32, #tpu.memory_space<vmem>> -> memref<16x128xf32, #tpu.memory_space<vmem>>
    %dma_start3A_68 = arith.constant 16 : i32
    %dma_start3A_69 = tpu.memref_slice %arg8[%dma_start3A_68] : memref<512xi32, #tpu.memory_space<vmem>> -> memref<16xi32, #tpu.memory_space<vmem>>
    %dma_start3A_70 = arith.constant 0 : i32
    %dma_start3A_71 = arith.constant 0 : i32
    %dma_start3A_72 = tpu.memref_slice %arg2[%dma_start3A_70, %dma_start3A_71] : memref<1000000x128xf32, #tpu.memory_space<hbm>> -> memref<1000000x128xf32, #tpu.memory_space<hbm>>
    %dma_start3A_73 = tpu.memref_slice %arg16[%dma_start3A_64] : memref<18x!tpu.dma_semaphore, #tpu.memory_space<semaphore_mem>> -> memref<1x!tpu.dma_semaphore, #tpu.memory_space<semaphore_mem>>
    %dma_start3A_74 = tpu.memref_squeeze %dma_start3A_73 : memref<1x!tpu.dma_semaphore, #tpu.memory_space<semaphore_mem>> -> memref<!tpu.dma_semaphore, #tpu.memory_space<semaphore_mem>>
    tpu.enqueue_indirect_dma source(%dma_start3A_72 : memref<1000000x128xf32, #tpu.memory_space<hbm>>) target(%dma_start3A_67 : memref<16x128xf32, #tpu.memory_space<vmem>>) offsets(%dma_start3A_69 : memref<16xi32, #tpu.memory_space<vmem>>) semaphore(%dma_start3A_74 : memref<!tpu.dma_semaphore, #tpu.memory_space<semaphore_mem>>)
    %dma_start3A_75 = arith.constant 1 : i32
    %dma_start3A_76 = arith.constant 16 : i32
    %dma_start3A_77 = arith.constant 0 : i32
    %dma_start3A_78 = tpu.memref_slice %arg12[%dma_start3A_76, %dma_start3A_77] : memref<256x128xf32, #tpu.memory_space<vmem>> -> memref<16x128xf32, #tpu.memory_space<vmem>>
    %dma_start3A_79 = arith.constant 16 : i32
    %dma_start3A_80 = tpu.memref_slice %arg9[%dma_start3A_79] : memref<512xi32, #tpu.memory_space<vmem>> -> memref<16xi32, #tpu.memory_space<vmem>>
    %dma_start3A_81 = arith.constant 0 : i32
    %dma_start3A_82 = arith.constant 0 : i32
    %dma_start3A_83 = tpu.memref_slice %arg2[%dma_start3A_81, %dma_start3A_82] : memref<1000000x128xf32, #tpu.memory_space<hbm>> -> memref<1000000x128xf32, #tpu.memory_space<hbm>>
    %dma_start3A_84 = tpu.memref_slice %arg16[%dma_start3A_75] : memref<18x!tpu.dma_semaphore, #tpu.memory_space<semaphore_mem>> -> memref<1x!tpu.dma_semaphore, #tpu.memory_space<semaphore_mem>>
    %dma_start3A_85 = tpu.memref_squeeze %dma_start3A_84 : memref<1x!tpu.dma_semaphore, #tpu.memory_space<semaphore_mem>> -> memref<!tpu.dma_semaphore, #tpu.memory_space<semaphore_mem>>
    tpu.enqueue_indirect_dma source(%dma_start3A_83 : memref<1000000x128xf32, #tpu.memory_space<hbm>>) target(%dma_start3A_78 : memref<16x128xf32, #tpu.memory_space<vmem>>) offsets(%dma_start3A_80 : memref<16xi32, #tpu.memory_space<vmem>>) semaphore(%dma_start3A_85 : memref<!tpu.dma_semaphore, #tpu.memory_space<semaphore_mem>>)
    %dma_start3A_86 = arith.constant 1 : i32
    %dma_start3A_87 = arith.constant 16 : i32
    %dma_start3A_88 = arith.constant 0 : i32
    %dma_start3A_89 = tpu.memref_slice %arg13[%dma_start3A_87, %dma_start3A_88] : memref<256x128xf32, #tpu.memory_space<vmem>> -> memref<16x128xf32, #tpu.memory_space<vmem>>
    %dma_start3A_90 = arith.constant 16 : i32
    %dma_start3A_91 = tpu.memref_slice %arg10[%dma_start3A_90] : memref<512xi32, #tpu.memory_space<vmem>> -> memref<16xi32, #tpu.memory_space<vmem>>
    %dma_start3A_92 = arith.constant 0 : i32
    %dma_start3A_93 = arith.constant 0 : i32
    %dma_start3A_94 = tpu.memref_slice %arg3[%dma_start3A_92, %dma_start3A_93] : memref<1000x128xf32, #tpu.memory_space<hbm>> -> memref<1000x128xf32, #tpu.memory_space<hbm>>
    %dma_start3A_95 = tpu.memref_slice %arg16[%dma_start3A_86] : memref<18x!tpu.dma_semaphore, #tpu.memory_space<semaphore_mem>> -> memref<1x!tpu.dma_semaphore, #tpu.memory_space<semaphore_mem>>
    %dma_start3A_96 = tpu.memref_squeeze %dma_start3A_95 : memref<1x!tpu.dma_semaphore, #tpu.memory_space<semaphore_mem>> -> memref<!tpu.dma_semaphore, #tpu.memory_space<semaphore_mem>>
    tpu.enqueue_indirect_dma source(%dma_start3A_94 : memref<1000x128xf32, #tpu.memory_space<hbm>>) target(%dma_start3A_89 : memref<16x128xf32, #tpu.memory_space<vmem>>) offsets(%dma_start3A_91 : memref<16xi32, #tpu.memory_space<vmem>>) semaphore(%dma_start3A_96 : memref<!tpu.dma_semaphore, #tpu.memory_space<semaphore_mem>>)
    %dma_start3A_97 = arith.constant 2 : i32
    %dma_start3A_98 = arith.constant 32 : i32
    %dma_start3A_99 = arith.constant 0 : i32
    %dma_start3A_100 = tpu.memref_slice %arg11[%dma_start3A_98, %dma_start3A_99] : memref<256x128xf32, #tpu.memory_space<vmem>> -> memref<16x128xf32, #tpu.memory_space<vmem>>
    %dma_start3A_101 = arith.constant 32 : i32
    %dma_start3A_102 = tpu.memref_slice %arg8[%dma_start3A_101] : memref<512xi32, #tpu.memory_space<vmem>> -> memref<16xi32, #tpu.memory_space<vmem>>
    %dma_start3A_103 = arith.constant 0 : i32
    %dma_start3A_104 = arith.constant 0 : i32
    %dma_start3A_105 = tpu.memref_slice %arg2[%dma_start3A_103, %dma_start3A_104] : memref<1000000x128xf32, #tpu.memory_space<hbm>> -> memref<1000000x128xf32, #tpu.memory_space<hbm>>
    %dma_start3A_106 = tpu.memref_slice %arg16[%dma_start3A_97] : memref<18x!tpu.dma_semaphore, #tpu.memory_space<semaphore_mem>> -> memref<1x!tpu.dma_semaphore, #tpu.memory_space<semaphore_mem>>
    %dma_start3A_107 = tpu.memref_squeeze %dma_start3A_106 : memref<1x!tpu.dma_semaphore, #tpu.memory_space<semaphore_mem>> -> memref<!tpu.dma_semaphore, #tpu.memory_space<semaphore_mem>>
    tpu.enqueue_indirect_dma source(%dma_start3A_105 : memref<1000000x128xf32, #tpu.memory_space<hbm>>) target(%dma_start3A_100 : memref<16x128xf32, #tpu.memory_space<vmem>>) offsets(%dma_start3A_102 : memref<16xi32, #tpu.memory_space<vmem>>) semaphore(%dma_start3A_107 : memref<!tpu.dma_semaphore, #tpu.memory_space<semaphore_mem>>)
    %dma_start3A_108 = arith.constant 2 : i32
    %dma_start3A_109 = arith.constant 32 : i32
    %dma_start3A_110 = arith.constant 0 : i32
    %dma_start3A_111 = tpu.memref_slice %arg12[%dma_start3A_109, %dma_start3A_110] : memref<256x128xf32, #tpu.memory_space<vmem>> -> memref<16x128xf32, #tpu.memory_space<vmem>>
    %dma_start3A_112 = arith.constant 32 : i32
    %dma_start3A_113 = tpu.memref_slice %arg9[%dma_start3A_112] : memref<512xi32, #tpu.memory_space<vmem>> -> memref<16xi32, #tpu.memory_space<vmem>>
    %dma_start3A_114 = arith.constant 0 : i32
    %dma_start3A_115 = arith.constant 0 : i32
    %dma_start3A_116 = tpu.memref_slice %arg2[%dma_start3A_114, %dma_start3A_115] : memref<1000000x128xf32, #tpu.memory_space<hbm>> -> memref<1000000x128xf32, #tpu.memory_space<hbm>>
    %dma_start3A_117 = tpu.memref_slice %arg16[%dma_start3A_108] : memref<18x!tpu.dma_semaphore, #tpu.memory_space<semaphore_mem>> -> memref<1x!tpu.dma_semaphore, #tpu.memory_space<semaphore_mem>>
    %dma_start3A_118 = tpu.memref_squeeze %dma_start3A_117 : memref<1x!tpu.dma_semaphore, #tpu.memory_space<semaphore_mem>> -> memref<!tpu.dma_semaphore, #tpu.memory_space<semaphore_mem>>
    tpu.enqueue_indirect_dma source(%dma_start3A_116 : memref<1000000x128xf32, #tpu.memory_space<hbm>>) target(%dma_start3A_111 : memref<16x128xf32, #tpu.memory_space<vmem>>) offsets(%dma_start3A_113 : memref<16xi32, #tpu.memory_space<vmem>>) semaphore(%dma_start3A_118 : memref<!tpu.dma_semaphore, #tpu.memory_space<semaphore_mem>>)
    %dma_start3A_119 = arith.constant 2 : i32
    %dma_start3A_120 = arith.constant 32 : i32
    %dma_start3A_121 = arith.constant 0 : i32
    %dma_start3A_122 = tpu.memref_slice %arg13[%dma_start3A_120, %dma_start3A_121] : memref<256x128xf32, #tpu.memory_space<vmem>> -> memref<16x128xf32, #tpu.memory_space<vmem>>
    %dma_start3A_123 = arith.constant 32 : i32
    %dma_start3A_124 = tpu.memref_slice %arg10[%dma_start3A_123] : memref<512xi32, #tpu.memory_space<vmem>> -> memref<16xi32, #tpu.memory_space<vmem>>
    %dma_start3A_125 = arith.constant 0 : i32
    %dma_start3A_126 = arith.constant 0 : i32
    %dma_start3A_127 = tpu.memref_slice %arg3[%dma_start3A_125, %dma_start3A_126] : memref<1000x128xf32, #tpu.memory_space<hbm>> -> memref<1000x128xf32, #tpu.memory_space<hbm>>
    %dma_start3A_128 = tpu.memref_slice %arg16[%dma_start3A_119] : memref<18x!tpu.dma_semaphore, #tpu.memory_space<semaphore_mem>> -> memref<1x!tpu.dma_semaphore, #tpu.memory_space<semaphore_mem>>
    %dma_start3A_129 = tpu.memref_squeeze %dma_start3A_128 : memref<1x!tpu.dma_semaphore, #tpu.memory_space<semaphore_mem>> -> memref<!tpu.dma_semaphore, #tpu.memory_space<semaphore_mem>>
    tpu.enqueue_indirect_dma source(%dma_start3A_127 : memref<1000x128xf32, #tpu.memory_space<hbm>>) target(%dma_start3A_122 : memref<16x128xf32, #tpu.memory_space<vmem>>) offsets(%dma_start3A_124 : memref<16xi32, #tpu.memory_space<vmem>>) semaphore(%dma_start3A_129 : memref<!tpu.dma_semaphore, #tpu.memory_space<semaphore_mem>>)
    %dma_start3A_130 = arith.constant 3 : i32
    %dma_start3A_131 = arith.constant 48 : i32
    %dma_start3A_132 = arith.constant 0 : i32
    %dma_start3A_133 = tpu.memref_slice %arg11[%dma_start3A_131, %dma_start3A_132] : memref<256x128xf32, #tpu.memory_space<vmem>> -> memref<16x128xf32, #tpu.memory_space<vmem>>
    %dma_start3A_134 = arith.constant 48 : i32
    %dma_start3A_135 = tpu.memref_slice %arg8[%dma_start3A_134] : memref<512xi32, #tpu.memory_space<vmem>> -> memref<16xi32, #tpu.memory_space<vmem>>
    %dma_start3A_136 = arith.constant 0 : i32
    %dma_start3A_137 = arith.constant 0 : i32
    %dma_start3A_138 = tpu.memref_slice %arg2[%dma_start3A_136, %dma_start3A_137] : memref<1000000x128xf32, #tpu.memory_space<hbm>> -> memref<1000000x128xf32, #tpu.memory_space<hbm>>
    %dma_start3A_139 = tpu.memref_slice %arg16[%dma_start3A_130] : memref<18x!tpu.dma_semaphore, #tpu.memory_space<semaphore_mem>> -> memref<1x!tpu.dma_semaphore, #tpu.memory_space<semaphore_mem>>
    %dma_start3A_140 = tpu.memref_squeeze %dma_start3A_139 : memref<1x!tpu.dma_semaphore, #tpu.memory_space<semaphore_mem>> -> memref<!tpu.dma_semaphore, #tpu.memory_space<semaphore_mem>>
    tpu.enqueue_indirect_dma source(%dma_start3A_138 : memref<1000000x128xf32, #tpu.memory_space<hbm>>) target(%dma_start3A_133 : memref<16x128xf32, #tpu.memory_space<vmem>>) offsets(%dma_start3A_135 : memref<16xi32, #tpu.memory_space<vmem>>) semaphore(%dma_start3A_140 : memref<!tpu.dma_semaphore, #tpu.memory_space<semaphore_mem>>)
    %dma_start3A_141 = arith.constant 3 : i32
    %dma_start3A_142 = arith.constant 48 : i32
    %dma_start3A_143 = arith.constant 0 : i32
    %dma_start3A_144 = tpu.memref_slice %arg12[%dma_start3A_142, %dma_start3A_143] : memref<256x128xf32, #tpu.memory_space<vmem>> -> memref<16x128xf32, #tpu.memory_space<vmem>>
    %dma_start3A_145 = arith.constant 48 : i32
    %dma_start3A_146 = tpu.memref_slice %arg9[%dma_start3A_145] : memref<512xi32, #tpu.memory_space<vmem>> -> memref<16xi32, #tpu.memory_space<vmem>>
    %dma_start3A_147 = arith.constant 0 : i32
    %dma_start3A_148 = arith.constant 0 : i32
    %dma_start3A_149 = tpu.memref_slice %arg2[%dma_start3A_147, %dma_start3A_148] : memref<1000000x128xf32, #tpu.memory_space<hbm>> -> memref<1000000x128xf32, #tpu.memory_space<hbm>>
    %dma_start3A_150 = tpu.memref_slice %arg16[%dma_start3A_141] : memref<18x!tpu.dma_semaphore, #tpu.memory_space<semaphore_mem>> -> memref<1x!tpu.dma_semaphore, #tpu.memory_space<semaphore_mem>>
    %dma_start3A_151 = tpu.memref_squeeze %dma_start3A_150 : memref<1x!tpu.dma_semaphore, #tpu.memory_space<semaphore_mem>> -> memref<!tpu.dma_semaphore, #tpu.memory_space<semaphore_mem>>
    tpu.enqueue_indirect_dma source(%dma_start3A_149 : memref<1000000x128xf32, #tpu.memory_space<hbm>>) target(%dma_start3A_144 : memref<16x128xf32, #tpu.memory_space<vmem>>) offsets(%dma_start3A_146 : memref<16xi32, #tpu.memory_space<vmem>>) semaphore(%dma_start3A_151 : memref<!tpu.dma_semaphore, #tpu.memory_space<semaphore_mem>>)
    %dma_start3A_152 = arith.constant 3 : i32
    %dma_start3A_153 = arith.constant 48 : i32
    %dma_start3A_154 = arith.constant 0 : i32
    %dma_start3A_155 = tpu.memref_slice %arg13[%dma_start3A_153, %dma_start3A_154] : memref<256x128xf32, #tpu.memory_space<vmem>> -> memref<16x128xf32, #tpu.memory_space<vmem>>
    %dma_start3A_156 = arith.constant 48 : i32
    %dma_start3A_157 = tpu.memref_slice %arg10[%dma_start3A_156] : memref<512xi32, #tpu.memory_space<vmem>> -> memref<16xi32, #tpu.memory_space<vmem>>
    %dma_start3A_158 = arith.constant 0 : i32
    %dma_start3A_159 = arith.constant 0 : i32
    %dma_start3A_160 = tpu.memref_slice %arg3[%dma_start3A_158, %dma_start3A_159] : memref<1000x128xf32, #tpu.memory_space<hbm>> -> memref<1000x128xf32, #tpu.memory_space<hbm>>
    %dma_start3A_161 = tpu.memref_slice %arg16[%dma_start3A_152] : memref<18x!tpu.dma_semaphore, #tpu.memory_space<semaphore_mem>> -> memref<1x!tpu.dma_semaphore, #tpu.memory_space<semaphore_mem>>
    %dma_start3A_162 = tpu.memref_squeeze %dma_start3A_161 : memref<1x!tpu.dma_semaphore, #tpu.memory_space<semaphore_mem>> -> memref<!tpu.dma_semaphore, #tpu.memory_space<semaphore_mem>>
    tpu.enqueue_indirect_dma source(%dma_start3A_160 : memref<1000x128xf32, #tpu.memory_space<hbm>>) target(%dma_start3A_155 : memref<16x128xf32, #tpu.memory_space<vmem>>) offsets(%dma_start3A_157 : memref<16xi32, #tpu.memory_space<vmem>>) semaphore(%dma_start3A_162 : memref<!tpu.dma_semaphore, #tpu.memory_space<semaphore_mem>>)
    %dma_start3A_163 = arith.constant 4 : i32
    %dma_start3A_164 = arith.constant 64 : i32
    %dma_start3A_165 = arith.constant 0 : i32
    %dma_start3A_166 = tpu.memref_slice %arg11[%dma_start3A_164, %dma_start3A_165] : memref<256x128xf32, #tpu.memory_space<vmem>> -> memref<16x128xf32, #tpu.memory_space<vmem>>
    %dma_start3A_167 = arith.constant 64 : i32
    %dma_start3A_168 = tpu.memref_slice %arg8[%dma_start3A_167] : memref<512xi32, #tpu.memory_space<vmem>> -> memref<16xi32, #tpu.memory_space<vmem>>
    %dma_start3A_169 = arith.constant 0 : i32
    %dma_start3A_170 = arith.constant 0 : i32
    %dma_start3A_171 = tpu.memref_slice %arg2[%dma_start3A_169, %dma_start3A_170] : memref<1000000x128xf32, #tpu.memory_space<hbm>> -> memref<1000000x128xf32, #tpu.memory_space<hbm>>
    %dma_start3A_172 = tpu.memref_slice %arg16[%dma_start3A_163] : memref<18x!tpu.dma_semaphore, #tpu.memory_space<semaphore_mem>> -> memref<1x!tpu.dma_semaphore, #tpu.memory_space<semaphore_mem>>
    %dma_start3A_173 = tpu.memref_squeeze %dma_start3A_172 : memref<1x!tpu.dma_semaphore, #tpu.memory_space<semaphore_mem>> -> memref<!tpu.dma_semaphore, #tpu.memory_space<semaphore_mem>>
    tpu.enqueue_indirect_dma source(%dma_start3A_171 : memref<1000000x128xf32, #tpu.memory_space<hbm>>) target(%dma_start3A_166 : memref<16x128xf32, #tpu.memory_space<vmem>>) offsets(%dma_start3A_168 : memref<16xi32, #tpu.memory_space<vmem>>) semaphore(%dma_start3A_173 : memref<!tpu.dma_semaphore, #tpu.memory_space<semaphore_mem>>)
    %dma_start3A_174 = arith.constant 4 : i32
    %dma_start3A_175 = arith.constant 64 : i32
    %dma_start3A_176 = arith.constant 0 : i32
    %dma_start3A_177 = tpu.memref_slice %arg12[%dma_start3A_175, %dma_start3A_176] : memref<256x128xf32, #tpu.memory_space<vmem>> -> memref<16x128xf32, #tpu.memory_space<vmem>>
    %dma_start3A_178 = arith.constant 64 : i32
    %dma_start3A_179 = tpu.memref_slice %arg9[%dma_start3A_178] : memref<512xi32, #tpu.memory_space<vmem>> -> memref<16xi32, #tpu.memory_space<vmem>>
    %dma_start3A_180 = arith.constant 0 : i32
    %dma_start3A_181 = arith.constant 0 : i32
    %dma_start3A_182 = tpu.memref_slice %arg2[%dma_start3A_180, %dma_start3A_181] : memref<1000000x128xf32, #tpu.memory_space<hbm>> -> memref<1000000x128xf32, #tpu.memory_space<hbm>>
    %dma_start3A_183 = tpu.memref_slice %arg16[%dma_start3A_174] : memref<18x!tpu.dma_semaphore, #tpu.memory_space<semaphore_mem>> -> memref<1x!tpu.dma_semaphore, #tpu.memory_space<semaphore_mem>>
    %dma_start3A_184 = tpu.memref_squeeze %dma_start3A_183 : memref<1x!tpu.dma_semaphore, #tpu.memory_space<semaphore_mem>> -> memref<!tpu.dma_semaphore, #tpu.memory_space<semaphore_mem>>
    tpu.enqueue_indirect_dma source(%dma_start3A_182 : memref<1000000x128xf32, #tpu.memory_space<hbm>>) target(%dma_start3A_177 : memref<16x128xf32, #tpu.memory_space<vmem>>) offsets(%dma_start3A_179 : memref<16xi32, #tpu.memory_space<vmem>>) semaphore(%dma_start3A_184 : memref<!tpu.dma_semaphore, #tpu.memory_space<semaphore_mem>>)
    %dma_start3A_185 = arith.constant 4 : i32
    %dma_start3A_186 = arith.constant 64 : i32
    %dma_start3A_187 = arith.constant 0 : i32
    %dma_start3A_188 = tpu.memref_slice %arg13[%dma_start3A_186, %dma_start3A_187] : memref<256x128xf32, #tpu.memory_space<vmem>> -> memref<16x128xf32, #tpu.memory_space<vmem>>
    %dma_start3A_189 = arith.constant 64 : i32
    %dma_start3A_190 = tpu.memref_slice %arg10[%dma_start3A_189] : memref<512xi32, #tpu.memory_space<vmem>> -> memref<16xi32, #tpu.memory_space<vmem>>
    %dma_start3A_191 = arith.constant 0 : i32
    %dma_start3A_192 = arith.constant 0 : i32
    %dma_start3A_193 = tpu.memref_slice %arg3[%dma_start3A_191, %dma_start3A_192] : memref<1000x128xf32, #tpu.memory_space<hbm>> -> memref<1000x128xf32, #tpu.memory_space<hbm>>
    %dma_start3A_194 = tpu.memref_slice %arg16[%dma_start3A_185] : memref<18x!tpu.dma_semaphore, #tpu.memory_space<semaphore_mem>> -> memref<1x!tpu.dma_semaphore, #tpu.memory_space<semaphore_mem>>
    %dma_start3A_195 = tpu.memref_squeeze %dma_start3A_194 : memref<1x!tpu.dma_semaphore, #tpu.memory_space<semaphore_mem>> -> memref<!tpu.dma_semaphore, #tpu.memory_space<semaphore_mem>>
    tpu.enqueue_indirect_dma source(%dma_start3A_193 : memref<1000x128xf32, #tpu.memory_space<hbm>>) target(%dma_start3A_188 : memref<16x128xf32, #tpu.memory_space<vmem>>) offsets(%dma_start3A_190 : memref<16xi32, #tpu.memory_space<vmem>>) semaphore(%dma_start3A_195 : memref<!tpu.dma_semaphore, #tpu.memory_space<semaphore_mem>>)
    %dma_start3A_196 = arith.constant 5 : i32
    %dma_start3A_197 = arith.constant 80 : i32
    %dma_start3A_198 = arith.constant 0 : i32
    %dma_start3A_199 = tpu.memref_slice %arg11[%dma_start3A_197, %dma_start3A_198] : memref<256x128xf32, #tpu.memory_space<vmem>> -> memref<16x128xf32, #tpu.memory_space<vmem>>
    %dma_start3A_200 = arith.constant 80 : i32
    %dma_start3A_201 = tpu.memref_slice %arg8[%dma_start3A_200] : memref<512xi32, #tpu.memory_space<vmem>> -> memref<16xi32, #tpu.memory_space<vmem>>
    %dma_start3A_202 = arith.constant 0 : i32
    %dma_start3A_203 = arith.constant 0 : i32
    %dma_start3A_204 = tpu.memref_slice %arg2[%dma_start3A_202, %dma_start3A_203] : memref<1000000x128xf32, #tpu.memory_space<hbm>> -> memref<1000000x128xf32, #tpu.memory_space<hbm>>
    %dma_start3A_205 = tpu.memref_slice %arg16[%dma_start3A_196] : memref<18x!tpu.dma_semaphore, #tpu.memory_space<semaphore_mem>> -> memref<1x!tpu.dma_semaphore, #tpu.memory_space<semaphore_mem>>
    %dma_start3A_206 = tpu.memref_squeeze %dma_start3A_205 : memref<1x!tpu.dma_semaphore, #tpu.memory_space<semaphore_mem>> -> memref<!tpu.dma_semaphore, #tpu.memory_space<semaphore_mem>>
    tpu.enqueue_indirect_dma source(%dma_start3A_204 : memref<1000000x128xf32, #tpu.memory_space<hbm>>) target(%dma_start3A_199 : memref<16x128xf32, #tpu.memory_space<vmem>>) offsets(%dma_start3A_201 : memref<16xi32, #tpu.memory_space<vmem>>) semaphore(%dma_start3A_206 : memref<!tpu.dma_semaphore, #tpu.memory_space<semaphore_mem>>)
    %dma_start3A_207 = arith.constant 5 : i32
    %dma_start3A_208 = arith.constant 80 : i32
    %dma_start3A_209 = arith.constant 0 : i32
    %dma_start3A_210 = tpu.memref_slice %arg12[%dma_start3A_208, %dma_start3A_209] : memref<256x128xf32, #tpu.memory_space<vmem>> -> memref<16x128xf32, #tpu.memory_space<vmem>>
    %dma_start3A_211 = arith.constant 80 : i32
    %dma_start3A_212 = tpu.memref_slice %arg9[%dma_start3A_211] : memref<512xi32, #tpu.memory_space<vmem>> -> memref<16xi32, #tpu.memory_space<vmem>>
    %dma_start3A_213 = arith.constant 0 : i32
    %dma_start3A_214 = arith.constant 0 : i32
    %dma_start3A_215 = tpu.memref_slice %arg2[%dma_start3A_213, %dma_start3A_214] : memref<1000000x128xf32, #tpu.memory_space<hbm>> -> memref<1000000x128xf32, #tpu.memory_space<hbm>>
    %dma_start3A_216 = tpu.memref_slice %arg16[%dma_start3A_207] : memref<18x!tpu.dma_semaphore, #tpu.memory_space<semaphore_mem>> -> memref<1x!tpu.dma_semaphore, #tpu.memory_space<semaphore_mem>>
    %dma_start3A_217 = tpu.memref_squeeze %dma_start3A_216 : memref<1x!tpu.dma_semaphore, #tpu.memory_space<semaphore_mem>> -> memref<!tpu.dma_semaphore, #tpu.memory_space<semaphore_mem>>
    tpu.enqueue_indirect_dma source(%dma_start3A_215 : memref<1000000x128xf32, #tpu.memory_space<hbm>>) target(%dma_start3A_210 : memref<16x128xf32, #tpu.memory_space<vmem>>) offsets(%dma_start3A_212 : memref<16xi32, #tpu.memory_space<vmem>>) semaphore(%dma_start3A_217 : memref<!tpu.dma_semaphore, #tpu.memory_space<semaphore_mem>>)
    %dma_start3A_218 = arith.constant 5 : i32
    %dma_start3A_219 = arith.constant 80 : i32
    %dma_start3A_220 = arith.constant 0 : i32
    %dma_start3A_221 = tpu.memref_slice %arg13[%dma_start3A_219, %dma_start3A_220] : memref<256x128xf32, #tpu.memory_space<vmem>> -> memref<16x128xf32, #tpu.memory_space<vmem>>
    %dma_start3A_222 = arith.constant 80 : i32
    %dma_start3A_223 = tpu.memref_slice %arg10[%dma_start3A_222] : memref<512xi32, #tpu.memory_space<vmem>> -> memref<16xi32, #tpu.memory_space<vmem>>
    %dma_start3A_224 = arith.constant 0 : i32
    %dma_start3A_225 = arith.constant 0 : i32
    %dma_start3A_226 = tpu.memref_slice %arg3[%dma_start3A_224, %dma_start3A_225] : memref<1000x128xf32, #tpu.memory_space<hbm>> -> memref<1000x128xf32, #tpu.memory_space<hbm>>
    %dma_start3A_227 = tpu.memref_slice %arg16[%dma_start3A_218] : memref<18x!tpu.dma_semaphore, #tpu.memory_space<semaphore_mem>> -> memref<1x!tpu.dma_semaphore, #tpu.memory_space<semaphore_mem>>
    %dma_start3A_228 = tpu.memref_squeeze %dma_start3A_227 : memref<1x!tpu.dma_semaphore, #tpu.memory_space<semaphore_mem>> -> memref<!tpu.dma_semaphore, #tpu.memory_space<semaphore_mem>>
    tpu.enqueue_indirect_dma source(%dma_start3A_226 : memref<1000x128xf32, #tpu.memory_space<hbm>>) target(%dma_start3A_221 : memref<16x128xf32, #tpu.memory_space<vmem>>) offsets(%dma_start3A_223 : memref<16xi32, #tpu.memory_space<vmem>>) semaphore(%dma_start3A_228 : memref<!tpu.dma_semaphore, #tpu.memory_space<semaphore_mem>>)
    %dma_start3A_229 = arith.constant 6 : i32
    %dma_start3A_230 = arith.constant 96 : i32
    %dma_start3A_231 = arith.constant 0 : i32
    %dma_start3A_232 = tpu.memref_slice %arg11[%dma_start3A_230, %dma_start3A_231] : memref<256x128xf32, #tpu.memory_space<vmem>> -> memref<16x128xf32, #tpu.memory_space<vmem>>
    %dma_start3A_233 = arith.constant 96 : i32
    %dma_start3A_234 = tpu.memref_slice %arg8[%dma_start3A_233] : memref<512xi32, #tpu.memory_space<vmem>> -> memref<16xi32, #tpu.memory_space<vmem>>
    %dma_start3A_235 = arith.constant 0 : i32
    %dma_start3A_236 = arith.constant 0 : i32
    %dma_start3A_237 = tpu.memref_slice %arg2[%dma_start3A_235, %dma_start3A_236] : memref<1000000x128xf32, #tpu.memory_space<hbm>> -> memref<1000000x128xf32, #tpu.memory_space<hbm>>
    %dma_start3A_238 = tpu.memref_slice %arg16[%dma_start3A_229] : memref<18x!tpu.dma_semaphore, #tpu.memory_space<semaphore_mem>> -> memref<1x!tpu.dma_semaphore, #tpu.memory_space<semaphore_mem>>
    %dma_start3A_239 = tpu.memref_squeeze %dma_start3A_238 : memref<1x!tpu.dma_semaphore, #tpu.memory_space<semaphore_mem>> -> memref<!tpu.dma_semaphore, #tpu.memory_space<semaphore_mem>>
    tpu.enqueue_indirect_dma source(%dma_start3A_237 : memref<1000000x128xf32, #tpu.memory_space<hbm>>) target(%dma_start3A_232 : memref<16x128xf32, #tpu.memory_space<vmem>>) offsets(%dma_start3A_234 : memref<16xi32, #tpu.memory_space<vmem>>) semaphore(%dma_start3A_239 : memref<!tpu.dma_semaphore, #tpu.memory_space<semaphore_mem>>)
    %dma_start3A_240 = arith.constant 6 : i32
    %dma_start3A_241 = arith.constant 96 : i32
    %dma_start3A_242 = arith.constant 0 : i32
    %dma_start3A_243 = tpu.memref_slice %arg12[%dma_start3A_241, %dma_start3A_242] : memref<256x128xf32, #tpu.memory_space<vmem>> -> memref<16x128xf32, #tpu.memory_space<vmem>>
    %dma_start3A_244 = arith.constant 96 : i32
    %dma_start3A_245 = tpu.memref_slice %arg9[%dma_start3A_244] : memref<512xi32, #tpu.memory_space<vmem>> -> memref<16xi32, #tpu.memory_space<vmem>>
    %dma_start3A_246 = arith.constant 0 : i32
    %dma_start3A_247 = arith.constant 0 : i32
    %dma_start3A_248 = tpu.memref_slice %arg2[%dma_start3A_246, %dma_start3A_247] : memref<1000000x128xf32, #tpu.memory_space<hbm>> -> memref<1000000x128xf32, #tpu.memory_space<hbm>>
    %dma_start3A_249 = tpu.memref_slice %arg16[%dma_start3A_240] : memref<18x!tpu.dma_semaphore, #tpu.memory_space<semaphore_mem>> -> memref<1x!tpu.dma_semaphore, #tpu.memory_space<semaphore_mem>>
    %dma_start3A_250 = tpu.memref_squeeze %dma_start3A_249 : memref<1x!tpu.dma_semaphore, #tpu.memory_space<semaphore_mem>> -> memref<!tpu.dma_semaphore, #tpu.memory_space<semaphore_mem>>
    tpu.enqueue_indirect_dma source(%dma_start3A_248 : memref<1000000x128xf32, #tpu.memory_space<hbm>>) target(%dma_start3A_243 : memref<16x128xf32, #tpu.memory_space<vmem>>) offsets(%dma_start3A_245 : memref<16xi32, #tpu.memory_space<vmem>>) semaphore(%dma_start3A_250 : memref<!tpu.dma_semaphore, #tpu.memory_space<semaphore_mem>>)
    %dma_start3A_251 = arith.constant 6 : i32
    %dma_start3A_252 = arith.constant 96 : i32
    %dma_start3A_253 = arith.constant 0 : i32
    %dma_start3A_254 = tpu.memref_slice %arg13[%dma_start3A_252, %dma_start3A_253] : memref<256x128xf32, #tpu.memory_space<vmem>> -> memref<16x128xf32, #tpu.memory_space<vmem>>
    %dma_start3A_255 = arith.constant 96 : i32
    %dma_start3A_256 = tpu.memref_slice %arg10[%dma_start3A_255] : memref<512xi32, #tpu.memory_space<vmem>> -> memref<16xi32, #tpu.memory_space<vmem>>
    %dma_start3A_257 = arith.constant 0 : i32
    %dma_start3A_258 = arith.constant 0 : i32
    %dma_start3A_259 = tpu.memref_slice %arg3[%dma_start3A_257, %dma_start3A_258] : memref<1000x128xf32, #tpu.memory_space<hbm>> -> memref<1000x128xf32, #tpu.memory_space<hbm>>
    %dma_start3A_260 = tpu.memref_slice %arg16[%dma_start3A_251] : memref<18x!tpu.dma_semaphore, #tpu.memory_space<semaphore_mem>> -> memref<1x!tpu.dma_semaphore, #tpu.memory_space<semaphore_mem>>
    %dma_start3A_261 = tpu.memref_squeeze %dma_start3A_260 : memref<1x!tpu.dma_semaphore, #tpu.memory_space<semaphore_mem>> -> memref<!tpu.dma_semaphore, #tpu.memory_space<semaphore_mem>>
    tpu.enqueue_indirect_dma source(%dma_start3A_259 : memref<1000x128xf32, #tpu.memory_space<hbm>>) target(%dma_start3A_254 : memref<16x128xf32, #tpu.memory_space<vmem>>) offsets(%dma_start3A_256 : memref<16xi32, #tpu.memory_space<vmem>>) semaphore(%dma_start3A_261 : memref<!tpu.dma_semaphore, #tpu.memory_space<semaphore_mem>>)
    %dma_start3A_262 = arith.constant 7 : i32
    %dma_start3A_263 = arith.constant 112 : i32
    %dma_start3A_264 = arith.constant 0 : i32
    %dma_start3A_265 = tpu.memref_slice %arg11[%dma_start3A_263, %dma_start3A_264] : memref<256x128xf32, #tpu.memory_space<vmem>> -> memref<16x128xf32, #tpu.memory_space<vmem>>
    %dma_start3A_266 = arith.constant 112 : i32
    %dma_start3A_267 = tpu.memref_slice %arg8[%dma_start3A_266] : memref<512xi32, #tpu.memory_space<vmem>> -> memref<16xi32, #tpu.memory_space<vmem>>
    %dma_start3A_268 = arith.constant 0 : i32
    %dma_start3A_269 = arith.constant 0 : i32
    %dma_start3A_270 = tpu.memref_slice %arg2[%dma_start3A_268, %dma_start3A_269] : memref<1000000x128xf32, #tpu.memory_space<hbm>> -> memref<1000000x128xf32, #tpu.memory_space<hbm>>
    %dma_start3A_271 = tpu.memref_slice %arg16[%dma_start3A_262] : memref<18x!tpu.dma_semaphore, #tpu.memory_space<semaphore_mem>> -> memref<1x!tpu.dma_semaphore, #tpu.memory_space<semaphore_mem>>
    %dma_start3A_272 = tpu.memref_squeeze %dma_start3A_271 : memref<1x!tpu.dma_semaphore, #tpu.memory_space<semaphore_mem>> -> memref<!tpu.dma_semaphore, #tpu.memory_space<semaphore_mem>>
    tpu.enqueue_indirect_dma source(%dma_start3A_270 : memref<1000000x128xf32, #tpu.memory_space<hbm>>) target(%dma_start3A_265 : memref<16x128xf32, #tpu.memory_space<vmem>>) offsets(%dma_start3A_267 : memref<16xi32, #tpu.memory_space<vmem>>) semaphore(%dma_start3A_272 : memref<!tpu.dma_semaphore, #tpu.memory_space<semaphore_mem>>)
    %dma_start3A_273 = arith.constant 7 : i32
    %dma_start3A_274 = arith.constant 112 : i32
    %dma_start3A_275 = arith.constant 0 : i32
    %dma_start3A_276 = tpu.memref_slice %arg12[%dma_start3A_274, %dma_start3A_275] : memref<256x128xf32, #tpu.memory_space<vmem>> -> memref<16x128xf32, #tpu.memory_space<vmem>>
    %dma_start3A_277 = arith.constant 112 : i32
    %dma_start3A_278 = tpu.memref_slice %arg9[%dma_start3A_277] : memref<512xi32, #tpu.memory_space<vmem>> -> memref<16xi32, #tpu.memory_space<vmem>>
    %dma_start3A_279 = arith.constant 0 : i32
    %dma_start3A_280 = arith.constant 0 : i32
    %dma_start3A_281 = tpu.memref_slice %arg2[%dma_start3A_279, %dma_start3A_280] : memref<1000000x128xf32, #tpu.memory_space<hbm>> -> memref<1000000x128xf32, #tpu.memory_space<hbm>>
    %dma_start3A_282 = tpu.memref_slice %arg16[%dma_start3A_273] : memref<18x!tpu.dma_semaphore, #tpu.memory_space<semaphore_mem>> -> memref<1x!tpu.dma_semaphore, #tpu.memory_space<semaphore_mem>>
    %dma_start3A_283 = tpu.memref_squeeze %dma_start3A_282 : memref<1x!tpu.dma_semaphore, #tpu.memory_space<semaphore_mem>> -> memref<!tpu.dma_semaphore, #tpu.memory_space<semaphore_mem>>
    tpu.enqueue_indirect_dma source(%dma_start3A_281 : memref<1000000x128xf32, #tpu.memory_space<hbm>>) target(%dma_start3A_276 : memref<16x128xf32, #tpu.memory_space<vmem>>) offsets(%dma_start3A_278 : memref<16xi32, #tpu.memory_space<vmem>>) semaphore(%dma_start3A_283 : memref<!tpu.dma_semaphore, #tpu.memory_space<semaphore_mem>>)
    %dma_start3A_284 = arith.constant 7 : i32
    %dma_start3A_285 = arith.constant 112 : i32
    %dma_start3A_286 = arith.constant 0 : i32
    %dma_start3A_287 = tpu.memref_slice %arg13[%dma_start3A_285, %dma_start3A_286] : memref<256x128xf32, #tpu.memory_space<vmem>> -> memref<16x128xf32, #tpu.memory_space<vmem>>
    %dma_start3A_288 = arith.constant 112 : i32
    %dma_start3A_289 = tpu.memref_slice %arg10[%dma_start3A_288] : memref<512xi32, #tpu.memory_space<vmem>> -> memref<16xi32, #tpu.memory_space<vmem>>
    %dma_start3A_290 = arith.constant 0 : i32
    %dma_start3A_291 = arith.constant 0 : i32
    %dma_start3A_292 = tpu.memref_slice %arg3[%dma_start3A_290, %dma_start3A_291] : memref<1000x128xf32, #tpu.memory_space<hbm>> -> memref<1000x128xf32, #tpu.memory_space<hbm>>
    %dma_start3A_293 = tpu.memref_slice %arg16[%dma_start3A_284] : memref<18x!tpu.dma_semaphore, #tpu.memory_space<semaphore_mem>> -> memref<1x!tpu.dma_semaphore, #tpu.memory_space<semaphore_mem>>
    %dma_start3A_294 = tpu.memref_squeeze %dma_start3A_293 : memref<1x!tpu.dma_semaphore, #tpu.memory_space<semaphore_mem>> -> memref<!tpu.dma_semaphore, #tpu.memory_space<semaphore_mem>>
    tpu.enqueue_indirect_dma source(%dma_start3A_292 : memref<1000x128xf32, #tpu.memory_space<hbm>>) target(%dma_start3A_287 : memref<16x128xf32, #tpu.memory_space<vmem>>) offsets(%dma_start3A_289 : memref<16xi32, #tpu.memory_space<vmem>>) semaphore(%dma_start3A_294 : memref<!tpu.dma_semaphore, #tpu.memory_space<semaphore_mem>>)
    %dma_start3A_295 = arith.constant 8 : i32
    %dma_start3A_296 = arith.constant 128 : i32
    %dma_start3A_297 = arith.constant 0 : i32
    %dma_start3A_298 = tpu.memref_slice %arg11[%dma_start3A_296, %dma_start3A_297] : memref<256x128xf32, #tpu.memory_space<vmem>> -> memref<16x128xf32, #tpu.memory_space<vmem>>
    %dma_start3A_299 = arith.constant 128 : i32
    %dma_start3A_300 = tpu.memref_slice %arg8[%dma_start3A_299] : memref<512xi32, #tpu.memory_space<vmem>> -> memref<16xi32, #tpu.memory_space<vmem>>
    %dma_start3A_301 = arith.constant 0 : i32
    %dma_start3A_302 = arith.constant 0 : i32
    %dma_start3A_303 = tpu.memref_slice %arg2[%dma_start3A_301, %dma_start3A_302] : memref<1000000x128xf32, #tpu.memory_space<hbm>> -> memref<1000000x128xf32, #tpu.memory_space<hbm>>
    %dma_start3A_304 = tpu.memref_slice %arg16[%dma_start3A_295] : memref<18x!tpu.dma_semaphore, #tpu.memory_space<semaphore_mem>> -> memref<1x!tpu.dma_semaphore, #tpu.memory_space<semaphore_mem>>
    %dma_start3A_305 = tpu.memref_squeeze %dma_start3A_304 : memref<1x!tpu.dma_semaphore, #tpu.memory_space<semaphore_mem>> -> memref<!tpu.dma_semaphore, #tpu.memory_space<semaphore_mem>>
    tpu.enqueue_indirect_dma source(%dma_start3A_303 : memref<1000000x128xf32, #tpu.memory_space<hbm>>) target(%dma_start3A_298 : memref<16x128xf32, #tpu.memory_space<vmem>>) offsets(%dma_start3A_300 : memref<16xi32, #tpu.memory_space<vmem>>) semaphore(%dma_start3A_305 : memref<!tpu.dma_semaphore, #tpu.memory_space<semaphore_mem>>)
    %dma_start3A_306 = arith.constant 8 : i32
    %dma_start3A_307 = arith.constant 128 : i32
    %dma_start3A_308 = arith.constant 0 : i32
    %dma_start3A_309 = tpu.memref_slice %arg12[%dma_start3A_307, %dma_start3A_308] : memref<256x128xf32, #tpu.memory_space<vmem>> -> memref<16x128xf32, #tpu.memory_space<vmem>>
    %dma_start3A_310 = arith.constant 128 : i32
    %dma_start3A_311 = tpu.memref_slice %arg9[%dma_start3A_310] : memref<512xi32, #tpu.memory_space<vmem>> -> memref<16xi32, #tpu.memory_space<vmem>>
    %dma_start3A_312 = arith.constant 0 : i32
    %dma_start3A_313 = arith.constant 0 : i32
    %dma_start3A_314 = tpu.memref_slice %arg2[%dma_start3A_312, %dma_start3A_313] : memref<1000000x128xf32, #tpu.memory_space<hbm>> -> memref<1000000x128xf32, #tpu.memory_space<hbm>>
    %dma_start3A_315 = tpu.memref_slice %arg16[%dma_start3A_306] : memref<18x!tpu.dma_semaphore, #tpu.memory_space<semaphore_mem>> -> memref<1x!tpu.dma_semaphore, #tpu.memory_space<semaphore_mem>>
    %dma_start3A_316 = tpu.memref_squeeze %dma_start3A_315 : memref<1x!tpu.dma_semaphore, #tpu.memory_space<semaphore_mem>> -> memref<!tpu.dma_semaphore, #tpu.memory_space<semaphore_mem>>
    tpu.enqueue_indirect_dma source(%dma_start3A_314 : memref<1000000x128xf32, #tpu.memory_space<hbm>>) target(%dma_start3A_309 : memref<16x128xf32, #tpu.memory_space<vmem>>) offsets(%dma_start3A_311 : memref<16xi32, #tpu.memory_space<vmem>>) semaphore(%dma_start3A_316 : memref<!tpu.dma_semaphore, #tpu.memory_space<semaphore_mem>>)
    %dma_start3A_317 = arith.constant 8 : i32
    %dma_start3A_318 = arith.constant 128 : i32
    %dma_start3A_319 = arith.constant 0 : i32
    %dma_start3A_320 = tpu.memref_slice %arg13[%dma_start3A_318, %dma_start3A_319] : memref<256x128xf32, #tpu.memory_space<vmem>> -> memref<16x128xf32, #tpu.memory_space<vmem>>
    %dma_start3A_321 = arith.constant 128 : i32
    %dma_start3A_322 = tpu.memref_slice %arg10[%dma_start3A_321] : memref<512xi32, #tpu.memory_space<vmem>> -> memref<16xi32, #tpu.memory_space<vmem>>
    %dma_start3A_323 = arith.constant 0 : i32
    %dma_start3A_324 = arith.constant 0 : i32
    %dma_start3A_325 = tpu.memref_slice %arg3[%dma_start3A_323, %dma_start3A_324] : memref<1000x128xf32, #tpu.memory_space<hbm>> -> memref<1000x128xf32, #tpu.memory_space<hbm>>
    %dma_start3A_326 = tpu.memref_slice %arg16[%dma_start3A_317] : memref<18x!tpu.dma_semaphore, #tpu.memory_space<semaphore_mem>> -> memref<1x!tpu.dma_semaphore, #tpu.memory_space<semaphore_mem>>
    %dma_start3A_327 = tpu.memref_squeeze %dma_start3A_326 : memref<1x!tpu.dma_semaphore, #tpu.memory_space<semaphore_mem>> -> memref<!tpu.dma_semaphore, #tpu.memory_space<semaphore_mem>>
    tpu.enqueue_indirect_dma source(%dma_start3A_325 : memref<1000x128xf32, #tpu.memory_space<hbm>>) target(%dma_start3A_320 : memref<16x128xf32, #tpu.memory_space<vmem>>) offsets(%dma_start3A_322 : memref<16xi32, #tpu.memory_space<vmem>>) semaphore(%dma_start3A_327 : memref<!tpu.dma_semaphore, #tpu.memory_space<semaphore_mem>>)
    %dma_start3A_328 = arith.constant 9 : i32
    %dma_start3A_329 = arith.constant 144 : i32
    %dma_start3A_330 = arith.constant 0 : i32
    %dma_start3A_331 = tpu.memref_slice %arg11[%dma_start3A_329, %dma_start3A_330] : memref<256x128xf32, #tpu.memory_space<vmem>> -> memref<16x128xf32, #tpu.memory_space<vmem>>
    %dma_start3A_332 = arith.constant 144 : i32
    %dma_start3A_333 = tpu.memref_slice %arg8[%dma_start3A_332] : memref<512xi32, #tpu.memory_space<vmem>> -> memref<16xi32, #tpu.memory_space<vmem>>
    %dma_start3A_334 = arith.constant 0 : i32
    %dma_start3A_335 = arith.constant 0 : i32
    %dma_start3A_336 = tpu.memref_slice %arg2[%dma_start3A_334, %dma_start3A_335] : memref<1000000x128xf32, #tpu.memory_space<hbm>> -> memref<1000000x128xf32, #tpu.memory_space<hbm>>
    %dma_start3A_337 = tpu.memref_slice %arg16[%dma_start3A_328] : memref<18x!tpu.dma_semaphore, #tpu.memory_space<semaphore_mem>> -> memref<1x!tpu.dma_semaphore, #tpu.memory_space<semaphore_mem>>
    %dma_start3A_338 = tpu.memref_squeeze %dma_start3A_337 : memref<1x!tpu.dma_semaphore, #tpu.memory_space<semaphore_mem>> -> memref<!tpu.dma_semaphore, #tpu.memory_space<semaphore_mem>>
    tpu.enqueue_indirect_dma source(%dma_start3A_336 : memref<1000000x128xf32, #tpu.memory_space<hbm>>) target(%dma_start3A_331 : memref<16x128xf32, #tpu.memory_space<vmem>>) offsets(%dma_start3A_333 : memref<16xi32, #tpu.memory_space<vmem>>) semaphore(%dma_start3A_338 : memref<!tpu.dma_semaphore, #tpu.memory_space<semaphore_mem>>)
    %dma_start3A_339 = arith.constant 9 : i32
    %dma_start3A_340 = arith.constant 144 : i32
    %dma_start3A_341 = arith.constant 0 : i32
    %dma_start3A_342 = tpu.memref_slice %arg12[%dma_start3A_340, %dma_start3A_341] : memref<256x128xf32, #tpu.memory_space<vmem>> -> memref<16x128xf32, #tpu.memory_space<vmem>>
    %dma_start3A_343 = arith.constant 144 : i32
    %dma_start3A_344 = tpu.memref_slice %arg9[%dma_start3A_343] : memref<512xi32, #tpu.memory_space<vmem>> -> memref<16xi32, #tpu.memory_space<vmem>>
    %dma_start3A_345 = arith.constant 0 : i32
    %dma_start3A_346 = arith.constant 0 : i32
    %dma_start3A_347 = tpu.memref_slice %arg2[%dma_start3A_345, %dma_start3A_346] : memref<1000000x128xf32, #tpu.memory_space<hbm>> -> memref<1000000x128xf32, #tpu.memory_space<hbm>>
    %dma_start3A_348 = tpu.memref_slice %arg16[%dma_start3A_339] : memref<18x!tpu.dma_semaphore, #tpu.memory_space<semaphore_mem>> -> memref<1x!tpu.dma_semaphore, #tpu.memory_space<semaphore_mem>>
    %dma_start3A_349 = tpu.memref_squeeze %dma_start3A_348 : memref<1x!tpu.dma_semaphore, #tpu.memory_space<semaphore_mem>> -> memref<!tpu.dma_semaphore, #tpu.memory_space<semaphore_mem>>
    tpu.enqueue_indirect_dma source(%dma_start3A_347 : memref<1000000x128xf32, #tpu.memory_space<hbm>>) target(%dma_start3A_342 : memref<16x128xf32, #tpu.memory_space<vmem>>) offsets(%dma_start3A_344 : memref<16xi32, #tpu.memory_space<vmem>>) semaphore(%dma_start3A_349 : memref<!tpu.dma_semaphore, #tpu.memory_space<semaphore_mem>>)
    %dma_start3A_350 = arith.constant 9 : i32
    %dma_start3A_351 = arith.constant 144 : i32
    %dma_start3A_352 = arith.constant 0 : i32
    %dma_start3A_353 = tpu.memref_slice %arg13[%dma_start3A_351, %dma_start3A_352] : memref<256x128xf32, #tpu.memory_space<vmem>> -> memref<16x128xf32, #tpu.memory_space<vmem>>
    %dma_start3A_354 = arith.constant 144 : i32
    %dma_start3A_355 = tpu.memref_slice %arg10[%dma_start3A_354] : memref<512xi32, #tpu.memory_space<vmem>> -> memref<16xi32, #tpu.memory_space<vmem>>
    %dma_start3A_356 = arith.constant 0 : i32
    %dma_start3A_357 = arith.constant 0 : i32
    %dma_start3A_358 = tpu.memref_slice %arg3[%dma_start3A_356, %dma_start3A_357] : memref<1000x128xf32, #tpu.memory_space<hbm>> -> memref<1000x128xf32, #tpu.memory_space<hbm>>
    %dma_start3A_359 = tpu.memref_slice %arg16[%dma_start3A_350] : memref<18x!tpu.dma_semaphore, #tpu.memory_space<semaphore_mem>> -> memref<1x!tpu.dma_semaphore, #tpu.memory_space<semaphore_mem>>
    %dma_start3A_360 = tpu.memref_squeeze %dma_start3A_359 : memref<1x!tpu.dma_semaphore, #tpu.memory_space<semaphore_mem>> -> memref<!tpu.dma_semaphore, #tpu.memory_space<semaphore_mem>>
    tpu.enqueue_indirect_dma source(%dma_start3A_358 : memref<1000x128xf32, #tpu.memory_space<hbm>>) target(%dma_start3A_353 : memref<16x128xf32, #tpu.memory_space<vmem>>) offsets(%dma_start3A_355 : memref<16xi32, #tpu.memory_space<vmem>>) semaphore(%dma_start3A_360 : memref<!tpu.dma_semaphore, #tpu.memory_space<semaphore_mem>>)
    %dma_start3A_361 = arith.constant 10 : i32
    %dma_start3A_362 = arith.constant 160 : i32
    %dma_start3A_363 = arith.constant 0 : i32
    %dma_start3A_364 = tpu.memref_slice %arg11[%dma_start3A_362, %dma_start3A_363] : memref<256x128xf32, #tpu.memory_space<vmem>> -> memref<16x128xf32, #tpu.memory_space<vmem>>
    %dma_start3A_365 = arith.constant 160 : i32
    %dma_start3A_366 = tpu.memref_slice %arg8[%dma_start3A_365] : memref<512xi32, #tpu.memory_space<vmem>> -> memref<16xi32, #tpu.memory_space<vmem>>
    %dma_start3A_367 = arith.constant 0 : i32
    %dma_start3A_368 = arith.constant 0 : i32
    %dma_start3A_369 = tpu.memref_slice %arg2[%dma_start3A_367, %dma_start3A_368] : memref<1000000x128xf32, #tpu.memory_space<hbm>> -> memref<1000000x128xf32, #tpu.memory_space<hbm>>
    %dma_start3A_370 = tpu.memref_slice %arg16[%dma_start3A_361] : memref<18x!tpu.dma_semaphore, #tpu.memory_space<semaphore_mem>> -> memref<1x!tpu.dma_semaphore, #tpu.memory_space<semaphore_mem>>
    %dma_start3A_371 = tpu.memref_squeeze %dma_start3A_370 : memref<1x!tpu.dma_semaphore, #tpu.memory_space<semaphore_mem>> -> memref<!tpu.dma_semaphore, #tpu.memory_space<semaphore_mem>>
    tpu.enqueue_indirect_dma source(%dma_start3A_369 : memref<1000000x128xf32, #tpu.memory_space<hbm>>) target(%dma_start3A_364 : memref<16x128xf32, #tpu.memory_space<vmem>>) offsets(%dma_start3A_366 : memref<16xi32, #tpu.memory_space<vmem>>) semaphore(%dma_start3A_371 : memref<!tpu.dma_semaphore, #tpu.memory_space<semaphore_mem>>)
    %dma_start3A_372 = arith.constant 10 : i32
    %dma_start3A_373 = arith.constant 160 : i32
    %dma_start3A_374 = arith.constant 0 : i32
    %dma_start3A_375 = tpu.memref_slice %arg12[%dma_start3A_373, %dma_start3A_374] : memref<256x128xf32, #tpu.memory_space<vmem>> -> memref<16x128xf32, #tpu.memory_space<vmem>>
    %dma_start3A_376 = arith.constant 160 : i32
    %dma_start3A_377 = tpu.memref_slice %arg9[%dma_start3A_376] : memref<512xi32, #tpu.memory_space<vmem>> -> memref<16xi32, #tpu.memory_space<vmem>>
    %dma_start3A_378 = arith.constant 0 : i32
    %dma_start3A_379 = arith.constant 0 : i32
    %dma_start3A_380 = tpu.memref_slice %arg2[%dma_start3A_378, %dma_start3A_379] : memref<1000000x128xf32, #tpu.memory_space<hbm>> -> memref<1000000x128xf32, #tpu.memory_space<hbm>>
    %dma_start3A_381 = tpu.memref_slice %arg16[%dma_start3A_372] : memref<18x!tpu.dma_semaphore, #tpu.memory_space<semaphore_mem>> -> memref<1x!tpu.dma_semaphore, #tpu.memory_space<semaphore_mem>>
    %dma_start3A_382 = tpu.memref_squeeze %dma_start3A_381 : memref<1x!tpu.dma_semaphore, #tpu.memory_space<semaphore_mem>> -> memref<!tpu.dma_semaphore, #tpu.memory_space<semaphore_mem>>
    tpu.enqueue_indirect_dma source(%dma_start3A_380 : memref<1000000x128xf32, #tpu.memory_space<hbm>>) target(%dma_start3A_375 : memref<16x128xf32, #tpu.memory_space<vmem>>) offsets(%dma_start3A_377 : memref<16xi32, #tpu.memory_space<vmem>>) semaphore(%dma_start3A_382 : memref<!tpu.dma_semaphore, #tpu.memory_space<semaphore_mem>>)
    %dma_start3A_383 = arith.constant 10 : i32
    %dma_start3A_384 = arith.constant 160 : i32
    %dma_start3A_385 = arith.constant 0 : i32
    %dma_start3A_386 = tpu.memref_slice %arg13[%dma_start3A_384, %dma_start3A_385] : memref<256x128xf32, #tpu.memory_space<vmem>> -> memref<16x128xf32, #tpu.memory_space<vmem>>
    %dma_start3A_387 = arith.constant 160 : i32
    %dma_start3A_388 = tpu.memref_slice %arg10[%dma_start3A_387] : memref<512xi32, #tpu.memory_space<vmem>> -> memref<16xi32, #tpu.memory_space<vmem>>
    %dma_start3A_389 = arith.constant 0 : i32
    %dma_start3A_390 = arith.constant 0 : i32
    %dma_start3A_391 = tpu.memref_slice %arg3[%dma_start3A_389, %dma_start3A_390] : memref<1000x128xf32, #tpu.memory_space<hbm>> -> memref<1000x128xf32, #tpu.memory_space<hbm>>
    %dma_start3A_392 = tpu.memref_slice %arg16[%dma_start3A_383] : memref<18x!tpu.dma_semaphore, #tpu.memory_space<semaphore_mem>> -> memref<1x!tpu.dma_semaphore, #tpu.memory_space<semaphore_mem>>
    %dma_start3A_393 = tpu.memref_squeeze %dma_start3A_392 : memref<1x!tpu.dma_semaphore, #tpu.memory_space<semaphore_mem>> -> memref<!tpu.dma_semaphore, #tpu.memory_space<semaphore_mem>>
    tpu.enqueue_indirect_dma source(%dma_start3A_391 : memref<1000x128xf32, #tpu.memory_space<hbm>>) target(%dma_start3A_386 : memref<16x128xf32, #tpu.memory_space<vmem>>) offsets(%dma_start3A_388 : memref<16xi32, #tpu.memory_space<vmem>>) semaphore(%dma_start3A_393 : memref<!tpu.dma_semaphore, #tpu.memory_space<semaphore_mem>>)
    %dma_start3A_394 = arith.constant 11 : i32
    %dma_start3A_395 = arith.constant 176 : i32
    %dma_start3A_396 = arith.constant 0 : i32
    %dma_start3A_397 = tpu.memref_slice %arg11[%dma_start3A_395, %dma_start3A_396] : memref<256x128xf32, #tpu.memory_space<vmem>> -> memref<16x128xf32, #tpu.memory_space<vmem>>
    %dma_start3A_398 = arith.constant 176 : i32
    %dma_start3A_399 = tpu.memref_slice %arg8[%dma_start3A_398] : memref<512xi32, #tpu.memory_space<vmem>> -> memref<16xi32, #tpu.memory_space<vmem>>
    %dma_start3A_400 = arith.constant 0 : i32
    %dma_start3A_401 = arith.constant 0 : i32
    %dma_start3A_402 = tpu.memref_slice %arg2[%dma_start3A_400, %dma_start3A_401] : memref<1000000x128xf32, #tpu.memory_space<hbm>> -> memref<1000000x128xf32, #tpu.memory_space<hbm>>
    %dma_start3A_403 = tpu.memref_slice %arg16[%dma_start3A_394] : memref<18x!tpu.dma_semaphore, #tpu.memory_space<semaphore_mem>> -> memref<1x!tpu.dma_semaphore, #tpu.memory_space<semaphore_mem>>
    %dma_start3A_404 = tpu.memref_squeeze %dma_start3A_403 : memref<1x!tpu.dma_semaphore, #tpu.memory_space<semaphore_mem>> -> memref<!tpu.dma_semaphore, #tpu.memory_space<semaphore_mem>>
    tpu.enqueue_indirect_dma source(%dma_start3A_402 : memref<1000000x128xf32, #tpu.memory_space<hbm>>) target(%dma_start3A_397 : memref<16x128xf32, #tpu.memory_space<vmem>>) offsets(%dma_start3A_399 : memref<16xi32, #tpu.memory_space<vmem>>) semaphore(%dma_start3A_404 : memref<!tpu.dma_semaphore, #tpu.memory_space<semaphore_mem>>)
    %dma_start3A_405 = arith.constant 11 : i32
    %dma_start3A_406 = arith.constant 176 : i32
    %dma_start3A_407 = arith.constant 0 : i32
    %dma_start3A_408 = tpu.memref_slice %arg12[%dma_start3A_406, %dma_start3A_407] : memref<256x128xf32, #tpu.memory_space<vmem>> -> memref<16x128xf32, #tpu.memory_space<vmem>>
    %dma_start3A_409 = arith.constant 176 : i32
    %dma_start3A_410 = tpu.memref_slice %arg9[%dma_start3A_409] : memref<512xi32, #tpu.memory_space<vmem>> -> memref<16xi32, #tpu.memory_space<vmem>>
    %dma_start3A_411 = arith.constant 0 : i32
    %dma_start3A_412 = arith.constant 0 : i32
    %dma_start3A_413 = tpu.memref_slice %arg2[%dma_start3A_411, %dma_start3A_412] : memref<1000000x128xf32, #tpu.memory_space<hbm>> -> memref<1000000x128xf32, #tpu.memory_space<hbm>>
    %dma_start3A_414 = tpu.memref_slice %arg16[%dma_start3A_405] : memref<18x!tpu.dma_semaphore, #tpu.memory_space<semaphore_mem>> -> memref<1x!tpu.dma_semaphore, #tpu.memory_space<semaphore_mem>>
    %dma_start3A_415 = tpu.memref_squeeze %dma_start3A_414 : memref<1x!tpu.dma_semaphore, #tpu.memory_space<semaphore_mem>> -> memref<!tpu.dma_semaphore, #tpu.memory_space<semaphore_mem>>
    tpu.enqueue_indirect_dma source(%dma_start3A_413 : memref<1000000x128xf32, #tpu.memory_space<hbm>>) target(%dma_start3A_408 : memref<16x128xf32, #tpu.memory_space<vmem>>) offsets(%dma_start3A_410 : memref<16xi32, #tpu.memory_space<vmem>>) semaphore(%dma_start3A_415 : memref<!tpu.dma_semaphore, #tpu.memory_space<semaphore_mem>>)
    %dma_start3A_416 = arith.constant 11 : i32
    %dma_start3A_417 = arith.constant 176 : i32
    %dma_start3A_418 = arith.constant 0 : i32
    %dma_start3A_419 = tpu.memref_slice %arg13[%dma_start3A_417, %dma_start3A_418] : memref<256x128xf32, #tpu.memory_space<vmem>> -> memref<16x128xf32, #tpu.memory_space<vmem>>
    %dma_start3A_420 = arith.constant 176 : i32
    %dma_start3A_421 = tpu.memref_slice %arg10[%dma_start3A_420] : memref<512xi32, #tpu.memory_space<vmem>> -> memref<16xi32, #tpu.memory_space<vmem>>
    %dma_start3A_422 = arith.constant 0 : i32
    %dma_start3A_423 = arith.constant 0 : i32
    %dma_start3A_424 = tpu.memref_slice %arg3[%dma_start3A_422, %dma_start3A_423] : memref<1000x128xf32, #tpu.memory_space<hbm>> -> memref<1000x128xf32, #tpu.memory_space<hbm>>
    %dma_start3A_425 = tpu.memref_slice %arg16[%dma_start3A_416] : memref<18x!tpu.dma_semaphore, #tpu.memory_space<semaphore_mem>> -> memref<1x!tpu.dma_semaphore, #tpu.memory_space<semaphore_mem>>
    %dma_start3A_426 = tpu.memref_squeeze %dma_start3A_425 : memref<1x!tpu.dma_semaphore, #tpu.memory_space<semaphore_mem>> -> memref<!tpu.dma_semaphore, #tpu.memory_space<semaphore_mem>>
    tpu.enqueue_indirect_dma source(%dma_start3A_424 : memref<1000x128xf32, #tpu.memory_space<hbm>>) target(%dma_start3A_419 : memref<16x128xf32, #tpu.memory_space<vmem>>) offsets(%dma_start3A_421 : memref<16xi32, #tpu.memory_space<vmem>>) semaphore(%dma_start3A_426 : memref<!tpu.dma_semaphore, #tpu.memory_space<semaphore_mem>>)
    %dma_start3A_427 = arith.constant 12 : i32
    %dma_start3A_428 = arith.constant 192 : i32
    %dma_start3A_429 = arith.constant 0 : i32
    %dma_start3A_430 = tpu.memref_slice %arg11[%dma_start3A_428, %dma_start3A_429] : memref<256x128xf32, #tpu.memory_space<vmem>> -> memref<16x128xf32, #tpu.memory_space<vmem>>
    %dma_start3A_431 = arith.constant 192 : i32
    %dma_start3A_432 = tpu.memref_slice %arg8[%dma_start3A_431] : memref<512xi32, #tpu.memory_space<vmem>> -> memref<16xi32, #tpu.memory_space<vmem>>
    %dma_start3A_433 = arith.constant 0 : i32
    %dma_start3A_434 = arith.constant 0 : i32
    %dma_start3A_435 = tpu.memref_slice %arg2[%dma_start3A_433, %dma_start3A_434] : memref<1000000x128xf32, #tpu.memory_space<hbm>> -> memref<1000000x128xf32, #tpu.memory_space<hbm>>
    %dma_start3A_436 = tpu.memref_slice %arg16[%dma_start3A_427] : memref<18x!tpu.dma_semaphore, #tpu.memory_space<semaphore_mem>> -> memref<1x!tpu.dma_semaphore, #tpu.memory_space<semaphore_mem>>
    %dma_start3A_437 = tpu.memref_squeeze %dma_start3A_436 : memref<1x!tpu.dma_semaphore, #tpu.memory_space<semaphore_mem>> -> memref<!tpu.dma_semaphore, #tpu.memory_space<semaphore_mem>>
    tpu.enqueue_indirect_dma source(%dma_start3A_435 : memref<1000000x128xf32, #tpu.memory_space<hbm>>) target(%dma_start3A_430 : memref<16x128xf32, #tpu.memory_space<vmem>>) offsets(%dma_start3A_432 : memref<16xi32, #tpu.memory_space<vmem>>) semaphore(%dma_start3A_437 : memref<!tpu.dma_semaphore, #tpu.memory_space<semaphore_mem>>)
    %dma_start3A_438 = arith.constant 12 : i32
    %dma_start3A_439 = arith.constant 192 : i32
    %dma_start3A_440 = arith.constant 0 : i32
    %dma_start3A_441 = tpu.memref_slice %arg12[%dma_start3A_439, %dma_start3A_440] : memref<256x128xf32, #tpu.memory_space<vmem>> -> memref<16x128xf32, #tpu.memory_space<vmem>>
    %dma_start3A_442 = arith.constant 192 : i32
    %dma_start3A_443 = tpu.memref_slice %arg9[%dma_start3A_442] : memref<512xi32, #tpu.memory_space<vmem>> -> memref<16xi32, #tpu.memory_space<vmem>>
    %dma_start3A_444 = arith.constant 0 : i32
    %dma_start3A_445 = arith.constant 0 : i32
    %dma_start3A_446 = tpu.memref_slice %arg2[%dma_start3A_444, %dma_start3A_445] : memref<1000000x128xf32, #tpu.memory_space<hbm>> -> memref<1000000x128xf32, #tpu.memory_space<hbm>>
    %dma_start3A_447 = tpu.memref_slice %arg16[%dma_start3A_438] : memref<18x!tpu.dma_semaphore, #tpu.memory_space<semaphore_mem>> -> memref<1x!tpu.dma_semaphore, #tpu.memory_space<semaphore_mem>>
    %dma_start3A_448 = tpu.memref_squeeze %dma_start3A_447 : memref<1x!tpu.dma_semaphore, #tpu.memory_space<semaphore_mem>> -> memref<!tpu.dma_semaphore, #tpu.memory_space<semaphore_mem>>
    tpu.enqueue_indirect_dma source(%dma_start3A_446 : memref<1000000x128xf32, #tpu.memory_space<hbm>>) target(%dma_start3A_441 : memref<16x128xf32, #tpu.memory_space<vmem>>) offsets(%dma_start3A_443 : memref<16xi32, #tpu.memory_space<vmem>>) semaphore(%dma_start3A_448 : memref<!tpu.dma_semaphore, #tpu.memory_space<semaphore_mem>>)
    %dma_start3A_449 = arith.constant 12 : i32
    %dma_start3A_450 = arith.constant 192 : i32
    %dma_start3A_451 = arith.constant 0 : i32
    %dma_start3A_452 = tpu.memref_slice %arg13[%dma_start3A_450, %dma_start3A_451] : memref<256x128xf32, #tpu.memory_space<vmem>> -> memref<16x128xf32, #tpu.memory_space<vmem>>
    %dma_start3A_453 = arith.constant 192 : i32
    %dma_start3A_454 = tpu.memref_slice %arg10[%dma_start3A_453] : memref<512xi32, #tpu.memory_space<vmem>> -> memref<16xi32, #tpu.memory_space<vmem>>
    %dma_start3A_455 = arith.constant 0 : i32
    %dma_start3A_456 = arith.constant 0 : i32
    %dma_start3A_457 = tpu.memref_slice %arg3[%dma_start3A_455, %dma_start3A_456] : memref<1000x128xf32, #tpu.memory_space<hbm>> -> memref<1000x128xf32, #tpu.memory_space<hbm>>
    %dma_start3A_458 = tpu.memref_slice %arg16[%dma_start3A_449] : memref<18x!tpu.dma_semaphore, #tpu.memory_space<semaphore_mem>> -> memref<1x!tpu.dma_semaphore, #tpu.memory_space<semaphore_mem>>
    %dma_start3A_459 = tpu.memref_squeeze %dma_start3A_458 : memref<1x!tpu.dma_semaphore, #tpu.memory_space<semaphore_mem>> -> memref<!tpu.dma_semaphore, #tpu.memory_space<semaphore_mem>>
    tpu.enqueue_indirect_dma source(%dma_start3A_457 : memref<1000x128xf32, #tpu.memory_space<hbm>>) target(%dma_start3A_452 : memref<16x128xf32, #tpu.memory_space<vmem>>) offsets(%dma_start3A_454 : memref<16xi32, #tpu.memory_space<vmem>>) semaphore(%dma_start3A_459 : memref<!tpu.dma_semaphore, #tpu.memory_space<semaphore_mem>>)
    %dma_start3A_460 = arith.constant 13 : i32
    %dma_start3A_461 = arith.constant 208 : i32
    %dma_start3A_462 = arith.constant 0 : i32
    %dma_start3A_463 = tpu.memref_slice %arg11[%dma_start3A_461, %dma_start3A_462] : memref<256x128xf32, #tpu.memory_space<vmem>> -> memref<16x128xf32, #tpu.memory_space<vmem>>
    %dma_start3A_464 = arith.constant 208 : i32
    %dma_start3A_465 = tpu.memref_slice %arg8[%dma_start3A_464] : memref<512xi32, #tpu.memory_space<vmem>> -> memref<16xi32, #tpu.memory_space<vmem>>
    %dma_start3A_466 = arith.constant 0 : i32
    %dma_start3A_467 = arith.constant 0 : i32
    %dma_start3A_468 = tpu.memref_slice %arg2[%dma_start3A_466, %dma_start3A_467] : memref<1000000x128xf32, #tpu.memory_space<hbm>> -> memref<1000000x128xf32, #tpu.memory_space<hbm>>
    %dma_start3A_469 = tpu.memref_slice %arg16[%dma_start3A_460] : memref<18x!tpu.dma_semaphore, #tpu.memory_space<semaphore_mem>> -> memref<1x!tpu.dma_semaphore, #tpu.memory_space<semaphore_mem>>
    %dma_start3A_470 = tpu.memref_squeeze %dma_start3A_469 : memref<1x!tpu.dma_semaphore, #tpu.memory_space<semaphore_mem>> -> memref<!tpu.dma_semaphore, #tpu.memory_space<semaphore_mem>>
    tpu.enqueue_indirect_dma source(%dma_start3A_468 : memref<1000000x128xf32, #tpu.memory_space<hbm>>) target(%dma_start3A_463 : memref<16x128xf32, #tpu.memory_space<vmem>>) offsets(%dma_start3A_465 : memref<16xi32, #tpu.memory_space<vmem>>) semaphore(%dma_start3A_470 : memref<!tpu.dma_semaphore, #tpu.memory_space<semaphore_mem>>)
    %dma_start3A_471 = arith.constant 13 : i32
    %dma_start3A_472 = arith.constant 208 : i32
    %dma_start3A_473 = arith.constant 0 : i32
    %dma_start3A_474 = tpu.memref_slice %arg12[%dma_start3A_472, %dma_start3A_473] : memref<256x128xf32, #tpu.memory_space<vmem>> -> memref<16x128xf32, #tpu.memory_space<vmem>>
    %dma_start3A_475 = arith.constant 208 : i32
    %dma_start3A_476 = tpu.memref_slice %arg9[%dma_start3A_475] : memref<512xi32, #tpu.memory_space<vmem>> -> memref<16xi32, #tpu.memory_space<vmem>>
    %dma_start3A_477 = arith.constant 0 : i32
    %dma_start3A_478 = arith.constant 0 : i32
    %dma_start3A_479 = tpu.memref_slice %arg2[%dma_start3A_477, %dma_start3A_478] : memref<1000000x128xf32, #tpu.memory_space<hbm>> -> memref<1000000x128xf32, #tpu.memory_space<hbm>>
    %dma_start3A_480 = tpu.memref_slice %arg16[%dma_start3A_471] : memref<18x!tpu.dma_semaphore, #tpu.memory_space<semaphore_mem>> -> memref<1x!tpu.dma_semaphore, #tpu.memory_space<semaphore_mem>>
    %dma_start3A_481 = tpu.memref_squeeze %dma_start3A_480 : memref<1x!tpu.dma_semaphore, #tpu.memory_space<semaphore_mem>> -> memref<!tpu.dma_semaphore, #tpu.memory_space<semaphore_mem>>
    tpu.enqueue_indirect_dma source(%dma_start3A_479 : memref<1000000x128xf32, #tpu.memory_space<hbm>>) target(%dma_start3A_474 : memref<16x128xf32, #tpu.memory_space<vmem>>) offsets(%dma_start3A_476 : memref<16xi32, #tpu.memory_space<vmem>>) semaphore(%dma_start3A_481 : memref<!tpu.dma_semaphore, #tpu.memory_space<semaphore_mem>>)
    %dma_start3A_482 = arith.constant 13 : i32
    %dma_start3A_483 = arith.constant 208 : i32
    %dma_start3A_484 = arith.constant 0 : i32
    %dma_start3A_485 = tpu.memref_slice %arg13[%dma_start3A_483, %dma_start3A_484] : memref<256x128xf32, #tpu.memory_space<vmem>> -> memref<16x128xf32, #tpu.memory_space<vmem>>
    %dma_start3A_486 = arith.constant 208 : i32
    %dma_start3A_487 = tpu.memref_slice %arg10[%dma_start3A_486] : memref<512xi32, #tpu.memory_space<vmem>> -> memref<16xi32, #tpu.memory_space<vmem>>
    %dma_start3A_488 = arith.constant 0 : i32
    %dma_start3A_489 = arith.constant 0 : i32
    %dma_start3A_490 = tpu.memref_slice %arg3[%dma_start3A_488, %dma_start3A_489] : memref<1000x128xf32, #tpu.memory_space<hbm>> -> memref<1000x128xf32, #tpu.memory_space<hbm>>
    %dma_start3A_491 = tpu.memref_slice %arg16[%dma_start3A_482] : memref<18x!tpu.dma_semaphore, #tpu.memory_space<semaphore_mem>> -> memref<1x!tpu.dma_semaphore, #tpu.memory_space<semaphore_mem>>
    %dma_start3A_492 = tpu.memref_squeeze %dma_start3A_491 : memref<1x!tpu.dma_semaphore, #tpu.memory_space<semaphore_mem>> -> memref<!tpu.dma_semaphore, #tpu.memory_space<semaphore_mem>>
    tpu.enqueue_indirect_dma source(%dma_start3A_490 : memref<1000x128xf32, #tpu.memory_space<hbm>>) target(%dma_start3A_485 : memref<16x128xf32, #tpu.memory_space<vmem>>) offsets(%dma_start3A_487 : memref<16xi32, #tpu.memory_space<vmem>>) semaphore(%dma_start3A_492 : memref<!tpu.dma_semaphore, #tpu.memory_space<semaphore_mem>>)
    %dma_start3A_493 = arith.constant 14 : i32
    %dma_start3A_494 = arith.constant 224 : i32
    %dma_start3A_495 = arith.constant 0 : i32
    %dma_start3A_496 = tpu.memref_slice %arg11[%dma_start3A_494, %dma_start3A_495] : memref<256x128xf32, #tpu.memory_space<vmem>> -> memref<16x128xf32, #tpu.memory_space<vmem>>
    %dma_start3A_497 = arith.constant 224 : i32
    %dma_start3A_498 = tpu.memref_slice %arg8[%dma_start3A_497] : memref<512xi32, #tpu.memory_space<vmem>> -> memref<16xi32, #tpu.memory_space<vmem>>
    %dma_start3A_499 = arith.constant 0 : i32
    %dma_start3A_500 = arith.constant 0 : i32
    %dma_start3A_501 = tpu.memref_slice %arg2[%dma_start3A_499, %dma_start3A_500] : memref<1000000x128xf32, #tpu.memory_space<hbm>> -> memref<1000000x128xf32, #tpu.memory_space<hbm>>
    %dma_start3A_502 = tpu.memref_slice %arg16[%dma_start3A_493] : memref<18x!tpu.dma_semaphore, #tpu.memory_space<semaphore_mem>> -> memref<1x!tpu.dma_semaphore, #tpu.memory_space<semaphore_mem>>
    %dma_start3A_503 = tpu.memref_squeeze %dma_start3A_502 : memref<1x!tpu.dma_semaphore, #tpu.memory_space<semaphore_mem>> -> memref<!tpu.dma_semaphore, #tpu.memory_space<semaphore_mem>>
    tpu.enqueue_indirect_dma source(%dma_start3A_501 : memref<1000000x128xf32, #tpu.memory_space<hbm>>) target(%dma_start3A_496 : memref<16x128xf32, #tpu.memory_space<vmem>>) offsets(%dma_start3A_498 : memref<16xi32, #tpu.memory_space<vmem>>) semaphore(%dma_start3A_503 : memref<!tpu.dma_semaphore, #tpu.memory_space<semaphore_mem>>)
    %dma_start3A_504 = arith.constant 14 : i32
    %dma_start3A_505 = arith.constant 224 : i32
    %dma_start3A_506 = arith.constant 0 : i32
    %dma_start3A_507 = tpu.memref_slice %arg12[%dma_start3A_505, %dma_start3A_506] : memref<256x128xf32, #tpu.memory_space<vmem>> -> memref<16x128xf32, #tpu.memory_space<vmem>>
    %dma_start3A_508 = arith.constant 224 : i32
    %dma_start3A_509 = tpu.memref_slice %arg9[%dma_start3A_508] : memref<512xi32, #tpu.memory_space<vmem>> -> memref<16xi32, #tpu.memory_space<vmem>>
    %dma_start3A_510 = arith.constant 0 : i32
    %dma_start3A_511 = arith.constant 0 : i32
    %dma_start3A_512 = tpu.memref_slice %arg2[%dma_start3A_510, %dma_start3A_511] : memref<1000000x128xf32, #tpu.memory_space<hbm>> -> memref<1000000x128xf32, #tpu.memory_space<hbm>>
    %dma_start3A_513 = tpu.memref_slice %arg16[%dma_start3A_504] : memref<18x!tpu.dma_semaphore, #tpu.memory_space<semaphore_mem>> -> memref<1x!tpu.dma_semaphore, #tpu.memory_space<semaphore_mem>>
    %dma_start3A_514 = tpu.memref_squeeze %dma_start3A_513 : memref<1x!tpu.dma_semaphore, #tpu.memory_space<semaphore_mem>> -> memref<!tpu.dma_semaphore, #tpu.memory_space<semaphore_mem>>
    tpu.enqueue_indirect_dma source(%dma_start3A_512 : memref<1000000x128xf32, #tpu.memory_space<hbm>>) target(%dma_start3A_507 : memref<16x128xf32, #tpu.memory_space<vmem>>) offsets(%dma_start3A_509 : memref<16xi32, #tpu.memory_space<vmem>>) semaphore(%dma_start3A_514 : memref<!tpu.dma_semaphore, #tpu.memory_space<semaphore_mem>>)
    %dma_start3A_515 = arith.constant 14 : i32
    %dma_start3A_516 = arith.constant 224 : i32
    %dma_start3A_517 = arith.constant 0 : i32
    %dma_start3A_518 = tpu.memref_slice %arg13[%dma_start3A_516, %dma_start3A_517] : memref<256x128xf32, #tpu.memory_space<vmem>> -> memref<16x128xf32, #tpu.memory_space<vmem>>
    %dma_start3A_519 = arith.constant 224 : i32
    %dma_start3A_520 = tpu.memref_slice %arg10[%dma_start3A_519] : memref<512xi32, #tpu.memory_space<vmem>> -> memref<16xi32, #tpu.memory_space<vmem>>
    %dma_start3A_521 = arith.constant 0 : i32
    %dma_start3A_522 = arith.constant 0 : i32
    %dma_start3A_523 = tpu.memref_slice %arg3[%dma_start3A_521, %dma_start3A_522] : memref<1000x128xf32, #tpu.memory_space<hbm>> -> memref<1000x128xf32, #tpu.memory_space<hbm>>
    %dma_start3A_524 = tpu.memref_slice %arg16[%dma_start3A_515] : memref<18x!tpu.dma_semaphore, #tpu.memory_space<semaphore_mem>> -> memref<1x!tpu.dma_semaphore, #tpu.memory_space<semaphore_mem>>
    %dma_start3A_525 = tpu.memref_squeeze %dma_start3A_524 : memref<1x!tpu.dma_semaphore, #tpu.memory_space<semaphore_mem>> -> memref<!tpu.dma_semaphore, #tpu.memory_space<semaphore_mem>>
    tpu.enqueue_indirect_dma source(%dma_start3A_523 : memref<1000x128xf32, #tpu.memory_space<hbm>>) target(%dma_start3A_518 : memref<16x128xf32, #tpu.memory_space<vmem>>) offsets(%dma_start3A_520 : memref<16xi32, #tpu.memory_space<vmem>>) semaphore(%dma_start3A_525 : memref<!tpu.dma_semaphore, #tpu.memory_space<semaphore_mem>>)
    %dma_start3A_526 = arith.constant 15 : i32
    %dma_start3A_527 = arith.constant 240 : i32
    %dma_start3A_528 = arith.constant 0 : i32
    %dma_start3A_529 = tpu.memref_slice %arg11[%dma_start3A_527, %dma_start3A_528] : memref<256x128xf32, #tpu.memory_space<vmem>> -> memref<16x128xf32, #tpu.memory_space<vmem>>
    %dma_start3A_530 = arith.constant 240 : i32
    %dma_start3A_531 = tpu.memref_slice %arg8[%dma_start3A_530] : memref<512xi32, #tpu.memory_space<vmem>> -> memref<16xi32, #tpu.memory_space<vmem>>
    %dma_start3A_532 = arith.constant 0 : i32
    %dma_start3A_533 = arith.constant 0 : i32
    %dma_start3A_534 = tpu.memref_slice %arg2[%dma_start3A_532, %dma_start3A_533] : memref<1000000x128xf32, #tpu.memory_space<hbm>> -> memref<1000000x128xf32, #tpu.memory_space<hbm>>
    %dma_start3A_535 = tpu.memref_slice %arg16[%dma_start3A_526] : memref<18x!tpu.dma_semaphore, #tpu.memory_space<semaphore_mem>> -> memref<1x!tpu.dma_semaphore, #tpu.memory_space<semaphore_mem>>
    %dma_start3A_536 = tpu.memref_squeeze %dma_start3A_535 : memref<1x!tpu.dma_semaphore, #tpu.memory_space<semaphore_mem>> -> memref<!tpu.dma_semaphore, #tpu.memory_space<semaphore_mem>>
    tpu.enqueue_indirect_dma source(%dma_start3A_534 : memref<1000000x128xf32, #tpu.memory_space<hbm>>) target(%dma_start3A_529 : memref<16x128xf32, #tpu.memory_space<vmem>>) offsets(%dma_start3A_531 : memref<16xi32, #tpu.memory_space<vmem>>) semaphore(%dma_start3A_536 : memref<!tpu.dma_semaphore, #tpu.memory_space<semaphore_mem>>)
    %dma_start3A_537 = arith.constant 15 : i32
    %dma_start3A_538 = arith.constant 240 : i32
    %dma_start3A_539 = arith.constant 0 : i32
    %dma_start3A_540 = tpu.memref_slice %arg12[%dma_start3A_538, %dma_start3A_539] : memref<256x128xf32, #tpu.memory_space<vmem>> -> memref<16x128xf32, #tpu.memory_space<vmem>>
    %dma_start3A_541 = arith.constant 240 : i32
    %dma_start3A_542 = tpu.memref_slice %arg9[%dma_start3A_541] : memref<512xi32, #tpu.memory_space<vmem>> -> memref<16xi32, #tpu.memory_space<vmem>>
    %dma_start3A_543 = arith.constant 0 : i32
    %dma_start3A_544 = arith.constant 0 : i32
    %dma_start3A_545 = tpu.memref_slice %arg2[%dma_start3A_543, %dma_start3A_544] : memref<1000000x128xf32, #tpu.memory_space<hbm>> -> memref<1000000x128xf32, #tpu.memory_space<hbm>>
    %dma_start3A_546 = tpu.memref_slice %arg16[%dma_start3A_537] : memref<18x!tpu.dma_semaphore, #tpu.memory_space<semaphore_mem>> -> memref<1x!tpu.dma_semaphore, #tpu.memory_space<semaphore_mem>>
    %dma_start3A_547 = tpu.memref_squeeze %dma_start3A_546 : memref<1x!tpu.dma_semaphore, #tpu.memory_space<semaphore_mem>> -> memref<!tpu.dma_semaphore, #tpu.memory_space<semaphore_mem>>
    tpu.enqueue_indirect_dma source(%dma_start3A_545 : memref<1000000x128xf32, #tpu.memory_space<hbm>>) target(%dma_start3A_540 : memref<16x128xf32, #tpu.memory_space<vmem>>) offsets(%dma_start3A_542 : memref<16xi32, #tpu.memory_space<vmem>>) semaphore(%dma_start3A_547 : memref<!tpu.dma_semaphore, #tpu.memory_space<semaphore_mem>>)
    %dma_start3A_548 = arith.constant 15 : i32
    %dma_start3A_549 = arith.constant 240 : i32
    %dma_start3A_550 = arith.constant 0 : i32
    %dma_start3A_551 = tpu.memref_slice %arg13[%dma_start3A_549, %dma_start3A_550] : memref<256x128xf32, #tpu.memory_space<vmem>> -> memref<16x128xf32, #tpu.memory_space<vmem>>
    %dma_start3A_552 = arith.constant 240 : i32
    %dma_start3A_553 = tpu.memref_slice %arg10[%dma_start3A_552] : memref<512xi32, #tpu.memory_space<vmem>> -> memref<16xi32, #tpu.memory_space<vmem>>
    %dma_start3A_554 = arith.constant 0 : i32
    %dma_start3A_555 = arith.constant 0 : i32
    %dma_start3A_556 = tpu.memref_slice %arg3[%dma_start3A_554, %dma_start3A_555] : memref<1000x128xf32, #tpu.memory_space<hbm>> -> memref<1000x128xf32, #tpu.memory_space<hbm>>
    %dma_start3A_557 = tpu.memref_slice %arg16[%dma_start3A_548] : memref<18x!tpu.dma_semaphore, #tpu.memory_space<semaphore_mem>> -> memref<1x!tpu.dma_semaphore, #tpu.memory_space<semaphore_mem>>
    %dma_start3A_558 = tpu.memref_squeeze %dma_start3A_557 : memref<1x!tpu.dma_semaphore, #tpu.memory_space<semaphore_mem>> -> memref<!tpu.dma_semaphore, #tpu.memory_space<semaphore_mem>>
    tpu.enqueue_indirect_dma source(%dma_start3A_556 : memref<1000x128xf32, #tpu.memory_space<hbm>>) target(%dma_start3A_551 : memref<16x128xf32, #tpu.memory_space<vmem>>) offsets(%dma_start3A_553 : memref<16xi32, #tpu.memory_space<vmem>>) semaphore(%dma_start3A_558 : memref<!tpu.dma_semaphore, #tpu.memory_space<semaphore_mem>>)
    %scan3A = arith.constant 0 : i32
    %scan3A_559 = arith.constant 0 : i32
    %scan3A_560 = arith.constant 32 : i32
    %scan3A_561 = arith.addi %scan3A_559, %scan3A_560 : i32
    %scan3A_562 = arith.constant 1 : i32
    scf.for %scan3A_570 = %scan3A_559 to %scan3A_561 step %scan3A_562  : i32 {
      %rem3A = arith.constant 16 : i32
      %rem3A_571 = arith.remsi %scan3A_570, %rem3A : i32
      %mul3A_572 = arith.constant 16 : i32
      %mul3A_573 = arith.muli %rem3A_571, %mul3A_572 : i32
      %mul3A_574 = arith.constant 16 : i32
      %mul3A_575 = arith.muli %scan3A_570, %mul3A_574 : i32
      %dma_wait3A_576 = arith.constant 0 : i32
      %dma_wait3A_577 = tpu.memref_slice %arg11[%mul3A_573, %dma_wait3A_576] : memref<256x128xf32, #tpu.memory_space<vmem>> -> memref<16x128xf32, #tpu.memory_space<vmem>>
      %dma_wait3A_578 = tpu.memref_slice %arg8[%mul3A_575] : memref<512xi32, #tpu.memory_space<vmem>> -> memref<16xi32, #tpu.memory_space<vmem>>
      %dma_wait3A_579 = arith.constant 0 : i32
      %dma_wait3A_580 = arith.constant 0 : i32
      %dma_wait3A_581 = tpu.memref_slice %arg2[%dma_wait3A_579, %dma_wait3A_580] : memref<1000000x128xf32, #tpu.memory_space<hbm>> -> memref<1000000x128xf32, #tpu.memory_space<hbm>>
      %dma_wait3A_582 = tpu.memref_slice %arg16[%rem3A_571] : memref<18x!tpu.dma_semaphore, #tpu.memory_space<semaphore_mem>> -> memref<1x!tpu.dma_semaphore, #tpu.memory_space<semaphore_mem>>
      %dma_wait3A_583 = tpu.memref_squeeze %dma_wait3A_582 : memref<1x!tpu.dma_semaphore, #tpu.memory_space<semaphore_mem>> -> memref<!tpu.dma_semaphore, #tpu.memory_space<semaphore_mem>>
      tpu.wait_indirect_dma semaphore(%dma_wait3A_583 : memref<!tpu.dma_semaphore, #tpu.memory_space<semaphore_mem>>) src(%dma_wait3A_581 : memref<1000000x128xf32, #tpu.memory_space<hbm>>) dst(%dma_wait3A_577 : memref<16x128xf32, #tpu.memory_space<vmem>>)
      %dma_wait3A_584 = arith.constant 0 : i32
      %dma_wait3A_585 = tpu.memref_slice %arg12[%mul3A_573, %dma_wait3A_584] : memref<256x128xf32, #tpu.memory_space<vmem>> -> memref<16x128xf32, #tpu.memory_space<vmem>>
      %dma_wait3A_586 = tpu.memref_slice %arg9[%mul3A_575] : memref<512xi32, #tpu.memory_space<vmem>> -> memref<16xi32, #tpu.memory_space<vmem>>
      %dma_wait3A_587 = arith.constant 0 : i32
      %dma_wait3A_588 = arith.constant 0 : i32
      %dma_wait3A_589 = tpu.memref_slice %arg2[%dma_wait3A_587, %dma_wait3A_588] : memref<1000000x128xf32, #tpu.memory_space<hbm>> -> memref<1000000x128xf32, #tpu.memory_space<hbm>>
      %dma_wait3A_590 = tpu.memref_slice %arg16[%rem3A_571] : memref<18x!tpu.dma_semaphore, #tpu.memory_space<semaphore_mem>> -> memref<1x!tpu.dma_semaphore, #tpu.memory_space<semaphore_mem>>
      %dma_wait3A_591 = tpu.memref_squeeze %dma_wait3A_590 : memref<1x!tpu.dma_semaphore, #tpu.memory_space<semaphore_mem>> -> memref<!tpu.dma_semaphore, #tpu.memory_space<semaphore_mem>>
      tpu.wait_indirect_dma semaphore(%dma_wait3A_591 : memref<!tpu.dma_semaphore, #tpu.memory_space<semaphore_mem>>) src(%dma_wait3A_589 : memref<1000000x128xf32, #tpu.memory_space<hbm>>) dst(%dma_wait3A_585 : memref<16x128xf32, #tpu.memory_space<vmem>>)
      %dma_wait3A_592 = arith.constant 0 : i32
      %dma_wait3A_593 = tpu.memref_slice %arg13[%mul3A_573, %dma_wait3A_592] : memref<256x128xf32, #tpu.memory_space<vmem>> -> memref<16x128xf32, #tpu.memory_space<vmem>>
      %dma_wait3A_594 = tpu.memref_slice %arg10[%mul3A_575] : memref<512xi32, #tpu.memory_space<vmem>> -> memref<16xi32, #tpu.memory_space<vmem>>
      %dma_wait3A_595 = arith.constant 0 : i32
      %dma_wait3A_596 = arith.constant 0 : i32
      %dma_wait3A_597 = tpu.memref_slice %arg3[%dma_wait3A_595, %dma_wait3A_596] : memref<1000x128xf32, #tpu.memory_space<hbm>> -> memref<1000x128xf32, #tpu.memory_space<hbm>>
      %dma_wait3A_598 = tpu.memref_slice %arg16[%rem3A_571] : memref<18x!tpu.dma_semaphore, #tpu.memory_space<semaphore_mem>> -> memref<1x!tpu.dma_semaphore, #tpu.memory_space<semaphore_mem>>
      %dma_wait3A_599 = tpu.memref_squeeze %dma_wait3A_598 : memref<1x!tpu.dma_semaphore, #tpu.memory_space<semaphore_mem>> -> memref<!tpu.dma_semaphore, #tpu.memory_space<semaphore_mem>>
      tpu.wait_indirect_dma semaphore(%dma_wait3A_599 : memref<!tpu.dma_semaphore, #tpu.memory_space<semaphore_mem>>) src(%dma_wait3A_597 : memref<1000x128xf32, #tpu.memory_space<hbm>>) dst(%dma_wait3A_593 : memref<16x128xf32, #tpu.memory_space<vmem>>)
      %broadcast_in_dim3A = arith.constant 0.000000e+00 : f32
      %broadcast_in_dim3A_600 = vector.broadcast %broadcast_in_dim3A : f32 to vector<16xf32>
      %add3A_601 = arith.constant 0 : i32
      %add3A_602 = arith.addi %mul3A_573, %add3A_601 : i32
      %add3A_603 = arith.constant 0 : i32
      %add3A_604 = arith.addi %add3A_602, %add3A_603 : i32
      %add3A_605 = arith.constant 0 : i32
      %add3A_606 = arith.addi %add3A_604, %add3A_605 : i32
      %get3A = arith.index_cast %add3A_606 : i32 to index
      %get3A_607 = arith.constant 0 : index
      %get3A_608 = tpu.vector_load %arg11[%get3A, %get3A_607] {strides = array<i32>} : memref<256x128xf32, #tpu.memory_space<vmem>>, vector<16xf32>,
      %get3A_609 = arith.index_cast %add3A_606 : i32 to index
      %get3A_610 = arith.constant 0 : index
      %get3A_611 = tpu.vector_load %arg13[%get3A_609, %get3A_610] {strides = array<i32>} : memref<256x128xf32, #tpu.memory_space<vmem>>, vector<16xf32>,
      %get3A_612 = arith.index_cast %add3A_606 : i32 to index
      %get3A_613 = arith.constant 0 : index
      %get3A_614 = tpu.vector_load %arg12[%get3A_612, %get3A_613] {strides = array<i32>} : memref<256x128xf32, #tpu.memory_space<vmem>>, vector<16xf32>,
      %add3A_615 = arith.addf %get3A_608, %get3A_611 : vector<16xf32>
      %sub3A = arith.subf %add3A_615, %get3A_614 : vector<16xf32>
      %abs3A = math.absf %sub3A : vector<16xf32>
      %add3A_616 = arith.addf %broadcast_in_dim3A_600, %abs3A : vector<16xf32>
      %add3A_617 = arith.constant 0 : i32
      %add3A_618 = arith.addi %mul3A_573, %add3A_617 : i32
      %add3A_619 = arith.constant 0 : i32
      %add3A_620 = arith.addi %add3A_618, %add3A_619 : i32
      %add3A_621 = arith.constant 1 : i32
      %add3A_622 = arith.addi %add3A_620, %add3A_621 : i32
      %get3A_623 = arith.index_cast %add3A_622 : i32 to index
      %get3A_624 = arith.constant 0 : index
      %get3A_625 = tpu.vector_load %arg11[%get3A_623, %get3A_624] {strides = array<i32>} : memref<256x128xf32, #tpu.memory_space<vmem>>, vector<16xf32>,
      %get3A_626 = arith.index_cast %add3A_622 : i32 to index
      %get3A_627 = arith.constant 0 : index
      %get3A_628 = tpu.vector_load %arg13[%get3A_626, %get3A_627] {strides = array<i32>} : memref<256x128xf32, #tpu.memory_space<vmem>>, vector<16xf32>,
      %get3A_629 = arith.index_cast %add3A_622 : i32 to index
      %get3A_630 = arith.constant 0 : index
      %get3A_631 = tpu.vector_load %arg12[%get3A_629, %get3A_630] {strides = array<i32>} : memref<256x128xf32, #tpu.memory_space<vmem>>, vector<16xf32>,
      %add3A_632 = arith.addf %get3A_625, %get3A_628 : vector<16xf32>
      %sub3A_633 = arith.subf %add3A_632, %get3A_631 : vector<16xf32>
      %abs3A_634 = math.absf %sub3A_633 : vector<16xf32>
      %add3A_635 = arith.addf %broadcast_in_dim3A_600, %abs3A_634 : vector<16xf32>
      %add3A_636 = arith.constant 0 : i32
      %add3A_637 = arith.addi %mul3A_573, %add3A_636 : i32
      %add3A_638 = arith.constant 0 : i32
      %add3A_639 = arith.addi %add3A_637, %add3A_638 : i32
      %add3A_640 = arith.constant 2 : i32
      %add3A_641 = arith.addi %add3A_639, %add3A_640 : i32
      %get3A_642 = arith.index_cast %add3A_641 : i32 to index
      %get3A_643 = arith.constant 0 : index
      %get3A_644 = tpu.vector_load %arg11[%get3A_642, %get3A_643] {strides = array<i32>} : memref<256x128xf32, #tpu.memory_space<vmem>>, vector<16xf32>,
      %get3A_645 = arith.index_cast %add3A_641 : i32 to index
      %get3A_646 = arith.constant 0 : index
      %get3A_647 = tpu.vector_load %arg13[%get3A_645, %get3A_646] {strides = array<i32>} : memref<256x128xf32, #tpu.memory_space<vmem>>, vector<16xf32>,
      %get3A_648 = arith.index_cast %add3A_641 : i32 to index
      %get3A_649 = arith.constant 0 : index
      %get3A_650 = tpu.vector_load %arg12[%get3A_648, %get3A_649] {strides = array<i32>} : memref<256x128xf32, #tpu.memory_space<vmem>>, vector<16xf32>,
      %add3A_651 = arith.addf %get3A_644, %get3A_647 : vector<16xf32>
      %sub3A_652 = arith.subf %add3A_651, %get3A_650 : vector<16xf32>
      %abs3A_653 = math.absf %sub3A_652 : vector<16xf32>
      %add3A_654 = arith.addf %broadcast_in_dim3A_600, %abs3A_653 : vector<16xf32>
      %add3A_655 = arith.constant 0 : i32
      %add3A_656 = arith.addi %mul3A_573, %add3A_655 : i32
      %add3A_657 = arith.constant 0 : i32
      %add3A_658 = arith.addi %add3A_656, %add3A_657 : i32
      %add3A_659 = arith.constant 3 : i32
      %add3A_660 = arith.addi %add3A_658, %add3A_659 : i32
      %get3A_661 = arith.index_cast %add3A_660 : i32 to index
      %get3A_662 = arith.constant 0 : index
      %get3A_663 = tpu.vector_load %arg11[%get3A_661, %get3A_662] {strides = array<i32>} : memref<256x128xf32, #tpu.memory_space<vmem>>, vector<16xf32>,
      %get3A_664 = arith.index_cast %add3A_660 : i32 to index
      %get3A_665 = arith.constant 0 : index
      %get3A_666 = tpu.vector_load %arg13[%get3A_664, %get3A_665] {strides = array<i32>} : memref<256x128xf32, #tpu.memory_space<vmem>>, vector<16xf32>,
      %get3A_667 = arith.index_cast %add3A_660 : i32 to index
      %get3A_668 = arith.constant 0 : index
      %get3A_669 = tpu.vector_load %arg12[%get3A_667, %get3A_668] {strides = array<i32>} : memref<256x128xf32, #tpu.memory_space<vmem>>, vector<16xf32>,
      %add3A_670 = arith.addf %get3A_663, %get3A_666 : vector<16xf32>
      %sub3A_671 = arith.subf %add3A_670, %get3A_669 : vector<16xf32>
      %abs3A_672 = math.absf %sub3A_671 : vector<16xf32>
      %add3A_673 = arith.addf %broadcast_in_dim3A_600, %abs3A_672 : vector<16xf32>
      %add3A_674 = arith.constant 0 : i32
      %add3A_675 = arith.addi %mul3A_573, %add3A_674 : i32
      %add3A_676 = arith.constant 0 : i32
      %add3A_677 = arith.addi %add3A_675, %add3A_676 : i32
      %add3A_678 = arith.constant 0 : i32
      %add3A_679 = arith.addi %add3A_677, %add3A_678 : i32
      %get3A_680 = arith.index_cast %add3A_679 : i32 to index
      %get3A_681 = arith.constant 16 : index
      %get3A_682 = tpu.vector_load %arg11[%get3A_680, %get3A_681] {strides = array<i32>} : memref<256x128xf32, #tpu.memory_space<vmem>>, vector<16xf32>,
      %get3A_683 = arith.index_cast %add3A_679 : i32 to index
      %get3A_684 = arith.constant 16 : index
      %get3A_685 = tpu.vector_load %arg13[%get3A_683, %get3A_684] {strides = array<i32>} : memref<256x128xf32, #tpu.memory_space<vmem>>, vector<16xf32>,
      %get3A_686 = arith.index_cast %add3A_679 : i32 to index
      %get3A_687 = arith.constant 16 : index
      %get3A_688 = tpu.vector_load %arg12[%get3A_686, %get3A_687] {strides = array<i32>} : memref<256x128xf32, #tpu.memory_space<vmem>>, vector<16xf32>,
      %add3A_689 = arith.addf %get3A_682, %get3A_685 : vector<16xf32>
      %sub3A_690 = arith.subf %add3A_689, %get3A_688 : vector<16xf32>
      %abs3A_691 = math.absf %sub3A_690 : vector<16xf32>
      %add3A_692 = arith.addf %add3A_616, %abs3A_691 : vector<16xf32>
      %add3A_693 = arith.constant 0 : i32
      %add3A_694 = arith.addi %mul3A_573, %add3A_693 : i32
      %add3A_695 = arith.constant 0 : i32
      %add3A_696 = arith.addi %add3A_694, %add3A_695 : i32
      %add3A_697 = arith.constant 1 : i32
      %add3A_698 = arith.addi %add3A_696, %add3A_697 : i32
      %get3A_699 = arith.index_cast %add3A_698 : i32 to index
      %get3A_700 = arith.constant 16 : index
      %get3A_701 = tpu.vector_load %arg11[%get3A_699, %get3A_700] {strides = array<i32>} : memref<256x128xf32, #tpu.memory_space<vmem>>, vector<16xf32>,
      %get3A_702 = arith.index_cast %add3A_698 : i32 to index
      %get3A_703 = arith.constant 16 : index
      %get3A_704 = tpu.vector_load %arg13[%get3A_702, %get3A_703] {strides = array<i32>} : memref<256x128xf32, #tpu.memory_space<vmem>>, vector<16xf32>,
      %get3A_705 = arith.index_cast %add3A_698 : i32 to index
      %get3A_706 = arith.constant 16 : index
      %get3A_707 = tpu.vector_load %arg12[%get3A_705, %get3A_706] {strides = array<i32>} : memref<256x128xf32, #tpu.memory_space<vmem>>, vector<16xf32>,
      %add3A_708 = arith.addf %get3A_701, %get3A_704 : vector<16xf32>
      %sub3A_709 = arith.subf %add3A_708, %get3A_707 : vector<16xf32>
      %abs3A_710 = math.absf %sub3A_709 : vector<16xf32>
      %add3A_711 = arith.addf %add3A_635, %abs3A_710 : vector<16xf32>
      %add3A_712 = arith.constant 0 : i32
      %add3A_713 = arith.addi %mul3A_573, %add3A_712 : i32
      %add3A_714 = arith.constant 0 : i32
      %add3A_715 = arith.addi %add3A_713, %add3A_714 : i32
      %add3A_716 = arith.constant 2 : i32
      %add3A_717 = arith.addi %add3A_715, %add3A_716 : i32
      %get3A_718 = arith.index_cast %add3A_717 : i32 to index
      %get3A_719 = arith.constant 16 : index
      %get3A_720 = tpu.vector_load %arg11[%get3A_718, %get3A_719] {strides = array<i32>} : memref<256x128xf32, #tpu.memory_space<vmem>>, vector<16xf32>,
      %get3A_721 = arith.index_cast %add3A_717 : i32 to index
      %get3A_722 = arith.constant 16 : index
      %get3A_723 = tpu.vector_load %arg13[%get3A_721, %get3A_722] {strides = array<i32>} : memref<256x128xf32, #tpu.memory_space<vmem>>, vector<16xf32>,
      %get3A_724 = arith.index_cast %add3A_717 : i32 to index
      %get3A_725 = arith.constant 16 : index
      %get3A_726 = tpu.vector_load %arg12[%get3A_724, %get3A_725] {strides = array<i32>} : memref<256x128xf32, #tpu.memory_space<vmem>>, vector<16xf32>,
      %add3A_727 = arith.addf %get3A_720, %get3A_723 : vector<16xf32>
      %sub3A_728 = arith.subf %add3A_727, %get3A_726 : vector<16xf32>
      %abs3A_729 = math.absf %sub3A_728 : vector<16xf32>
      %add3A_730 = arith.addf %add3A_654, %abs3A_729 : vector<16xf32>
      %add3A_731 = arith.constant 0 : i32
      %add3A_732 = arith.addi %mul3A_573, %add3A_731 : i32
      %add3A_733 = arith.constant 0 : i32
      %add3A_734 = arith.addi %add3A_732, %add3A_733 : i32
      %add3A_735 = arith.constant 3 : i32
      %add3A_736 = arith.addi %add3A_734, %add3A_735 : i32
      %get3A_737 = arith.index_cast %add3A_736 : i32 to index
      %get3A_738 = arith.constant 16 : index
      %get3A_739 = tpu.vector_load %arg11[%get3A_737, %get3A_738] {strides = array<i32>} : memref<256x128xf32, #tpu.memory_space<vmem>>, vector<16xf32>,
      %get3A_740 = arith.index_cast %add3A_736 : i32 to index
      %get3A_741 = arith.constant 16 : index
      %get3A_742 = tpu.vector_load %arg13[%get3A_740, %get3A_741] {strides = array<i32>} : memref<256x128xf32, #tpu.memory_space<vmem>>, vector<16xf32>,
      %get3A_743 = arith.index_cast %add3A_736 : i32 to index
      %get3A_744 = arith.constant 16 : index
      %get3A_745 = tpu.vector_load %arg12[%get3A_743, %get3A_744] {strides = array<i32>} : memref<256x128xf32, #tpu.memory_space<vmem>>, vector<16xf32>,
      %add3A_746 = arith.addf %get3A_739, %get3A_742 : vector<16xf32>
      %sub3A_747 = arith.subf %add3A_746, %get3A_745 : vector<16xf32>
      %abs3A_748 = math.absf %sub3A_747 : vector<16xf32>
      %add3A_749 = arith.addf %add3A_673, %abs3A_748 : vector<16xf32>
      %add3A_750 = arith.constant 0 : i32
      %add3A_751 = arith.addi %mul3A_573, %add3A_750 : i32
      %add3A_752 = arith.constant 0 : i32
      %add3A_753 = arith.addi %add3A_751, %add3A_752 : i32
      %add3A_754 = arith.constant 0 : i32
      %add3A_755 = arith.addi %add3A_753, %add3A_754 : i32
      %get3A_756 = arith.index_cast %add3A_755 : i32 to index
      %get3A_757 = arith.constant 32 : index
      %get3A_758 = tpu.vector_load %arg11[%get3A_756, %get3A_757] {strides = array<i32>} : memref<256x128xf32, #tpu.memory_space<vmem>>, vector<16xf32>,
      %get3A_759 = arith.index_cast %add3A_755 : i32 to index
      %get3A_760 = arith.constant 32 : index
      %get3A_761 = tpu.vector_load %arg13[%get3A_759, %get3A_760] {strides = array<i32>} : memref<256x128xf32, #tpu.memory_space<vmem>>, vector<16xf32>,
      %get3A_762 = arith.index_cast %add3A_755 : i32 to index
      %get3A_763 = arith.constant 32 : index
      %get3A_764 = tpu.vector_load %arg12[%get3A_762, %get3A_763] {strides = array<i32>} : memref<256x128xf32, #tpu.memory_space<vmem>>, vector<16xf32>,
      %add3A_765 = arith.addf %get3A_758, %get3A_761 : vector<16xf32>
      %sub3A_766 = arith.subf %add3A_765, %get3A_764 : vector<16xf32>
      %abs3A_767 = math.absf %sub3A_766 : vector<16xf32>
      %add3A_768 = arith.addf %add3A_692, %abs3A_767 : vector<16xf32>
      %add3A_769 = arith.constant 0 : i32
      %add3A_770 = arith.addi %mul3A_573, %add3A_769 : i32
      %add3A_771 = arith.constant 0 : i32
      %add3A_772 = arith.addi %add3A_770, %add3A_771 : i32
      %add3A_773 = arith.constant 1 : i32
      %add3A_774 = arith.addi %add3A_772, %add3A_773 : i32
      %get3A_775 = arith.index_cast %add3A_774 : i32 to index
      %get3A_776 = arith.constant 32 : index
      %get3A_777 = tpu.vector_load %arg11[%get3A_775, %get3A_776] {strides = array<i32>} : memref<256x128xf32, #tpu.memory_space<vmem>>, vector<16xf32>,
      %get3A_778 = arith.index_cast %add3A_774 : i32 to index
      %get3A_779 = arith.constant 32 : index
      %get3A_780 = tpu.vector_load %arg13[%get3A_778, %get3A_779] {strides = array<i32>} : memref<256x128xf32, #tpu.memory_space<vmem>>, vector<16xf32>,
      %get3A_781 = arith.index_cast %add3A_774 : i32 to index
      %get3A_782 = arith.constant 32 : index
      %get3A_783 = tpu.vector_load %arg12[%get3A_781, %get3A_782] {strides = array<i32>} : memref<256x128xf32, #tpu.memory_space<vmem>>, vector<16xf32>,
      %add3A_784 = arith.addf %get3A_777, %get3A_780 : vector<16xf32>
      %sub3A_785 = arith.subf %add3A_784, %get3A_783 : vector<16xf32>
      %abs3A_786 = math.absf %sub3A_785 : vector<16xf32>
      %add3A_787 = arith.addf %add3A_711, %abs3A_786 : vector<16xf32>
      %add3A_788 = arith.constant 0 : i32
      %add3A_789 = arith.addi %mul3A_573, %add3A_788 : i32
      %add3A_790 = arith.constant 0 : i32
      %add3A_791 = arith.addi %add3A_789, %add3A_790 : i32
      %add3A_792 = arith.constant 2 : i32
      %add3A_793 = arith.addi %add3A_791, %add3A_792 : i32
      %get3A_794 = arith.index_cast %add3A_793 : i32 to index
      %get3A_795 = arith.constant 32 : index
      %get3A_796 = tpu.vector_load %arg11[%get3A_794, %get3A_795] {strides = array<i32>} : memref<256x128xf32, #tpu.memory_space<vmem>>, vector<16xf32>,
      %get3A_797 = arith.index_cast %add3A_793 : i32 to index
      %get3A_798 = arith.constant 32 : index
      %get3A_799 = tpu.vector_load %arg13[%get3A_797, %get3A_798] {strides = array<i32>} : memref<256x128xf32, #tpu.memory_space<vmem>>, vector<16xf32>,
      %get3A_800 = arith.index_cast %add3A_793 : i32 to index
      %get3A_801 = arith.constant 32 : index
      %get3A_802 = tpu.vector_load %arg12[%get3A_800, %get3A_801] {strides = array<i32>} : memref<256x128xf32, #tpu.memory_space<vmem>>, vector<16xf32>,
      %add3A_803 = arith.addf %get3A_796, %get3A_799 : vector<16xf32>
      %sub3A_804 = arith.subf %add3A_803, %get3A_802 : vector<16xf32>
      %abs3A_805 = math.absf %sub3A_804 : vector<16xf32>
      %add3A_806 = arith.addf %add3A_730, %abs3A_805 : vector<16xf32>
      %add3A_807 = arith.constant 0 : i32
      %add3A_808 = arith.addi %mul3A_573, %add3A_807 : i32
      %add3A_809 = arith.constant 0 : i32
      %add3A_810 = arith.addi %add3A_808, %add3A_809 : i32
      %add3A_811 = arith.constant 3 : i32
      %add3A_812 = arith.addi %add3A_810, %add3A_811 : i32
      %get3A_813 = arith.index_cast %add3A_812 : i32 to index
      %get3A_814 = arith.constant 32 : index
      %get3A_815 = tpu.vector_load %arg11[%get3A_813, %get3A_814] {strides = array<i32>} : memref<256x128xf32, #tpu.memory_space<vmem>>, vector<16xf32>,
      %get3A_816 = arith.index_cast %add3A_812 : i32 to index
      %get3A_817 = arith.constant 32 : index
      %get3A_818 = tpu.vector_load %arg13[%get3A_816, %get3A_817] {strides = array<i32>} : memref<256x128xf32, #tpu.memory_space<vmem>>, vector<16xf32>,
      %get3A_819 = arith.index_cast %add3A_812 : i32 to index
      %get3A_820 = arith.constant 32 : index
      %get3A_821 = tpu.vector_load %arg12[%get3A_819, %get3A_820] {strides = array<i32>} : memref<256x128xf32, #tpu.memory_space<vmem>>, vector<16xf32>,
      %add3A_822 = arith.addf %get3A_815, %get3A_818 : vector<16xf32>
      %sub3A_823 = arith.subf %add3A_822, %get3A_821 : vector<16xf32>
      %abs3A_824 = math.absf %sub3A_823 : vector<16xf32>
      %add3A_825 = arith.addf %add3A_749, %abs3A_824 : vector<16xf32>
      %add3A_826 = arith.constant 0 : i32
      %add3A_827 = arith.addi %mul3A_573, %add3A_826 : i32
      %add3A_828 = arith.constant 0 : i32
      %add3A_829 = arith.addi %add3A_827, %add3A_828 : i32
      %add3A_830 = arith.constant 0 : i32
      %add3A_831 = arith.addi %add3A_829, %add3A_830 : i32
      %get3A_832 = arith.index_cast %add3A_831 : i32 to index
      %get3A_833 = arith.constant 48 : index
      %get3A_834 = tpu.vector_load %arg11[%get3A_832, %get3A_833] {strides = array<i32>} : memref<256x128xf32, #tpu.memory_space<vmem>>, vector<16xf32>,
      %get3A_835 = arith.index_cast %add3A_831 : i32 to index
      %get3A_836 = arith.constant 48 : index
      %get3A_837 = tpu.vector_load %arg13[%get3A_835, %get3A_836] {strides = array<i32>} : memref<256x128xf32, #tpu.memory_space<vmem>>, vector<16xf32>,
      %get3A_838 = arith.index_cast %add3A_831 : i32 to index
      %get3A_839 = arith.constant 48 : index
      %get3A_840 = tpu.vector_load %arg12[%get3A_838, %get3A_839] {strides = array<i32>} : memref<256x128xf32, #tpu.memory_space<vmem>>, vector<16xf32>,
      %add3A_841 = arith.addf %get3A_834, %get3A_837 : vector<16xf32>
      %sub3A_842 = arith.subf %add3A_841, %get3A_840 : vector<16xf32>
      %abs3A_843 = math.absf %sub3A_842 : vector<16xf32>
      %add3A_844 = arith.addf %add3A_768, %abs3A_843 : vector<16xf32>
      %add3A_845 = arith.constant 0 : i32
      %add3A_846 = arith.addi %mul3A_573, %add3A_845 : i32
      %add3A_847 = arith.constant 0 : i32
      %add3A_848 = arith.addi %add3A_846, %add3A_847 : i32
      %add3A_849 = arith.constant 1 : i32
      %add3A_850 = arith.addi %add3A_848, %add3A_849 : i32
      %get3A_851 = arith.index_cast %add3A_850 : i32 to index
      %get3A_852 = arith.constant 48 : index
      %get3A_853 = tpu.vector_load %arg11[%get3A_851, %get3A_852] {strides = array<i32>} : memref<256x128xf32, #tpu.memory_space<vmem>>, vector<16xf32>,
      %get3A_854 = arith.index_cast %add3A_850 : i32 to index
      %get3A_855 = arith.constant 48 : index
      %get3A_856 = tpu.vector_load %arg13[%get3A_854, %get3A_855] {strides = array<i32>} : memref<256x128xf32, #tpu.memory_space<vmem>>, vector<16xf32>,
      %get3A_857 = arith.index_cast %add3A_850 : i32 to index
      %get3A_858 = arith.constant 48 : index
      %get3A_859 = tpu.vector_load %arg12[%get3A_857, %get3A_858] {strides = array<i32>} : memref<256x128xf32, #tpu.memory_space<vmem>>, vector<16xf32>,
      %add3A_860 = arith.addf %get3A_853, %get3A_856 : vector<16xf32>
      %sub3A_861 = arith.subf %add3A_860, %get3A_859 : vector<16xf32>
      %abs3A_862 = math.absf %sub3A_861 : vector<16xf32>
      %add3A_863 = arith.addf %add3A_787, %abs3A_862 : vector<16xf32>
      %add3A_864 = arith.constant 0 : i32
      %add3A_865 = arith.addi %mul3A_573, %add3A_864 : i32
      %add3A_866 = arith.constant 0 : i32
      %add3A_867 = arith.addi %add3A_865, %add3A_866 : i32
      %add3A_868 = arith.constant 2 : i32
      %add3A_869 = arith.addi %add3A_867, %add3A_868 : i32
      %get3A_870 = arith.index_cast %add3A_869 : i32 to index
      %get3A_871 = arith.constant 48 : index
      %get3A_872 = tpu.vector_load %arg11[%get3A_870, %get3A_871] {strides = array<i32>} : memref<256x128xf32, #tpu.memory_space<vmem>>, vector<16xf32>,
      %get3A_873 = arith.index_cast %add3A_869 : i32 to index
      %get3A_874 = arith.constant 48 : index
      %get3A_875 = tpu.vector_load %arg13[%get3A_873, %get3A_874] {strides = array<i32>} : memref<256x128xf32, #tpu.memory_space<vmem>>, vector<16xf32>,
      %get3A_876 = arith.index_cast %add3A_869 : i32 to index
      %get3A_877 = arith.constant 48 : index
      %get3A_878 = tpu.vector_load %arg12[%get3A_876, %get3A_877] {strides = array<i32>} : memref<256x128xf32, #tpu.memory_space<vmem>>, vector<16xf32>,
      %add3A_879 = arith.addf %get3A_872, %get3A_875 : vector<16xf32>
      %sub3A_880 = arith.subf %add3A_879, %get3A_878 : vector<16xf32>
      %abs3A_881 = math.absf %sub3A_880 : vector<16xf32>
      %add3A_882 = arith.addf %add3A_806, %abs3A_881 : vector<16xf32>
      %add3A_883 = arith.constant 0 : i32
      %add3A_884 = arith.addi %mul3A_573, %add3A_883 : i32
      %add3A_885 = arith.constant 0 : i32
      %add3A_886 = arith.addi %add3A_884, %add3A_885 : i32
      %add3A_887 = arith.constant 3 : i32
      %add3A_888 = arith.addi %add3A_886, %add3A_887 : i32
      %get3A_889 = arith.index_cast %add3A_888 : i32 to index
      %get3A_890 = arith.constant 48 : index
      %get3A_891 = tpu.vector_load %arg11[%get3A_889, %get3A_890] {strides = array<i32>} : memref<256x128xf32, #tpu.memory_space<vmem>>, vector<16xf32>,
      %get3A_892 = arith.index_cast %add3A_888 : i32 to index
      %get3A_893 = arith.constant 48 : index
      %get3A_894 = tpu.vector_load %arg13[%get3A_892, %get3A_893] {strides = array<i32>} : memref<256x128xf32, #tpu.memory_space<vmem>>, vector<16xf32>,
      %get3A_895 = arith.index_cast %add3A_888 : i32 to index
      %get3A_896 = arith.constant 48 : index
      %get3A_897 = tpu.vector_load %arg12[%get3A_895, %get3A_896] {strides = array<i32>} : memref<256x128xf32, #tpu.memory_space<vmem>>, vector<16xf32>,
      %add3A_898 = arith.addf %get3A_891, %get3A_894 : vector<16xf32>
      %sub3A_899 = arith.subf %add3A_898, %get3A_897 : vector<16xf32>
      %abs3A_900 = math.absf %sub3A_899 : vector<16xf32>
      %add3A_901 = arith.addf %add3A_825, %abs3A_900 : vector<16xf32>
      %add3A_902 = arith.constant 0 : i32
      %add3A_903 = arith.addi %mul3A_573, %add3A_902 : i32
      %add3A_904 = arith.constant 0 : i32
      %add3A_905 = arith.addi %add3A_903, %add3A_904 : i32
      %add3A_906 = arith.constant 0 : i32
      %add3A_907 = arith.addi %add3A_905, %add3A_906 : i32
      %get3A_908 = arith.index_cast %add3A_907 : i32 to index
      %get3A_909 = arith.constant 64 : index
      %get3A_910 = tpu.vector_load %arg11[%get3A_908, %get3A_909] {strides = array<i32>} : memref<256x128xf32, #tpu.memory_space<vmem>>, vector<16xf32>,
      %get3A_911 = arith.index_cast %add3A_907 : i32 to index
      %get3A_912 = arith.constant 64 : index
      %get3A_913 = tpu.vector_load %arg13[%get3A_911, %get3A_912] {strides = array<i32>} : memref<256x128xf32, #tpu.memory_space<vmem>>, vector<16xf32>,
      %get3A_914 = arith.index_cast %add3A_907 : i32 to index
      %get3A_915 = arith.constant 64 : index
      %get3A_916 = tpu.vector_load %arg12[%get3A_914, %get3A_915] {strides = array<i32>} : memref<256x128xf32, #tpu.memory_space<vmem>>, vector<16xf32>,
      %add3A_917 = arith.addf %get3A_910, %get3A_913 : vector<16xf32>
      %sub3A_918 = arith.subf %add3A_917, %get3A_916 : vector<16xf32>
      %abs3A_919 = math.absf %sub3A_918 : vector<16xf32>
      %add3A_920 = arith.addf %add3A_844, %abs3A_919 : vector<16xf32>
      %add3A_921 = arith.constant 0 : i32
      %add3A_922 = arith.addi %mul3A_573, %add3A_921 : i32
      %add3A_923 = arith.constant 0 : i32
      %add3A_924 = arith.addi %add3A_922, %add3A_923 : i32
      %add3A_925 = arith.constant 1 : i32
      %add3A_926 = arith.addi %add3A_924, %add3A_925 : i32
      %get3A_927 = arith.index_cast %add3A_926 : i32 to index
      %get3A_928 = arith.constant 64 : index
      %get3A_929 = tpu.vector_load %arg11[%get3A_927, %get3A_928] {strides = array<i32>} : memref<256x128xf32, #tpu.memory_space<vmem>>, vector<16xf32>,
      %get3A_930 = arith.index_cast %add3A_926 : i32 to index
      %get3A_931 = arith.constant 64 : index
      %get3A_932 = tpu.vector_load %arg13[%get3A_930, %get3A_931] {strides = array<i32>} : memref<256x128xf32, #tpu.memory_space<vmem>>, vector<16xf32>,
      %get3A_933 = arith.index_cast %add3A_926 : i32 to index
      %get3A_934 = arith.constant 64 : index
      %get3A_935 = tpu.vector_load %arg12[%get3A_933, %get3A_934] {strides = array<i32>} : memref<256x128xf32, #tpu.memory_space<vmem>>, vector<16xf32>,
      %add3A_936 = arith.addf %get3A_929, %get3A_932 : vector<16xf32>
      %sub3A_937 = arith.subf %add3A_936, %get3A_935 : vector<16xf32>
      %abs3A_938 = math.absf %sub3A_937 : vector<16xf32>
      %add3A_939 = arith.addf %add3A_863, %abs3A_938 : vector<16xf32>
      %add3A_940 = arith.constant 0 : i32
      %add3A_941 = arith.addi %mul3A_573, %add3A_940 : i32
      %add3A_942 = arith.constant 0 : i32
      %add3A_943 = arith.addi %add3A_941, %add3A_942 : i32
      %add3A_944 = arith.constant 2 : i32
      %add3A_945 = arith.addi %add3A_943, %add3A_944 : i32
      %get3A_946 = arith.index_cast %add3A_945 : i32 to index
      %get3A_947 = arith.constant 64 : index
      %get3A_948 = tpu.vector_load %arg11[%get3A_946, %get3A_947] {strides = array<i32>} : memref<256x128xf32, #tpu.memory_space<vmem>>, vector<16xf32>,
      %get3A_949 = arith.index_cast %add3A_945 : i32 to index
      %get3A_950 = arith.constant 64 : index
      %get3A_951 = tpu.vector_load %arg13[%get3A_949, %get3A_950] {strides = array<i32>} : memref<256x128xf32, #tpu.memory_space<vmem>>, vector<16xf32>,
      %get3A_952 = arith.index_cast %add3A_945 : i32 to index
      %get3A_953 = arith.constant 64 : index
      %get3A_954 = tpu.vector_load %arg12[%get3A_952, %get3A_953] {strides = array<i32>} : memref<256x128xf32, #tpu.memory_space<vmem>>, vector<16xf32>,
      %add3A_955 = arith.addf %get3A_948, %get3A_951 : vector<16xf32>
      %sub3A_956 = arith.subf %add3A_955, %get3A_954 : vector<16xf32>
      %abs3A_957 = math.absf %sub3A_956 : vector<16xf32>
      %add3A_958 = arith.addf %add3A_882, %abs3A_957 : vector<16xf32>
      %add3A_959 = arith.constant 0 : i32
      %add3A_960 = arith.addi %mul3A_573, %add3A_959 : i32
      %add3A_961 = arith.constant 0 : i32
      %add3A_962 = arith.addi %add3A_960, %add3A_961 : i32
      %add3A_963 = arith.constant 3 : i32
      %add3A_964 = arith.addi %add3A_962, %add3A_963 : i32
      %get3A_965 = arith.index_cast %add3A_964 : i32 to index
      %get3A_966 = arith.constant 64 : index
      %get3A_967 = tpu.vector_load %arg11[%get3A_965, %get3A_966] {strides = array<i32>} : memref<256x128xf32, #tpu.memory_space<vmem>>, vector<16xf32>,
      %get3A_968 = arith.index_cast %add3A_964 : i32 to index
      %get3A_969 = arith.constant 64 : index
      %get3A_970 = tpu.vector_load %arg13[%get3A_968, %get3A_969] {strides = array<i32>} : memref<256x128xf32, #tpu.memory_space<vmem>>, vector<16xf32>,
      %get3A_971 = arith.index_cast %add3A_964 : i32 to index
      %get3A_972 = arith.constant 64 : index
      %get3A_973 = tpu.vector_load %arg12[%get3A_971, %get3A_972] {strides = array<i32>} : memref<256x128xf32, #tpu.memory_space<vmem>>, vector<16xf32>,
      %add3A_974 = arith.addf %get3A_967, %get3A_970 : vector<16xf32>
      %sub3A_975 = arith.subf %add3A_974, %get3A_973 : vector<16xf32>
      %abs3A_976 = math.absf %sub3A_975 : vector<16xf32>
      %add3A_977 = arith.addf %add3A_901, %abs3A_976 : vector<16xf32>
      %add3A_978 = arith.constant 0 : i32
      %add3A_979 = arith.addi %mul3A_573, %add3A_978 : i32
      %add3A_980 = arith.constant 0 : i32
      %add3A_981 = arith.addi %add3A_979, %add3A_980 : i32
      %add3A_982 = arith.constant 0 : i32
      %add3A_983 = arith.addi %add3A_981, %add3A_982 : i32
      %get3A_984 = arith.index_cast %add3A_983 : i32 to index
      %get3A_985 = arith.constant 80 : index
      %get3A_986 = tpu.vector_load %arg11[%get3A_984, %get3A_985] {strides = array<i32>} : memref<256x128xf32, #tpu.memory_space<vmem>>, vector<16xf32>,
      %get3A_987 = arith.index_cast %add3A_983 : i32 to index
      %get3A_988 = arith.constant 80 : index
      %get3A_989 = tpu.vector_load %arg13[%get3A_987, %get3A_988] {strides = array<i32>} : memref<256x128xf32, #tpu.memory_space<vmem>>, vector<16xf32>,
      %get3A_990 = arith.index_cast %add3A_983 : i32 to index
      %get3A_991 = arith.constant 80 : index
      %get3A_992 = tpu.vector_load %arg12[%get3A_990, %get3A_991] {strides = array<i32>} : memref<256x128xf32, #tpu.memory_space<vmem>>, vector<16xf32>,
      %add3A_993 = arith.addf %get3A_986, %get3A_989 : vector<16xf32>
      %sub3A_994 = arith.subf %add3A_993, %get3A_992 : vector<16xf32>
      %abs3A_995 = math.absf %sub3A_994 : vector<16xf32>
      %add3A_996 = arith.addf %add3A_920, %abs3A_995 : vector<16xf32>
      %add3A_997 = arith.constant 0 : i32
      %add3A_998 = arith.addi %mul3A_573, %add3A_997 : i32
      %add3A_999 = arith.constant 0 : i32
      %add3A_1000 = arith.addi %add3A_998, %add3A_999 : i32
      %add3A_1001 = arith.constant 1 : i32
      %add3A_1002 = arith.addi %add3A_1000, %add3A_1001 : i32
      %get3A_1003 = arith.index_cast %add3A_1002 : i32 to index
      %get3A_1004 = arith.constant 80 : index
      %get3A_1005 = tpu.vector_load %arg11[%get3A_1003, %get3A_1004] {strides = array<i32>} : memref<256x128xf32, #tpu.memory_space<vmem>>, vector<16xf32>,
      %get3A_1006 = arith.index_cast %add3A_1002 : i32 to index
      %get3A_1007 = arith.constant 80 : index
      %get3A_1008 = tpu.vector_load %arg13[%get3A_1006, %get3A_1007] {strides = array<i32>} : memref<256x128xf32, #tpu.memory_space<vmem>>, vector<16xf32>,
      %get3A_1009 = arith.index_cast %add3A_1002 : i32 to index
      %get3A_1010 = arith.constant 80 : index
      %get3A_1011 = tpu.vector_load %arg12[%get3A_1009, %get3A_1010] {strides = array<i32>} : memref<256x128xf32, #tpu.memory_space<vmem>>, vector<16xf32>,
      %add3A_1012 = arith.addf %get3A_1005, %get3A_1008 : vector<16xf32>
      %sub3A_1013 = arith.subf %add3A_1012, %get3A_1011 : vector<16xf32>
      %abs3A_1014 = math.absf %sub3A_1013 : vector<16xf32>
      %add3A_1015 = arith.addf %add3A_939, %abs3A_1014 : vector<16xf32>
      %add3A_1016 = arith.constant 0 : i32
      %add3A_1017 = arith.addi %mul3A_573, %add3A_1016 : i32
      %add3A_1018 = arith.constant 0 : i32
      %add3A_1019 = arith.addi %add3A_1017, %add3A_1018 : i32
      %add3A_1020 = arith.constant 2 : i32
      %add3A_1021 = arith.addi %add3A_1019, %add3A_1020 : i32
      %get3A_1022 = arith.index_cast %add3A_1021 : i32 to index
      %get3A_1023 = arith.constant 80 : index
      %get3A_1024 = tpu.vector_load %arg11[%get3A_1022, %get3A_1023] {strides = array<i32>} : memref<256x128xf32, #tpu.memory_space<vmem>>, vector<16xf32>,
      %get3A_1025 = arith.index_cast %add3A_1021 : i32 to index
      %get3A_1026 = arith.constant 80 : index
      %get3A_1027 = tpu.vector_load %arg13[%get3A_1025, %get3A_1026] {strides = array<i32>} : memref<256x128xf32, #tpu.memory_space<vmem>>, vector<16xf32>,
      %get3A_1028 = arith.index_cast %add3A_1021 : i32 to index
      %get3A_1029 = arith.constant 80 : index
      %get3A_1030 = tpu.vector_load %arg12[%get3A_1028, %get3A_1029] {strides = array<i32>} : memref<256x128xf32, #tpu.memory_space<vmem>>, vector<16xf32>,
      %add3A_1031 = arith.addf %get3A_1024, %get3A_1027 : vector<16xf32>
      %sub3A_1032 = arith.subf %add3A_1031, %get3A_1030 : vector<16xf32>
      %abs3A_1033 = math.absf %sub3A_1032 : vector<16xf32>
      %add3A_1034 = arith.addf %add3A_958, %abs3A_1033 : vector<16xf32>
      %add3A_1035 = arith.constant 0 : i32
      %add3A_1036 = arith.addi %mul3A_573, %add3A_1035 : i32
      %add3A_1037 = arith.constant 0 : i32
      %add3A_1038 = arith.addi %add3A_1036, %add3A_1037 : i32
      %add3A_1039 = arith.constant 3 : i32
      %add3A_1040 = arith.addi %add3A_1038, %add3A_1039 : i32
      %get3A_1041 = arith.index_cast %add3A_1040 : i32 to index
      %get3A_1042 = arith.constant 80 : index
      %get3A_1043 = tpu.vector_load %arg11[%get3A_1041, %get3A_1042] {strides = array<i32>} : memref<256x128xf32, #tpu.memory_space<vmem>>, vector<16xf32>,
      %get3A_1044 = arith.index_cast %add3A_1040 : i32 to index
      %get3A_1045 = arith.constant 80 : index
      %get3A_1046 = tpu.vector_load %arg13[%get3A_1044, %get3A_1045] {strides = array<i32>} : memref<256x128xf32, #tpu.memory_space<vmem>>, vector<16xf32>,
      %get3A_1047 = arith.index_cast %add3A_1040 : i32 to index
      %get3A_1048 = arith.constant 80 : index
      %get3A_1049 = tpu.vector_load %arg12[%get3A_1047, %get3A_1048] {strides = array<i32>} : memref<256x128xf32, #tpu.memory_space<vmem>>, vector<16xf32>,
      %add3A_1050 = arith.addf %get3A_1043, %get3A_1046 : vector<16xf32>
      %sub3A_1051 = arith.subf %add3A_1050, %get3A_1049 : vector<16xf32>
      %abs3A_1052 = math.absf %sub3A_1051 : vector<16xf32>
      %add3A_1053 = arith.addf %add3A_977, %abs3A_1052 : vector<16xf32>
      %add3A_1054 = arith.constant 0 : i32
      %add3A_1055 = arith.addi %mul3A_573, %add3A_1054 : i32
      %add3A_1056 = arith.constant 0 : i32
      %add3A_1057 = arith.addi %add3A_1055, %add3A_1056 : i32
      %add3A_1058 = arith.constant 0 : i32
      %add3A_1059 = arith.addi %add3A_1057, %add3A_1058 : i32
      %get3A_1060 = arith.index_cast %add3A_1059 : i32 to index
      %get3A_1061 = arith.constant 96 : index
      %get3A_1062 = tpu.vector_load %arg11[%get3A_1060, %get3A_1061] {strides = array<i32>} : memref<256x128xf32, #tpu.memory_space<vmem>>, vector<16xf32>,
      %get3A_1063 = arith.index_cast %add3A_1059 : i32 to index
      %get3A_1064 = arith.constant 96 : index
      %get3A_1065 = tpu.vector_load %arg13[%get3A_1063, %get3A_1064] {strides = array<i32>} : memref<256x128xf32, #tpu.memory_space<vmem>>, vector<16xf32>,
      %get3A_1066 = arith.index_cast %add3A_1059 : i32 to index
      %get3A_1067 = arith.constant 96 : index
      %get3A_1068 = tpu.vector_load %arg12[%get3A_1066, %get3A_1067] {strides = array<i32>} : memref<256x128xf32, #tpu.memory_space<vmem>>, vector<16xf32>,
      %add3A_1069 = arith.addf %get3A_1062, %get3A_1065 : vector<16xf32>
      %sub3A_1070 = arith.subf %add3A_1069, %get3A_1068 : vector<16xf32>
      %abs3A_1071 = math.absf %sub3A_1070 : vector<16xf32>
      %add3A_1072 = arith.addf %add3A_996, %abs3A_1071 : vector<16xf32>
      %add3A_1073 = arith.constant 0 : i32
      %add3A_1074 = arith.addi %mul3A_573, %add3A_1073 : i32
      %add3A_1075 = arith.constant 0 : i32
      %add3A_1076 = arith.addi %add3A_1074, %add3A_1075 : i32
      %add3A_1077 = arith.constant 1 : i32
      %add3A_1078 = arith.addi %add3A_1076, %add3A_1077 : i32
      %get3A_1079 = arith.index_cast %add3A_1078 : i32 to index
      %get3A_1080 = arith.constant 96 : index
      %get3A_1081 = tpu.vector_load %arg11[%get3A_1079, %get3A_1080] {strides = array<i32>} : memref<256x128xf32, #tpu.memory_space<vmem>>, vector<16xf32>,
      %get3A_1082 = arith.index_cast %add3A_1078 : i32 to index
      %get3A_1083 = arith.constant 96 : index
      %get3A_1084 = tpu.vector_load %arg13[%get3A_1082, %get3A_1083] {strides = array<i32>} : memref<256x128xf32, #tpu.memory_space<vmem>>, vector<16xf32>,
      %get3A_1085 = arith.index_cast %add3A_1078 : i32 to index
      %get3A_1086 = arith.constant 96 : index
      %get3A_1087 = tpu.vector_load %arg12[%get3A_1085, %get3A_1086] {strides = array<i32>} : memref<256x128xf32, #tpu.memory_space<vmem>>, vector<16xf32>,
      %add3A_1088 = arith.addf %get3A_1081, %get3A_1084 : vector<16xf32>
      %sub3A_1089 = arith.subf %add3A_1088, %get3A_1087 : vector<16xf32>
      %abs3A_1090 = math.absf %sub3A_1089 : vector<16xf32>
      %add3A_1091 = arith.addf %add3A_1015, %abs3A_1090 : vector<16xf32>
      %add3A_1092 = arith.constant 0 : i32
      %add3A_1093 = arith.addi %mul3A_573, %add3A_1092 : i32
      %add3A_1094 = arith.constant 0 : i32
      %add3A_1095 = arith.addi %add3A_1093, %add3A_1094 : i32
      %add3A_1096 = arith.constant 2 : i32
      %add3A_1097 = arith.addi %add3A_1095, %add3A_1096 : i32
      %get3A_1098 = arith.index_cast %add3A_1097 : i32 to index
      %get3A_1099 = arith.constant 96 : index
      %get3A_1100 = tpu.vector_load %arg11[%get3A_1098, %get3A_1099] {strides = array<i32>} : memref<256x128xf32, #tpu.memory_space<vmem>>, vector<16xf32>,
      %get3A_1101 = arith.index_cast %add3A_1097 : i32 to index
      %get3A_1102 = arith.constant 96 : index
      %get3A_1103 = tpu.vector_load %arg13[%get3A_1101, %get3A_1102] {strides = array<i32>} : memref<256x128xf32, #tpu.memory_space<vmem>>, vector<16xf32>,
      %get3A_1104 = arith.index_cast %add3A_1097 : i32 to index
      %get3A_1105 = arith.constant 96 : index
      %get3A_1106 = tpu.vector_load %arg12[%get3A_1104, %get3A_1105] {strides = array<i32>} : memref<256x128xf32, #tpu.memory_space<vmem>>, vector<16xf32>,
      %add3A_1107 = arith.addf %get3A_1100, %get3A_1103 : vector<16xf32>
      %sub3A_1108 = arith.subf %add3A_1107, %get3A_1106 : vector<16xf32>
      %abs3A_1109 = math.absf %sub3A_1108 : vector<16xf32>
      %add3A_1110 = arith.addf %add3A_1034, %abs3A_1109 : vector<16xf32>
      %add3A_1111 = arith.constant 0 : i32
      %add3A_1112 = arith.addi %mul3A_573, %add3A_1111 : i32
      %add3A_1113 = arith.constant 0 : i32
      %add3A_1114 = arith.addi %add3A_1112, %add3A_1113 : i32
      %add3A_1115 = arith.constant 3 : i32
      %add3A_1116 = arith.addi %add3A_1114, %add3A_1115 : i32
      %get3A_1117 = arith.index_cast %add3A_1116 : i32 to index
      %get3A_1118 = arith.constant 96 : index
      %get3A_1119 = tpu.vector_load %arg11[%get3A_1117, %get3A_1118] {strides = array<i32>} : memref<256x128xf32, #tpu.memory_space<vmem>>, vector<16xf32>,
      %get3A_1120 = arith.index_cast %add3A_1116 : i32 to index
      %get3A_1121 = arith.constant 96 : index
      %get3A_1122 = tpu.vector_load %arg13[%get3A_1120, %get3A_1121] {strides = array<i32>} : memref<256x128xf32, #tpu.memory_space<vmem>>, vector<16xf32>,
      %get3A_1123 = arith.index_cast %add3A_1116 : i32 to index
      %get3A_1124 = arith.constant 96 : index
      %get3A_1125 = tpu.vector_load %arg12[%get3A_1123, %get3A_1124] {strides = array<i32>} : memref<256x128xf32, #tpu.memory_space<vmem>>, vector<16xf32>,
      %add3A_1126 = arith.addf %get3A_1119, %get3A_1122 : vector<16xf32>
      %sub3A_1127 = arith.subf %add3A_1126, %get3A_1125 : vector<16xf32>
      %abs3A_1128 = math.absf %sub3A_1127 : vector<16xf32>
      %add3A_1129 = arith.addf %add3A_1053, %abs3A_1128 : vector<16xf32>
      %add3A_1130 = arith.constant 0 : i32
      %add3A_1131 = arith.addi %mul3A_573, %add3A_1130 : i32
      %add3A_1132 = arith.constant 0 : i32
      %add3A_1133 = arith.addi %add3A_1131, %add3A_1132 : i32
      %add3A_1134 = arith.constant 0 : i32
      %add3A_1135 = arith.addi %add3A_1133, %add3A_1134 : i32
      %get3A_1136 = arith.index_cast %add3A_1135 : i32 to index
      %get3A_1137 = arith.constant 112 : index
      %get3A_1138 = tpu.vector_load %arg11[%get3A_1136, %get3A_1137] {strides = array<i32>} : memref<256x128xf32, #tpu.memory_space<vmem>>, vector<16xf32>,
      %get3A_1139 = arith.index_cast %add3A_1135 : i32 to index
      %get3A_1140 = arith.constant 112 : index
      %get3A_1141 = tpu.vector_load %arg13[%get3A_1139, %get3A_1140] {strides = array<i32>} : memref<256x128xf32, #tpu.memory_space<vmem>>, vector<16xf32>,
      %get3A_1142 = arith.index_cast %add3A_1135 : i32 to index
      %get3A_1143 = arith.constant 112 : index
      %get3A_1144 = tpu.vector_load %arg12[%get3A_1142, %get3A_1143] {strides = array<i32>} : memref<256x128xf32, #tpu.memory_space<vmem>>, vector<16xf32>,
      %add3A_1145 = arith.addf %get3A_1138, %get3A_1141 : vector<16xf32>
      %sub3A_1146 = arith.subf %add3A_1145, %get3A_1144 : vector<16xf32>
      %abs3A_1147 = math.absf %sub3A_1146 : vector<16xf32>
      %add3A_1148 = arith.addf %add3A_1072, %abs3A_1147 : vector<16xf32>
      %add3A_1149 = arith.constant 0 : i32
      %add3A_1150 = arith.addi %mul3A_573, %add3A_1149 : i32
      %add3A_1151 = arith.constant 0 : i32
      %add3A_1152 = arith.addi %add3A_1150, %add3A_1151 : i32
      %add3A_1153 = arith.constant 1 : i32
      %add3A_1154 = arith.addi %add3A_1152, %add3A_1153 : i32
      %get3A_1155 = arith.index_cast %add3A_1154 : i32 to index
      %get3A_1156 = arith.constant 112 : index
      %get3A_1157 = tpu.vector_load %arg11[%get3A_1155, %get3A_1156] {strides = array<i32>} : memref<256x128xf32, #tpu.memory_space<vmem>>, vector<16xf32>,
      %get3A_1158 = arith.index_cast %add3A_1154 : i32 to index
      %get3A_1159 = arith.constant 112 : index
      %get3A_1160 = tpu.vector_load %arg13[%get3A_1158, %get3A_1159] {strides = array<i32>} : memref<256x128xf32, #tpu.memory_space<vmem>>, vector<16xf32>,
      %get3A_1161 = arith.index_cast %add3A_1154 : i32 to index
      %get3A_1162 = arith.constant 112 : index
      %get3A_1163 = tpu.vector_load %arg12[%get3A_1161, %get3A_1162] {strides = array<i32>} : memref<256x128xf32, #tpu.memory_space<vmem>>, vector<16xf32>,
      %add3A_1164 = arith.addf %get3A_1157, %get3A_1160 : vector<16xf32>
      %sub3A_1165 = arith.subf %add3A_1164, %get3A_1163 : vector<16xf32>
      %abs3A_1166 = math.absf %sub3A_1165 : vector<16xf32>
      %add3A_1167 = arith.addf %add3A_1091, %abs3A_1166 : vector<16xf32>
      %add3A_1168 = arith.constant 0 : i32
      %add3A_1169 = arith.addi %mul3A_573, %add3A_1168 : i32
      %add3A_1170 = arith.constant 0 : i32
      %add3A_1171 = arith.addi %add3A_1169, %add3A_1170 : i32
      %add3A_1172 = arith.constant 2 : i32
      %add3A_1173 = arith.addi %add3A_1171, %add3A_1172 : i32
      %get3A_1174 = arith.index_cast %add3A_1173 : i32 to index
      %get3A_1175 = arith.constant 112 : index
      %get3A_1176 = tpu.vector_load %arg11[%get3A_1174, %get3A_1175] {strides = array<i32>} : memref<256x128xf32, #tpu.memory_space<vmem>>, vector<16xf32>,
      %get3A_1177 = arith.index_cast %add3A_1173 : i32 to index
      %get3A_1178 = arith.constant 112 : index
      %get3A_1179 = tpu.vector_load %arg13[%get3A_1177, %get3A_1178] {strides = array<i32>} : memref<256x128xf32, #tpu.memory_space<vmem>>, vector<16xf32>,
      %get3A_1180 = arith.index_cast %add3A_1173 : i32 to index
      %get3A_1181 = arith.constant 112 : index
      %get3A_1182 = tpu.vector_load %arg12[%get3A_1180, %get3A_1181] {strides = array<i32>} : memref<256x128xf32, #tpu.memory_space<vmem>>, vector<16xf32>,
      %add3A_1183 = arith.addf %get3A_1176, %get3A_1179 : vector<16xf32>
      %sub3A_1184 = arith.subf %add3A_1183, %get3A_1182 : vector<16xf32>
      %abs3A_1185 = math.absf %sub3A_1184 : vector<16xf32>
      %add3A_1186 = arith.addf %add3A_1110, %abs3A_1185 : vector<16xf32>
      %add3A_1187 = arith.constant 0 : i32
      %add3A_1188 = arith.addi %mul3A_573, %add3A_1187 : i32
      %add3A_1189 = arith.constant 0 : i32
      %add3A_1190 = arith.addi %add3A_1188, %add3A_1189 : i32
      %add3A_1191 = arith.constant 3 : i32
      %add3A_1192 = arith.addi %add3A_1190, %add3A_1191 : i32
      %get3A_1193 = arith.index_cast %add3A_1192 : i32 to index
      %get3A_1194 = arith.constant 112 : index
      %get3A_1195 = tpu.vector_load %arg11[%get3A_1193, %get3A_1194] {strides = array<i32>} : memref<256x128xf32, #tpu.memory_space<vmem>>, vector<16xf32>,
      %get3A_1196 = arith.index_cast %add3A_1192 : i32 to index
      %get3A_1197 = arith.constant 112 : index
      %get3A_1198 = tpu.vector_load %arg13[%get3A_1196, %get3A_1197] {strides = array<i32>} : memref<256x128xf32, #tpu.memory_space<vmem>>, vector<16xf32>,
      %get3A_1199 = arith.index_cast %add3A_1192 : i32 to index
      %get3A_1200 = arith.constant 112 : index
      %get3A_1201 = tpu.vector_load %arg12[%get3A_1199, %get3A_1200] {strides = array<i32>} : memref<256x128xf32, #tpu.memory_space<vmem>>, vector<16xf32>,
      %add3A_1202 = arith.addf %get3A_1195, %get3A_1198 : vector<16xf32>
      %sub3A_1203 = arith.subf %add3A_1202, %get3A_1201 : vector<16xf32>
      %abs3A_1204 = math.absf %sub3A_1203 : vector<16xf32>
      %add3A_1205 = arith.addf %add3A_1129, %abs3A_1204 : vector<16xf32>
      %broadcast_in_dim3A_1206 = arith.constant 0 : i32
      %broadcast_in_dim3A_1207 = vector.broadcast %broadcast_in_dim3A_1206 : i32 to vector<16xi32>
      %mul3A_1208 = arith.constant 16 : i32
      %mul3A_1209 = vector.broadcast %mul3A_1208 : i32 to vector<16xi32>
      %mul3A_1210 = arith.muli %iota3A, %mul3A_1209 : vector<16xi32>
      %add3A_1211 = arith.addi %mul3A_1210, %broadcast_in_dim3A_1207 : vector<16xi32>
      tpu.vector_store_idx %arg15[%add3A_1211], %add3A_1148 : memref<256xf32, #tpu.memory_space<vmem>>[vector<16xi32>], vector<16xf32>,
      %broadcast_in_dim3A_1212 = arith.constant 1 : i32
      %broadcast_in_dim3A_1213 = vector.broadcast %broadcast_in_dim3A_1212 : i32 to vector<16xi32>
      %mul3A_1214 = arith.constant 16 : i32
      %mul3A_1215 = vector.broadcast %mul3A_1214 : i32 to vector<16xi32>
      %mul3A_1216 = arith.muli %iota3A, %mul3A_1215 : vector<16xi32>
      %add3A_1217 = arith.addi %mul3A_1216, %broadcast_in_dim3A_1213 : vector<16xi32>
      tpu.vector_store_idx %arg15[%add3A_1217], %add3A_1167 : memref<256xf32, #tpu.memory_space<vmem>>[vector<16xi32>], vector<16xf32>,
      %broadcast_in_dim3A_1218 = arith.constant 2 : i32
      %broadcast_in_dim3A_1219 = vector.broadcast %broadcast_in_dim3A_1218 : i32 to vector<16xi32>
      %mul3A_1220 = arith.constant 16 : i32
      %mul3A_1221 = vector.broadcast %mul3A_1220 : i32 to vector<16xi32>
      %mul3A_1222 = arith.muli %iota3A, %mul3A_1221 : vector<16xi32>
      %add3A_1223 = arith.addi %mul3A_1222, %broadcast_in_dim3A_1219 : vector<16xi32>
      tpu.vector_store_idx %arg15[%add3A_1223], %add3A_1186 : memref<256xf32, #tpu.memory_space<vmem>>[vector<16xi32>], vector<16xf32>,
      %broadcast_in_dim3A_1224 = arith.constant 3 : i32
      %broadcast_in_dim3A_1225 = vector.broadcast %broadcast_in_dim3A_1224 : i32 to vector<16xi32>
      %mul3A_1226 = arith.constant 16 : i32
      %mul3A_1227 = vector.broadcast %mul3A_1226 : i32 to vector<16xi32>
      %mul3A_1228 = arith.muli %iota3A, %mul3A_1227 : vector<16xi32>
      %add3A_1229 = arith.addi %mul3A_1228, %broadcast_in_dim3A_1225 : vector<16xi32>
      tpu.vector_store_idx %arg15[%add3A_1229], %add3A_1205 : memref<256xf32, #tpu.memory_space<vmem>>[vector<16xi32>], vector<16xf32>,
      %broadcast_in_dim3A_1230 = arith.constant 0.000000e+00 : f32
      %broadcast_in_dim3A_1231 = vector.broadcast %broadcast_in_dim3A_1230 : f32 to vector<16xf32>
      %add3A_1232 = arith.constant 0 : i32
      %add3A_1233 = arith.addi %mul3A_573, %add3A_1232 : i32
      %add3A_1234 = arith.constant 4 : i32
      %add3A_1235 = arith.addi %add3A_1233, %add3A_1234 : i32
      %add3A_1236 = arith.constant 0 : i32
      %add3A_1237 = arith.addi %add3A_1235, %add3A_1236 : i32
      %get3A_1238 = arith.index_cast %add3A_1237 : i32 to index
      %get3A_1239 = arith.constant 0 : index
      %get3A_1240 = tpu.vector_load %arg11[%get3A_1238, %get3A_1239] {strides = array<i32>} : memref<256x128xf32, #tpu.memory_space<vmem>>, vector<16xf32>,
      %get3A_1241 = arith.index_cast %add3A_1237 : i32 to index
      %get3A_1242 = arith.constant 0 : index
      %get3A_1243 = tpu.vector_load %arg13[%get3A_1241, %get3A_1242] {strides = array<i32>} : memref<256x128xf32, #tpu.memory_space<vmem>>, vector<16xf32>,
      %get3A_1244 = arith.index_cast %add3A_1237 : i32 to index
      %get3A_1245 = arith.constant 0 : index
      %get3A_1246 = tpu.vector_load %arg12[%get3A_1244, %get3A_1245] {strides = array<i32>} : memref<256x128xf32, #tpu.memory_space<vmem>>, vector<16xf32>,
      %add3A_1247 = arith.addf %get3A_1240, %get3A_1243 : vector<16xf32>
      %sub3A_1248 = arith.subf %add3A_1247, %get3A_1246 : vector<16xf32>
      %abs3A_1249 = math.absf %sub3A_1248 : vector<16xf32>
      %add3A_1250 = arith.addf %broadcast_in_dim3A_1231, %abs3A_1249 : vector<16xf32>
      %add3A_1251 = arith.constant 0 : i32
      %add3A_1252 = arith.addi %mul3A_573, %add3A_1251 : i32
      %add3A_1253 = arith.constant 4 : i32
      %add3A_1254 = arith.addi %add3A_1252, %add3A_1253 : i32
      %add3A_1255 = arith.constant 1 : i32
      %add3A_1256 = arith.addi %add3A_1254, %add3A_1255 : i32
      %get3A_1257 = arith.index_cast %add3A_1256 : i32 to index
      %get3A_1258 = arith.constant 0 : index
      %get3A_1259 = tpu.vector_load %arg11[%get3A_1257, %get3A_1258] {strides = array<i32>} : memref<256x128xf32, #tpu.memory_space<vmem>>, vector<16xf32>,
      %get3A_1260 = arith.index_cast %add3A_1256 : i32 to index
      %get3A_1261 = arith.constant 0 : index
      %get3A_1262 = tpu.vector_load %arg13[%get3A_1260, %get3A_1261] {strides = array<i32>} : memref<256x128xf32, #tpu.memory_space<vmem>>, vector<16xf32>,
      %get3A_1263 = arith.index_cast %add3A_1256 : i32 to index
      %get3A_1264 = arith.constant 0 : index
      %get3A_1265 = tpu.vector_load %arg12[%get3A_1263, %get3A_1264] {strides = array<i32>} : memref<256x128xf32, #tpu.memory_space<vmem>>, vector<16xf32>,
      %add3A_1266 = arith.addf %get3A_1259, %get3A_1262 : vector<16xf32>
      %sub3A_1267 = arith.subf %add3A_1266, %get3A_1265 : vector<16xf32>
      %abs3A_1268 = math.absf %sub3A_1267 : vector<16xf32>
      %add3A_1269 = arith.addf %broadcast_in_dim3A_1231, %abs3A_1268 : vector<16xf32>
      %add3A_1270 = arith.constant 0 : i32
      %add3A_1271 = arith.addi %mul3A_573, %add3A_1270 : i32
      %add3A_1272 = arith.constant 4 : i32
      %add3A_1273 = arith.addi %add3A_1271, %add3A_1272 : i32
      %add3A_1274 = arith.constant 2 : i32
      %add3A_1275 = arith.addi %add3A_1273, %add3A_1274 : i32
      %get3A_1276 = arith.index_cast %add3A_1275 : i32 to index
      %get3A_1277 = arith.constant 0 : index
      %get3A_1278 = tpu.vector_load %arg11[%get3A_1276, %get3A_1277] {strides = array<i32>} : memref<256x128xf32, #tpu.memory_space<vmem>>, vector<16xf32>,
      %get3A_1279 = arith.index_cast %add3A_1275 : i32 to index
      %get3A_1280 = arith.constant 0 : index
      %get3A_1281 = tpu.vector_load %arg13[%get3A_1279, %get3A_1280] {strides = array<i32>} : memref<256x128xf32, #tpu.memory_space<vmem>>, vector<16xf32>,
      %get3A_1282 = arith.index_cast %add3A_1275 : i32 to index
      %get3A_1283 = arith.constant 0 : index
      %get3A_1284 = tpu.vector_load %arg12[%get3A_1282, %get3A_1283] {strides = array<i32>} : memref<256x128xf32, #tpu.memory_space<vmem>>, vector<16xf32>,
      %add3A_1285 = arith.addf %get3A_1278, %get3A_1281 : vector<16xf32>
      %sub3A_1286 = arith.subf %add3A_1285, %get3A_1284 : vector<16xf32>
      %abs3A_1287 = math.absf %sub3A_1286 : vector<16xf32>
      %add3A_1288 = arith.addf %broadcast_in_dim3A_1231, %abs3A_1287 : vector<16xf32>
      %add3A_1289 = arith.constant 0 : i32
      %add3A_1290 = arith.addi %mul3A_573, %add3A_1289 : i32
      %add3A_1291 = arith.constant 4 : i32
      %add3A_1292 = arith.addi %add3A_1290, %add3A_1291 : i32
      %add3A_1293 = arith.constant 3 : i32
      %add3A_1294 = arith.addi %add3A_1292, %add3A_1293 : i32
      %get3A_1295 = arith.index_cast %add3A_1294 : i32 to index
      %get3A_1296 = arith.constant 0 : index
      %get3A_1297 = tpu.vector_load %arg11[%get3A_1295, %get3A_1296] {strides = array<i32>} : memref<256x128xf32, #tpu.memory_space<vmem>>, vector<16xf32>,
      %get3A_1298 = arith.index_cast %add3A_1294 : i32 to index
      %get3A_1299 = arith.constant 0 : index
      %get3A_1300 = tpu.vector_load %arg13[%get3A_1298, %get3A_1299] {strides = array<i32>} : memref<256x128xf32, #tpu.memory_space<vmem>>, vector<16xf32>,
      %get3A_1301 = arith.index_cast %add3A_1294 : i32 to index
      %get3A_1302 = arith.constant 0 : index
      %get3A_1303 = tpu.vector_load %arg12[%get3A_1301, %get3A_1302] {strides = array<i32>} : memref<256x128xf32, #tpu.memory_space<vmem>>, vector<16xf32>,
      %add3A_1304 = arith.addf %get3A_1297, %get3A_1300 : vector<16xf32>
      %sub3A_1305 = arith.subf %add3A_1304, %get3A_1303 : vector<16xf32>
      %abs3A_1306 = math.absf %sub3A_1305 : vector<16xf32>
      %add3A_1307 = arith.addf %broadcast_in_dim3A_1231, %abs3A_1306 : vector<16xf32>
      %add3A_1308 = arith.constant 0 : i32
      %add3A_1309 = arith.addi %mul3A_573, %add3A_1308 : i32
      %add3A_1310 = arith.constant 4 : i32
      %add3A_1311 = arith.addi %add3A_1309, %add3A_1310 : i32
      %add3A_1312 = arith.constant 0 : i32
      %add3A_1313 = arith.addi %add3A_1311, %add3A_1312 : i32
      %get3A_1314 = arith.index_cast %add3A_1313 : i32 to index
      %get3A_1315 = arith.constant 16 : index
      %get3A_1316 = tpu.vector_load %arg11[%get3A_1314, %get3A_1315] {strides = array<i32>} : memref<256x128xf32, #tpu.memory_space<vmem>>, vector<16xf32>,
      %get3A_1317 = arith.index_cast %add3A_1313 : i32 to index
      %get3A_1318 = arith.constant 16 : index
      %get3A_1319 = tpu.vector_load %arg13[%get3A_1317, %get3A_1318] {strides = array<i32>} : memref<256x128xf32, #tpu.memory_space<vmem>>, vector<16xf32>,
      %get3A_1320 = arith.index_cast %add3A_1313 : i32 to index
      %get3A_1321 = arith.constant 16 : index
      %get3A_1322 = tpu.vector_load %arg12[%get3A_1320, %get3A_1321] {strides = array<i32>} : memref<256x128xf32, #tpu.memory_space<vmem>>, vector<16xf32>,
      %add3A_1323 = arith.addf %get3A_1316, %get3A_1319 : vector<16xf32>
      %sub3A_1324 = arith.subf %add3A_1323, %get3A_1322 : vector<16xf32>
      %abs3A_1325 = math.absf %sub3A_1324 : vector<16xf32>
      %add3A_1326 = arith.addf %add3A_1250, %abs3A_1325 : vector<16xf32>
      %add3A_1327 = arith.constant 0 : i32
      %add3A_1328 = arith.addi %mul3A_573, %add3A_1327 : i32
      %add3A_1329 = arith.constant 4 : i32
      %add3A_1330 = arith.addi %add3A_1328, %add3A_1329 : i32
      %add3A_1331 = arith.constant 1 : i32
      %add3A_1332 = arith.addi %add3A_1330, %add3A_1331 : i32
      %get3A_1333 = arith.index_cast %add3A_1332 : i32 to index
      %get3A_1334 = arith.constant 16 : index
      %get3A_1335 = tpu.vector_load %arg11[%get3A_1333, %get3A_1334] {strides = array<i32>} : memref<256x128xf32, #tpu.memory_space<vmem>>, vector<16xf32>,
      %get3A_1336 = arith.index_cast %add3A_1332 : i32 to index
      %get3A_1337 = arith.constant 16 : index
      %get3A_1338 = tpu.vector_load %arg13[%get3A_1336, %get3A_1337] {strides = array<i32>} : memref<256x128xf32, #tpu.memory_space<vmem>>, vector<16xf32>,
      %get3A_1339 = arith.index_cast %add3A_1332 : i32 to index
      %get3A_1340 = arith.constant 16 : index
      %get3A_1341 = tpu.vector_load %arg12[%get3A_1339, %get3A_1340] {strides = array<i32>} : memref<256x128xf32, #tpu.memory_space<vmem>>, vector<16xf32>,
      %add3A_1342 = arith.addf %get3A_1335, %get3A_1338 : vector<16xf32>
      %sub3A_1343 = arith.subf %add3A_1342, %get3A_1341 : vector<16xf32>
      %abs3A_1344 = math.absf %sub3A_1343 : vector<16xf32>
      %add3A_1345 = arith.addf %add3A_1269, %abs3A_1344 : vector<16xf32>
      %add3A_1346 = arith.constant 0 : i32
      %add3A_1347 = arith.addi %mul3A_573, %add3A_1346 : i32
      %add3A_1348 = arith.constant 4 : i32
      %add3A_1349 = arith.addi %add3A_1347, %add3A_1348 : i32
      %add3A_1350 = arith.constant 2 : i32
      %add3A_1351 = arith.addi %add3A_1349, %add3A_1350 : i32
      %get3A_1352 = arith.index_cast %add3A_1351 : i32 to index
      %get3A_1353 = arith.constant 16 : index
      %get3A_1354 = tpu.vector_load %arg11[%get3A_1352, %get3A_1353] {strides = array<i32>} : memref<256x128xf32, #tpu.memory_space<vmem>>, vector<16xf32>,
      %get3A_1355 = arith.index_cast %add3A_1351 : i32 to index
      %get3A_1356 = arith.constant 16 : index
      %get3A_1357 = tpu.vector_load %arg13[%get3A_1355, %get3A_1356] {strides = array<i32>} : memref<256x128xf32, #tpu.memory_space<vmem>>, vector<16xf32>,
      %get3A_1358 = arith.index_cast %add3A_1351 : i32 to index
      %get3A_1359 = arith.constant 16 : index
      %get3A_1360 = tpu.vector_load %arg12[%get3A_1358, %get3A_1359] {strides = array<i32>} : memref<256x128xf32, #tpu.memory_space<vmem>>, vector<16xf32>,
      %add3A_1361 = arith.addf %get3A_1354, %get3A_1357 : vector<16xf32>
      %sub3A_1362 = arith.subf %add3A_1361, %get3A_1360 : vector<16xf32>
      %abs3A_1363 = math.absf %sub3A_1362 : vector<16xf32>
      %add3A_1364 = arith.addf %add3A_1288, %abs3A_1363 : vector<16xf32>
      %add3A_1365 = arith.constant 0 : i32
      %add3A_1366 = arith.addi %mul3A_573, %add3A_1365 : i32
      %add3A_1367 = arith.constant 4 : i32
      %add3A_1368 = arith.addi %add3A_1366, %add3A_1367 : i32
      %add3A_1369 = arith.constant 3 : i32
      %add3A_1370 = arith.addi %add3A_1368, %add3A_1369 : i32
      %get3A_1371 = arith.index_cast %add3A_1370 : i32 to index
      %get3A_1372 = arith.constant 16 : index
      %get3A_1373 = tpu.vector_load %arg11[%get3A_1371, %get3A_1372] {strides = array<i32>} : memref<256x128xf32, #tpu.memory_space<vmem>>, vector<16xf32>,
      %get3A_1374 = arith.index_cast %add3A_1370 : i32 to index
      %get3A_1375 = arith.constant 16 : index
      %get3A_1376 = tpu.vector_load %arg13[%get3A_1374, %get3A_1375] {strides = array<i32>} : memref<256x128xf32, #tpu.memory_space<vmem>>, vector<16xf32>,
      %get3A_1377 = arith.index_cast %add3A_1370 : i32 to index
      %get3A_1378 = arith.constant 16 : index
      %get3A_1379 = tpu.vector_load %arg12[%get3A_1377, %get3A_1378] {strides = array<i32>} : memref<256x128xf32, #tpu.memory_space<vmem>>, vector<16xf32>,
      %add3A_1380 = arith.addf %get3A_1373, %get3A_1376 : vector<16xf32>
      %sub3A_1381 = arith.subf %add3A_1380, %get3A_1379 : vector<16xf32>
      %abs3A_1382 = math.absf %sub3A_1381 : vector<16xf32>
      %add3A_1383 = arith.addf %add3A_1307, %abs3A_1382 : vector<16xf32>
      %add3A_1384 = arith.constant 0 : i32
      %add3A_1385 = arith.addi %mul3A_573, %add3A_1384 : i32
      %add3A_1386 = arith.constant 4 : i32
      %add3A_1387 = arith.addi %add3A_1385, %add3A_1386 : i32
      %add3A_1388 = arith.constant 0 : i32
      %add3A_1389 = arith.addi %add3A_1387, %add3A_1388 : i32
      %get3A_1390 = arith.index_cast %add3A_1389 : i32 to index
      %get3A_1391 = arith.constant 32 : index
      %get3A_1392 = tpu.vector_load %arg11[%get3A_1390, %get3A_1391] {strides = array<i32>} : memref<256x128xf32, #tpu.memory_space<vmem>>, vector<16xf32>,
      %get3A_1393 = arith.index_cast %add3A_1389 : i32 to index
      %get3A_1394 = arith.constant 32 : index
      %get3A_1395 = tpu.vector_load %arg13[%get3A_1393, %get3A_1394] {strides = array<i32>} : memref<256x128xf32, #tpu.memory_space<vmem>>, vector<16xf32>,
      %get3A_1396 = arith.index_cast %add3A_1389 : i32 to index
      %get3A_1397 = arith.constant 32 : index
      %get3A_1398 = tpu.vector_load %arg12[%get3A_1396, %get3A_1397] {strides = array<i32>} : memref<256x128xf32, #tpu.memory_space<vmem>>, vector<16xf32>,
      %add3A_1399 = arith.addf %get3A_1392, %get3A_1395 : vector<16xf32>
      %sub3A_1400 = arith.subf %add3A_1399, %get3A_1398 : vector<16xf32>
      %abs3A_1401 = math.absf %sub3A_1400 : vector<16xf32>
      %add3A_1402 = arith.addf %add3A_1326, %abs3A_1401 : vector<16xf32>
      %add3A_1403 = arith.constant 0 : i32
      %add3A_1404 = arith.addi %mul3A_573, %add3A_1403 : i32
      %add3A_1405 = arith.constant 4 : i32
      %add3A_1406 = arith.addi %add3A_1404, %add3A_1405 : i32
      %add3A_1407 = arith.constant 1 : i32
      %add3A_1408 = arith.addi %add3A_1406, %add3A_1407 : i32
      %get3A_1409 = arith.index_cast %add3A_1408 : i32 to index
      %get3A_1410 = arith.constant 32 : index
      %get3A_1411 = tpu.vector_load %arg11[%get3A_1409, %get3A_1410] {strides = array<i32>} : memref<256x128xf32, #tpu.memory_space<vmem>>, vector<16xf32>,
      %get3A_1412 = arith.index_cast %add3A_1408 : i32 to index
      %get3A_1413 = arith.constant 32 : index
      %get3A_1414 = tpu.vector_load %arg13[%get3A_1412, %get3A_1413] {strides = array<i32>} : memref<256x128xf32, #tpu.memory_space<vmem>>, vector<16xf32>,
      %get3A_1415 = arith.index_cast %add3A_1408 : i32 to index
      %get3A_1416 = arith.constant 32 : index
      %get3A_1417 = tpu.vector_load %arg12[%get3A_1415, %get3A_1416] {strides = array<i32>} : memref<256x128xf32, #tpu.memory_space<vmem>>, vector<16xf32>,
      %add3A_1418 = arith.addf %get3A_1411, %get3A_1414 : vector<16xf32>
      %sub3A_1419 = arith.subf %add3A_1418, %get3A_1417 : vector<16xf32>
      %abs3A_1420 = math.absf %sub3A_1419 : vector<16xf32>
      %add3A_1421 = arith.addf %add3A_1345, %abs3A_1420 : vector<16xf32>
      %add3A_1422 = arith.constant 0 : i32
      %add3A_1423 = arith.addi %mul3A_573, %add3A_1422 : i32
      %add3A_1424 = arith.constant 4 : i32
      %add3A_1425 = arith.addi %add3A_1423, %add3A_1424 : i32
      %add3A_1426 = arith.constant 2 : i32
      %add3A_1427 = arith.addi %add3A_1425, %add3A_1426 : i32
      %get3A_1428 = arith.index_cast %add3A_1427 : i32 to index
      %get3A_1429 = arith.constant 32 : index
      %get3A_1430 = tpu.vector_load %arg11[%get3A_1428, %get3A_1429] {strides = array<i32>} : memref<256x128xf32, #tpu.memory_space<vmem>>, vector<16xf32>,
      %get3A_1431 = arith.index_cast %add3A_1427 : i32 to index
      %get3A_1432 = arith.constant 32 : index
      %get3A_1433 = tpu.vector_load %arg13[%get3A_1431, %get3A_1432] {strides = array<i32>} : memref<256x128xf32, #tpu.memory_space<vmem>>, vector<16xf32>,
      %get3A_1434 = arith.index_cast %add3A_1427 : i32 to index
      %get3A_1435 = arith.constant 32 : index
      %get3A_1436 = tpu.vector_load %arg12[%get3A_1434, %get3A_1435] {strides = array<i32>} : memref<256x128xf32, #tpu.memory_space<vmem>>, vector<16xf32>,
      %add3A_1437 = arith.addf %get3A_1430, %get3A_1433 : vector<16xf32>
      %sub3A_1438 = arith.subf %add3A_1437, %get3A_1436 : vector<16xf32>
      %abs3A_1439 = math.absf %sub3A_1438 : vector<16xf32>
      %add3A_1440 = arith.addf %add3A_1364, %abs3A_1439 : vector<16xf32>
      %add3A_1441 = arith.constant 0 : i32
      %add3A_1442 = arith.addi %mul3A_573, %add3A_1441 : i32
      %add3A_1443 = arith.constant 4 : i32
      %add3A_1444 = arith.addi %add3A_1442, %add3A_1443 : i32
      %add3A_1445 = arith.constant 3 : i32
      %add3A_1446 = arith.addi %add3A_1444, %add3A_1445 : i32
      %get3A_1447 = arith.index_cast %add3A_1446 : i32 to index
      %get3A_1448 = arith.constant 32 : index
      %get3A_1449 = tpu.vector_load %arg11[%get3A_1447, %get3A_1448] {strides = array<i32>} : memref<256x128xf32, #tpu.memory_space<vmem>>, vector<16xf32>,
      %get3A_1450 = arith.index_cast %add3A_1446 : i32 to index
      %get3A_1451 = arith.constant 32 : index
      %get3A_1452 = tpu.vector_load %arg13[%get3A_1450, %get3A_1451] {strides = array<i32>} : memref<256x128xf32, #tpu.memory_space<vmem>>, vector<16xf32>,
      %get3A_1453 = arith.index_cast %add3A_1446 : i32 to index
      %get3A_1454 = arith.constant 32 : index
      %get3A_1455 = tpu.vector_load %arg12[%get3A_1453, %get3A_1454] {strides = array<i32>} : memref<256x128xf32, #tpu.memory_space<vmem>>, vector<16xf32>,
      %add3A_1456 = arith.addf %get3A_1449, %get3A_1452 : vector<16xf32>
      %sub3A_1457 = arith.subf %add3A_1456, %get3A_1455 : vector<16xf32>
      %abs3A_1458 = math.absf %sub3A_1457 : vector<16xf32>
      %add3A_1459 = arith.addf %add3A_1383, %abs3A_1458 : vector<16xf32>
      %add3A_1460 = arith.constant 0 : i32
      %add3A_1461 = arith.addi %mul3A_573, %add3A_1460 : i32
      %add3A_1462 = arith.constant 4 : i32
      %add3A_1463 = arith.addi %add3A_1461, %add3A_1462 : i32
      %add3A_1464 = arith.constant 0 : i32
      %add3A_1465 = arith.addi %add3A_1463, %add3A_1464 : i32
      %get3A_1466 = arith.index_cast %add3A_1465 : i32 to index
      %get3A_1467 = arith.constant 48 : index
      %get3A_1468 = tpu.vector_load %arg11[%get3A_1466, %get3A_1467] {strides = array<i32>} : memref<256x128xf32, #tpu.memory_space<vmem>>, vector<16xf32>,
      %get3A_1469 = arith.index_cast %add3A_1465 : i32 to index
      %get3A_1470 = arith.constant 48 : index
      %get3A_1471 = tpu.vector_load %arg13[%get3A_1469, %get3A_1470] {strides = array<i32>} : memref<256x128xf32, #tpu.memory_space<vmem>>, vector<16xf32>,
      %get3A_1472 = arith.index_cast %add3A_1465 : i32 to index
      %get3A_1473 = arith.constant 48 : index
      %get3A_1474 = tpu.vector_load %arg12[%get3A_1472, %get3A_1473] {strides = array<i32>} : memref<256x128xf32, #tpu.memory_space<vmem>>, vector<16xf32>,
      %add3A_1475 = arith.addf %get3A_1468, %get3A_1471 : vector<16xf32>
      %sub3A_1476 = arith.subf %add3A_1475, %get3A_1474 : vector<16xf32>
      %abs3A_1477 = math.absf %sub3A_1476 : vector<16xf32>
      %add3A_1478 = arith.addf %add3A_1402, %abs3A_1477 : vector<16xf32>
      %add3A_1479 = arith.constant 0 : i32
      %add3A_1480 = arith.addi %mul3A_573, %add3A_1479 : i32
      %add3A_1481 = arith.constant 4 : i32
      %add3A_1482 = arith.addi %add3A_1480, %add3A_1481 : i32
      %add3A_1483 = arith.constant 1 : i32
      %add3A_1484 = arith.addi %add3A_1482, %add3A_1483 : i32
      %get3A_1485 = arith.index_cast %add3A_1484 : i32 to index
      %get3A_1486 = arith.constant 48 : index
      %get3A_1487 = tpu.vector_load %arg11[%get3A_1485, %get3A_1486] {strides = array<i32>} : memref<256x128xf32, #tpu.memory_space<vmem>>, vector<16xf32>,
      %get3A_1488 = arith.index_cast %add3A_1484 : i32 to index
      %get3A_1489 = arith.constant 48 : index
      %get3A_1490 = tpu.vector_load %arg13[%get3A_1488, %get3A_1489] {strides = array<i32>} : memref<256x128xf32, #tpu.memory_space<vmem>>, vector<16xf32>,
      %get3A_1491 = arith.index_cast %add3A_1484 : i32 to index
      %get3A_1492 = arith.constant 48 : index
      %get3A_1493 = tpu.vector_load %arg12[%get3A_1491, %get3A_1492] {strides = array<i32>} : memref<256x128xf32, #tpu.memory_space<vmem>>, vector<16xf32>,
      %add3A_1494 = arith.addf %get3A_1487, %get3A_1490 : vector<16xf32>
      %sub3A_1495 = arith.subf %add3A_1494, %get3A_1493 : vector<16xf32>
      %abs3A_1496 = math.absf %sub3A_1495 : vector<16xf32>
      %add3A_1497 = arith.addf %add3A_1421, %abs3A_1496 : vector<16xf32>
      %add3A_1498 = arith.constant 0 : i32
      %add3A_1499 = arith.addi %mul3A_573, %add3A_1498 : i32
      %add3A_1500 = arith.constant 4 : i32
      %add3A_1501 = arith.addi %add3A_1499, %add3A_1500 : i32
      %add3A_1502 = arith.constant 2 : i32
      %add3A_1503 = arith.addi %add3A_1501, %add3A_1502 : i32
      %get3A_1504 = arith.index_cast %add3A_1503 : i32 to index
      %get3A_1505 = arith.constant 48 : index
      %get3A_1506 = tpu.vector_load %arg11[%get3A_1504, %get3A_1505] {strides = array<i32>} : memref<256x128xf32, #tpu.memory_space<vmem>>, vector<16xf32>,
      %get3A_1507 = arith.index_cast %add3A_1503 : i32 to index
      %get3A_1508 = arith.constant 48 : index
      %get3A_1509 = tpu.vector_load %arg13[%get3A_1507, %get3A_1508] {strides = array<i32>} : memref<256x128xf32, #tpu.memory_space<vmem>>, vector<16xf32>,
      %get3A_1510 = arith.index_cast %add3A_1503 : i32 to index
      %get3A_1511 = arith.constant 48 : index
      %get3A_1512 = tpu.vector_load %arg12[%get3A_1510, %get3A_1511] {strides = array<i32>} : memref<256x128xf32, #tpu.memory_space<vmem>>, vector<16xf32>,
      %add3A_1513 = arith.addf %get3A_1506, %get3A_1509 : vector<16xf32>
      %sub3A_1514 = arith.subf %add3A_1513, %get3A_1512 : vector<16xf32>
      %abs3A_1515 = math.absf %sub3A_1514 : vector<16xf32>
      %add3A_1516 = arith.addf %add3A_1440, %abs3A_1515 : vector<16xf32>
      %add3A_1517 = arith.constant 0 : i32
      %add3A_1518 = arith.addi %mul3A_573, %add3A_1517 : i32
      %add3A_1519 = arith.constant 4 : i32
      %add3A_1520 = arith.addi %add3A_1518, %add3A_1519 : i32
      %add3A_1521 = arith.constant 3 : i32
      %add3A_1522 = arith.addi %add3A_1520, %add3A_1521 : i32
      %get3A_1523 = arith.index_cast %add3A_1522 : i32 to index
      %get3A_1524 = arith.constant 48 : index
      %get3A_1525 = tpu.vector_load %arg11[%get3A_1523, %get3A_1524] {strides = array<i32>} : memref<256x128xf32, #tpu.memory_space<vmem>>, vector<16xf32>,
      %get3A_1526 = arith.index_cast %add3A_1522 : i32 to index
      %get3A_1527 = arith.constant 48 : index
      %get3A_1528 = tpu.vector_load %arg13[%get3A_1526, %get3A_1527] {strides = array<i32>} : memref<256x128xf32, #tpu.memory_space<vmem>>, vector<16xf32>,
      %get3A_1529 = arith.index_cast %add3A_1522 : i32 to index
      %get3A_1530 = arith.constant 48 : index
      %get3A_1531 = tpu.vector_load %arg12[%get3A_1529, %get3A_1530] {strides = array<i32>} : memref<256x128xf32, #tpu.memory_space<vmem>>, vector<16xf32>,
      %add3A_1532 = arith.addf %get3A_1525, %get3A_1528 : vector<16xf32>
      %sub3A_1533 = arith.subf %add3A_1532, %get3A_1531 : vector<16xf32>
      %abs3A_1534 = math.absf %sub3A_1533 : vector<16xf32>
      %add3A_1535 = arith.addf %add3A_1459, %abs3A_1534 : vector<16xf32>
      %add3A_1536 = arith.constant 0 : i32
      %add3A_1537 = arith.addi %mul3A_573, %add3A_1536 : i32
      %add3A_1538 = arith.constant 4 : i32
      %add3A_1539 = arith.addi %add3A_1537, %add3A_1538 : i32
      %add3A_1540 = arith.constant 0 : i32
      %add3A_1541 = arith.addi %add3A_1539, %add3A_1540 : i32
      %get3A_1542 = arith.index_cast %add3A_1541 : i32 to index
      %get3A_1543 = arith.constant 64 : index
      %get3A_1544 = tpu.vector_load %arg11[%get3A_1542, %get3A_1543] {strides = array<i32>} : memref<256x128xf32, #tpu.memory_space<vmem>>, vector<16xf32>,
      %get3A_1545 = arith.index_cast %add3A_1541 : i32 to index
      %get3A_1546 = arith.constant 64 : index
      %get3A_1547 = tpu.vector_load %arg13[%get3A_1545, %get3A_1546] {strides = array<i32>} : memref<256x128xf32, #tpu.memory_space<vmem>>, vector<16xf32>,
      %get3A_1548 = arith.index_cast %add3A_1541 : i32 to index
      %get3A_1549 = arith.constant 64 : index
      %get3A_1550 = tpu.vector_load %arg12[%get3A_1548, %get3A_1549] {strides = array<i32>} : memref<256x128xf32, #tpu.memory_space<vmem>>, vector<16xf32>,
      %add3A_1551 = arith.addf %get3A_1544, %get3A_1547 : vector<16xf32>
      %sub3A_1552 = arith.subf %add3A_1551, %get3A_1550 : vector<16xf32>
      %abs3A_1553 = math.absf %sub3A_1552 : vector<16xf32>
      %add3A_1554 = arith.addf %add3A_1478, %abs3A_1553 : vector<16xf32>
      %add3A_1555 = arith.constant 0 : i32
      %add3A_1556 = arith.addi %mul3A_573, %add3A_1555 : i32
      %add3A_1557 = arith.constant 4 : i32
      %add3A_1558 = arith.addi %add3A_1556, %add3A_1557 : i32
      %add3A_1559 = arith.constant 1 : i32
      %add3A_1560 = arith.addi %add3A_1558, %add3A_1559 : i32
      %get3A_1561 = arith.index_cast %add3A_1560 : i32 to index
      %get3A_1562 = arith.constant 64 : index
      %get3A_1563 = tpu.vector_load %arg11[%get3A_1561, %get3A_1562] {strides = array<i32>} : memref<256x128xf32, #tpu.memory_space<vmem>>, vector<16xf32>,
      %get3A_1564 = arith.index_cast %add3A_1560 : i32 to index
      %get3A_1565 = arith.constant 64 : index
      %get3A_1566 = tpu.vector_load %arg13[%get3A_1564, %get3A_1565] {strides = array<i32>} : memref<256x128xf32, #tpu.memory_space<vmem>>, vector<16xf32>,
      %get3A_1567 = arith.index_cast %add3A_1560 : i32 to index
      %get3A_1568 = arith.constant 64 : index
      %get3A_1569 = tpu.vector_load %arg12[%get3A_1567, %get3A_1568] {strides = array<i32>} : memref<256x128xf32, #tpu.memory_space<vmem>>, vector<16xf32>,
      %add3A_1570 = arith.addf %get3A_1563, %get3A_1566 : vector<16xf32>
      %sub3A_1571 = arith.subf %add3A_1570, %get3A_1569 : vector<16xf32>
      %abs3A_1572 = math.absf %sub3A_1571 : vector<16xf32>
      %add3A_1573 = arith.addf %add3A_1497, %abs3A_1572 : vector<16xf32>
      %add3A_1574 = arith.constant 0 : i32
      %add3A_1575 = arith.addi %mul3A_573, %add3A_1574 : i32
      %add3A_1576 = arith.constant 4 : i32
      %add3A_1577 = arith.addi %add3A_1575, %add3A_1576 : i32
      %add3A_1578 = arith.constant 2 : i32
      %add3A_1579 = arith.addi %add3A_1577, %add3A_1578 : i32
      %get3A_1580 = arith.index_cast %add3A_1579 : i32 to index
      %get3A_1581 = arith.constant 64 : index
      %get3A_1582 = tpu.vector_load %arg11[%get3A_1580, %get3A_1581] {strides = array<i32>} : memref<256x128xf32, #tpu.memory_space<vmem>>, vector<16xf32>,
      %get3A_1583 = arith.index_cast %add3A_1579 : i32 to index
      %get3A_1584 = arith.constant 64 : index
      %get3A_1585 = tpu.vector_load %arg13[%get3A_1583, %get3A_1584] {strides = array<i32>} : memref<256x128xf32, #tpu.memory_space<vmem>>, vector<16xf32>,
      %get3A_1586 = arith.index_cast %add3A_1579 : i32 to index
      %get3A_1587 = arith.constant 64 : index
      %get3A_1588 = tpu.vector_load %arg12[%get3A_1586, %get3A_1587] {strides = array<i32>} : memref<256x128xf32, #tpu.memory_space<vmem>>, vector<16xf32>,
      %add3A_1589 = arith.addf %get3A_1582, %get3A_1585 : vector<16xf32>
      %sub3A_1590 = arith.subf %add3A_1589, %get3A_1588 : vector<16xf32>
      %abs3A_1591 = math.absf %sub3A_1590 : vector<16xf32>
      %add3A_1592 = arith.addf %add3A_1516, %abs3A_1591 : vector<16xf32>
      %add3A_1593 = arith.constant 0 : i32
      %add3A_1594 = arith.addi %mul3A_573, %add3A_1593 : i32
      %add3A_1595 = arith.constant 4 : i32
      %add3A_1596 = arith.addi %add3A_1594, %add3A_1595 : i32
      %add3A_1597 = arith.constant 3 : i32
      %add3A_1598 = arith.addi %add3A_1596, %add3A_1597 : i32
      %get3A_1599 = arith.index_cast %add3A_1598 : i32 to index
      %get3A_1600 = arith.constant 64 : index
      %get3A_1601 = tpu.vector_load %arg11[%get3A_1599, %get3A_1600] {strides = array<i32>} : memref<256x128xf32, #tpu.memory_space<vmem>>, vector<16xf32>,
      %get3A_1602 = arith.index_cast %add3A_1598 : i32 to index
      %get3A_1603 = arith.constant 64 : index
      %get3A_1604 = tpu.vector_load %arg13[%get3A_1602, %get3A_1603] {strides = array<i32>} : memref<256x128xf32, #tpu.memory_space<vmem>>, vector<16xf32>,
      %get3A_1605 = arith.index_cast %add3A_1598 : i32 to index
      %get3A_1606 = arith.constant 64 : index
      %get3A_1607 = tpu.vector_load %arg12[%get3A_1605, %get3A_1606] {strides = array<i32>} : memref<256x128xf32, #tpu.memory_space<vmem>>, vector<16xf32>,
      %add3A_1608 = arith.addf %get3A_1601, %get3A_1604 : vector<16xf32>
      %sub3A_1609 = arith.subf %add3A_1608, %get3A_1607 : vector<16xf32>
      %abs3A_1610 = math.absf %sub3A_1609 : vector<16xf32>
      %add3A_1611 = arith.addf %add3A_1535, %abs3A_1610 : vector<16xf32>
      %add3A_1612 = arith.constant 0 : i32
      %add3A_1613 = arith.addi %mul3A_573, %add3A_1612 : i32
      %add3A_1614 = arith.constant 4 : i32
      %add3A_1615 = arith.addi %add3A_1613, %add3A_1614 : i32
      %add3A_1616 = arith.constant 0 : i32
      %add3A_1617 = arith.addi %add3A_1615, %add3A_1616 : i32
      %get3A_1618 = arith.index_cast %add3A_1617 : i32 to index
      %get3A_1619 = arith.constant 80 : index
      %get3A_1620 = tpu.vector_load %arg11[%get3A_1618, %get3A_1619] {strides = array<i32>} : memref<256x128xf32, #tpu.memory_space<vmem>>, vector<16xf32>,
      %get3A_1621 = arith.index_cast %add3A_1617 : i32 to index
      %get3A_1622 = arith.constant 80 : index
      %get3A_1623 = tpu.vector_load %arg13[%get3A_1621, %get3A_1622] {strides = array<i32>} : memref<256x128xf32, #tpu.memory_space<vmem>>, vector<16xf32>,
      %get3A_1624 = arith.index_cast %add3A_1617 : i32 to index
      %get3A_1625 = arith.constant 80 : index
      %get3A_1626 = tpu.vector_load %arg12[%get3A_1624, %get3A_1625] {strides = array<i32>} : memref<256x128xf32, #tpu.memory_space<vmem>>, vector<16xf32>,
      %add3A_1627 = arith.addf %get3A_1620, %get3A_1623 : vector<16xf32>
      %sub3A_1628 = arith.subf %add3A_1627, %get3A_1626 : vector<16xf32>
      %abs3A_1629 = math.absf %sub3A_1628 : vector<16xf32>
      %add3A_1630 = arith.addf %add3A_1554, %abs3A_1629 : vector<16xf32>
      %add3A_1631 = arith.constant 0 : i32
      %add3A_1632 = arith.addi %mul3A_573, %add3A_1631 : i32
      %add3A_1633 = arith.constant 4 : i32
      %add3A_1634 = arith.addi %add3A_1632, %add3A_1633 : i32
      %add3A_1635 = arith.constant 1 : i32
      %add3A_1636 = arith.addi %add3A_1634, %add3A_1635 : i32
      %get3A_1637 = arith.index_cast %add3A_1636 : i32 to index
      %get3A_1638 = arith.constant 80 : index
      %get3A_1639 = tpu.vector_load %arg11[%get3A_1637, %get3A_1638] {strides = array<i32>} : memref<256x128xf32, #tpu.memory_space<vmem>>, vector<16xf32>,
      %get3A_1640 = arith.index_cast %add3A_1636 : i32 to index
      %get3A_1641 = arith.constant 80 : index
      %get3A_1642 = tpu.vector_load %arg13[%get3A_1640, %get3A_1641] {strides = array<i32>} : memref<256x128xf32, #tpu.memory_space<vmem>>, vector<16xf32>,
      %get3A_1643 = arith.index_cast %add3A_1636 : i32 to index
      %get3A_1644 = arith.constant 80 : index
      %get3A_1645 = tpu.vector_load %arg12[%get3A_1643, %get3A_1644] {strides = array<i32>} : memref<256x128xf32, #tpu.memory_space<vmem>>, vector<16xf32>,
      %add3A_1646 = arith.addf %get3A_1639, %get3A_1642 : vector<16xf32>
      %sub3A_1647 = arith.subf %add3A_1646, %get3A_1645 : vector<16xf32>
      %abs3A_1648 = math.absf %sub3A_1647 : vector<16xf32>
      %add3A_1649 = arith.addf %add3A_1573, %abs3A_1648 : vector<16xf32>
      %add3A_1650 = arith.constant 0 : i32
      %add3A_1651 = arith.addi %mul3A_573, %add3A_1650 : i32
      %add3A_1652 = arith.constant 4 : i32
      %add3A_1653 = arith.addi %add3A_1651, %add3A_1652 : i32
      %add3A_1654 = arith.constant 2 : i32
      %add3A_1655 = arith.addi %add3A_1653, %add3A_1654 : i32
      %get3A_1656 = arith.index_cast %add3A_1655 : i32 to index
      %get3A_1657 = arith.constant 80 : index
      %get3A_1658 = tpu.vector_load %arg11[%get3A_1656, %get3A_1657] {strides = array<i32>} : memref<256x128xf32, #tpu.memory_space<vmem>>, vector<16xf32>,
      %get3A_1659 = arith.index_cast %add3A_1655 : i32 to index
      %get3A_1660 = arith.constant 80 : index
      %get3A_1661 = tpu.vector_load %arg13[%get3A_1659, %get3A_1660] {strides = array<i32>} : memref<256x128xf32, #tpu.memory_space<vmem>>, vector<16xf32>,
      %get3A_1662 = arith.index_cast %add3A_1655 : i32 to index
      %get3A_1663 = arith.constant 80 : index
      %get3A_1664 = tpu.vector_load %arg12[%get3A_1662, %get3A_1663] {strides = array<i32>} : memref<256x128xf32, #tpu.memory_space<vmem>>, vector<16xf32>,
      %add3A_1665 = arith.addf %get3A_1658, %get3A_1661 : vector<16xf32>
      %sub3A_1666 = arith.subf %add3A_1665, %get3A_1664 : vector<16xf32>
      %abs3A_1667 = math.absf %sub3A_1666 : vector<16xf32>
      %add3A_1668 = arith.addf %add3A_1592, %abs3A_1667 : vector<16xf32>
      %add3A_1669 = arith.constant 0 : i32
      %add3A_1670 = arith.addi %mul3A_573, %add3A_1669 : i32
      %add3A_1671 = arith.constant 4 : i32
      %add3A_1672 = arith.addi %add3A_1670, %add3A_1671 : i32
      %add3A_1673 = arith.constant 3 : i32
      %add3A_1674 = arith.addi %add3A_1672, %add3A_1673 : i32
      %get3A_1675 = arith.index_cast %add3A_1674 : i32 to index
      %get3A_1676 = arith.constant 80 : index
      %get3A_1677 = tpu.vector_load %arg11[%get3A_1675, %get3A_1676] {strides = array<i32>} : memref<256x128xf32, #tpu.memory_space<vmem>>, vector<16xf32>,
      %get3A_1678 = arith.index_cast %add3A_1674 : i32 to index
      %get3A_1679 = arith.constant 80 : index
      %get3A_1680 = tpu.vector_load %arg13[%get3A_1678, %get3A_1679] {strides = array<i32>} : memref<256x128xf32, #tpu.memory_space<vmem>>, vector<16xf32>,
      %get3A_1681 = arith.index_cast %add3A_1674 : i32 to index
      %get3A_1682 = arith.constant 80 : index
      %get3A_1683 = tpu.vector_load %arg12[%get3A_1681, %get3A_1682] {strides = array<i32>} : memref<256x128xf32, #tpu.memory_space<vmem>>, vector<16xf32>,
      %add3A_1684 = arith.addf %get3A_1677, %get3A_1680 : vector<16xf32>
      %sub3A_1685 = arith.subf %add3A_1684, %get3A_1683 : vector<16xf32>
      %abs3A_1686 = math.absf %sub3A_1685 : vector<16xf32>
      %add3A_1687 = arith.addf %add3A_1611, %abs3A_1686 : vector<16xf32>
      %add3A_1688 = arith.constant 0 : i32
      %add3A_1689 = arith.addi %mul3A_573, %add3A_1688 : i32
      %add3A_1690 = arith.constant 4 : i32
      %add3A_1691 = arith.addi %add3A_1689, %add3A_1690 : i32
      %add3A_1692 = arith.constant 0 : i32
      %add3A_1693 = arith.addi %add3A_1691, %add3A_1692 : i32
      %get3A_1694 = arith.index_cast %add3A_1693 : i32 to index
      %get3A_1695 = arith.constant 96 : index
      %get3A_1696 = tpu.vector_load %arg11[%get3A_1694, %get3A_1695] {strides = array<i32>} : memref<256x128xf32, #tpu.memory_space<vmem>>, vector<16xf32>,
      %get3A_1697 = arith.index_cast %add3A_1693 : i32 to index
      %get3A_1698 = arith.constant 96 : index
      %get3A_1699 = tpu.vector_load %arg13[%get3A_1697, %get3A_1698] {strides = array<i32>} : memref<256x128xf32, #tpu.memory_space<vmem>>, vector<16xf32>,
      %get3A_1700 = arith.index_cast %add3A_1693 : i32 to index
      %get3A_1701 = arith.constant 96 : index
      %get3A_1702 = tpu.vector_load %arg12[%get3A_1700, %get3A_1701] {strides = array<i32>} : memref<256x128xf32, #tpu.memory_space<vmem>>, vector<16xf32>,
      %add3A_1703 = arith.addf %get3A_1696, %get3A_1699 : vector<16xf32>
      %sub3A_1704 = arith.subf %add3A_1703, %get3A_1702 : vector<16xf32>
      %abs3A_1705 = math.absf %sub3A_1704 : vector<16xf32>
      %add3A_1706 = arith.addf %add3A_1630, %abs3A_1705 : vector<16xf32>
      %add3A_1707 = arith.constant 0 : i32
      %add3A_1708 = arith.addi %mul3A_573, %add3A_1707 : i32
      %add3A_1709 = arith.constant 4 : i32
      %add3A_1710 = arith.addi %add3A_1708, %add3A_1709 : i32
      %add3A_1711 = arith.constant 1 : i32
      %add3A_1712 = arith.addi %add3A_1710, %add3A_1711 : i32
      %get3A_1713 = arith.index_cast %add3A_1712 : i32 to index
      %get3A_1714 = arith.constant 96 : index
      %get3A_1715 = tpu.vector_load %arg11[%get3A_1713, %get3A_1714] {strides = array<i32>} : memref<256x128xf32, #tpu.memory_space<vmem>>, vector<16xf32>,
      %get3A_1716 = arith.index_cast %add3A_1712 : i32 to index
      %get3A_1717 = arith.constant 96 : index
      %get3A_1718 = tpu.vector_load %arg13[%get3A_1716, %get3A_1717] {strides = array<i32>} : memref<256x128xf32, #tpu.memory_space<vmem>>, vector<16xf32>,
      %get3A_1719 = arith.index_cast %add3A_1712 : i32 to index
      %get3A_1720 = arith.constant 96 : index
      %get3A_1721 = tpu.vector_load %arg12[%get3A_1719, %get3A_1720] {strides = array<i32>} : memref<256x128xf32, #tpu.memory_space<vmem>>, vector<16xf32>,
      %add3A_1722 = arith.addf %get3A_1715, %get3A_1718 : vector<16xf32>
      %sub3A_1723 = arith.subf %add3A_1722, %get3A_1721 : vector<16xf32>
      %abs3A_1724 = math.absf %sub3A_1723 : vector<16xf32>
      %add3A_1725 = arith.addf %add3A_1649, %abs3A_1724 : vector<16xf32>
      %add3A_1726 = arith.constant 0 : i32
      %add3A_1727 = arith.addi %mul3A_573, %add3A_1726 : i32
      %add3A_1728 = arith.constant 4 : i32
      %add3A_1729 = arith.addi %add3A_1727, %add3A_1728 : i32
      %add3A_1730 = arith.constant 2 : i32
      %add3A_1731 = arith.addi %add3A_1729, %add3A_1730 : i32
      %get3A_1732 = arith.index_cast %add3A_1731 : i32 to index
      %get3A_1733 = arith.constant 96 : index
      %get3A_1734 = tpu.vector_load %arg11[%get3A_1732, %get3A_1733] {strides = array<i32>} : memref<256x128xf32, #tpu.memory_space<vmem>>, vector<16xf32>,
      %get3A_1735 = arith.index_cast %add3A_1731 : i32 to index
      %get3A_1736 = arith.constant 96 : index
      %get3A_1737 = tpu.vector_load %arg13[%get3A_1735, %get3A_1736] {strides = array<i32>} : memref<256x128xf32, #tpu.memory_space<vmem>>, vector<16xf32>,
      %get3A_1738 = arith.index_cast %add3A_1731 : i32 to index
      %get3A_1739 = arith.constant 96 : index
      %get3A_1740 = tpu.vector_load %arg12[%get3A_1738, %get3A_1739] {strides = array<i32>} : memref<256x128xf32, #tpu.memory_space<vmem>>, vector<16xf32>,
      %add3A_1741 = arith.addf %get3A_1734, %get3A_1737 : vector<16xf32>
      %sub3A_1742 = arith.subf %add3A_1741, %get3A_1740 : vector<16xf32>
      %abs3A_1743 = math.absf %sub3A_1742 : vector<16xf32>
      %add3A_1744 = arith.addf %add3A_1668, %abs3A_1743 : vector<16xf32>
      %add3A_1745 = arith.constant 0 : i32
      %add3A_1746 = arith.addi %mul3A_573, %add3A_1745 : i32
      %add3A_1747 = arith.constant 4 : i32
      %add3A_1748 = arith.addi %add3A_1746, %add3A_1747 : i32
      %add3A_1749 = arith.constant 3 : i32
      %add3A_1750 = arith.addi %add3A_1748, %add3A_1749 : i32
      %get3A_1751 = arith.index_cast %add3A_1750 : i32 to index
      %get3A_1752 = arith.constant 96 : index
      %get3A_1753 = tpu.vector_load %arg11[%get3A_1751, %get3A_1752] {strides = array<i32>} : memref<256x128xf32, #tpu.memory_space<vmem>>, vector<16xf32>,
      %get3A_1754 = arith.index_cast %add3A_1750 : i32 to index
      %get3A_1755 = arith.constant 96 : index
      %get3A_1756 = tpu.vector_load %arg13[%get3A_1754, %get3A_1755] {strides = array<i32>} : memref<256x128xf32, #tpu.memory_space<vmem>>, vector<16xf32>,
      %get3A_1757 = arith.index_cast %add3A_1750 : i32 to index
      %get3A_1758 = arith.constant 96 : index
      %get3A_1759 = tpu.vector_load %arg12[%get3A_1757, %get3A_1758] {strides = array<i32>} : memref<256x128xf32, #tpu.memory_space<vmem>>, vector<16xf32>,
      %add3A_1760 = arith.addf %get3A_1753, %get3A_1756 : vector<16xf32>
      %sub3A_1761 = arith.subf %add3A_1760, %get3A_1759 : vector<16xf32>
      %abs3A_1762 = math.absf %sub3A_1761 : vector<16xf32>
      %add3A_1763 = arith.addf %add3A_1687, %abs3A_1762 : vector<16xf32>
      %add3A_1764 = arith.constant 0 : i32
      %add3A_1765 = arith.addi %mul3A_573, %add3A_1764 : i32
      %add3A_1766 = arith.constant 4 : i32
      %add3A_1767 = arith.addi %add3A_1765, %add3A_1766 : i32
      %add3A_1768 = arith.constant 0 : i32
      %add3A_1769 = arith.addi %add3A_1767, %add3A_1768 : i32
      %get3A_1770 = arith.index_cast %add3A_1769 : i32 to index
      %get3A_1771 = arith.constant 112 : index
      %get3A_1772 = tpu.vector_load %arg11[%get3A_1770, %get3A_1771] {strides = array<i32>} : memref<256x128xf32, #tpu.memory_space<vmem>>, vector<16xf32>,
      %get3A_1773 = arith.index_cast %add3A_1769 : i32 to index
      %get3A_1774 = arith.constant 112 : index
      %get3A_1775 = tpu.vector_load %arg13[%get3A_1773, %get3A_1774] {strides = array<i32>} : memref<256x128xf32, #tpu.memory_space<vmem>>, vector<16xf32>,
      %get3A_1776 = arith.index_cast %add3A_1769 : i32 to index
      %get3A_1777 = arith.constant 112 : index
      %get3A_1778 = tpu.vector_load %arg12[%get3A_1776, %get3A_1777] {strides = array<i32>} : memref<256x128xf32, #tpu.memory_space<vmem>>, vector<16xf32>,
      %add3A_1779 = arith.addf %get3A_1772, %get3A_1775 : vector<16xf32>
      %sub3A_1780 = arith.subf %add3A_1779, %get3A_1778 : vector<16xf32>
      %abs3A_1781 = math.absf %sub3A_1780 : vector<16xf32>
      %add3A_1782 = arith.addf %add3A_1706, %abs3A_1781 : vector<16xf32>
      %add3A_1783 = arith.constant 0 : i32
      %add3A_1784 = arith.addi %mul3A_573, %add3A_1783 : i32
      %add3A_1785 = arith.constant 4 : i32
      %add3A_1786 = arith.addi %add3A_1784, %add3A_1785 : i32
      %add3A_1787 = arith.constant 1 : i32
      %add3A_1788 = arith.addi %add3A_1786, %add3A_1787 : i32
      %get3A_1789 = arith.index_cast %add3A_1788 : i32 to index
      %get3A_1790 = arith.constant 112 : index
      %get3A_1791 = tpu.vector_load %arg11[%get3A_1789, %get3A_1790] {strides = array<i32>} : memref<256x128xf32, #tpu.memory_space<vmem>>, vector<16xf32>,
      %get3A_1792 = arith.index_cast %add3A_1788 : i32 to index
      %get3A_1793 = arith.constant 112 : index
      %get3A_1794 = tpu.vector_load %arg13[%get3A_1792, %get3A_1793] {strides = array<i32>} : memref<256x128xf32, #tpu.memory_space<vmem>>, vector<16xf32>,
      %get3A_1795 = arith.index_cast %add3A_1788 : i32 to index
      %get3A_1796 = arith.constant 112 : index
      %get3A_1797 = tpu.vector_load %arg12[%get3A_1795, %get3A_1796] {strides = array<i32>} : memref<256x128xf32, #tpu.memory_space<vmem>>, vector<16xf32>,
      %add3A_1798 = arith.addf %get3A_1791, %get3A_1794 : vector<16xf32>
      %sub3A_1799 = arith.subf %add3A_1798, %get3A_1797 : vector<16xf32>
      %abs3A_1800 = math.absf %sub3A_1799 : vector<16xf32>
      %add3A_1801 = arith.addf %add3A_1725, %abs3A_1800 : vector<16xf32>
      %add3A_1802 = arith.constant 0 : i32
      %add3A_1803 = arith.addi %mul3A_573, %add3A_1802 : i32
      %add3A_1804 = arith.constant 4 : i32
      %add3A_1805 = arith.addi %add3A_1803, %add3A_1804 : i32
      %add3A_1806 = arith.constant 2 : i32
      %add3A_1807 = arith.addi %add3A_1805, %add3A_1806 : i32
      %get3A_1808 = arith.index_cast %add3A_1807 : i32 to index
      %get3A_1809 = arith.constant 112 : index
      %get3A_1810 = tpu.vector_load %arg11[%get3A_1808, %get3A_1809] {strides = array<i32>} : memref<256x128xf32, #tpu.memory_space<vmem>>, vector<16xf32>,
      %get3A_1811 = arith.index_cast %add3A_1807 : i32 to index
      %get3A_1812 = arith.constant 112 : index
      %get3A_1813 = tpu.vector_load %arg13[%get3A_1811, %get3A_1812] {strides = array<i32>} : memref<256x128xf32, #tpu.memory_space<vmem>>, vector<16xf32>,
      %get3A_1814 = arith.index_cast %add3A_1807 : i32 to index
      %get3A_1815 = arith.constant 112 : index
      %get3A_1816 = tpu.vector_load %arg12[%get3A_1814, %get3A_1815] {strides = array<i32>} : memref<256x128xf32, #tpu.memory_space<vmem>>, vector<16xf32>,
      %add3A_1817 = arith.addf %get3A_1810, %get3A_1813 : vector<16xf32>
      %sub3A_1818 = arith.subf %add3A_1817, %get3A_1816 : vector<16xf32>
      %abs3A_1819 = math.absf %sub3A_1818 : vector<16xf32>
      %add3A_1820 = arith.addf %add3A_1744, %abs3A_1819 : vector<16xf32>
      %add3A_1821 = arith.constant 0 : i32
      %add3A_1822 = arith.addi %mul3A_573, %add3A_1821 : i32
      %add3A_1823 = arith.constant 4 : i32
      %add3A_1824 = arith.addi %add3A_1822, %add3A_1823 : i32
      %add3A_1825 = arith.constant 3 : i32
      %add3A_1826 = arith.addi %add3A_1824, %add3A_1825 : i32
      %get3A_1827 = arith.index_cast %add3A_1826 : i32 to index
      %get3A_1828 = arith.constant 112 : index
      %get3A_1829 = tpu.vector_load %arg11[%get3A_1827, %get3A_1828] {strides = array<i32>} : memref<256x128xf32, #tpu.memory_space<vmem>>, vector<16xf32>,
      %get3A_1830 = arith.index_cast %add3A_1826 : i32 to index
      %get3A_1831 = arith.constant 112 : index
      %get3A_1832 = tpu.vector_load %arg13[%get3A_1830, %get3A_1831] {strides = array<i32>} : memref<256x128xf32, #tpu.memory_space<vmem>>, vector<16xf32>,
      %get3A_1833 = arith.index_cast %add3A_1826 : i32 to index
      %get3A_1834 = arith.constant 112 : index
      %get3A_1835 = tpu.vector_load %arg12[%get3A_1833, %get3A_1834] {strides = array<i32>} : memref<256x128xf32, #tpu.memory_space<vmem>>, vector<16xf32>,
      %add3A_1836 = arith.addf %get3A_1829, %get3A_1832 : vector<16xf32>
      %sub3A_1837 = arith.subf %add3A_1836, %get3A_1835 : vector<16xf32>
      %abs3A_1838 = math.absf %sub3A_1837 : vector<16xf32>
      %add3A_1839 = arith.addf %add3A_1763, %abs3A_1838 : vector<16xf32>
      %broadcast_in_dim3A_1840 = arith.constant 4 : i32
      %broadcast_in_dim3A_1841 = vector.broadcast %broadcast_in_dim3A_1840 : i32 to vector<16xi32>
      %mul3A_1842 = arith.constant 16 : i32
      %mul3A_1843 = vector.broadcast %mul3A_1842 : i32 to vector<16xi32>
      %mul3A_1844 = arith.muli %iota3A, %mul3A_1843 : vector<16xi32>
      %add3A_1845 = arith.addi %mul3A_1844, %broadcast_in_dim3A_1841 : vector<16xi32>
      tpu.vector_store_idx %arg15[%add3A_1845], %add3A_1782 : memref<256xf32, #tpu.memory_space<vmem>>[vector<16xi32>], vector<16xf32>,
      %broadcast_in_dim3A_1846 = arith.constant 5 : i32
      %broadcast_in_dim3A_1847 = vector.broadcast %broadcast_in_dim3A_1846 : i32 to vector<16xi32>
      %mul3A_1848 = arith.constant 16 : i32
      %mul3A_1849 = vector.broadcast %mul3A_1848 : i32 to vector<16xi32>
      %mul3A_1850 = arith.muli %iota3A, %mul3A_1849 : vector<16xi32>
      %add3A_1851 = arith.addi %mul3A_1850, %broadcast_in_dim3A_1847 : vector<16xi32>
      tpu.vector_store_idx %arg15[%add3A_1851], %add3A_1801 : memref<256xf32, #tpu.memory_space<vmem>>[vector<16xi32>], vector<16xf32>,
      %broadcast_in_dim3A_1852 = arith.constant 6 : i32
      %broadcast_in_dim3A_1853 = vector.broadcast %broadcast_in_dim3A_1852 : i32 to vector<16xi32>
      %mul3A_1854 = arith.constant 16 : i32
      %mul3A_1855 = vector.broadcast %mul3A_1854 : i32 to vector<16xi32>
      %mul3A_1856 = arith.muli %iota3A, %mul3A_1855 : vector<16xi32>
      %add3A_1857 = arith.addi %mul3A_1856, %broadcast_in_dim3A_1853 : vector<16xi32>
      tpu.vector_store_idx %arg15[%add3A_1857], %add3A_1820 : memref<256xf32, #tpu.memory_space<vmem>>[vector<16xi32>], vector<16xf32>,
      %broadcast_in_dim3A_1858 = arith.constant 7 : i32
      %broadcast_in_dim3A_1859 = vector.broadcast %broadcast_in_dim3A_1858 : i32 to vector<16xi32>
      %mul3A_1860 = arith.constant 16 : i32
      %mul3A_1861 = vector.broadcast %mul3A_1860 : i32 to vector<16xi32>
      %mul3A_1862 = arith.muli %iota3A, %mul3A_1861 : vector<16xi32>
      %add3A_1863 = arith.addi %mul3A_1862, %broadcast_in_dim3A_1859 : vector<16xi32>
      tpu.vector_store_idx %arg15[%add3A_1863], %add3A_1839 : memref<256xf32, #tpu.memory_space<vmem>>[vector<16xi32>], vector<16xf32>,
      %broadcast_in_dim3A_1864 = arith.constant 0.000000e+00 : f32
      %broadcast_in_dim3A_1865 = vector.broadcast %broadcast_in_dim3A_1864 : f32 to vector<16xf32>
      %add3A_1866 = arith.constant 0 : i32
      %add3A_1867 = arith.addi %mul3A_573, %add3A_1866 : i32
      %add3A_1868 = arith.constant 8 : i32
      %add3A_1869 = arith.addi %add3A_1867, %add3A_1868 : i32
      %add3A_1870 = arith.constant 0 : i32
      %add3A_1871 = arith.addi %add3A_1869, %add3A_1870 : i32
      %get3A_1872 = arith.index_cast %add3A_1871 : i32 to index
      %get3A_1873 = arith.constant 0 : index
      %get3A_1874 = tpu.vector_load %arg11[%get3A_1872, %get3A_1873] {strides = array<i32>} : memref<256x128xf32, #tpu.memory_space<vmem>>, vector<16xf32>,
      %get3A_1875 = arith.index_cast %add3A_1871 : i32 to index
      %get3A_1876 = arith.constant 0 : index
      %get3A_1877 = tpu.vector_load %arg13[%get3A_1875, %get3A_1876] {strides = array<i32>} : memref<256x128xf32, #tpu.memory_space<vmem>>, vector<16xf32>,
      %get3A_1878 = arith.index_cast %add3A_1871 : i32 to index
      %get3A_1879 = arith.constant 0 : index
      %get3A_1880 = tpu.vector_load %arg12[%get3A_1878, %get3A_1879] {strides = array<i32>} : memref<256x128xf32, #tpu.memory_space<vmem>>, vector<16xf32>,
      %add3A_1881 = arith.addf %get3A_1874, %get3A_1877 : vector<16xf32>
      %sub3A_1882 = arith.subf %add3A_1881, %get3A_1880 : vector<16xf32>
      %abs3A_1883 = math.absf %sub3A_1882 : vector<16xf32>
      %add3A_1884 = arith.addf %broadcast_in_dim3A_1865, %abs3A_1883 : vector<16xf32>
      %add3A_1885 = arith.constant 0 : i32
      %add3A_1886 = arith.addi %mul3A_573, %add3A_1885 : i32
      %add3A_1887 = arith.constant 8 : i32
      %add3A_1888 = arith.addi %add3A_1886, %add3A_1887 : i32
      %add3A_1889 = arith.constant 1 : i32
      %add3A_1890 = arith.addi %add3A_1888, %add3A_1889 : i32
      %get3A_1891 = arith.index_cast %add3A_1890 : i32 to index
      %get3A_1892 = arith.constant 0 : index
      %get3A_1893 = tpu.vector_load %arg11[%get3A_1891, %get3A_1892] {strides = array<i32>} : memref<256x128xf32, #tpu.memory_space<vmem>>, vector<16xf32>,
      %get3A_1894 = arith.index_cast %add3A_1890 : i32 to index
      %get3A_1895 = arith.constant 0 : index
      %get3A_1896 = tpu.vector_load %arg13[%get3A_1894, %get3A_1895] {strides = array<i32>} : memref<256x128xf32, #tpu.memory_space<vmem>>, vector<16xf32>,
      %get3A_1897 = arith.index_cast %add3A_1890 : i32 to index
      %get3A_1898 = arith.constant 0 : index
      %get3A_1899 = tpu.vector_load %arg12[%get3A_1897, %get3A_1898] {strides = array<i32>} : memref<256x128xf32, #tpu.memory_space<vmem>>, vector<16xf32>,
      %add3A_1900 = arith.addf %get3A_1893, %get3A_1896 : vector<16xf32>
      %sub3A_1901 = arith.subf %add3A_1900, %get3A_1899 : vector<16xf32>
      %abs3A_1902 = math.absf %sub3A_1901 : vector<16xf32>
      %add3A_1903 = arith.addf %broadcast_in_dim3A_1865, %abs3A_1902 : vector<16xf32>
      %add3A_1904 = arith.constant 0 : i32
      %add3A_1905 = arith.addi %mul3A_573, %add3A_1904 : i32
      %add3A_1906 = arith.constant 8 : i32
      %add3A_1907 = arith.addi %add3A_1905, %add3A_1906 : i32
      %add3A_1908 = arith.constant 2 : i32
      %add3A_1909 = arith.addi %add3A_1907, %add3A_1908 : i32
      %get3A_1910 = arith.index_cast %add3A_1909 : i32 to index
      %get3A_1911 = arith.constant 0 : index
      %get3A_1912 = tpu.vector_load %arg11[%get3A_1910, %get3A_1911] {strides = array<i32>} : memref<256x128xf32, #tpu.memory_space<vmem>>, vector<16xf32>,
      %get3A_1913 = arith.index_cast %add3A_1909 : i32 to index
      %get3A_1914 = arith.constant 0 : index
      %get3A_1915 = tpu.vector_load %arg13[%get3A_1913, %get3A_1914] {strides = array<i32>} : memref<256x128xf32, #tpu.memory_space<vmem>>, vector<16xf32>,
      %get3A_1916 = arith.index_cast %add3A_1909 : i32 to index
      %get3A_1917 = arith.constant 0 : index
      %get3A_1918 = tpu.vector_load %arg12[%get3A_1916, %get3A_1917] {strides = array<i32>} : memref<256x128xf32, #tpu.memory_space<vmem>>, vector<16xf32>,
      %add3A_1919 = arith.addf %get3A_1912, %get3A_1915 : vector<16xf32>
      %sub3A_1920 = arith.subf %add3A_1919, %get3A_1918 : vector<16xf32>
      %abs3A_1921 = math.absf %sub3A_1920 : vector<16xf32>
      %add3A_1922 = arith.addf %broadcast_in_dim3A_1865, %abs3A_1921 : vector<16xf32>
      %add3A_1923 = arith.constant 0 : i32
      %add3A_1924 = arith.addi %mul3A_573, %add3A_1923 : i32
      %add3A_1925 = arith.constant 8 : i32
      %add3A_1926 = arith.addi %add3A_1924, %add3A_1925 : i32
      %add3A_1927 = arith.constant 3 : i32
      %add3A_1928 = arith.addi %add3A_1926, %add3A_1927 : i32
      %get3A_1929 = arith.index_cast %add3A_1928 : i32 to index
      %get3A_1930 = arith.constant 0 : index
      %get3A_1931 = tpu.vector_load %arg11[%get3A_1929, %get3A_1930] {strides = array<i32>} : memref<256x128xf32, #tpu.memory_space<vmem>>, vector<16xf32>,
      %get3A_1932 = arith.index_cast %add3A_1928 : i32 to index
      %get3A_1933 = arith.constant 0 : index
      %get3A_1934 = tpu.vector_load %arg13[%get3A_1932, %get3A_1933] {strides = array<i32>} : memref<256x128xf32, #tpu.memory_space<vmem>>, vector<16xf32>,
      %get3A_1935 = arith.index_cast %add3A_1928 : i32 to index
      %get3A_1936 = arith.constant 0 : index
      %get3A_1937 = tpu.vector_load %arg12[%get3A_1935, %get3A_1936] {strides = array<i32>} : memref<256x128xf32, #tpu.memory_space<vmem>>, vector<16xf32>,
      %add3A_1938 = arith.addf %get3A_1931, %get3A_1934 : vector<16xf32>
      %sub3A_1939 = arith.subf %add3A_1938, %get3A_1937 : vector<16xf32>
      %abs3A_1940 = math.absf %sub3A_1939 : vector<16xf32>
      %add3A_1941 = arith.addf %broadcast_in_dim3A_1865, %abs3A_1940 : vector<16xf32>
      %add3A_1942 = arith.constant 0 : i32
      %add3A_1943 = arith.addi %mul3A_573, %add3A_1942 : i32
      %add3A_1944 = arith.constant 8 : i32
      %add3A_1945 = arith.addi %add3A_1943, %add3A_1944 : i32
      %add3A_1946 = arith.constant 0 : i32
      %add3A_1947 = arith.addi %add3A_1945, %add3A_1946 : i32
      %get3A_1948 = arith.index_cast %add3A_1947 : i32 to index
      %get3A_1949 = arith.constant 16 : index
      %get3A_1950 = tpu.vector_load %arg11[%get3A_1948, %get3A_1949] {strides = array<i32>} : memref<256x128xf32, #tpu.memory_space<vmem>>, vector<16xf32>,
      %get3A_1951 = arith.index_cast %add3A_1947 : i32 to index
      %get3A_1952 = arith.constant 16 : index
      %get3A_1953 = tpu.vector_load %arg13[%get3A_1951, %get3A_1952] {strides = array<i32>} : memref<256x128xf32, #tpu.memory_space<vmem>>, vector<16xf32>,
      %get3A_1954 = arith.index_cast %add3A_1947 : i32 to index
      %get3A_1955 = arith.constant 16 : index
      %get3A_1956 = tpu.vector_load %arg12[%get3A_1954, %get3A_1955] {strides = array<i32>} : memref<256x128xf32, #tpu.memory_space<vmem>>, vector<16xf32>,
      %add3A_1957 = arith.addf %get3A_1950, %get3A_1953 : vector<16xf32>
      %sub3A_1958 = arith.subf %add3A_1957, %get3A_1956 : vector<16xf32>
      %abs3A_1959 = math.absf %sub3A_1958 : vector<16xf32>
      %add3A_1960 = arith.addf %add3A_1884, %abs3A_1959 : vector<16xf32>
      %add3A_1961 = arith.constant 0 : i32
      %add3A_1962 = arith.addi %mul3A_573, %add3A_1961 : i32
      %add3A_1963 = arith.constant 8 : i32
      %add3A_1964 = arith.addi %add3A_1962, %add3A_1963 : i32
      %add3A_1965 = arith.constant 1 : i32
      %add3A_1966 = arith.addi %add3A_1964, %add3A_1965 : i32
      %get3A_1967 = arith.index_cast %add3A_1966 : i32 to index
      %get3A_1968 = arith.constant 16 : index
      %get3A_1969 = tpu.vector_load %arg11[%get3A_1967, %get3A_1968] {strides = array<i32>} : memref<256x128xf32, #tpu.memory_space<vmem>>, vector<16xf32>,
      %get3A_1970 = arith.index_cast %add3A_1966 : i32 to index
      %get3A_1971 = arith.constant 16 : index
      %get3A_1972 = tpu.vector_load %arg13[%get3A_1970, %get3A_1971] {strides = array<i32>} : memref<256x128xf32, #tpu.memory_space<vmem>>, vector<16xf32>,
      %get3A_1973 = arith.index_cast %add3A_1966 : i32 to index
      %get3A_1974 = arith.constant 16 : index
      %get3A_1975 = tpu.vector_load %arg12[%get3A_1973, %get3A_1974] {strides = array<i32>} : memref<256x128xf32, #tpu.memory_space<vmem>>, vector<16xf32>,
      %add3A_1976 = arith.addf %get3A_1969, %get3A_1972 : vector<16xf32>
      %sub3A_1977 = arith.subf %add3A_1976, %get3A_1975 : vector<16xf32>
      %abs3A_1978 = math.absf %sub3A_1977 : vector<16xf32>
      %add3A_1979 = arith.addf %add3A_1903, %abs3A_1978 : vector<16xf32>
      %add3A_1980 = arith.constant 0 : i32
      %add3A_1981 = arith.addi %mul3A_573, %add3A_1980 : i32
      %add3A_1982 = arith.constant 8 : i32
      %add3A_1983 = arith.addi %add3A_1981, %add3A_1982 : i32
      %add3A_1984 = arith.constant 2 : i32
      %add3A_1985 = arith.addi %add3A_1983, %add3A_1984 : i32
      %get3A_1986 = arith.index_cast %add3A_1985 : i32 to index
      %get3A_1987 = arith.constant 16 : index
      %get3A_1988 = tpu.vector_load %arg11[%get3A_1986, %get3A_1987] {strides = array<i32>} : memref<256x128xf32, #tpu.memory_space<vmem>>, vector<16xf32>,
      %get3A_1989 = arith.index_cast %add3A_1985 : i32 to index
      %get3A_1990 = arith.constant 16 : index
      %get3A_1991 = tpu.vector_load %arg13[%get3A_1989, %get3A_1990] {strides = array<i32>} : memref<256x128xf32, #tpu.memory_space<vmem>>, vector<16xf32>,
      %get3A_1992 = arith.index_cast %add3A_1985 : i32 to index
      %get3A_1993 = arith.constant 16 : index
      %get3A_1994 = tpu.vector_load %arg12[%get3A_1992, %get3A_1993] {strides = array<i32>} : memref<256x128xf32, #tpu.memory_space<vmem>>, vector<16xf32>,
      %add3A_1995 = arith.addf %get3A_1988, %get3A_1991 : vector<16xf32>
      %sub3A_1996 = arith.subf %add3A_1995, %get3A_1994 : vector<16xf32>
      %abs3A_1997 = math.absf %sub3A_1996 : vector<16xf32>
      %add3A_1998 = arith.addf %add3A_1922, %abs3A_1997 : vector<16xf32>
      %add3A_1999 = arith.constant 0 : i32
      %add3A_2000 = arith.addi %mul3A_573, %add3A_1999 : i32
      %add3A_2001 = arith.constant 8 : i32
      %add3A_2002 = arith.addi %add3A_2000, %add3A_2001 : i32
      %add3A_2003 = arith.constant 3 : i32
      %add3A_2004 = arith.addi %add3A_2002, %add3A_2003 : i32
      %get3A_2005 = arith.index_cast %add3A_2004 : i32 to index
      %get3A_2006 = arith.constant 16 : index
      %get3A_2007 = tpu.vector_load %arg11[%get3A_2005, %get3A_2006] {strides = array<i32>} : memref<256x128xf32, #tpu.memory_space<vmem>>, vector<16xf32>,
      %get3A_2008 = arith.index_cast %add3A_2004 : i32 to index
      %get3A_2009 = arith.constant 16 : index
      %get3A_2010 = tpu.vector_load %arg13[%get3A_2008, %get3A_2009] {strides = array<i32>} : memref<256x128xf32, #tpu.memory_space<vmem>>, vector<16xf32>,
      %get3A_2011 = arith.index_cast %add3A_2004 : i32 to index
      %get3A_2012 = arith.constant 16 : index
      %get3A_2013 = tpu.vector_load %arg12[%get3A_2011, %get3A_2012] {strides = array<i32>} : memref<256x128xf32, #tpu.memory_space<vmem>>, vector<16xf32>,
      %add3A_2014 = arith.addf %get3A_2007, %get3A_2010 : vector<16xf32>
      %sub3A_2015 = arith.subf %add3A_2014, %get3A_2013 : vector<16xf32>
      %abs3A_2016 = math.absf %sub3A_2015 : vector<16xf32>
      %add3A_2017 = arith.addf %add3A_1941, %abs3A_2016 : vector<16xf32>
      %add3A_2018 = arith.constant 0 : i32
      %add3A_2019 = arith.addi %mul3A_573, %add3A_2018 : i32
      %add3A_2020 = arith.constant 8 : i32
      %add3A_2021 = arith.addi %add3A_2019, %add3A_2020 : i32
      %add3A_2022 = arith.constant 0 : i32
      %add3A_2023 = arith.addi %add3A_2021, %add3A_2022 : i32
      %get3A_2024 = arith.index_cast %add3A_2023 : i32 to index
      %get3A_2025 = arith.constant 32 : index
      %get3A_2026 = tpu.vector_load %arg11[%get3A_2024, %get3A_2025] {strides = array<i32>} : memref<256x128xf32, #tpu.memory_space<vmem>>, vector<16xf32>,
      %get3A_2027 = arith.index_cast %add3A_2023 : i32 to index
      %get3A_2028 = arith.constant 32 : index
      %get3A_2029 = tpu.vector_load %arg13[%get3A_2027, %get3A_2028] {strides = array<i32>} : memref<256x128xf32, #tpu.memory_space<vmem>>, vector<16xf32>,
      %get3A_2030 = arith.index_cast %add3A_2023 : i32 to index
      %get3A_2031 = arith.constant 32 : index
      %get3A_2032 = tpu.vector_load %arg12[%get3A_2030, %get3A_2031] {strides = array<i32>} : memref<256x128xf32, #tpu.memory_space<vmem>>, vector<16xf32>,
      %add3A_2033 = arith.addf %get3A_2026, %get3A_2029 : vector<16xf32>
      %sub3A_2034 = arith.subf %add3A_2033, %get3A_2032 : vector<16xf32>
      %abs3A_2035 = math.absf %sub3A_2034 : vector<16xf32>
      %add3A_2036 = arith.addf %add3A_1960, %abs3A_2035 : vector<16xf32>
      %add3A_2037 = arith.constant 0 : i32
      %add3A_2038 = arith.addi %mul3A_573, %add3A_2037 : i32
      %add3A_2039 = arith.constant 8 : i32
      %add3A_2040 = arith.addi %add3A_2038, %add3A_2039 : i32
      %add3A_2041 = arith.constant 1 : i32
      %add3A_2042 = arith.addi %add3A_2040, %add3A_2041 : i32
      %get3A_2043 = arith.index_cast %add3A_2042 : i32 to index
      %get3A_2044 = arith.constant 32 : index
      %get3A_2045 = tpu.vector_load %arg11[%get3A_2043, %get3A_2044] {strides = array<i32>} : memref<256x128xf32, #tpu.memory_space<vmem>>, vector<16xf32>,
      %get3A_2046 = arith.index_cast %add3A_2042 : i32 to index
      %get3A_2047 = arith.constant 32 : index
      %get3A_2048 = tpu.vector_load %arg13[%get3A_2046, %get3A_2047] {strides = array<i32>} : memref<256x128xf32, #tpu.memory_space<vmem>>, vector<16xf32>,
      %get3A_2049 = arith.index_cast %add3A_2042 : i32 to index
      %get3A_2050 = arith.constant 32 : index
      %get3A_2051 = tpu.vector_load %arg12[%get3A_2049, %get3A_2050] {strides = array<i32>} : memref<256x128xf32, #tpu.memory_space<vmem>>, vector<16xf32>,
      %add3A_2052 = arith.addf %get3A_2045, %get3A_2048 : vector<16xf32>
      %sub3A_2053 = arith.subf %add3A_2052, %get3A_2051 : vector<16xf32>
      %abs3A_2054 = math.absf %sub3A_2053 : vector<16xf32>
      %add3A_2055 = arith.addf %add3A_1979, %abs3A_2054 : vector<16xf32>
      %add3A_2056 = arith.constant 0 : i32
      %add3A_2057 = arith.addi %mul3A_573, %add3A_2056 : i32
      %add3A_2058 = arith.constant 8 : i32
      %add3A_2059 = arith.addi %add3A_2057, %add3A_2058 : i32
      %add3A_2060 = arith.constant 2 : i32
      %add3A_2061 = arith.addi %add3A_2059, %add3A_2060 : i32
      %get3A_2062 = arith.index_cast %add3A_2061 : i32 to index
      %get3A_2063 = arith.constant 32 : index
      %get3A_2064 = tpu.vector_load %arg11[%get3A_2062, %get3A_2063] {strides = array<i32>} : memref<256x128xf32, #tpu.memory_space<vmem>>, vector<16xf32>,
      %get3A_2065 = arith.index_cast %add3A_2061 : i32 to index
      %get3A_2066 = arith.constant 32 : index
      %get3A_2067 = tpu.vector_load %arg13[%get3A_2065, %get3A_2066] {strides = array<i32>} : memref<256x128xf32, #tpu.memory_space<vmem>>, vector<16xf32>,
      %get3A_2068 = arith.index_cast %add3A_2061 : i32 to index
      %get3A_2069 = arith.constant 32 : index
      %get3A_2070 = tpu.vector_load %arg12[%get3A_2068, %get3A_2069] {strides = array<i32>} : memref<256x128xf32, #tpu.memory_space<vmem>>, vector<16xf32>,
      %add3A_2071 = arith.addf %get3A_2064, %get3A_2067 : vector<16xf32>
      %sub3A_2072 = arith.subf %add3A_2071, %get3A_2070 : vector<16xf32>
      %abs3A_2073 = math.absf %sub3A_2072 : vector<16xf32>
      %add3A_2074 = arith.addf %add3A_1998, %abs3A_2073 : vector<16xf32>
      %add3A_2075 = arith.constant 0 : i32
      %add3A_2076 = arith.addi %mul3A_573, %add3A_2075 : i32
      %add3A_2077 = arith.constant 8 : i32
      %add3A_2078 = arith.addi %add3A_2076, %add3A_2077 : i32
      %add3A_2079 = arith.constant 3 : i32
      %add3A_2080 = arith.addi %add3A_2078, %add3A_2079 : i32
      %get3A_2081 = arith.index_cast %add3A_2080 : i32 to index
      %get3A_2082 = arith.constant 32 : index
      %get3A_2083 = tpu.vector_load %arg11[%get3A_2081, %get3A_2082] {strides = array<i32>} : memref<256x128xf32, #tpu.memory_space<vmem>>, vector<16xf32>,
      %get3A_2084 = arith.index_cast %add3A_2080 : i32 to index
      %get3A_2085 = arith.constant 32 : index
      %get3A_2086 = tpu.vector_load %arg13[%get3A_2084, %get3A_2085] {strides = array<i32>} : memref<256x128xf32, #tpu.memory_space<vmem>>, vector<16xf32>,
      %get3A_2087 = arith.index_cast %add3A_2080 : i32 to index
      %get3A_2088 = arith.constant 32 : index
      %get3A_2089 = tpu.vector_load %arg12[%get3A_2087, %get3A_2088] {strides = array<i32>} : memref<256x128xf32, #tpu.memory_space<vmem>>, vector<16xf32>,
      %add3A_2090 = arith.addf %get3A_2083, %get3A_2086 : vector<16xf32>
      %sub3A_2091 = arith.subf %add3A_2090, %get3A_2089 : vector<16xf32>
      %abs3A_2092 = math.absf %sub3A_2091 : vector<16xf32>
      %add3A_2093 = arith.addf %add3A_2017, %abs3A_2092 : vector<16xf32>
      %add3A_2094 = arith.constant 0 : i32
      %add3A_2095 = arith.addi %mul3A_573, %add3A_2094 : i32
      %add3A_2096 = arith.constant 8 : i32
      %add3A_2097 = arith.addi %add3A_2095, %add3A_2096 : i32
      %add3A_2098 = arith.constant 0 : i32
      %add3A_2099 = arith.addi %add3A_2097, %add3A_2098 : i32
      %get3A_2100 = arith.index_cast %add3A_2099 : i32 to index
      %get3A_2101 = arith.constant 48 : index
      %get3A_2102 = tpu.vector_load %arg11[%get3A_2100, %get3A_2101] {strides = array<i32>} : memref<256x128xf32, #tpu.memory_space<vmem>>, vector<16xf32>,
      %get3A_2103 = arith.index_cast %add3A_2099 : i32 to index
      %get3A_2104 = arith.constant 48 : index
      %get3A_2105 = tpu.vector_load %arg13[%get3A_2103, %get3A_2104] {strides = array<i32>} : memref<256x128xf32, #tpu.memory_space<vmem>>, vector<16xf32>,
      %get3A_2106 = arith.index_cast %add3A_2099 : i32 to index
      %get3A_2107 = arith.constant 48 : index
      %get3A_2108 = tpu.vector_load %arg12[%get3A_2106, %get3A_2107] {strides = array<i32>} : memref<256x128xf32, #tpu.memory_space<vmem>>, vector<16xf32>,
      %add3A_2109 = arith.addf %get3A_2102, %get3A_2105 : vector<16xf32>
      %sub3A_2110 = arith.subf %add3A_2109, %get3A_2108 : vector<16xf32>
      %abs3A_2111 = math.absf %sub3A_2110 : vector<16xf32>
      %add3A_2112 = arith.addf %add3A_2036, %abs3A_2111 : vector<16xf32>
      %add3A_2113 = arith.constant 0 : i32
      %add3A_2114 = arith.addi %mul3A_573, %add3A_2113 : i32
      %add3A_2115 = arith.constant 8 : i32
      %add3A_2116 = arith.addi %add3A_2114, %add3A_2115 : i32
      %add3A_2117 = arith.constant 1 : i32
      %add3A_2118 = arith.addi %add3A_2116, %add3A_2117 : i32
      %get3A_2119 = arith.index_cast %add3A_2118 : i32 to index
      %get3A_2120 = arith.constant 48 : index
      %get3A_2121 = tpu.vector_load %arg11[%get3A_2119, %get3A_2120] {strides = array<i32>} : memref<256x128xf32, #tpu.memory_space<vmem>>, vector<16xf32>,
      %get3A_2122 = arith.index_cast %add3A_2118 : i32 to index
      %get3A_2123 = arith.constant 48 : index
      %get3A_2124 = tpu.vector_load %arg13[%get3A_2122, %get3A_2123] {strides = array<i32>} : memref<256x128xf32, #tpu.memory_space<vmem>>, vector<16xf32>,
      %get3A_2125 = arith.index_cast %add3A_2118 : i32 to index
      %get3A_2126 = arith.constant 48 : index
      %get3A_2127 = tpu.vector_load %arg12[%get3A_2125, %get3A_2126] {strides = array<i32>} : memref<256x128xf32, #tpu.memory_space<vmem>>, vector<16xf32>,
      %add3A_2128 = arith.addf %get3A_2121, %get3A_2124 : vector<16xf32>
      %sub3A_2129 = arith.subf %add3A_2128, %get3A_2127 : vector<16xf32>
      %abs3A_2130 = math.absf %sub3A_2129 : vector<16xf32>
      %add3A_2131 = arith.addf %add3A_2055, %abs3A_2130 : vector<16xf32>
      %add3A_2132 = arith.constant 0 : i32
      %add3A_2133 = arith.addi %mul3A_573, %add3A_2132 : i32
      %add3A_2134 = arith.constant 8 : i32
      %add3A_2135 = arith.addi %add3A_2133, %add3A_2134 : i32
      %add3A_2136 = arith.constant 2 : i32
      %add3A_2137 = arith.addi %add3A_2135, %add3A_2136 : i32
      %get3A_2138 = arith.index_cast %add3A_2137 : i32 to index
      %get3A_2139 = arith.constant 48 : index
      %get3A_2140 = tpu.vector_load %arg11[%get3A_2138, %get3A_2139] {strides = array<i32>} : memref<256x128xf32, #tpu.memory_space<vmem>>, vector<16xf32>,
      %get3A_2141 = arith.index_cast %add3A_2137 : i32 to index
      %get3A_2142 = arith.constant 48 : index
      %get3A_2143 = tpu.vector_load %arg13[%get3A_2141, %get3A_2142] {strides = array<i32>} : memref<256x128xf32, #tpu.memory_space<vmem>>, vector<16xf32>,
      %get3A_2144 = arith.index_cast %add3A_2137 : i32 to index
      %get3A_2145 = arith.constant 48 : index
      %get3A_2146 = tpu.vector_load %arg12[%get3A_2144, %get3A_2145] {strides = array<i32>} : memref<256x128xf32, #tpu.memory_space<vmem>>, vector<16xf32>,
      %add3A_2147 = arith.addf %get3A_2140, %get3A_2143 : vector<16xf32>
      %sub3A_2148 = arith.subf %add3A_2147, %get3A_2146 : vector<16xf32>
      %abs3A_2149 = math.absf %sub3A_2148 : vector<16xf32>
      %add3A_2150 = arith.addf %add3A_2074, %abs3A_2149 : vector<16xf32>
      %add3A_2151 = arith.constant 0 : i32
      %add3A_2152 = arith.addi %mul3A_573, %add3A_2151 : i32
      %add3A_2153 = arith.constant 8 : i32
      %add3A_2154 = arith.addi %add3A_2152, %add3A_2153 : i32
      %add3A_2155 = arith.constant 3 : i32
      %add3A_2156 = arith.addi %add3A_2154, %add3A_2155 : i32
      %get3A_2157 = arith.index_cast %add3A_2156 : i32 to index
      %get3A_2158 = arith.constant 48 : index
      %get3A_2159 = tpu.vector_load %arg11[%get3A_2157, %get3A_2158] {strides = array<i32>} : memref<256x128xf32, #tpu.memory_space<vmem>>, vector<16xf32>,
      %get3A_2160 = arith.index_cast %add3A_2156 : i32 to index
      %get3A_2161 = arith.constant 48 : index
      %get3A_2162 = tpu.vector_load %arg13[%get3A_2160, %get3A_2161] {strides = array<i32>} : memref<256x128xf32, #tpu.memory_space<vmem>>, vector<16xf32>,
      %get3A_2163 = arith.index_cast %add3A_2156 : i32 to index
      %get3A_2164 = arith.constant 48 : index
      %get3A_2165 = tpu.vector_load %arg12[%get3A_2163, %get3A_2164] {strides = array<i32>} : memref<256x128xf32, #tpu.memory_space<vmem>>, vector<16xf32>,
      %add3A_2166 = arith.addf %get3A_2159, %get3A_2162 : vector<16xf32>
      %sub3A_2167 = arith.subf %add3A_2166, %get3A_2165 : vector<16xf32>
      %abs3A_2168 = math.absf %sub3A_2167 : vector<16xf32>
      %add3A_2169 = arith.addf %add3A_2093, %abs3A_2168 : vector<16xf32>
      %add3A_2170 = arith.constant 0 : i32
      %add3A_2171 = arith.addi %mul3A_573, %add3A_2170 : i32
      %add3A_2172 = arith.constant 8 : i32
      %add3A_2173 = arith.addi %add3A_2171, %add3A_2172 : i32
      %add3A_2174 = arith.constant 0 : i32
      %add3A_2175 = arith.addi %add3A_2173, %add3A_2174 : i32
      %get3A_2176 = arith.index_cast %add3A_2175 : i32 to index
      %get3A_2177 = arith.constant 64 : index
      %get3A_2178 = tpu.vector_load %arg11[%get3A_2176, %get3A_2177] {strides = array<i32>} : memref<256x128xf32, #tpu.memory_space<vmem>>, vector<16xf32>,
      %get3A_2179 = arith.index_cast %add3A_2175 : i32 to index
      %get3A_2180 = arith.constant 64 : index
      %get3A_2181 = tpu.vector_load %arg13[%get3A_2179, %get3A_2180] {strides = array<i32>} : memref<256x128xf32, #tpu.memory_space<vmem>>, vector<16xf32>,
      %get3A_2182 = arith.index_cast %add3A_2175 : i32 to index
      %get3A_2183 = arith.constant 64 : index
      %get3A_2184 = tpu.vector_load %arg12[%get3A_2182, %get3A_2183] {strides = array<i32>} : memref<256x128xf32, #tpu.memory_space<vmem>>, vector<16xf32>,
      %add3A_2185 = arith.addf %get3A_2178, %get3A_2181 : vector<16xf32>
      %sub3A_2186 = arith.subf %add3A_2185, %get3A_2184 : vector<16xf32>
      %abs3A_2187 = math.absf %sub3A_2186 : vector<16xf32>
      %add3A_2188 = arith.addf %add3A_2112, %abs3A_2187 : vector<16xf32>
      %add3A_2189 = arith.constant 0 : i32
      %add3A_2190 = arith.addi %mul3A_573, %add3A_2189 : i32
      %add3A_2191 = arith.constant 8 : i32
      %add3A_2192 = arith.addi %add3A_2190, %add3A_2191 : i32
      %add3A_2193 = arith.constant 1 : i32
      %add3A_2194 = arith.addi %add3A_2192, %add3A_2193 : i32
      %get3A_2195 = arith.index_cast %add3A_2194 : i32 to index
      %get3A_2196 = arith.constant 64 : index
      %get3A_2197 = tpu.vector_load %arg11[%get3A_2195, %get3A_2196] {strides = array<i32>} : memref<256x128xf32, #tpu.memory_space<vmem>>, vector<16xf32>,
      %get3A_2198 = arith.index_cast %add3A_2194 : i32 to index
      %get3A_2199 = arith.constant 64 : index
      %get3A_2200 = tpu.vector_load %arg13[%get3A_2198, %get3A_2199] {strides = array<i32>} : memref<256x128xf32, #tpu.memory_space<vmem>>, vector<16xf32>,
      %get3A_2201 = arith.index_cast %add3A_2194 : i32 to index
      %get3A_2202 = arith.constant 64 : index
      %get3A_2203 = tpu.vector_load %arg12[%get3A_2201, %get3A_2202] {strides = array<i32>} : memref<256x128xf32, #tpu.memory_space<vmem>>, vector<16xf32>,
      %add3A_2204 = arith.addf %get3A_2197, %get3A_2200 : vector<16xf32>
      %sub3A_2205 = arith.subf %add3A_2204, %get3A_2203 : vector<16xf32>
      %abs3A_2206 = math.absf %sub3A_2205 : vector<16xf32>
      %add3A_2207 = arith.addf %add3A_2131, %abs3A_2206 : vector<16xf32>
      %add3A_2208 = arith.constant 0 : i32
      %add3A_2209 = arith.addi %mul3A_573, %add3A_2208 : i32
      %add3A_2210 = arith.constant 8 : i32
      %add3A_2211 = arith.addi %add3A_2209, %add3A_2210 : i32
      %add3A_2212 = arith.constant 2 : i32
      %add3A_2213 = arith.addi %add3A_2211, %add3A_2212 : i32
      %get3A_2214 = arith.index_cast %add3A_2213 : i32 to index
      %get3A_2215 = arith.constant 64 : index
      %get3A_2216 = tpu.vector_load %arg11[%get3A_2214, %get3A_2215] {strides = array<i32>} : memref<256x128xf32, #tpu.memory_space<vmem>>, vector<16xf32>,
      %get3A_2217 = arith.index_cast %add3A_2213 : i32 to index
      %get3A_2218 = arith.constant 64 : index
      %get3A_2219 = tpu.vector_load %arg13[%get3A_2217, %get3A_2218] {strides = array<i32>} : memref<256x128xf32, #tpu.memory_space<vmem>>, vector<16xf32>,
      %get3A_2220 = arith.index_cast %add3A_2213 : i32 to index
      %get3A_2221 = arith.constant 64 : index
      %get3A_2222 = tpu.vector_load %arg12[%get3A_2220, %get3A_2221] {strides = array<i32>} : memref<256x128xf32, #tpu.memory_space<vmem>>, vector<16xf32>,
      %add3A_2223 = arith.addf %get3A_2216, %get3A_2219 : vector<16xf32>
      %sub3A_2224 = arith.subf %add3A_2223, %get3A_2222 : vector<16xf32>
      %abs3A_2225 = math.absf %sub3A_2224 : vector<16xf32>
      %add3A_2226 = arith.addf %add3A_2150, %abs3A_2225 : vector<16xf32>
      %add3A_2227 = arith.constant 0 : i32
      %add3A_2228 = arith.addi %mul3A_573, %add3A_2227 : i32
      %add3A_2229 = arith.constant 8 : i32
      %add3A_2230 = arith.addi %add3A_2228, %add3A_2229 : i32
      %add3A_2231 = arith.constant 3 : i32
      %add3A_2232 = arith.addi %add3A_2230, %add3A_2231 : i32
      %get3A_2233 = arith.index_cast %add3A_2232 : i32 to index
      %get3A_2234 = arith.constant 64 : index
      %get3A_2235 = tpu.vector_load %arg11[%get3A_2233, %get3A_2234] {strides = array<i32>} : memref<256x128xf32, #tpu.memory_space<vmem>>, vector<16xf32>,
      %get3A_2236 = arith.index_cast %add3A_2232 : i32 to index
      %get3A_2237 = arith.constant 64 : index
      %get3A_2238 = tpu.vector_load %arg13[%get3A_2236, %get3A_2237] {strides = array<i32>} : memref<256x128xf32, #tpu.memory_space<vmem>>, vector<16xf32>,
      %get3A_2239 = arith.index_cast %add3A_2232 : i32 to index
      %get3A_2240 = arith.constant 64 : index
      %get3A_2241 = tpu.vector_load %arg12[%get3A_2239, %get3A_2240] {strides = array<i32>} : memref<256x128xf32, #tpu.memory_space<vmem>>, vector<16xf32>,
      %add3A_2242 = arith.addf %get3A_2235, %get3A_2238 : vector<16xf32>
      %sub3A_2243 = arith.subf %add3A_2242, %get3A_2241 : vector<16xf32>
      %abs3A_2244 = math.absf %sub3A_2243 : vector<16xf32>
      %add3A_2245 = arith.addf %add3A_2169, %abs3A_2244 : vector<16xf32>
      %add3A_2246 = arith.constant 0 : i32
      %add3A_2247 = arith.addi %mul3A_573, %add3A_2246 : i32
      %add3A_2248 = arith.constant 8 : i32
      %add3A_2249 = arith.addi %add3A_2247, %add3A_2248 : i32
      %add3A_2250 = arith.constant 0 : i32
      %add3A_2251 = arith.addi %add3A_2249, %add3A_2250 : i32
      %get3A_2252 = arith.index_cast %add3A_2251 : i32 to index
      %get3A_2253 = arith.constant 80 : index
      %get3A_2254 = tpu.vector_load %arg11[%get3A_2252, %get3A_2253] {strides = array<i32>} : memref<256x128xf32, #tpu.memory_space<vmem>>, vector<16xf32>,
      %get3A_2255 = arith.index_cast %add3A_2251 : i32 to index
      %get3A_2256 = arith.constant 80 : index
      %get3A_2257 = tpu.vector_load %arg13[%get3A_2255, %get3A_2256] {strides = array<i32>} : memref<256x128xf32, #tpu.memory_space<vmem>>, vector<16xf32>,
      %get3A_2258 = arith.index_cast %add3A_2251 : i32 to index
      %get3A_2259 = arith.constant 80 : index
      %get3A_2260 = tpu.vector_load %arg12[%get3A_2258, %get3A_2259] {strides = array<i32>} : memref<256x128xf32, #tpu.memory_space<vmem>>, vector<16xf32>,
      %add3A_2261 = arith.addf %get3A_2254, %get3A_2257 : vector<16xf32>
      %sub3A_2262 = arith.subf %add3A_2261, %get3A_2260 : vector<16xf32>
      %abs3A_2263 = math.absf %sub3A_2262 : vector<16xf32>
      %add3A_2264 = arith.addf %add3A_2188, %abs3A_2263 : vector<16xf32>
      %add3A_2265 = arith.constant 0 : i32
      %add3A_2266 = arith.addi %mul3A_573, %add3A_2265 : i32
      %add3A_2267 = arith.constant 8 : i32
      %add3A_2268 = arith.addi %add3A_2266, %add3A_2267 : i32
      %add3A_2269 = arith.constant 1 : i32
      %add3A_2270 = arith.addi %add3A_2268, %add3A_2269 : i32
      %get3A_2271 = arith.index_cast %add3A_2270 : i32 to index
      %get3A_2272 = arith.constant 80 : index
      %get3A_2273 = tpu.vector_load %arg11[%get3A_2271, %get3A_2272] {strides = array<i32>} : memref<256x128xf32, #tpu.memory_space<vmem>>, vector<16xf32>,
      %get3A_2274 = arith.index_cast %add3A_2270 : i32 to index
      %get3A_2275 = arith.constant 80 : index
      %get3A_2276 = tpu.vector_load %arg13[%get3A_2274, %get3A_2275] {strides = array<i32>} : memref<256x128xf32, #tpu.memory_space<vmem>>, vector<16xf32>,
      %get3A_2277 = arith.index_cast %add3A_2270 : i32 to index
      %get3A_2278 = arith.constant 80 : index
      %get3A_2279 = tpu.vector_load %arg12[%get3A_2277, %get3A_2278] {strides = array<i32>} : memref<256x128xf32, #tpu.memory_space<vmem>>, vector<16xf32>,
      %add3A_2280 = arith.addf %get3A_2273, %get3A_2276 : vector<16xf32>
      %sub3A_2281 = arith.subf %add3A_2280, %get3A_2279 : vector<16xf32>
      %abs3A_2282 = math.absf %sub3A_2281 : vector<16xf32>
      %add3A_2283 = arith.addf %add3A_2207, %abs3A_2282 : vector<16xf32>
      %add3A_2284 = arith.constant 0 : i32
      %add3A_2285 = arith.addi %mul3A_573, %add3A_2284 : i32
      %add3A_2286 = arith.constant 8 : i32
      %add3A_2287 = arith.addi %add3A_2285, %add3A_2286 : i32
      %add3A_2288 = arith.constant 2 : i32
      %add3A_2289 = arith.addi %add3A_2287, %add3A_2288 : i32
      %get3A_2290 = arith.index_cast %add3A_2289 : i32 to index
      %get3A_2291 = arith.constant 80 : index
      %get3A_2292 = tpu.vector_load %arg11[%get3A_2290, %get3A_2291] {strides = array<i32>} : memref<256x128xf32, #tpu.memory_space<vmem>>, vector<16xf32>,
      %get3A_2293 = arith.index_cast %add3A_2289 : i32 to index
      %get3A_2294 = arith.constant 80 : index
      %get3A_2295 = tpu.vector_load %arg13[%get3A_2293, %get3A_2294] {strides = array<i32>} : memref<256x128xf32, #tpu.memory_space<vmem>>, vector<16xf32>,
      %get3A_2296 = arith.index_cast %add3A_2289 : i32 to index
      %get3A_2297 = arith.constant 80 : index
      %get3A_2298 = tpu.vector_load %arg12[%get3A_2296, %get3A_2297] {strides = array<i32>} : memref<256x128xf32, #tpu.memory_space<vmem>>, vector<16xf32>,
      %add3A_2299 = arith.addf %get3A_2292, %get3A_2295 : vector<16xf32>
      %sub3A_2300 = arith.subf %add3A_2299, %get3A_2298 : vector<16xf32>
      %abs3A_2301 = math.absf %sub3A_2300 : vector<16xf32>
      %add3A_2302 = arith.addf %add3A_2226, %abs3A_2301 : vector<16xf32>
      %add3A_2303 = arith.constant 0 : i32
      %add3A_2304 = arith.addi %mul3A_573, %add3A_2303 : i32
      %add3A_2305 = arith.constant 8 : i32
      %add3A_2306 = arith.addi %add3A_2304, %add3A_2305 : i32
      %add3A_2307 = arith.constant 3 : i32
      %add3A_2308 = arith.addi %add3A_2306, %add3A_2307 : i32
      %get3A_2309 = arith.index_cast %add3A_2308 : i32 to index
      %get3A_2310 = arith.constant 80 : index
      %get3A_2311 = tpu.vector_load %arg11[%get3A_2309, %get3A_2310] {strides = array<i32>} : memref<256x128xf32, #tpu.memory_space<vmem>>, vector<16xf32>,
      %get3A_2312 = arith.index_cast %add3A_2308 : i32 to index
      %get3A_2313 = arith.constant 80 : index
      %get3A_2314 = tpu.vector_load %arg13[%get3A_2312, %get3A_2313] {strides = array<i32>} : memref<256x128xf32, #tpu.memory_space<vmem>>, vector<16xf32>,
      %get3A_2315 = arith.index_cast %add3A_2308 : i32 to index
      %get3A_2316 = arith.constant 80 : index
      %get3A_2317 = tpu.vector_load %arg12[%get3A_2315, %get3A_2316] {strides = array<i32>} : memref<256x128xf32, #tpu.memory_space<vmem>>, vector<16xf32>,
      %add3A_2318 = arith.addf %get3A_2311, %get3A_2314 : vector<16xf32>
      %sub3A_2319 = arith.subf %add3A_2318, %get3A_2317 : vector<16xf32>
      %abs3A_2320 = math.absf %sub3A_2319 : vector<16xf32>
      %add3A_2321 = arith.addf %add3A_2245, %abs3A_2320 : vector<16xf32>
      %add3A_2322 = arith.constant 0 : i32
      %add3A_2323 = arith.addi %mul3A_573, %add3A_2322 : i32
      %add3A_2324 = arith.constant 8 : i32
      %add3A_2325 = arith.addi %add3A_2323, %add3A_2324 : i32
      %add3A_2326 = arith.constant 0 : i32
      %add3A_2327 = arith.addi %add3A_2325, %add3A_2326 : i32
      %get3A_2328 = arith.index_cast %add3A_2327 : i32 to index
      %get3A_2329 = arith.constant 96 : index
      %get3A_2330 = tpu.vector_load %arg11[%get3A_2328, %get3A_2329] {strides = array<i32>} : memref<256x128xf32, #tpu.memory_space<vmem>>, vector<16xf32>,
      %get3A_2331 = arith.index_cast %add3A_2327 : i32 to index
      %get3A_2332 = arith.constant 96 : index
      %get3A_2333 = tpu.vector_load %arg13[%get3A_2331, %get3A_2332] {strides = array<i32>} : memref<256x128xf32, #tpu.memory_space<vmem>>, vector<16xf32>,
      %get3A_2334 = arith.index_cast %add3A_2327 : i32 to index
      %get3A_2335 = arith.constant 96 : index
      %get3A_2336 = tpu.vector_load %arg12[%get3A_2334, %get3A_2335] {strides = array<i32>} : memref<256x128xf32, #tpu.memory_space<vmem>>, vector<16xf32>,
      %add3A_2337 = arith.addf %get3A_2330, %get3A_2333 : vector<16xf32>
      %sub3A_2338 = arith.subf %add3A_2337, %get3A_2336 : vector<16xf32>
      %abs3A_2339 = math.absf %sub3A_2338 : vector<16xf32>
      %add3A_2340 = arith.addf %add3A_2264, %abs3A_2339 : vector<16xf32>
      %add3A_2341 = arith.constant 0 : i32
      %add3A_2342 = arith.addi %mul3A_573, %add3A_2341 : i32
      %add3A_2343 = arith.constant 8 : i32
      %add3A_2344 = arith.addi %add3A_2342, %add3A_2343 : i32
      %add3A_2345 = arith.constant 1 : i32
      %add3A_2346 = arith.addi %add3A_2344, %add3A_2345 : i32
      %get3A_2347 = arith.index_cast %add3A_2346 : i32 to index
      %get3A_2348 = arith.constant 96 : index
      %get3A_2349 = tpu.vector_load %arg11[%get3A_2347, %get3A_2348] {strides = array<i32>} : memref<256x128xf32, #tpu.memory_space<vmem>>, vector<16xf32>,
      %get3A_2350 = arith.index_cast %add3A_2346 : i32 to index
      %get3A_2351 = arith.constant 96 : index
      %get3A_2352 = tpu.vector_load %arg13[%get3A_2350, %get3A_2351] {strides = array<i32>} : memref<256x128xf32, #tpu.memory_space<vmem>>, vector<16xf32>,
      %get3A_2353 = arith.index_cast %add3A_2346 : i32 to index
      %get3A_2354 = arith.constant 96 : index
      %get3A_2355 = tpu.vector_load %arg12[%get3A_2353, %get3A_2354] {strides = array<i32>} : memref<256x128xf32, #tpu.memory_space<vmem>>, vector<16xf32>,
      %add3A_2356 = arith.addf %get3A_2349, %get3A_2352 : vector<16xf32>
      %sub3A_2357 = arith.subf %add3A_2356, %get3A_2355 : vector<16xf32>
      %abs3A_2358 = math.absf %sub3A_2357 : vector<16xf32>
      %add3A_2359 = arith.addf %add3A_2283, %abs3A_2358 : vector<16xf32>
      %add3A_2360 = arith.constant 0 : i32
      %add3A_2361 = arith.addi %mul3A_573, %add3A_2360 : i32
      %add3A_2362 = arith.constant 8 : i32
      %add3A_2363 = arith.addi %add3A_2361, %add3A_2362 : i32
      %add3A_2364 = arith.constant 2 : i32
      %add3A_2365 = arith.addi %add3A_2363, %add3A_2364 : i32
      %get3A_2366 = arith.index_cast %add3A_2365 : i32 to index
      %get3A_2367 = arith.constant 96 : index
      %get3A_2368 = tpu.vector_load %arg11[%get3A_2366, %get3A_2367] {strides = array<i32>} : memref<256x128xf32, #tpu.memory_space<vmem>>, vector<16xf32>,
      %get3A_2369 = arith.index_cast %add3A_2365 : i32 to index
      %get3A_2370 = arith.constant 96 : index
      %get3A_2371 = tpu.vector_load %arg13[%get3A_2369, %get3A_2370] {strides = array<i32>} : memref<256x128xf32, #tpu.memory_space<vmem>>, vector<16xf32>,
      %get3A_2372 = arith.index_cast %add3A_2365 : i32 to index
      %get3A_2373 = arith.constant 96 : index
      %get3A_2374 = tpu.vector_load %arg12[%get3A_2372, %get3A_2373] {strides = array<i32>} : memref<256x128xf32, #tpu.memory_space<vmem>>, vector<16xf32>,
      %add3A_2375 = arith.addf %get3A_2368, %get3A_2371 : vector<16xf32>
      %sub3A_2376 = arith.subf %add3A_2375, %get3A_2374 : vector<16xf32>
      %abs3A_2377 = math.absf %sub3A_2376 : vector<16xf32>
      %add3A_2378 = arith.addf %add3A_2302, %abs3A_2377 : vector<16xf32>
      %add3A_2379 = arith.constant 0 : i32
      %add3A_2380 = arith.addi %mul3A_573, %add3A_2379 : i32
      %add3A_2381 = arith.constant 8 : i32
      %add3A_2382 = arith.addi %add3A_2380, %add3A_2381 : i32
      %add3A_2383 = arith.constant 3 : i32
      %add3A_2384 = arith.addi %add3A_2382, %add3A_2383 : i32
      %get3A_2385 = arith.index_cast %add3A_2384 : i32 to index
      %get3A_2386 = arith.constant 96 : index
      %get3A_2387 = tpu.vector_load %arg11[%get3A_2385, %get3A_2386] {strides = array<i32>} : memref<256x128xf32, #tpu.memory_space<vmem>>, vector<16xf32>,
      %get3A_2388 = arith.index_cast %add3A_2384 : i32 to index
      %get3A_2389 = arith.constant 96 : index
      %get3A_2390 = tpu.vector_load %arg13[%get3A_2388, %get3A_2389] {strides = array<i32>} : memref<256x128xf32, #tpu.memory_space<vmem>>, vector<16xf32>,
      %get3A_2391 = arith.index_cast %add3A_2384 : i32 to index
      %get3A_2392 = arith.constant 96 : index
      %get3A_2393 = tpu.vector_load %arg12[%get3A_2391, %get3A_2392] {strides = array<i32>} : memref<256x128xf32, #tpu.memory_space<vmem>>, vector<16xf32>,
      %add3A_2394 = arith.addf %get3A_2387, %get3A_2390 : vector<16xf32>
      %sub3A_2395 = arith.subf %add3A_2394, %get3A_2393 : vector<16xf32>
      %abs3A_2396 = math.absf %sub3A_2395 : vector<16xf32>
      %add3A_2397 = arith.addf %add3A_2321, %abs3A_2396 : vector<16xf32>
      %add3A_2398 = arith.constant 0 : i32
      %add3A_2399 = arith.addi %mul3A_573, %add3A_2398 : i32
      %add3A_2400 = arith.constant 8 : i32
      %add3A_2401 = arith.addi %add3A_2399, %add3A_2400 : i32
      %add3A_2402 = arith.constant 0 : i32
      %add3A_2403 = arith.addi %add3A_2401, %add3A_2402 : i32
      %get3A_2404 = arith.index_cast %add3A_2403 : i32 to index
      %get3A_2405 = arith.constant 112 : index
      %get3A_2406 = tpu.vector_load %arg11[%get3A_2404, %get3A_2405] {strides = array<i32>} : memref<256x128xf32, #tpu.memory_space<vmem>>, vector<16xf32>,
      %get3A_2407 = arith.index_cast %add3A_2403 : i32 to index
      %get3A_2408 = arith.constant 112 : index
      %get3A_2409 = tpu.vector_load %arg13[%get3A_2407, %get3A_2408] {strides = array<i32>} : memref<256x128xf32, #tpu.memory_space<vmem>>, vector<16xf32>,
      %get3A_2410 = arith.index_cast %add3A_2403 : i32 to index
      %get3A_2411 = arith.constant 112 : index
      %get3A_2412 = tpu.vector_load %arg12[%get3A_2410, %get3A_2411] {strides = array<i32>} : memref<256x128xf32, #tpu.memory_space<vmem>>, vector<16xf32>,
      %add3A_2413 = arith.addf %get3A_2406, %get3A_2409 : vector<16xf32>
      %sub3A_2414 = arith.subf %add3A_2413, %get3A_2412 : vector<16xf32>
      %abs3A_2415 = math.absf %sub3A_2414 : vector<16xf32>
      %add3A_2416 = arith.addf %add3A_2340, %abs3A_2415 : vector<16xf32>
      %add3A_2417 = arith.constant 0 : i32
      %add3A_2418 = arith.addi %mul3A_573, %add3A_2417 : i32
      %add3A_2419 = arith.constant 8 : i32
      %add3A_2420 = arith.addi %add3A_2418, %add3A_2419 : i32
      %add3A_2421 = arith.constant 1 : i32
      %add3A_2422 = arith.addi %add3A_2420, %add3A_2421 : i32
      %get3A_2423 = arith.index_cast %add3A_2422 : i32 to index
      %get3A_2424 = arith.constant 112 : index
      %get3A_2425 = tpu.vector_load %arg11[%get3A_2423, %get3A_2424] {strides = array<i32>} : memref<256x128xf32, #tpu.memory_space<vmem>>, vector<16xf32>,
      %get3A_2426 = arith.index_cast %add3A_2422 : i32 to index
      %get3A_2427 = arith.constant 112 : index
      %get3A_2428 = tpu.vector_load %arg13[%get3A_2426, %get3A_2427] {strides = array<i32>} : memref<256x128xf32, #tpu.memory_space<vmem>>, vector<16xf32>,
      %get3A_2429 = arith.index_cast %add3A_2422 : i32 to index
      %get3A_2430 = arith.constant 112 : index
      %get3A_2431 = tpu.vector_load %arg12[%get3A_2429, %get3A_2430] {strides = array<i32>} : memref<256x128xf32, #tpu.memory_space<vmem>>, vector<16xf32>,
      %add3A_2432 = arith.addf %get3A_2425, %get3A_2428 : vector<16xf32>
      %sub3A_2433 = arith.subf %add3A_2432, %get3A_2431 : vector<16xf32>
      %abs3A_2434 = math.absf %sub3A_2433 : vector<16xf32>
      %add3A_2435 = arith.addf %add3A_2359, %abs3A_2434 : vector<16xf32>
      %add3A_2436 = arith.constant 0 : i32
      %add3A_2437 = arith.addi %mul3A_573, %add3A_2436 : i32
      %add3A_2438 = arith.constant 8 : i32
      %add3A_2439 = arith.addi %add3A_2437, %add3A_2438 : i32
      %add3A_2440 = arith.constant 2 : i32
      %add3A_2441 = arith.addi %add3A_2439, %add3A_2440 : i32
      %get3A_2442 = arith.index_cast %add3A_2441 : i32 to index
      %get3A_2443 = arith.constant 112 : index
      %get3A_2444 = tpu.vector_load %arg11[%get3A_2442, %get3A_2443] {strides = array<i32>} : memref<256x128xf32, #tpu.memory_space<vmem>>, vector<16xf32>,
      %get3A_2445 = arith.index_cast %add3A_2441 : i32 to index
      %get3A_2446 = arith.constant 112 : index
      %get3A_2447 = tpu.vector_load %arg13[%get3A_2445, %get3A_2446] {strides = array<i32>} : memref<256x128xf32, #tpu.memory_space<vmem>>, vector<16xf32>,
      %get3A_2448 = arith.index_cast %add3A_2441 : i32 to index
      %get3A_2449 = arith.constant 112 : index
      %get3A_2450 = tpu.vector_load %arg12[%get3A_2448, %get3A_2449] {strides = array<i32>} : memref<256x128xf32, #tpu.memory_space<vmem>>, vector<16xf32>,
      %add3A_2451 = arith.addf %get3A_2444, %get3A_2447 : vector<16xf32>
      %sub3A_2452 = arith.subf %add3A_2451, %get3A_2450 : vector<16xf32>
      %abs3A_2453 = math.absf %sub3A_2452 : vector<16xf32>
      %add3A_2454 = arith.addf %add3A_2378, %abs3A_2453 : vector<16xf32>
      %add3A_2455 = arith.constant 0 : i32
      %add3A_2456 = arith.addi %mul3A_573, %add3A_2455 : i32
      %add3A_2457 = arith.constant 8 : i32
      %add3A_2458 = arith.addi %add3A_2456, %add3A_2457 : i32
      %add3A_2459 = arith.constant 3 : i32
      %add3A_2460 = arith.addi %add3A_2458, %add3A_2459 : i32
      %get3A_2461 = arith.index_cast %add3A_2460 : i32 to index
      %get3A_2462 = arith.constant 112 : index
      %get3A_2463 = tpu.vector_load %arg11[%get3A_2461, %get3A_2462] {strides = array<i32>} : memref<256x128xf32, #tpu.memory_space<vmem>>, vector<16xf32>,
      %get3A_2464 = arith.index_cast %add3A_2460 : i32 to index
      %get3A_2465 = arith.constant 112 : index
      %get3A_2466 = tpu.vector_load %arg13[%get3A_2464, %get3A_2465] {strides = array<i32>} : memref<256x128xf32, #tpu.memory_space<vmem>>, vector<16xf32>,
      %get3A_2467 = arith.index_cast %add3A_2460 : i32 to index
      %get3A_2468 = arith.constant 112 : index
      %get3A_2469 = tpu.vector_load %arg12[%get3A_2467, %get3A_2468] {strides = array<i32>} : memref<256x128xf32, #tpu.memory_space<vmem>>, vector<16xf32>,
      %add3A_2470 = arith.addf %get3A_2463, %get3A_2466 : vector<16xf32>
      %sub3A_2471 = arith.subf %add3A_2470, %get3A_2469 : vector<16xf32>
      %abs3A_2472 = math.absf %sub3A_2471 : vector<16xf32>
      %add3A_2473 = arith.addf %add3A_2397, %abs3A_2472 : vector<16xf32>
      %broadcast_in_dim3A_2474 = arith.constant 8 : i32
      %broadcast_in_dim3A_2475 = vector.broadcast %broadcast_in_dim3A_2474 : i32 to vector<16xi32>
      %mul3A_2476 = arith.constant 16 : i32
      %mul3A_2477 = vector.broadcast %mul3A_2476 : i32 to vector<16xi32>
      %mul3A_2478 = arith.muli %iota3A, %mul3A_2477 : vector<16xi32>
      %add3A_2479 = arith.addi %mul3A_2478, %broadcast_in_dim3A_2475 : vector<16xi32>
      tpu.vector_store_idx %arg15[%add3A_2479], %add3A_2416 : memref<256xf32, #tpu.memory_space<vmem>>[vector<16xi32>], vector<16xf32>,
      %broadcast_in_dim3A_2480 = arith.constant 9 : i32
      %broadcast_in_dim3A_2481 = vector.broadcast %broadcast_in_dim3A_2480 : i32 to vector<16xi32>
      %mul3A_2482 = arith.constant 16 : i32
      %mul3A_2483 = vector.broadcast %mul3A_2482 : i32 to vector<16xi32>
      %mul3A_2484 = arith.muli %iota3A, %mul3A_2483 : vector<16xi32>
      %add3A_2485 = arith.addi %mul3A_2484, %broadcast_in_dim3A_2481 : vector<16xi32>
      tpu.vector_store_idx %arg15[%add3A_2485], %add3A_2435 : memref<256xf32, #tpu.memory_space<vmem>>[vector<16xi32>], vector<16xf32>,
      %broadcast_in_dim3A_2486 = arith.constant 10 : i32
      %broadcast_in_dim3A_2487 = vector.broadcast %broadcast_in_dim3A_2486 : i32 to vector<16xi32>
      %mul3A_2488 = arith.constant 16 : i32
      %mul3A_2489 = vector.broadcast %mul3A_2488 : i32 to vector<16xi32>
      %mul3A_2490 = arith.muli %iota3A, %mul3A_2489 : vector<16xi32>
      %add3A_2491 = arith.addi %mul3A_2490, %broadcast_in_dim3A_2487 : vector<16xi32>
      tpu.vector_store_idx %arg15[%add3A_2491], %add3A_2454 : memref<256xf32, #tpu.memory_space<vmem>>[vector<16xi32>], vector<16xf32>,
      %broadcast_in_dim3A_2492 = arith.constant 11 : i32
      %broadcast_in_dim3A_2493 = vector.broadcast %broadcast_in_dim3A_2492 : i32 to vector<16xi32>
      %mul3A_2494 = arith.constant 16 : i32
      %mul3A_2495 = vector.broadcast %mul3A_2494 : i32 to vector<16xi32>
      %mul3A_2496 = arith.muli %iota3A, %mul3A_2495 : vector<16xi32>
      %add3A_2497 = arith.addi %mul3A_2496, %broadcast_in_dim3A_2493 : vector<16xi32>
      tpu.vector_store_idx %arg15[%add3A_2497], %add3A_2473 : memref<256xf32, #tpu.memory_space<vmem>>[vector<16xi32>], vector<16xf32>,
      %broadcast_in_dim3A_2498 = arith.constant 0.000000e+00 : f32
      %broadcast_in_dim3A_2499 = vector.broadcast %broadcast_in_dim3A_2498 : f32 to vector<16xf32>
      %add3A_2500 = arith.constant 0 : i32
      %add3A_2501 = arith.addi %mul3A_573, %add3A_2500 : i32
      %add3A_2502 = arith.constant 12 : i32
      %add3A_2503 = arith.addi %add3A_2501, %add3A_2502 : i32
      %add3A_2504 = arith.constant 0 : i32
      %add3A_2505 = arith.addi %add3A_2503, %add3A_2504 : i32
      %get3A_2506 = arith.index_cast %add3A_2505 : i32 to index
      %get3A_2507 = arith.constant 0 : index
      %get3A_2508 = tpu.vector_load %arg11[%get3A_2506, %get3A_2507] {strides = array<i32>} : memref<256x128xf32, #tpu.memory_space<vmem>>, vector<16xf32>,
      %get3A_2509 = arith.index_cast %add3A_2505 : i32 to index
      %get3A_2510 = arith.constant 0 : index
      %get3A_2511 = tpu.vector_load %arg13[%get3A_2509, %get3A_2510] {strides = array<i32>} : memref<256x128xf32, #tpu.memory_space<vmem>>, vector<16xf32>,
      %get3A_2512 = arith.index_cast %add3A_2505 : i32 to index
      %get3A_2513 = arith.constant 0 : index
      %get3A_2514 = tpu.vector_load %arg12[%get3A_2512, %get3A_2513] {strides = array<i32>} : memref<256x128xf32, #tpu.memory_space<vmem>>, vector<16xf32>,
      %add3A_2515 = arith.addf %get3A_2508, %get3A_2511 : vector<16xf32>
      %sub3A_2516 = arith.subf %add3A_2515, %get3A_2514 : vector<16xf32>
      %abs3A_2517 = math.absf %sub3A_2516 : vector<16xf32>
      %add3A_2518 = arith.addf %broadcast_in_dim3A_2499, %abs3A_2517 : vector<16xf32>
      %add3A_2519 = arith.constant 0 : i32
      %add3A_2520 = arith.addi %mul3A_573, %add3A_2519 : i32
      %add3A_2521 = arith.constant 12 : i32
      %add3A_2522 = arith.addi %add3A_2520, %add3A_2521 : i32
      %add3A_2523 = arith.constant 1 : i32
      %add3A_2524 = arith.addi %add3A_2522, %add3A_2523 : i32
      %get3A_2525 = arith.index_cast %add3A_2524 : i32 to index
      %get3A_2526 = arith.constant 0 : index
      %get3A_2527 = tpu.vector_load %arg11[%get3A_2525, %get3A_2526] {strides = array<i32>} : memref<256x128xf32, #tpu.memory_space<vmem>>, vector<16xf32>,
      %get3A_2528 = arith.index_cast %add3A_2524 : i32 to index
      %get3A_2529 = arith.constant 0 : index
      %get3A_2530 = tpu.vector_load %arg13[%get3A_2528, %get3A_2529] {strides = array<i32>} : memref<256x128xf32, #tpu.memory_space<vmem>>, vector<16xf32>,
      %get3A_2531 = arith.index_cast %add3A_2524 : i32 to index
      %get3A_2532 = arith.constant 0 : index
      %get3A_2533 = tpu.vector_load %arg12[%get3A_2531, %get3A_2532] {strides = array<i32>} : memref<256x128xf32, #tpu.memory_space<vmem>>, vector<16xf32>,
      %add3A_2534 = arith.addf %get3A_2527, %get3A_2530 : vector<16xf32>
      %sub3A_2535 = arith.subf %add3A_2534, %get3A_2533 : vector<16xf32>
      %abs3A_2536 = math.absf %sub3A_2535 : vector<16xf32>
      %add3A_2537 = arith.addf %broadcast_in_dim3A_2499, %abs3A_2536 : vector<16xf32>
      %add3A_2538 = arith.constant 0 : i32
      %add3A_2539 = arith.addi %mul3A_573, %add3A_2538 : i32
      %add3A_2540 = arith.constant 12 : i32
      %add3A_2541 = arith.addi %add3A_2539, %add3A_2540 : i32
      %add3A_2542 = arith.constant 2 : i32
      %add3A_2543 = arith.addi %add3A_2541, %add3A_2542 : i32
      %get3A_2544 = arith.index_cast %add3A_2543 : i32 to index
      %get3A_2545 = arith.constant 0 : index
      %get3A_2546 = tpu.vector_load %arg11[%get3A_2544, %get3A_2545] {strides = array<i32>} : memref<256x128xf32, #tpu.memory_space<vmem>>, vector<16xf32>,
      %get3A_2547 = arith.index_cast %add3A_2543 : i32 to index
      %get3A_2548 = arith.constant 0 : index
      %get3A_2549 = tpu.vector_load %arg13[%get3A_2547, %get3A_2548] {strides = array<i32>} : memref<256x128xf32, #tpu.memory_space<vmem>>, vector<16xf32>,
      %get3A_2550 = arith.index_cast %add3A_2543 : i32 to index
      %get3A_2551 = arith.constant 0 : index
      %get3A_2552 = tpu.vector_load %arg12[%get3A_2550, %get3A_2551] {strides = array<i32>} : memref<256x128xf32, #tpu.memory_space<vmem>>, vector<16xf32>,
      %add3A_2553 = arith.addf %get3A_2546, %get3A_2549 : vector<16xf32>
      %sub3A_2554 = arith.subf %add3A_2553, %get3A_2552 : vector<16xf32>
      %abs3A_2555 = math.absf %sub3A_2554 : vector<16xf32>
      %add3A_2556 = arith.addf %broadcast_in_dim3A_2499, %abs3A_2555 : vector<16xf32>
      %add3A_2557 = arith.constant 0 : i32
      %add3A_2558 = arith.addi %mul3A_573, %add3A_2557 : i32
      %add3A_2559 = arith.constant 12 : i32
      %add3A_2560 = arith.addi %add3A_2558, %add3A_2559 : i32
      %add3A_2561 = arith.constant 3 : i32
      %add3A_2562 = arith.addi %add3A_2560, %add3A_2561 : i32
      %get3A_2563 = arith.index_cast %add3A_2562 : i32 to index
      %get3A_2564 = arith.constant 0 : index
      %get3A_2565 = tpu.vector_load %arg11[%get3A_2563, %get3A_2564] {strides = array<i32>} : memref<256x128xf32, #tpu.memory_space<vmem>>, vector<16xf32>,
      %get3A_2566 = arith.index_cast %add3A_2562 : i32 to index
      %get3A_2567 = arith.constant 0 : index
      %get3A_2568 = tpu.vector_load %arg13[%get3A_2566, %get3A_2567] {strides = array<i32>} : memref<256x128xf32, #tpu.memory_space<vmem>>, vector<16xf32>,
      %get3A_2569 = arith.index_cast %add3A_2562 : i32 to index
      %get3A_2570 = arith.constant 0 : index
      %get3A_2571 = tpu.vector_load %arg12[%get3A_2569, %get3A_2570] {strides = array<i32>} : memref<256x128xf32, #tpu.memory_space<vmem>>, vector<16xf32>,
      %add3A_2572 = arith.addf %get3A_2565, %get3A_2568 : vector<16xf32>
      %sub3A_2573 = arith.subf %add3A_2572, %get3A_2571 : vector<16xf32>
      %abs3A_2574 = math.absf %sub3A_2573 : vector<16xf32>
      %add3A_2575 = arith.addf %broadcast_in_dim3A_2499, %abs3A_2574 : vector<16xf32>
      %add3A_2576 = arith.constant 0 : i32
      %add3A_2577 = arith.addi %mul3A_573, %add3A_2576 : i32
      %add3A_2578 = arith.constant 12 : i32
      %add3A_2579 = arith.addi %add3A_2577, %add3A_2578 : i32
      %add3A_2580 = arith.constant 0 : i32
      %add3A_2581 = arith.addi %add3A_2579, %add3A_2580 : i32
      %get3A_2582 = arith.index_cast %add3A_2581 : i32 to index
      %get3A_2583 = arith.constant 16 : index
      %get3A_2584 = tpu.vector_load %arg11[%get3A_2582, %get3A_2583] {strides = array<i32>} : memref<256x128xf32, #tpu.memory_space<vmem>>, vector<16xf32>,
      %get3A_2585 = arith.index_cast %add3A_2581 : i32 to index
      %get3A_2586 = arith.constant 16 : index
      %get3A_2587 = tpu.vector_load %arg13[%get3A_2585, %get3A_2586] {strides = array<i32>} : memref<256x128xf32, #tpu.memory_space<vmem>>, vector<16xf32>,
      %get3A_2588 = arith.index_cast %add3A_2581 : i32 to index
      %get3A_2589 = arith.constant 16 : index
      %get3A_2590 = tpu.vector_load %arg12[%get3A_2588, %get3A_2589] {strides = array<i32>} : memref<256x128xf32, #tpu.memory_space<vmem>>, vector<16xf32>,
      %add3A_2591 = arith.addf %get3A_2584, %get3A_2587 : vector<16xf32>
      %sub3A_2592 = arith.subf %add3A_2591, %get3A_2590 : vector<16xf32>
      %abs3A_2593 = math.absf %sub3A_2592 : vector<16xf32>
      %add3A_2594 = arith.addf %add3A_2518, %abs3A_2593 : vector<16xf32>
      %add3A_2595 = arith.constant 0 : i32
      %add3A_2596 = arith.addi %mul3A_573, %add3A_2595 : i32
      %add3A_2597 = arith.constant 12 : i32
      %add3A_2598 = arith.addi %add3A_2596, %add3A_2597 : i32
      %add3A_2599 = arith.constant 1 : i32
      %add3A_2600 = arith.addi %add3A_2598, %add3A_2599 : i32
      %get3A_2601 = arith.index_cast %add3A_2600 : i32 to index
      %get3A_2602 = arith.constant 16 : index
      %get3A_2603 = tpu.vector_load %arg11[%get3A_2601, %get3A_2602] {strides = array<i32>} : memref<256x128xf32, #tpu.memory_space<vmem>>, vector<16xf32>,
      %get3A_2604 = arith.index_cast %add3A_2600 : i32 to index
      %get3A_2605 = arith.constant 16 : index
      %get3A_2606 = tpu.vector_load %arg13[%get3A_2604, %get3A_2605] {strides = array<i32>} : memref<256x128xf32, #tpu.memory_space<vmem>>, vector<16xf32>,
      %get3A_2607 = arith.index_cast %add3A_2600 : i32 to index
      %get3A_2608 = arith.constant 16 : index
      %get3A_2609 = tpu.vector_load %arg12[%get3A_2607, %get3A_2608] {strides = array<i32>} : memref<256x128xf32, #tpu.memory_space<vmem>>, vector<16xf32>,
      %add3A_2610 = arith.addf %get3A_2603, %get3A_2606 : vector<16xf32>
      %sub3A_2611 = arith.subf %add3A_2610, %get3A_2609 : vector<16xf32>
      %abs3A_2612 = math.absf %sub3A_2611 : vector<16xf32>
      %add3A_2613 = arith.addf %add3A_2537, %abs3A_2612 : vector<16xf32>
      %add3A_2614 = arith.constant 0 : i32
      %add3A_2615 = arith.addi %mul3A_573, %add3A_2614 : i32
      %add3A_2616 = arith.constant 12 : i32
      %add3A_2617 = arith.addi %add3A_2615, %add3A_2616 : i32
      %add3A_2618 = arith.constant 2 : i32
      %add3A_2619 = arith.addi %add3A_2617, %add3A_2618 : i32
      %get3A_2620 = arith.index_cast %add3A_2619 : i32 to index
      %get3A_2621 = arith.constant 16 : index
      %get3A_2622 = tpu.vector_load %arg11[%get3A_2620, %get3A_2621] {strides = array<i32>} : memref<256x128xf32, #tpu.memory_space<vmem>>, vector<16xf32>,
      %get3A_2623 = arith.index_cast %add3A_2619 : i32 to index
      %get3A_2624 = arith.constant 16 : index
      %get3A_2625 = tpu.vector_load %arg13[%get3A_2623, %get3A_2624] {strides = array<i32>} : memref<256x128xf32, #tpu.memory_space<vmem>>, vector<16xf32>,
      %get3A_2626 = arith.index_cast %add3A_2619 : i32 to index
      %get3A_2627 = arith.constant 16 : index
      %get3A_2628 = tpu.vector_load %arg12[%get3A_2626, %get3A_2627] {strides = array<i32>} : memref<256x128xf32, #tpu.memory_space<vmem>>, vector<16xf32>,
      %add3A_2629 = arith.addf %get3A_2622, %get3A_2625 : vector<16xf32>
      %sub3A_2630 = arith.subf %add3A_2629, %get3A_2628 : vector<16xf32>
      %abs3A_2631 = math.absf %sub3A_2630 : vector<16xf32>
      %add3A_2632 = arith.addf %add3A_2556, %abs3A_2631 : vector<16xf32>
      %add3A_2633 = arith.constant 0 : i32
      %add3A_2634 = arith.addi %mul3A_573, %add3A_2633 : i32
      %add3A_2635 = arith.constant 12 : i32
      %add3A_2636 = arith.addi %add3A_2634, %add3A_2635 : i32
      %add3A_2637 = arith.constant 3 : i32
      %add3A_2638 = arith.addi %add3A_2636, %add3A_2637 : i32
      %get3A_2639 = arith.index_cast %add3A_2638 : i32 to index
      %get3A_2640 = arith.constant 16 : index
      %get3A_2641 = tpu.vector_load %arg11[%get3A_2639, %get3A_2640] {strides = array<i32>} : memref<256x128xf32, #tpu.memory_space<vmem>>, vector<16xf32>,
      %get3A_2642 = arith.index_cast %add3A_2638 : i32 to index
      %get3A_2643 = arith.constant 16 : index
      %get3A_2644 = tpu.vector_load %arg13[%get3A_2642, %get3A_2643] {strides = array<i32>} : memref<256x128xf32, #tpu.memory_space<vmem>>, vector<16xf32>,
      %get3A_2645 = arith.index_cast %add3A_2638 : i32 to index
      %get3A_2646 = arith.constant 16 : index
      %get3A_2647 = tpu.vector_load %arg12[%get3A_2645, %get3A_2646] {strides = array<i32>} : memref<256x128xf32, #tpu.memory_space<vmem>>, vector<16xf32>,
      %add3A_2648 = arith.addf %get3A_2641, %get3A_2644 : vector<16xf32>
      %sub3A_2649 = arith.subf %add3A_2648, %get3A_2647 : vector<16xf32>
      %abs3A_2650 = math.absf %sub3A_2649 : vector<16xf32>
      %add3A_2651 = arith.addf %add3A_2575, %abs3A_2650 : vector<16xf32>
      %add3A_2652 = arith.constant 0 : i32
      %add3A_2653 = arith.addi %mul3A_573, %add3A_2652 : i32
      %add3A_2654 = arith.constant 12 : i32
      %add3A_2655 = arith.addi %add3A_2653, %add3A_2654 : i32
      %add3A_2656 = arith.constant 0 : i32
      %add3A_2657 = arith.addi %add3A_2655, %add3A_2656 : i32
      %get3A_2658 = arith.index_cast %add3A_2657 : i32 to index
      %get3A_2659 = arith.constant 32 : index
      %get3A_2660 = tpu.vector_load %arg11[%get3A_2658, %get3A_2659] {strides = array<i32>} : memref<256x128xf32, #tpu.memory_space<vmem>>, vector<16xf32>,
      %get3A_2661 = arith.index_cast %add3A_2657 : i32 to index
      %get3A_2662 = arith.constant 32 : index
      %get3A_2663 = tpu.vector_load %arg13[%get3A_2661, %get3A_2662] {strides = array<i32>} : memref<256x128xf32, #tpu.memory_space<vmem>>, vector<16xf32>,
      %get3A_2664 = arith.index_cast %add3A_2657 : i32 to index
      %get3A_2665 = arith.constant 32 : index
      %get3A_2666 = tpu.vector_load %arg12[%get3A_2664, %get3A_2665] {strides = array<i32>} : memref<256x128xf32, #tpu.memory_space<vmem>>, vector<16xf32>,
      %add3A_2667 = arith.addf %get3A_2660, %get3A_2663 : vector<16xf32>
      %sub3A_2668 = arith.subf %add3A_2667, %get3A_2666 : vector<16xf32>
      %abs3A_2669 = math.absf %sub3A_2668 : vector<16xf32>
      %add3A_2670 = arith.addf %add3A_2594, %abs3A_2669 : vector<16xf32>
      %add3A_2671 = arith.constant 0 : i32
      %add3A_2672 = arith.addi %mul3A_573, %add3A_2671 : i32
      %add3A_2673 = arith.constant 12 : i32
      %add3A_2674 = arith.addi %add3A_2672, %add3A_2673 : i32
      %add3A_2675 = arith.constant 1 : i32
      %add3A_2676 = arith.addi %add3A_2674, %add3A_2675 : i32
      %get3A_2677 = arith.index_cast %add3A_2676 : i32 to index
      %get3A_2678 = arith.constant 32 : index
      %get3A_2679 = tpu.vector_load %arg11[%get3A_2677, %get3A_2678] {strides = array<i32>} : memref<256x128xf32, #tpu.memory_space<vmem>>, vector<16xf32>,
      %get3A_2680 = arith.index_cast %add3A_2676 : i32 to index
      %get3A_2681 = arith.constant 32 : index
      %get3A_2682 = tpu.vector_load %arg13[%get3A_2680, %get3A_2681] {strides = array<i32>} : memref<256x128xf32, #tpu.memory_space<vmem>>, vector<16xf32>,
      %get3A_2683 = arith.index_cast %add3A_2676 : i32 to index
      %get3A_2684 = arith.constant 32 : index
      %get3A_2685 = tpu.vector_load %arg12[%get3A_2683, %get3A_2684] {strides = array<i32>} : memref<256x128xf32, #tpu.memory_space<vmem>>, vector<16xf32>,
      %add3A_2686 = arith.addf %get3A_2679, %get3A_2682 : vector<16xf32>
      %sub3A_2687 = arith.subf %add3A_2686, %get3A_2685 : vector<16xf32>
      %abs3A_2688 = math.absf %sub3A_2687 : vector<16xf32>
      %add3A_2689 = arith.addf %add3A_2613, %abs3A_2688 : vector<16xf32>
      %add3A_2690 = arith.constant 0 : i32
      %add3A_2691 = arith.addi %mul3A_573, %add3A_2690 : i32
      %add3A_2692 = arith.constant 12 : i32
      %add3A_2693 = arith.addi %add3A_2691, %add3A_2692 : i32
      %add3A_2694 = arith.constant 2 : i32
      %add3A_2695 = arith.addi %add3A_2693, %add3A_2694 : i32
      %get3A_2696 = arith.index_cast %add3A_2695 : i32 to index
      %get3A_2697 = arith.constant 32 : index
      %get3A_2698 = tpu.vector_load %arg11[%get3A_2696, %get3A_2697] {strides = array<i32>} : memref<256x128xf32, #tpu.memory_space<vmem>>, vector<16xf32>,
      %get3A_2699 = arith.index_cast %add3A_2695 : i32 to index
      %get3A_2700 = arith.constant 32 : index
      %get3A_2701 = tpu.vector_load %arg13[%get3A_2699, %get3A_2700] {strides = array<i32>} : memref<256x128xf32, #tpu.memory_space<vmem>>, vector<16xf32>,
      %get3A_2702 = arith.index_cast %add3A_2695 : i32 to index
      %get3A_2703 = arith.constant 32 : index
      %get3A_2704 = tpu.vector_load %arg12[%get3A_2702, %get3A_2703] {strides = array<i32>} : memref<256x128xf32, #tpu.memory_space<vmem>>, vector<16xf32>,
      %add3A_2705 = arith.addf %get3A_2698, %get3A_2701 : vector<16xf32>
      %sub3A_2706 = arith.subf %add3A_2705, %get3A_2704 : vector<16xf32>
      %abs3A_2707 = math.absf %sub3A_2706 : vector<16xf32>
      %add3A_2708 = arith.addf %add3A_2632, %abs3A_2707 : vector<16xf32>
      %add3A_2709 = arith.constant 0 : i32
      %add3A_2710 = arith.addi %mul3A_573, %add3A_2709 : i32
      %add3A_2711 = arith.constant 12 : i32
      %add3A_2712 = arith.addi %add3A_2710, %add3A_2711 : i32
      %add3A_2713 = arith.constant 3 : i32
      %add3A_2714 = arith.addi %add3A_2712, %add3A_2713 : i32
      %get3A_2715 = arith.index_cast %add3A_2714 : i32 to index
      %get3A_2716 = arith.constant 32 : index
      %get3A_2717 = tpu.vector_load %arg11[%get3A_2715, %get3A_2716] {strides = array<i32>} : memref<256x128xf32, #tpu.memory_space<vmem>>, vector<16xf32>,
      %get3A_2718 = arith.index_cast %add3A_2714 : i32 to index
      %get3A_2719 = arith.constant 32 : index
      %get3A_2720 = tpu.vector_load %arg13[%get3A_2718, %get3A_2719] {strides = array<i32>} : memref<256x128xf32, #tpu.memory_space<vmem>>, vector<16xf32>,
      %get3A_2721 = arith.index_cast %add3A_2714 : i32 to index
      %get3A_2722 = arith.constant 32 : index
      %get3A_2723 = tpu.vector_load %arg12[%get3A_2721, %get3A_2722] {strides = array<i32>} : memref<256x128xf32, #tpu.memory_space<vmem>>, vector<16xf32>,
      %add3A_2724 = arith.addf %get3A_2717, %get3A_2720 : vector<16xf32>
      %sub3A_2725 = arith.subf %add3A_2724, %get3A_2723 : vector<16xf32>
      %abs3A_2726 = math.absf %sub3A_2725 : vector<16xf32>
      %add3A_2727 = arith.addf %add3A_2651, %abs3A_2726 : vector<16xf32>
      %add3A_2728 = arith.constant 0 : i32
      %add3A_2729 = arith.addi %mul3A_573, %add3A_2728 : i32
      %add3A_2730 = arith.constant 12 : i32
      %add3A_2731 = arith.addi %add3A_2729, %add3A_2730 : i32
      %add3A_2732 = arith.constant 0 : i32
      %add3A_2733 = arith.addi %add3A_2731, %add3A_2732 : i32
      %get3A_2734 = arith.index_cast %add3A_2733 : i32 to index
      %get3A_2735 = arith.constant 48 : index
      %get3A_2736 = tpu.vector_load %arg11[%get3A_2734, %get3A_2735] {strides = array<i32>} : memref<256x128xf32, #tpu.memory_space<vmem>>, vector<16xf32>,
      %get3A_2737 = arith.index_cast %add3A_2733 : i32 to index
      %get3A_2738 = arith.constant 48 : index
      %get3A_2739 = tpu.vector_load %arg13[%get3A_2737, %get3A_2738] {strides = array<i32>} : memref<256x128xf32, #tpu.memory_space<vmem>>, vector<16xf32>,
      %get3A_2740 = arith.index_cast %add3A_2733 : i32 to index
      %get3A_2741 = arith.constant 48 : index
      %get3A_2742 = tpu.vector_load %arg12[%get3A_2740, %get3A_2741] {strides = array<i32>} : memref<256x128xf32, #tpu.memory_space<vmem>>, vector<16xf32>,
      %add3A_2743 = arith.addf %get3A_2736, %get3A_2739 : vector<16xf32>
      %sub3A_2744 = arith.subf %add3A_2743, %get3A_2742 : vector<16xf32>
      %abs3A_2745 = math.absf %sub3A_2744 : vector<16xf32>
      %add3A_2746 = arith.addf %add3A_2670, %abs3A_2745 : vector<16xf32>
      %add3A_2747 = arith.constant 0 : i32
      %add3A_2748 = arith.addi %mul3A_573, %add3A_2747 : i32
      %add3A_2749 = arith.constant 12 : i32
      %add3A_2750 = arith.addi %add3A_2748, %add3A_2749 : i32
      %add3A_2751 = arith.constant 1 : i32
      %add3A_2752 = arith.addi %add3A_2750, %add3A_2751 : i32
      %get3A_2753 = arith.index_cast %add3A_2752 : i32 to index
      %get3A_2754 = arith.constant 48 : index
      %get3A_2755 = tpu.vector_load %arg11[%get3A_2753, %get3A_2754] {strides = array<i32>} : memref<256x128xf32, #tpu.memory_space<vmem>>, vector<16xf32>,
      %get3A_2756 = arith.index_cast %add3A_2752 : i32 to index
      %get3A_2757 = arith.constant 48 : index
      %get3A_2758 = tpu.vector_load %arg13[%get3A_2756, %get3A_2757] {strides = array<i32>} : memref<256x128xf32, #tpu.memory_space<vmem>>, vector<16xf32>,
      %get3A_2759 = arith.index_cast %add3A_2752 : i32 to index
      %get3A_2760 = arith.constant 48 : index
      %get3A_2761 = tpu.vector_load %arg12[%get3A_2759, %get3A_2760] {strides = array<i32>} : memref<256x128xf32, #tpu.memory_space<vmem>>, vector<16xf32>,
      %add3A_2762 = arith.addf %get3A_2755, %get3A_2758 : vector<16xf32>
      %sub3A_2763 = arith.subf %add3A_2762, %get3A_2761 : vector<16xf32>
      %abs3A_2764 = math.absf %sub3A_2763 : vector<16xf32>
      %add3A_2765 = arith.addf %add3A_2689, %abs3A_2764 : vector<16xf32>
      %add3A_2766 = arith.constant 0 : i32
      %add3A_2767 = arith.addi %mul3A_573, %add3A_2766 : i32
      %add3A_2768 = arith.constant 12 : i32
      %add3A_2769 = arith.addi %add3A_2767, %add3A_2768 : i32
      %add3A_2770 = arith.constant 2 : i32
      %add3A_2771 = arith.addi %add3A_2769, %add3A_2770 : i32
      %get3A_2772 = arith.index_cast %add3A_2771 : i32 to index
      %get3A_2773 = arith.constant 48 : index
      %get3A_2774 = tpu.vector_load %arg11[%get3A_2772, %get3A_2773] {strides = array<i32>} : memref<256x128xf32, #tpu.memory_space<vmem>>, vector<16xf32>,
      %get3A_2775 = arith.index_cast %add3A_2771 : i32 to index
      %get3A_2776 = arith.constant 48 : index
      %get3A_2777 = tpu.vector_load %arg13[%get3A_2775, %get3A_2776] {strides = array<i32>} : memref<256x128xf32, #tpu.memory_space<vmem>>, vector<16xf32>,
      %get3A_2778 = arith.index_cast %add3A_2771 : i32 to index
      %get3A_2779 = arith.constant 48 : index
      %get3A_2780 = tpu.vector_load %arg12[%get3A_2778, %get3A_2779] {strides = array<i32>} : memref<256x128xf32, #tpu.memory_space<vmem>>, vector<16xf32>,
      %add3A_2781 = arith.addf %get3A_2774, %get3A_2777 : vector<16xf32>
      %sub3A_2782 = arith.subf %add3A_2781, %get3A_2780 : vector<16xf32>
      %abs3A_2783 = math.absf %sub3A_2782 : vector<16xf32>
      %add3A_2784 = arith.addf %add3A_2708, %abs3A_2783 : vector<16xf32>
      %add3A_2785 = arith.constant 0 : i32
      %add3A_2786 = arith.addi %mul3A_573, %add3A_2785 : i32
      %add3A_2787 = arith.constant 12 : i32
      %add3A_2788 = arith.addi %add3A_2786, %add3A_2787 : i32
      %add3A_2789 = arith.constant 3 : i32
      %add3A_2790 = arith.addi %add3A_2788, %add3A_2789 : i32
      %get3A_2791 = arith.index_cast %add3A_2790 : i32 to index
      %get3A_2792 = arith.constant 48 : index
      %get3A_2793 = tpu.vector_load %arg11[%get3A_2791, %get3A_2792] {strides = array<i32>} : memref<256x128xf32, #tpu.memory_space<vmem>>, vector<16xf32>,
      %get3A_2794 = arith.index_cast %add3A_2790 : i32 to index
      %get3A_2795 = arith.constant 48 : index
      %get3A_2796 = tpu.vector_load %arg13[%get3A_2794, %get3A_2795] {strides = array<i32>} : memref<256x128xf32, #tpu.memory_space<vmem>>, vector<16xf32>,
      %get3A_2797 = arith.index_cast %add3A_2790 : i32 to index
      %get3A_2798 = arith.constant 48 : index
      %get3A_2799 = tpu.vector_load %arg12[%get3A_2797, %get3A_2798] {strides = array<i32>} : memref<256x128xf32, #tpu.memory_space<vmem>>, vector<16xf32>,
      %add3A_2800 = arith.addf %get3A_2793, %get3A_2796 : vector<16xf32>
      %sub3A_2801 = arith.subf %add3A_2800, %get3A_2799 : vector<16xf32>
      %abs3A_2802 = math.absf %sub3A_2801 : vector<16xf32>
      %add3A_2803 = arith.addf %add3A_2727, %abs3A_2802 : vector<16xf32>
      %add3A_2804 = arith.constant 0 : i32
      %add3A_2805 = arith.addi %mul3A_573, %add3A_2804 : i32
      %add3A_2806 = arith.constant 12 : i32
      %add3A_2807 = arith.addi %add3A_2805, %add3A_2806 : i32
      %add3A_2808 = arith.constant 0 : i32
      %add3A_2809 = arith.addi %add3A_2807, %add3A_2808 : i32
      %get3A_2810 = arith.index_cast %add3A_2809 : i32 to index
      %get3A_2811 = arith.constant 64 : index
      %get3A_2812 = tpu.vector_load %arg11[%get3A_2810, %get3A_2811] {strides = array<i32>} : memref<256x128xf32, #tpu.memory_space<vmem>>, vector<16xf32>,
      %get3A_2813 = arith.index_cast %add3A_2809 : i32 to index
      %get3A_2814 = arith.constant 64 : index
      %get3A_2815 = tpu.vector_load %arg13[%get3A_2813, %get3A_2814] {strides = array<i32>} : memref<256x128xf32, #tpu.memory_space<vmem>>, vector<16xf32>,
      %get3A_2816 = arith.index_cast %add3A_2809 : i32 to index
      %get3A_2817 = arith.constant 64 : index
      %get3A_2818 = tpu.vector_load %arg12[%get3A_2816, %get3A_2817] {strides = array<i32>} : memref<256x128xf32, #tpu.memory_space<vmem>>, vector<16xf32>,
      %add3A_2819 = arith.addf %get3A_2812, %get3A_2815 : vector<16xf32>
      %sub3A_2820 = arith.subf %add3A_2819, %get3A_2818 : vector<16xf32>
      %abs3A_2821 = math.absf %sub3A_2820 : vector<16xf32>
      %add3A_2822 = arith.addf %add3A_2746, %abs3A_2821 : vector<16xf32>
      %add3A_2823 = arith.constant 0 : i32
      %add3A_2824 = arith.addi %mul3A_573, %add3A_2823 : i32
      %add3A_2825 = arith.constant 12 : i32
      %add3A_2826 = arith.addi %add3A_2824, %add3A_2825 : i32
      %add3A_2827 = arith.constant 1 : i32
      %add3A_2828 = arith.addi %add3A_2826, %add3A_2827 : i32
      %get3A_2829 = arith.index_cast %add3A_2828 : i32 to index
      %get3A_2830 = arith.constant 64 : index
      %get3A_2831 = tpu.vector_load %arg11[%get3A_2829, %get3A_2830] {strides = array<i32>} : memref<256x128xf32, #tpu.memory_space<vmem>>, vector<16xf32>,
      %get3A_2832 = arith.index_cast %add3A_2828 : i32 to index
      %get3A_2833 = arith.constant 64 : index
      %get3A_2834 = tpu.vector_load %arg13[%get3A_2832, %get3A_2833] {strides = array<i32>} : memref<256x128xf32, #tpu.memory_space<vmem>>, vector<16xf32>,
      %get3A_2835 = arith.index_cast %add3A_2828 : i32 to index
      %get3A_2836 = arith.constant 64 : index
      %get3A_2837 = tpu.vector_load %arg12[%get3A_2835, %get3A_2836] {strides = array<i32>} : memref<256x128xf32, #tpu.memory_space<vmem>>, vector<16xf32>,
      %add3A_2838 = arith.addf %get3A_2831, %get3A_2834 : vector<16xf32>
      %sub3A_2839 = arith.subf %add3A_2838, %get3A_2837 : vector<16xf32>
      %abs3A_2840 = math.absf %sub3A_2839 : vector<16xf32>
      %add3A_2841 = arith.addf %add3A_2765, %abs3A_2840 : vector<16xf32>
      %add3A_2842 = arith.constant 0 : i32
      %add3A_2843 = arith.addi %mul3A_573, %add3A_2842 : i32
      %add3A_2844 = arith.constant 12 : i32
      %add3A_2845 = arith.addi %add3A_2843, %add3A_2844 : i32
      %add3A_2846 = arith.constant 2 : i32
      %add3A_2847 = arith.addi %add3A_2845, %add3A_2846 : i32
      %get3A_2848 = arith.index_cast %add3A_2847 : i32 to index
      %get3A_2849 = arith.constant 64 : index
      %get3A_2850 = tpu.vector_load %arg11[%get3A_2848, %get3A_2849] {strides = array<i32>} : memref<256x128xf32, #tpu.memory_space<vmem>>, vector<16xf32>,
      %get3A_2851 = arith.index_cast %add3A_2847 : i32 to index
      %get3A_2852 = arith.constant 64 : index
      %get3A_2853 = tpu.vector_load %arg13[%get3A_2851, %get3A_2852] {strides = array<i32>} : memref<256x128xf32, #tpu.memory_space<vmem>>, vector<16xf32>,
      %get3A_2854 = arith.index_cast %add3A_2847 : i32 to index
      %get3A_2855 = arith.constant 64 : index
      %get3A_2856 = tpu.vector_load %arg12[%get3A_2854, %get3A_2855] {strides = array<i32>} : memref<256x128xf32, #tpu.memory_space<vmem>>, vector<16xf32>,
      %add3A_2857 = arith.addf %get3A_2850, %get3A_2853 : vector<16xf32>
      %sub3A_2858 = arith.subf %add3A_2857, %get3A_2856 : vector<16xf32>
      %abs3A_2859 = math.absf %sub3A_2858 : vector<16xf32>
      %add3A_2860 = arith.addf %add3A_2784, %abs3A_2859 : vector<16xf32>
      %add3A_2861 = arith.constant 0 : i32
      %add3A_2862 = arith.addi %mul3A_573, %add3A_2861 : i32
      %add3A_2863 = arith.constant 12 : i32
      %add3A_2864 = arith.addi %add3A_2862, %add3A_2863 : i32
      %add3A_2865 = arith.constant 3 : i32
      %add3A_2866 = arith.addi %add3A_2864, %add3A_2865 : i32
      %get3A_2867 = arith.index_cast %add3A_2866 : i32 to index
      %get3A_2868 = arith.constant 64 : index
      %get3A_2869 = tpu.vector_load %arg11[%get3A_2867, %get3A_2868] {strides = array<i32>} : memref<256x128xf32, #tpu.memory_space<vmem>>, vector<16xf32>,
      %get3A_2870 = arith.index_cast %add3A_2866 : i32 to index
      %get3A_2871 = arith.constant 64 : index
      %get3A_2872 = tpu.vector_load %arg13[%get3A_2870, %get3A_2871] {strides = array<i32>} : memref<256x128xf32, #tpu.memory_space<vmem>>, vector<16xf32>,
      %get3A_2873 = arith.index_cast %add3A_2866 : i32 to index
      %get3A_2874 = arith.constant 64 : index
      %get3A_2875 = tpu.vector_load %arg12[%get3A_2873, %get3A_2874] {strides = array<i32>} : memref<256x128xf32, #tpu.memory_space<vmem>>, vector<16xf32>,
      %add3A_2876 = arith.addf %get3A_2869, %get3A_2872 : vector<16xf32>
      %sub3A_2877 = arith.subf %add3A_2876, %get3A_2875 : vector<16xf32>
      %abs3A_2878 = math.absf %sub3A_2877 : vector<16xf32>
      %add3A_2879 = arith.addf %add3A_2803, %abs3A_2878 : vector<16xf32>
      %add3A_2880 = arith.constant 0 : i32
      %add3A_2881 = arith.addi %mul3A_573, %add3A_2880 : i32
      %add3A_2882 = arith.constant 12 : i32
      %add3A_2883 = arith.addi %add3A_2881, %add3A_2882 : i32
      %add3A_2884 = arith.constant 0 : i32
      %add3A_2885 = arith.addi %add3A_2883, %add3A_2884 : i32
      %get3A_2886 = arith.index_cast %add3A_2885 : i32 to index
      %get3A_2887 = arith.constant 80 : index
      %get3A_2888 = tpu.vector_load %arg11[%get3A_2886, %get3A_2887] {strides = array<i32>} : memref<256x128xf32, #tpu.memory_space<vmem>>, vector<16xf32>,
      %get3A_2889 = arith.index_cast %add3A_2885 : i32 to index
      %get3A_2890 = arith.constant 80 : index
      %get3A_2891 = tpu.vector_load %arg13[%get3A_2889, %get3A_2890] {strides = array<i32>} : memref<256x128xf32, #tpu.memory_space<vmem>>, vector<16xf32>,
      %get3A_2892 = arith.index_cast %add3A_2885 : i32 to index
      %get3A_2893 = arith.constant 80 : index
      %get3A_2894 = tpu.vector_load %arg12[%get3A_2892, %get3A_2893] {strides = array<i32>} : memref<256x128xf32, #tpu.memory_space<vmem>>, vector<16xf32>,
      %add3A_2895 = arith.addf %get3A_2888, %get3A_2891 : vector<16xf32>
      %sub3A_2896 = arith.subf %add3A_2895, %get3A_2894 : vector<16xf32>
      %abs3A_2897 = math.absf %sub3A_2896 : vector<16xf32>
      %add3A_2898 = arith.addf %add3A_2822, %abs3A_2897 : vector<16xf32>
      %add3A_2899 = arith.constant 0 : i32
      %add3A_2900 = arith.addi %mul3A_573, %add3A_2899 : i32
      %add3A_2901 = arith.constant 12 : i32
      %add3A_2902 = arith.addi %add3A_2900, %add3A_2901 : i32
      %add3A_2903 = arith.constant 1 : i32
      %add3A_2904 = arith.addi %add3A_2902, %add3A_2903 : i32
      %get3A_2905 = arith.index_cast %add3A_2904 : i32 to index
      %get3A_2906 = arith.constant 80 : index
      %get3A_2907 = tpu.vector_load %arg11[%get3A_2905, %get3A_2906] {strides = array<i32>} : memref<256x128xf32, #tpu.memory_space<vmem>>, vector<16xf32>,
      %get3A_2908 = arith.index_cast %add3A_2904 : i32 to index
      %get3A_2909 = arith.constant 80 : index
      %get3A_2910 = tpu.vector_load %arg13[%get3A_2908, %get3A_2909] {strides = array<i32>} : memref<256x128xf32, #tpu.memory_space<vmem>>, vector<16xf32>,
      %get3A_2911 = arith.index_cast %add3A_2904 : i32 to index
      %get3A_2912 = arith.constant 80 : index
      %get3A_2913 = tpu.vector_load %arg12[%get3A_2911, %get3A_2912] {strides = array<i32>} : memref<256x128xf32, #tpu.memory_space<vmem>>, vector<16xf32>,
      %add3A_2914 = arith.addf %get3A_2907, %get3A_2910 : vector<16xf32>
      %sub3A_2915 = arith.subf %add3A_2914, %get3A_2913 : vector<16xf32>
      %abs3A_2916 = math.absf %sub3A_2915 : vector<16xf32>
      %add3A_2917 = arith.addf %add3A_2841, %abs3A_2916 : vector<16xf32>
      %add3A_2918 = arith.constant 0 : i32
      %add3A_2919 = arith.addi %mul3A_573, %add3A_2918 : i32
      %add3A_2920 = arith.constant 12 : i32
      %add3A_2921 = arith.addi %add3A_2919, %add3A_2920 : i32
      %add3A_2922 = arith.constant 2 : i32
      %add3A_2923 = arith.addi %add3A_2921, %add3A_2922 : i32
      %get3A_2924 = arith.index_cast %add3A_2923 : i32 to index
      %get3A_2925 = arith.constant 80 : index
      %get3A_2926 = tpu.vector_load %arg11[%get3A_2924, %get3A_2925] {strides = array<i32>} : memref<256x128xf32, #tpu.memory_space<vmem>>, vector<16xf32>,
      %get3A_2927 = arith.index_cast %add3A_2923 : i32 to index
      %get3A_2928 = arith.constant 80 : index
      %get3A_2929 = tpu.vector_load %arg13[%get3A_2927, %get3A_2928] {strides = array<i32>} : memref<256x128xf32, #tpu.memory_space<vmem>>, vector<16xf32>,
      %get3A_2930 = arith.index_cast %add3A_2923 : i32 to index
      %get3A_2931 = arith.constant 80 : index
      %get3A_2932 = tpu.vector_load %arg12[%get3A_2930, %get3A_2931] {strides = array<i32>} : memref<256x128xf32, #tpu.memory_space<vmem>>, vector<16xf32>,
      %add3A_2933 = arith.addf %get3A_2926, %get3A_2929 : vector<16xf32>
      %sub3A_2934 = arith.subf %add3A_2933, %get3A_2932 : vector<16xf32>
      %abs3A_2935 = math.absf %sub3A_2934 : vector<16xf32>
      %add3A_2936 = arith.addf %add3A_2860, %abs3A_2935 : vector<16xf32>
      %add3A_2937 = arith.constant 0 : i32
      %add3A_2938 = arith.addi %mul3A_573, %add3A_2937 : i32
      %add3A_2939 = arith.constant 12 : i32
      %add3A_2940 = arith.addi %add3A_2938, %add3A_2939 : i32
      %add3A_2941 = arith.constant 3 : i32
      %add3A_2942 = arith.addi %add3A_2940, %add3A_2941 : i32
      %get3A_2943 = arith.index_cast %add3A_2942 : i32 to index
      %get3A_2944 = arith.constant 80 : index
      %get3A_2945 = tpu.vector_load %arg11[%get3A_2943, %get3A_2944] {strides = array<i32>} : memref<256x128xf32, #tpu.memory_space<vmem>>, vector<16xf32>,
      %get3A_2946 = arith.index_cast %add3A_2942 : i32 to index
      %get3A_2947 = arith.constant 80 : index
      %get3A_2948 = tpu.vector_load %arg13[%get3A_2946, %get3A_2947] {strides = array<i32>} : memref<256x128xf32, #tpu.memory_space<vmem>>, vector<16xf32>,
      %get3A_2949 = arith.index_cast %add3A_2942 : i32 to index
      %get3A_2950 = arith.constant 80 : index
      %get3A_2951 = tpu.vector_load %arg12[%get3A_2949, %get3A_2950] {strides = array<i32>} : memref<256x128xf32, #tpu.memory_space<vmem>>, vector<16xf32>,
      %add3A_2952 = arith.addf %get3A_2945, %get3A_2948 : vector<16xf32>
      %sub3A_2953 = arith.subf %add3A_2952, %get3A_2951 : vector<16xf32>
      %abs3A_2954 = math.absf %sub3A_2953 : vector<16xf32>
      %add3A_2955 = arith.addf %add3A_2879, %abs3A_2954 : vector<16xf32>
      %add3A_2956 = arith.constant 0 : i32
      %add3A_2957 = arith.addi %mul3A_573, %add3A_2956 : i32
      %add3A_2958 = arith.constant 12 : i32
      %add3A_2959 = arith.addi %add3A_2957, %add3A_2958 : i32
      %add3A_2960 = arith.constant 0 : i32
      %add3A_2961 = arith.addi %add3A_2959, %add3A_2960 : i32
      %get3A_2962 = arith.index_cast %add3A_2961 : i32 to index
      %get3A_2963 = arith.constant 96 : index
      %get3A_2964 = tpu.vector_load %arg11[%get3A_2962, %get3A_2963] {strides = array<i32>} : memref<256x128xf32, #tpu.memory_space<vmem>>, vector<16xf32>,
      %get3A_2965 = arith.index_cast %add3A_2961 : i32 to index
      %get3A_2966 = arith.constant 96 : index
      %get3A_2967 = tpu.vector_load %arg13[%get3A_2965, %get3A_2966] {strides = array<i32>} : memref<256x128xf32, #tpu.memory_space<vmem>>, vector<16xf32>,
      %get3A_2968 = arith.index_cast %add3A_2961 : i32 to index
      %get3A_2969 = arith.constant 96 : index
      %get3A_2970 = tpu.vector_load %arg12[%get3A_2968, %get3A_2969] {strides = array<i32>} : memref<256x128xf32, #tpu.memory_space<vmem>>, vector<16xf32>,
      %add3A_2971 = arith.addf %get3A_2964, %get3A_2967 : vector<16xf32>
      %sub3A_2972 = arith.subf %add3A_2971, %get3A_2970 : vector<16xf32>
      %abs3A_2973 = math.absf %sub3A_2972 : vector<16xf32>
      %add3A_2974 = arith.addf %add3A_2898, %abs3A_2973 : vector<16xf32>
      %add3A_2975 = arith.constant 0 : i32
      %add3A_2976 = arith.addi %mul3A_573, %add3A_2975 : i32
      %add3A_2977 = arith.constant 12 : i32
      %add3A_2978 = arith.addi %add3A_2976, %add3A_2977 : i32
      %add3A_2979 = arith.constant 1 : i32
      %add3A_2980 = arith.addi %add3A_2978, %add3A_2979 : i32
      %get3A_2981 = arith.index_cast %add3A_2980 : i32 to index
      %get3A_2982 = arith.constant 96 : index
      %get3A_2983 = tpu.vector_load %arg11[%get3A_2981, %get3A_2982] {strides = array<i32>} : memref<256x128xf32, #tpu.memory_space<vmem>>, vector<16xf32>,
      %get3A_2984 = arith.index_cast %add3A_2980 : i32 to index
      %get3A_2985 = arith.constant 96 : index
      %get3A_2986 = tpu.vector_load %arg13[%get3A_2984, %get3A_2985] {strides = array<i32>} : memref<256x128xf32, #tpu.memory_space<vmem>>, vector<16xf32>,
      %get3A_2987 = arith.index_cast %add3A_2980 : i32 to index
      %get3A_2988 = arith.constant 96 : index
      %get3A_2989 = tpu.vector_load %arg12[%get3A_2987, %get3A_2988] {strides = array<i32>} : memref<256x128xf32, #tpu.memory_space<vmem>>, vector<16xf32>,
      %add3A_2990 = arith.addf %get3A_2983, %get3A_2986 : vector<16xf32>
      %sub3A_2991 = arith.subf %add3A_2990, %get3A_2989 : vector<16xf32>
      %abs3A_2992 = math.absf %sub3A_2991 : vector<16xf32>
      %add3A_2993 = arith.addf %add3A_2917, %abs3A_2992 : vector<16xf32>
      %add3A_2994 = arith.constant 0 : i32
      %add3A_2995 = arith.addi %mul3A_573, %add3A_2994 : i32
      %add3A_2996 = arith.constant 12 : i32
      %add3A_2997 = arith.addi %add3A_2995, %add3A_2996 : i32
      %add3A_2998 = arith.constant 2 : i32
      %add3A_2999 = arith.addi %add3A_2997, %add3A_2998 : i32
      %get3A_3000 = arith.index_cast %add3A_2999 : i32 to index
      %get3A_3001 = arith.constant 96 : index
      %get3A_3002 = tpu.vector_load %arg11[%get3A_3000, %get3A_3001] {strides = array<i32>} : memref<256x128xf32, #tpu.memory_space<vmem>>, vector<16xf32>,
      %get3A_3003 = arith.index_cast %add3A_2999 : i32 to index
      %get3A_3004 = arith.constant 96 : index
      %get3A_3005 = tpu.vector_load %arg13[%get3A_3003, %get3A_3004] {strides = array<i32>} : memref<256x128xf32, #tpu.memory_space<vmem>>, vector<16xf32>,
      %get3A_3006 = arith.index_cast %add3A_2999 : i32 to index
      %get3A_3007 = arith.constant 96 : index
      %get3A_3008 = tpu.vector_load %arg12[%get3A_3006, %get3A_3007] {strides = array<i32>} : memref<256x128xf32, #tpu.memory_space<vmem>>, vector<16xf32>,
      %add3A_3009 = arith.addf %get3A_3002, %get3A_3005 : vector<16xf32>
      %sub3A_3010 = arith.subf %add3A_3009, %get3A_3008 : vector<16xf32>
      %abs3A_3011 = math.absf %sub3A_3010 : vector<16xf32>
      %add3A_3012 = arith.addf %add3A_2936, %abs3A_3011 : vector<16xf32>
      %add3A_3013 = arith.constant 0 : i32
      %add3A_3014 = arith.addi %mul3A_573, %add3A_3013 : i32
      %add3A_3015 = arith.constant 12 : i32
      %add3A_3016 = arith.addi %add3A_3014, %add3A_3015 : i32
      %add3A_3017 = arith.constant 3 : i32
      %add3A_3018 = arith.addi %add3A_3016, %add3A_3017 : i32
      %get3A_3019 = arith.index_cast %add3A_3018 : i32 to index
      %get3A_3020 = arith.constant 96 : index
      %get3A_3021 = tpu.vector_load %arg11[%get3A_3019, %get3A_3020] {strides = array<i32>} : memref<256x128xf32, #tpu.memory_space<vmem>>, vector<16xf32>,
      %get3A_3022 = arith.index_cast %add3A_3018 : i32 to index
      %get3A_3023 = arith.constant 96 : index
      %get3A_3024 = tpu.vector_load %arg13[%get3A_3022, %get3A_3023] {strides = array<i32>} : memref<256x128xf32, #tpu.memory_space<vmem>>, vector<16xf32>,
      %get3A_3025 = arith.index_cast %add3A_3018 : i32 to index
      %get3A_3026 = arith.constant 96 : index
      %get3A_3027 = tpu.vector_load %arg12[%get3A_3025, %get3A_3026] {strides = array<i32>} : memref<256x128xf32, #tpu.memory_space<vmem>>, vector<16xf32>,
      %add3A_3028 = arith.addf %get3A_3021, %get3A_3024 : vector<16xf32>
      %sub3A_3029 = arith.subf %add3A_3028, %get3A_3027 : vector<16xf32>
      %abs3A_3030 = math.absf %sub3A_3029 : vector<16xf32>
      %add3A_3031 = arith.addf %add3A_2955, %abs3A_3030 : vector<16xf32>
      %add3A_3032 = arith.constant 0 : i32
      %add3A_3033 = arith.addi %mul3A_573, %add3A_3032 : i32
      %add3A_3034 = arith.constant 12 : i32
      %add3A_3035 = arith.addi %add3A_3033, %add3A_3034 : i32
      %add3A_3036 = arith.constant 0 : i32
      %add3A_3037 = arith.addi %add3A_3035, %add3A_3036 : i32
      %get3A_3038 = arith.index_cast %add3A_3037 : i32 to index
      %get3A_3039 = arith.constant 112 : index
      %get3A_3040 = tpu.vector_load %arg11[%get3A_3038, %get3A_3039] {strides = array<i32>} : memref<256x128xf32, #tpu.memory_space<vmem>>, vector<16xf32>,
      %get3A_3041 = arith.index_cast %add3A_3037 : i32 to index
      %get3A_3042 = arith.constant 112 : index
      %get3A_3043 = tpu.vector_load %arg13[%get3A_3041, %get3A_3042] {strides = array<i32>} : memref<256x128xf32, #tpu.memory_space<vmem>>, vector<16xf32>,
      %get3A_3044 = arith.index_cast %add3A_3037 : i32 to index
      %get3A_3045 = arith.constant 112 : index
      %get3A_3046 = tpu.vector_load %arg12[%get3A_3044, %get3A_3045] {strides = array<i32>} : memref<256x128xf32, #tpu.memory_space<vmem>>, vector<16xf32>,
      %add3A_3047 = arith.addf %get3A_3040, %get3A_3043 : vector<16xf32>
      %sub3A_3048 = arith.subf %add3A_3047, %get3A_3046 : vector<16xf32>
      %abs3A_3049 = math.absf %sub3A_3048 : vector<16xf32>
      %add3A_3050 = arith.addf %add3A_2974, %abs3A_3049 : vector<16xf32>
      %add3A_3051 = arith.constant 0 : i32
      %add3A_3052 = arith.addi %mul3A_573, %add3A_3051 : i32
      %add3A_3053 = arith.constant 12 : i32
      %add3A_3054 = arith.addi %add3A_3052, %add3A_3053 : i32
      %add3A_3055 = arith.constant 1 : i32
      %add3A_3056 = arith.addi %add3A_3054, %add3A_3055 : i32
      %get3A_3057 = arith.index_cast %add3A_3056 : i32 to index
      %get3A_3058 = arith.constant 112 : index
      %get3A_3059 = tpu.vector_load %arg11[%get3A_3057, %get3A_3058] {strides = array<i32>} : memref<256x128xf32, #tpu.memory_space<vmem>>, vector<16xf32>,
      %get3A_3060 = arith.index_cast %add3A_3056 : i32 to index
      %get3A_3061 = arith.constant 112 : index
      %get3A_3062 = tpu.vector_load %arg13[%get3A_3060, %get3A_3061] {strides = array<i32>} : memref<256x128xf32, #tpu.memory_space<vmem>>, vector<16xf32>,
      %get3A_3063 = arith.index_cast %add3A_3056 : i32 to index
      %get3A_3064 = arith.constant 112 : index
      %get3A_3065 = tpu.vector_load %arg12[%get3A_3063, %get3A_3064] {strides = array<i32>} : memref<256x128xf32, #tpu.memory_space<vmem>>, vector<16xf32>,
      %add3A_3066 = arith.addf %get3A_3059, %get3A_3062 : vector<16xf32>
      %sub3A_3067 = arith.subf %add3A_3066, %get3A_3065 : vector<16xf32>
      %abs3A_3068 = math.absf %sub3A_3067 : vector<16xf32>
      %add3A_3069 = arith.addf %add3A_2993, %abs3A_3068 : vector<16xf32>
      %add3A_3070 = arith.constant 0 : i32
      %add3A_3071 = arith.addi %mul3A_573, %add3A_3070 : i32
      %add3A_3072 = arith.constant 12 : i32
      %add3A_3073 = arith.addi %add3A_3071, %add3A_3072 : i32
      %add3A_3074 = arith.constant 2 : i32
      %add3A_3075 = arith.addi %add3A_3073, %add3A_3074 : i32
      %get3A_3076 = arith.index_cast %add3A_3075 : i32 to index
      %get3A_3077 = arith.constant 112 : index
      %get3A_3078 = tpu.vector_load %arg11[%get3A_3076, %get3A_3077] {strides = array<i32>} : memref<256x128xf32, #tpu.memory_space<vmem>>, vector<16xf32>,
      %get3A_3079 = arith.index_cast %add3A_3075 : i32 to index
      %get3A_3080 = arith.constant 112 : index
      %get3A_3081 = tpu.vector_load %arg13[%get3A_3079, %get3A_3080] {strides = array<i32>} : memref<256x128xf32, #tpu.memory_space<vmem>>, vector<16xf32>,
      %get3A_3082 = arith.index_cast %add3A_3075 : i32 to index
      %get3A_3083 = arith.constant 112 : index
      %get3A_3084 = tpu.vector_load %arg12[%get3A_3082, %get3A_3083] {strides = array<i32>} : memref<256x128xf32, #tpu.memory_space<vmem>>, vector<16xf32>,
      %add3A_3085 = arith.addf %get3A_3078, %get3A_3081 : vector<16xf32>
      %sub3A_3086 = arith.subf %add3A_3085, %get3A_3084 : vector<16xf32>
      %abs3A_3087 = math.absf %sub3A_3086 : vector<16xf32>
      %add3A_3088 = arith.addf %add3A_3012, %abs3A_3087 : vector<16xf32>
      %add3A_3089 = arith.constant 0 : i32
      %add3A_3090 = arith.addi %mul3A_573, %add3A_3089 : i32
      %add3A_3091 = arith.constant 12 : i32
      %add3A_3092 = arith.addi %add3A_3090, %add3A_3091 : i32
      %add3A_3093 = arith.constant 3 : i32
      %add3A_3094 = arith.addi %add3A_3092, %add3A_3093 : i32
      %get3A_3095 = arith.index_cast %add3A_3094 : i32 to index
      %get3A_3096 = arith.constant 112 : index
      %get3A_3097 = tpu.vector_load %arg11[%get3A_3095, %get3A_3096] {strides = array<i32>} : memref<256x128xf32, #tpu.memory_space<vmem>>, vector<16xf32>,
      %get3A_3098 = arith.index_cast %add3A_3094 : i32 to index
      %get3A_3099 = arith.constant 112 : index
      %get3A_3100 = tpu.vector_load %arg13[%get3A_3098, %get3A_3099] {strides = array<i32>} : memref<256x128xf32, #tpu.memory_space<vmem>>, vector<16xf32>,
      %get3A_3101 = arith.index_cast %add3A_3094 : i32 to index
      %get3A_3102 = arith.constant 112 : index
      %get3A_3103 = tpu.vector_load %arg12[%get3A_3101, %get3A_3102] {strides = array<i32>} : memref<256x128xf32, #tpu.memory_space<vmem>>, vector<16xf32>,
      %add3A_3104 = arith.addf %get3A_3097, %get3A_3100 : vector<16xf32>
      %sub3A_3105 = arith.subf %add3A_3104, %get3A_3103 : vector<16xf32>
      %abs3A_3106 = math.absf %sub3A_3105 : vector<16xf32>
      %add3A_3107 = arith.addf %add3A_3031, %abs3A_3106 : vector<16xf32>
      %broadcast_in_dim3A_3108 = arith.constant 12 : i32
      %broadcast_in_dim3A_3109 = vector.broadcast %broadcast_in_dim3A_3108 : i32 to vector<16xi32>
      %mul3A_3110 = arith.constant 16 : i32
      %mul3A_3111 = vector.broadcast %mul3A_3110 : i32 to vector<16xi32>
      %mul3A_3112 = arith.muli %iota3A, %mul3A_3111 : vector<16xi32>
      %add3A_3113 = arith.addi %mul3A_3112, %broadcast_in_dim3A_3109 : vector<16xi32>
      tpu.vector_store_idx %arg15[%add3A_3113], %add3A_3050 : memref<256xf32, #tpu.memory_space<vmem>>[vector<16xi32>], vector<16xf32>,
      %broadcast_in_dim3A_3114 = arith.constant 13 : i32
      %broadcast_in_dim3A_3115 = vector.broadcast %broadcast_in_dim3A_3114 : i32 to vector<16xi32>
      %mul3A_3116 = arith.constant 16 : i32
      %mul3A_3117 = vector.broadcast %mul3A_3116 : i32 to vector<16xi32>
      %mul3A_3118 = arith.muli %iota3A, %mul3A_3117 : vector<16xi32>
      %add3A_3119 = arith.addi %mul3A_3118, %broadcast_in_dim3A_3115 : vector<16xi32>
      tpu.vector_store_idx %arg15[%add3A_3119], %add3A_3069 : memref<256xf32, #tpu.memory_space<vmem>>[vector<16xi32>], vector<16xf32>,
      %broadcast_in_dim3A_3120 = arith.constant 14 : i32
      %broadcast_in_dim3A_3121 = vector.broadcast %broadcast_in_dim3A_3120 : i32 to vector<16xi32>
      %mul3A_3122 = arith.constant 16 : i32
      %mul3A_3123 = vector.broadcast %mul3A_3122 : i32 to vector<16xi32>
      %mul3A_3124 = arith.muli %iota3A, %mul3A_3123 : vector<16xi32>
      %add3A_3125 = arith.addi %mul3A_3124, %broadcast_in_dim3A_3121 : vector<16xi32>
      tpu.vector_store_idx %arg15[%add3A_3125], %add3A_3088 : memref<256xf32, #tpu.memory_space<vmem>>[vector<16xi32>], vector<16xf32>,
      %broadcast_in_dim3A_3126 = arith.constant 15 : i32
      %broadcast_in_dim3A_3127 = vector.broadcast %broadcast_in_dim3A_3126 : i32 to vector<16xi32>
      %mul3A_3128 = arith.constant 16 : i32
      %mul3A_3129 = vector.broadcast %mul3A_3128 : i32 to vector<16xi32>
      %mul3A_3130 = arith.muli %iota3A, %mul3A_3129 : vector<16xi32>
      %add3A_3131 = arith.addi %mul3A_3130, %broadcast_in_dim3A_3127 : vector<16xi32>
      tpu.vector_store_idx %arg15[%add3A_3131], %add3A_3107 : memref<256xf32, #tpu.memory_space<vmem>>[vector<16xi32>], vector<16xf32>,
      %get3A_3132 = arith.constant 0 : index
      %get3A_3133 = tpu.vector_load %arg15[%get3A_3132] {strides = array<i32>} : memref<256xf32, #tpu.memory_space<vmem>>, vector<16xf32>,
      %get3A_3134 = arith.constant 16 : index
      %get3A_3135 = tpu.vector_load %arg15[%get3A_3134] {strides = array<i32>} : memref<256xf32, #tpu.memory_space<vmem>>, vector<16xf32>,
      %get3A_3136 = arith.constant 32 : index
      %get3A_3137 = tpu.vector_load %arg15[%get3A_3136] {strides = array<i32>} : memref<256xf32, #tpu.memory_space<vmem>>, vector<16xf32>,
      %get3A_3138 = arith.constant 48 : index
      %get3A_3139 = tpu.vector_load %arg15[%get3A_3138] {strides = array<i32>} : memref<256xf32, #tpu.memory_space<vmem>>, vector<16xf32>,
      %get3A_3140 = arith.constant 64 : index
      %get3A_3141 = tpu.vector_load %arg15[%get3A_3140] {strides = array<i32>} : memref<256xf32, #tpu.memory_space<vmem>>, vector<16xf32>,
      %get3A_3142 = arith.constant 80 : index
      %get3A_3143 = tpu.vector_load %arg15[%get3A_3142] {strides = array<i32>} : memref<256xf32, #tpu.memory_space<vmem>>, vector<16xf32>,
      %get3A_3144 = arith.constant 96 : index
      %get3A_3145 = tpu.vector_load %arg15[%get3A_3144] {strides = array<i32>} : memref<256xf32, #tpu.memory_space<vmem>>, vector<16xf32>,
      %get3A_3146 = arith.constant 112 : index
      %get3A_3147 = tpu.vector_load %arg15[%get3A_3146] {strides = array<i32>} : memref<256xf32, #tpu.memory_space<vmem>>, vector<16xf32>,
      %get3A_3148 = arith.constant 128 : index
      %get3A_3149 = tpu.vector_load %arg15[%get3A_3148] {strides = array<i32>} : memref<256xf32, #tpu.memory_space<vmem>>, vector<16xf32>,
      %get3A_3150 = arith.constant 144 : index
      %get3A_3151 = tpu.vector_load %arg15[%get3A_3150] {strides = array<i32>} : memref<256xf32, #tpu.memory_space<vmem>>, vector<16xf32>,
      %get3A_3152 = arith.constant 160 : index
      %get3A_3153 = tpu.vector_load %arg15[%get3A_3152] {strides = array<i32>} : memref<256xf32, #tpu.memory_space<vmem>>, vector<16xf32>,
      %get3A_3154 = arith.constant 176 : index
      %get3A_3155 = tpu.vector_load %arg15[%get3A_3154] {strides = array<i32>} : memref<256xf32, #tpu.memory_space<vmem>>, vector<16xf32>,
      %get3A_3156 = arith.constant 192 : index
      %get3A_3157 = tpu.vector_load %arg15[%get3A_3156] {strides = array<i32>} : memref<256xf32, #tpu.memory_space<vmem>>, vector<16xf32>,
      %get3A_3158 = arith.constant 208 : index
      %get3A_3159 = tpu.vector_load %arg15[%get3A_3158] {strides = array<i32>} : memref<256xf32, #tpu.memory_space<vmem>>, vector<16xf32>,
      %get3A_3160 = arith.constant 224 : index
      %get3A_3161 = tpu.vector_load %arg15[%get3A_3160] {strides = array<i32>} : memref<256xf32, #tpu.memory_space<vmem>>, vector<16xf32>,
      %get3A_3162 = arith.constant 240 : index
      %get3A_3163 = tpu.vector_load %arg15[%get3A_3162] {strides = array<i32>} : memref<256xf32, #tpu.memory_space<vmem>>, vector<16xf32>,
      %add3A_3164 = arith.addf %get3A_3133, %get3A_3135 : vector<16xf32>
      %add3A_3165 = arith.addf %get3A_3137, %get3A_3139 : vector<16xf32>
      %add3A_3166 = arith.addf %get3A_3141, %get3A_3143 : vector<16xf32>
      %add3A_3167 = arith.addf %get3A_3145, %get3A_3147 : vector<16xf32>
      %add3A_3168 = arith.addf %get3A_3149, %get3A_3151 : vector<16xf32>
      %add3A_3169 = arith.addf %get3A_3153, %get3A_3155 : vector<16xf32>
      %add3A_3170 = arith.addf %get3A_3157, %get3A_3159 : vector<16xf32>
      %add3A_3171 = arith.addf %get3A_3161, %get3A_3163 : vector<16xf32>
      %add3A_3172 = arith.addf %add3A_3164, %add3A_3165 : vector<16xf32>
      %add3A_3173 = arith.addf %add3A_3166, %add3A_3167 : vector<16xf32>
      %add3A_3174 = arith.addf %add3A_3168, %add3A_3169 : vector<16xf32>
      %add3A_3175 = arith.addf %add3A_3170, %add3A_3171 : vector<16xf32>
      %add3A_3176 = arith.addf %add3A_3172, %add3A_3173 : vector<16xf32>
      %add3A_3177 = arith.addf %add3A_3174, %add3A_3175 : vector<16xf32>
      %add3A_3178 = arith.addf %add3A_3176, %add3A_3177 : vector<16xf32>
      %broadcast_in_dim3A_3179 = arith.constant 1.200000e+01 : f32
      %broadcast_in_dim3A_3180 = vector.broadcast %broadcast_in_dim3A_3179 : f32 to vector<16xf32>
      %sub3A_3181 = arith.subf %broadcast_in_dim3A_3180, %add3A_3178 : vector<16xf32>
      %mul3A_3182 = arith.constant 16 : i32
      %mul3A_3183 = arith.muli %scan3A_570, %mul3A_3182 : i32
      %broadcast_in_dim3A_3184 = vector.broadcast %mul3A_3183 : i32 to vector<16xi32>
      %add3A_3185 = arith.constant 0 : i32
      %add3A_3186 = vector.broadcast %add3A_3185 : i32 to vector<16xi32>
      %add3A_3187 = arith.addi %broadcast_in_dim3A_3184, %add3A_3186 : vector<16xi32>
      %add3A_3188 = arith.addi %add3A_3187, %iota3A : vector<16xi32>
      tpu.vector_store_idx %arg14[%add3A_3188], %sub3A_3181 : memref<512xf32, #tpu.memory_space<vmem>>[vector<16xi32>], vector<16xf32>,
      %add3A_3189 = arith.constant 16 : i32
      %add3A_3190 = arith.addi %scan3A_570, %add3A_3189 : i32
      %lt3A = arith.constant 32 : i32
      %lt3A_3191 = arith.cmpi slt, %add3A_3190, %lt3A : i32
      %convert_element_type3A = arith.extui %lt3A_3191 : i1 to i32
      %cond3A = arith.constant 0 : i32
      %cond3A_3192 = arith.cmpi ne, %convert_element_type3A, %cond3A : i32
      scf.if %cond3A_3192 {
        %add3A_3205 = arith.constant 16 : i32
        %add3A_3206 = arith.addi %scan3A_570, %add3A_3205 : i32
        %mul3A_3207 = arith.constant 16 : i32
        %mul3A_3208 = arith.muli %add3A_3206, %mul3A_3207 : i32
        %dma_start3A_3209 = arith.constant 0 : i32
        %dma_start3A_3210 = tpu.memref_slice %arg11[%mul3A_573, %dma_start3A_3209] : memref<256x128xf32, #tpu.memory_space<vmem>> -> memref<16x128xf32, #tpu.memory_space<vmem>>
        %dma_start3A_3211 = tpu.memref_slice %arg8[%mul3A_3208] : memref<512xi32, #tpu.memory_space<vmem>> -> memref<16xi32, #tpu.memory_space<vmem>>
        %dma_start3A_3212 = arith.constant 0 : i32
        %dma_start3A_3213 = arith.constant 0 : i32
        %dma_start3A_3214 = tpu.memref_slice %arg2[%dma_start3A_3212, %dma_start3A_3213] : memref<1000000x128xf32, #tpu.memory_space<hbm>> -> memref<1000000x128xf32, #tpu.memory_space<hbm>>
        %dma_start3A_3215 = tpu.memref_slice %arg16[%rem3A_571] : memref<18x!tpu.dma_semaphore, #tpu.memory_space<semaphore_mem>> -> memref<1x!tpu.dma_semaphore, #tpu.memory_space<semaphore_mem>>
        %dma_start3A_3216 = tpu.memref_squeeze %dma_start3A_3215 : memref<1x!tpu.dma_semaphore, #tpu.memory_space<semaphore_mem>> -> memref<!tpu.dma_semaphore, #tpu.memory_space<semaphore_mem>>
        tpu.enqueue_indirect_dma source(%dma_start3A_3214 : memref<1000000x128xf32, #tpu.memory_space<hbm>>) target(%dma_start3A_3210 : memref<16x128xf32, #tpu.memory_space<vmem>>) offsets(%dma_start3A_3211 : memref<16xi32, #tpu.memory_space<vmem>>) semaphore(%dma_start3A_3216 : memref<!tpu.dma_semaphore, #tpu.memory_space<semaphore_mem>>)
        %dma_start3A_3217 = arith.constant 0 : i32
        %dma_start3A_3218 = tpu.memref_slice %arg12[%mul3A_573, %dma_start3A_3217] : memref<256x128xf32, #tpu.memory_space<vmem>> -> memref<16x128xf32, #tpu.memory_space<vmem>>
        %dma_start3A_3219 = tpu.memref_slice %arg9[%mul3A_3208] : memref<512xi32, #tpu.memory_space<vmem>> -> memref<16xi32, #tpu.memory_space<vmem>>
        %dma_start3A_3220 = arith.constant 0 : i32
        %dma_start3A_3221 = arith.constant 0 : i32
        %dma_start3A_3222 = tpu.memref_slice %arg2[%dma_start3A_3220, %dma_start3A_3221] : memref<1000000x128xf32, #tpu.memory_space<hbm>> -> memref<1000000x128xf32, #tpu.memory_space<hbm>>
        %dma_start3A_3223 = tpu.memref_slice %arg16[%rem3A_571] : memref<18x!tpu.dma_semaphore, #tpu.memory_space<semaphore_mem>> -> memref<1x!tpu.dma_semaphore, #tpu.memory_space<semaphore_mem>>
        %dma_start3A_3224 = tpu.memref_squeeze %dma_start3A_3223 : memref<1x!tpu.dma_semaphore, #tpu.memory_space<semaphore_mem>> -> memref<!tpu.dma_semaphore, #tpu.memory_space<semaphore_mem>>
        tpu.enqueue_indirect_dma source(%dma_start3A_3222 : memref<1000000x128xf32, #tpu.memory_space<hbm>>) target(%dma_start3A_3218 : memref<16x128xf32, #tpu.memory_space<vmem>>) offsets(%dma_start3A_3219 : memref<16xi32, #tpu.memory_space<vmem>>) semaphore(%dma_start3A_3224 : memref<!tpu.dma_semaphore, #tpu.memory_space<semaphore_mem>>)
        %dma_start3A_3225 = arith.constant 0 : i32
        %dma_start3A_3226 = tpu.memref_slice %arg13[%mul3A_573, %dma_start3A_3225] : memref<256x128xf32, #tpu.memory_space<vmem>> -> memref<16x128xf32, #tpu.memory_space<vmem>>
        %dma_start3A_3227 = tpu.memref_slice %arg10[%mul3A_3208] : memref<512xi32, #tpu.memory_space<vmem>> -> memref<16xi32, #tpu.memory_space<vmem>>
        %dma_start3A_3228 = arith.constant 0 : i32
        %dma_start3A_3229 = arith.constant 0 : i32
        %dma_start3A_3230 = tpu.memref_slice %arg3[%dma_start3A_3228, %dma_start3A_3229] : memref<1000x128xf32, #tpu.memory_space<hbm>> -> memref<1000x128xf32, #tpu.memory_space<hbm>>
        %dma_start3A_3231 = tpu.memref_slice %arg16[%rem3A_571] : memref<18x!tpu.dma_semaphore, #tpu.memory_space<semaphore_mem>> -> memref<1x!tpu.dma_semaphore, #tpu.memory_space<semaphore_mem>>
        %dma_start3A_3232 = tpu.memref_squeeze %dma_start3A_3231 : memref<1x!tpu.dma_semaphore, #tpu.memory_space<semaphore_mem>> -> memref<!tpu.dma_semaphore, #tpu.memory_space<semaphore_mem>>
        tpu.enqueue_indirect_dma source(%dma_start3A_3230 : memref<1000x128xf32, #tpu.memory_space<hbm>>) target(%dma_start3A_3226 : memref<16x128xf32, #tpu.memory_space<vmem>>) offsets(%dma_start3A_3227 : memref<16xi32, #tpu.memory_space<vmem>>) semaphore(%dma_start3A_3232 : memref<!tpu.dma_semaphore, #tpu.memory_space<semaphore_mem>>)
      } else {
      }
      %mul3A_3193 = arith.constant 16 : i32
      %mul3A_3194 = arith.muli %scan3A_570, %mul3A_3193 : i32
      %mul3A_3195 = arith.constant 16 : i32
      %mul3A_3196 = arith.muli %scan3A_570, %mul3A_3195 : i32
      %add3A_3197 = arith.addi %mul3A_2, %mul3A_3196 : i32
      %dma_start3A_3198 = arith.constant 17 : i32
      %dma_start3A_3199 = tpu.memref_slice %arg14[%mul3A_3194] : memref<512xf32, #tpu.memory_space<vmem>> -> memref<16xf32, #tpu.memory_space<vmem>>
      %dma_start3A_3200 = tpu.memref_slice %arg7[%add3A_3197] : memref<16384xf32, #tpu.memory_space<hbm>> -> memref<16xf32, #tpu.memory_space<hbm>>
      %dma_start3A_3201 = tpu.memref_slice %arg16[%dma_start3A_3198] : memref<18x!tpu.dma_semaphore, #tpu.memory_space<semaphore_mem>> -> memref<1x!tpu.dma_semaphore, #tpu.memory_space<semaphore_mem>>
      %dma_start3A_3202 = tpu.memref_squeeze %dma_start3A_3201 : memref<1x!tpu.dma_semaphore, #tpu.memory_space<semaphore_mem>> -> memref<!tpu.dma_semaphore, #tpu.memory_space<semaphore_mem>>
      %dma_start3A_3203 = tpu.memref_slice %arg7[%add3A_3197] : memref<16384xf32, #tpu.memory_space<hbm>> -> memref<16xf32, #tpu.memory_space<hbm>>
      %dma_start3A_3204 = tpu.memref_slice %arg14[%mul3A_3194] : memref<512xf32, #tpu.memory_space<vmem>> -> memref<16xf32, #tpu.memory_space<vmem>>
      tpu.enqueue_dma source(%dma_start3A_3204 : memref<16xf32, #tpu.memory_space<vmem>>) target(%dma_start3A_3203 : memref<16xf32, #tpu.memory_space<hbm>>) target_semaphore(%dma_start3A_3202 : memref<!tpu.dma_semaphore, #tpu.memory_space<semaphore_mem>>)
    }
    %scan3A_563 = arith.constant 32 : i32
    %scan3A_564 = arith.constant 0 : i32
    %scan3A_565 = arith.constant 0 : i32
    %scan3A_566 = arith.constant 32 : i32
    %scan3A_567 = arith.addi %scan3A_565, %scan3A_566 : i32
    %scan3A_568 = arith.constant 1 : i32
    scf.for %scan3A_570 = %scan3A_565 to %scan3A_567 step %scan3A_568  : i32 {
      %mul3A_571 = arith.constant 16 : i32
      %mul3A_572 = arith.muli %scan3A_570, %mul3A_571 : i32
      %mul3A_573 = arith.constant 16 : i32
      %mul3A_574 = arith.muli %scan3A_570, %mul3A_573 : i32
      %add3A_575 = arith.addi %mul3A_2, %mul3A_574 : i32
      %dma_wait3A_576 = arith.constant 17 : i32
      %dma_wait3A_577 = tpu.memref_slice %arg14[%mul3A_572] : memref<512xf32, #tpu.memory_space<vmem>> -> memref<16xf32, #tpu.memory_space<vmem>>
      %dma_wait3A_578 = tpu.memref_slice %arg7[%add3A_575] : memref<16384xf32, #tpu.memory_space<hbm>> -> memref<16xf32, #tpu.memory_space<hbm>>
      %dma_wait3A_579 = tpu.memref_slice %arg16[%dma_wait3A_576] : memref<18x!tpu.dma_semaphore, #tpu.memory_space<semaphore_mem>> -> memref<1x!tpu.dma_semaphore, #tpu.memory_space<semaphore_mem>>
      %dma_wait3A_580 = tpu.memref_squeeze %dma_wait3A_579 : memref<1x!tpu.dma_semaphore, #tpu.memory_space<semaphore_mem>> -> memref<!tpu.dma_semaphore, #tpu.memory_space<semaphore_mem>>
      %dma_wait3A_581 = tpu.memref_slice %arg7[%add3A_575] : memref<16384xf32, #tpu.memory_space<hbm>> -> memref<16xf32, #tpu.memory_space<hbm>>
      %dma_wait3A_582 = tpu.memref_slice %arg14[%mul3A_572] : memref<512xf32, #tpu.memory_space<vmem>> -> memref<16xf32, #tpu.memory_space<vmem>>
      tpu.wait_dma2 semaphore(%dma_wait3A_580 : memref<!tpu.dma_semaphore, #tpu.memory_space<semaphore_mem>>) src(%dma_wait3A_582 : memref<16xf32, #tpu.memory_space<vmem>>) dst(%dma_wait3A_581 : memref<16xf32, #tpu.memory_space<hbm>>)
    }
    %scan3A_569 = arith.constant 32 : i32
    return
  }
}

</mosaic_0001>

<sc_bundles>
// kernel: kernel.3.cloned.1.call-start
scs
__scs_entry_jumppad:
0x0: {  	(pc) =	sbr.rel $0x88, $3  }
0x1: {  	(tag) =	ssettag $0x0;
	lr =	simm.s32 $0x1  }
0x2: {  	[smem:$0x3F9C] =	sst lr;
	_ =	strace $0xD0000000  }
0x3: {  	_ = 	snop  }
0x4: {  	_ = 	snop  }
0x5: {  	_ = 	snop  }
0x6: {  	_ = 	snop  }
0x7: {  	_ = 	snop  }
__scs_overlays_trampoline_lowered:
0x8: {  	[smem:$0x3FAB] =	sst s0  }
0x9: {  	[smem:$0x3FAC] =	sst s1  }
0xa: {  	[smem:$0x3FAD] =	sst s2  }
0xb: {  	[smem:$0x3FAE] =	sst s3  }
0xc: {  	[smem:$0x3FAF] =	sst s4  }
0xd: {  	[smem:$0x3FB0] =	sst s5  }
0xe: {  	[smem:$0x3FB1] =	sst s6  }
0xf: {  	[smem:$0x3FB2] =	sst s7  }
0x10: {  	[smem:$0x3FB3] =	sst s8  }
0x11: {  	[smem:$0x3FB4] =	sst s9;
	s0 =	simm.s32 @!p0 $0x0  }
0x12: {  	s1 =	sld [smem:$0x3F9A];
	s0 =	simm.s32 @p0 $0x1  }
0x13: {  	[smem:$0x3FB5] =	sst s0;
	s0 =	simm.s32 @!p1 $0x0  }
0x14: {  	s2 =	sld [smem:$0x3F99];
	s0 =	simm.s32 @p1 $0x1  }
0x15: {  	[smem:$0x3FB6] =	sst s0;
	s0 =	simm.s32 @!p2 $0x0  }
0x16: {  	s3 =	sld [smem:$0x3FDB];
	s0 =	simm.s32 @p2 $0x1  }
0x17: {  	s4 =	simm.s32 $0x1BF5;
	[smem:$0x3FB8] =	sst s0  }
0x18: {  	s0 =	sld [smem:$0x3F9B];
	_ =	swait.ge [sflag:s4], $0x0  }
0x19: {  	s7 =	sld [smem:$0x3F9C]  }
0x1a: {  	s8 =	sadd.s32 $0xFFFFE003, lr  }
0x1b: {  	s9 =	sadd.s32 $0xFFFFFEF7, lr;
	s5 =	simm.s32 $0xFFFFFFFF;
	p2 =	slt.u32 s8, $0xFFFFF086  }
0x1c: {  	p1 =	slt.u32 s9, $0xF7A;
	s5 =	simm.s32 @!p2 $0x0  }
0x1d: {  	s5 =	simm.s32 @p1 $0x1;
	p0 =	seq.s32 s7, s2  }
0x1e: {  	s7 =	smul.u32 @!p0 $0xF7A, s2;
	p2 =	seq.s32 @!p0 s5, $0x0  }
0x1f: {  	s9 =	smul.u32 $0xF7A, s1;
	s8 =	simm.s32 @!p0 $0x1BF5;
	p2 =	por !p2, p0  }
0x20: {  	[sflag:s8] =	ssyncset.s32 @!p0 $0xFFFFF086;
	s6 =	sadd.s32 @!p0 s3, s7;
	s7 =	simm.s32 @!p0 $0x108  }
0x21: {  	s3 =	sadd.s32 s3, s9;
	s6 =	sadd.s32 @!p0 $0x88, s6;
	s7 =	simm.s32 @p2 $0x1082  }
0x22: {  	[simem:s7], [sflag:s8] =	dma.local @!p0 [hbm:s6], $0xF7A  }
0x23: {  	s9 =	sor.u32 $0xD0000000, s2;
	s6 =	simm.s32 $0x108;
	_ =	swait.ge @!p0 [sflag:s8], $0x0  }
0x24: {  	s3 =	sadd.s32 $0x88, s3;
	s6 =	simm.s32 @!p1 $0x1082;
	[sflag:s4] =	ssyncset.s32 $0xFFFFF086  }
0x25: {  	[simem:s6], [sflag:s4] =	dma.local [hbm:s3], $0xF7A  }
0x26: {  	[smem:$0x3F9C] =	sst s1;
	(tag) =	ssettag s2;
	_ =	strace s9  }
0x27: {  	s1 =	sld [smem:$0x3FAC]  }
0x28: {  	s2 =	sld [smem:$0x3FAD]  }
0x29: {  	s4 =	sld [smem:$0x3FAF]  }
0x2a: {  	p0 =	seq.s32 s5, $0x0;
	s5 =	sld [smem:$0x3FB0]  }
0x2b: {  	s6 =	sld [smem:$0x3FB1]  }
0x2c: {  	s7 =	sld [smem:$0x3FB2]  }
0x2d: {  	s3 =	simm.s32 $0x108;
	s8 =	sld [smem:$0x3FB3]  }
0x2e: {  	s3 =	simm.s32 @!p0 $0x1082;
	s9 =	sld [smem:$0x3FB4]  }
0x2f: {  	lr =	sadd.s32 s0, s3;
	s0 =	sld [smem:$0x3FAB]  }
0x30: {  	s3 =	sld [smem:$0x3FAE]  }
0x31: {  	[smem:$0x3FB7] =	sst s10  }
0x32: {  	s10 =	sld [smem:$0x3FB5];
	_ =	sdelay $0x3  }
0x33: {  	p0 =	seq.s32 s10, $0x1;
	s10 =	sld [smem:$0x3FB7];
	_ =	sdelay $0x3  }
0x34: {  	[smem:$0x3FB7] =	sst s10  }
0x35: {  	s10 =	sld [smem:$0x3FB6];
	_ =	sdelay $0x3  }
0x36: {  	p1 =	seq.s32 s10, $0x1;
	s10 =	sld [smem:$0x3FB7];
	_ =	sdelay $0x3  }
0x37: {  	[smem:$0x3FB7] =	sst s10  }
0x38: {  	s10 =	sld [smem:$0x3FB8]  }
0x39: {  	_ = 	snop;
	(pc) =	sbr.ind lr, $3  }
0x3a: {  	_ = 	snop  }
0x3b: {  	_ = 	snop  }
0x3c: {  	p2 =	seq.s32 s10, $0x1;
	s10 =	sld [smem:$0x3FB7]  }
0x3d: {  	_ =	shalt  }
0x3e: {  	_ =	shalt  }
0x3f: {  	_ =	shalt  }
0x40: {  	_ =	shalt  }
0x41: {  	_ =	shalt  }
0x42: {  	_ =	shalt  }
0x43: {  	_ =	shalt  }
0x44: {  	_ =	shalt  }
0x45: {  	_ =	shalt  }
0x46: {  	_ =	shalt  }
0x47: {  	_ =	shalt  }
0x48: {  	_ =	shalt  }
0x49: {  	_ =	shalt  }
0x4a: {  	_ =	shalt  }
0x4b: {  	_ =	shalt  }
0x4c: {  	_ =	shalt  }
0x4d: {  	_ =	shalt  }
0x4e: {  	_ =	shalt  }
0x4f: {  	_ =	shalt  }
0x50: {  	_ =	shalt  }
0x51: {  	_ =	shalt  }
0x52: {  	_ =	shalt  }
0x53: {  	_ =	shalt  }
0x54: {  	_ =	shalt  }
0x55: {  	_ =	shalt  }
0x56: {  	_ =	shalt  }
0x57: {  	_ =	shalt  }
0x58: {  	_ =	shalt  }
0x59: {  	_ =	shalt  }
0x5a: {  	_ =	shalt  }
0x5b: {  	_ =	shalt  }
0x5c: {  	_ =	shalt  }
0x5d: {  	_ =	shalt  }
0x5e: {  	_ =	shalt  }
0x5f: {  	_ =	shalt  }
0x60: {  	_ =	shalt  }
0x61: {  	_ =	shalt  }
0x62: {  	_ =	shalt  }
0x63: {  	_ =	shalt  }
0x64: {  	_ =	shalt  }
0x65: {  	_ =	shalt  }
0x66: {  	_ =	shalt  }
0x67: {  	_ =	shalt  }
0x68: {  	_ =	shalt  }
0x69: {  	_ =	shalt  }
0x6a: {  	_ =	shalt  }
0x6b: {  	_ =	shalt  }
0x6c: {  	_ =	shalt  }
0x6d: {  	_ =	shalt  }
0x6e: {  	_ =	shalt  }
0x6f: {  	_ =	shalt  }
0x70: {  	_ =	shalt  }
0x71: {  	_ =	shalt  }
0x72: {  	_ =	shalt  }
0x73: {  	_ =	shalt  }
0x74: {  	_ =	shalt  }
0x75: {  	_ =	shalt  }
0x76: {  	_ =	shalt  }
0x77: {  	_ =	shalt  }
0x78: {  	_ =	shalt  }
0x79: {  	_ =	shalt  }
0x7a: {  	_ =	shalt  }
0x7b: {  	_ =	shalt  }
0x7c: {  	_ =	shalt  }
0x7d: {  	_ =	shalt  }
0x7e: {  	_ =	shalt  }
0x7f: {  	_ =	shalt  }
0x80: {  	_ =	shalt  }
0x81: {  	_ =	shalt  }
0x82: {  	_ =	shalt  }
0x83: {  	_ =	shalt  }
0x84: {  	_ =	shalt  }
0x85: {  	_ =	shalt  }
0x86: {  	_ =	shalt  }
0x87: {  	_ =	shalt  }
.Lfunc_end0:
.L_simem_size_0:
called_computation_lowered:
.L_overlay_start_0:
0x88: {  	s2 =	sld [smem:$0x3FD9]  }
0x89: {  	s3 =	sld [smem:$0x3FFE];
	_ =	sdelay $0x1  }
0x8a: {  	s1 =	srdreg.scid  }
0x8b: {  	s0 =	sand.u32 $0x1, s1  }
0x8c: {  	s18 =	sshll.u32 s0, $0xA;
	s2 =	sadd.s32 s3, s2  }
0x8d: {  	s2 =	sadd.s32 s2, s18  }
0x8e: {  	[smem:$0x3FC3] =	sst s2  }
0x8f: {  	_ = 	snop  }
0x90: {  	s2 =	sld [smem:$0x3FC9]  }
0x91: {  	s19 =	sld [smem:$0x3FC8]  }
0x92: {  	s4 =	sld [smem:$0x3FC7]  }
0x93: {  	s5 =	sld [smem:$0x3FC6]  }
0x94: {  	s6 =	sld [smem:$0x3FC5]  }
0x95: {  	s7 =	sld [smem:$0x3FD0];
	(tm) =	ssettm $0x1  }
0x96: {  	s8 =	sld [smem:$0x3FFB];
	_ =	sdelay $0x3  }
0x97: {  	_ =	strace s8  }
0x98: {  	s8 =	sld [smem:$0x3FFC];
	_ =	sdelay $0x3  }
0x99: {  	_ =	strace s8  }
0x9a: {  	s8 =	sld [smem:$0x3FFD];
	_ =	sdelay $0x3  }
0x9b: {  	_ =	strace s8  }
0x9c: {  	_ =	strace $0x8FFFFFFF  }
0x9d: {  	s20 =	sld [smem:$0x3FDB];
	_ =	sdelay $0x1  }
0x9e: {  	s9 =	simm.s32 $_scs_section_size  }
0x9f: {  	s10 =	simm.s32 $_size__tile_overlayer_lowered;
	s11 =	simm.s32 $_tile_overlayer_lowered  }
0xa0: {  	s23 =	simm.s32 $0x1BFF;
	s22 =	sshll.u32 s11, $0x1;
	s8 =	sadd.s32 s9, s20  }
0xa1: {  	s12 =	simm.s32 $0x0;
	s21 =	sshll.u32 s10, $0x1;
	s10 =	sadd.s32 s22, s8  }
0xa2: {  	[timem:s12], [sflag:s23] =	dma.local [hbm:s10], s21  }
0xa3: {  	_ =	swait.ge [sflag:s23], s21  }
0xa4: {  	s9 =	ssub.s32 $0x0, s21;
	[sflag:s23] =	ssyncset.done $0x0  }
0xa5: {  	[sflag:s23] =	ssyncadd.s32 s9;
	_ =	sdelay $0x1  }
0xa6: {  	s24 =	simm.s32 $0x1B8B  }
0xa7: {  	_ =	swait.ge [sflag:s24], $0x1  }
0xa8: {  	[sflag:s24] =	ssyncset.done $0x0  }
0xa9: {  	s25 =	simm.s32 $0x1B8E;
	[sflag:s24] =	ssyncadd.s32 $0xFFFFFFFF  }
0xaa: {  	s26 =	simm.s32 $execute0_lowered;
	[smem:$0x3FD2] =	sst s25  }
0xab: {  	s9 =	sshll.u32 s26, $0x1;
	_ =	strace $0x80000046;
	[dreg:$0x1] =	wrdreg $0xFFFFFFFF  }
0xac: {  	s28 =	simm.s32 $_size_execute0_lowered;
	s8 =	sadd.s32 s8, s9;
	[dreg:$0x0] =	wrdreg $0x0  }
0xad: {  	s9 =	sshll.u32 s28, $0x1;
	[dreg:$0x2] =	wrdreg s8  }
0xae: {  	[dreg:$0x3] =	wrdreg s9  }
0xaf: {  	[dreg:$0x4] =	wrdreg $0xC0  }
0xb0: {  	_ =	task [dreg:s12], $0x5FFFF  }
0xb1: {  	[dreg:$0x1] =	wrdreg $0xFFFFFFFF  }
0xb2: {  	[dreg:$0x0] =	wrdreg $0x60  }
0xb3: {  	[dreg:$0x2] =	wrdreg s2  }
0xb4: {  	[dreg:$0x3] =	wrdreg s19  }
0xb5: {  	[dreg:$0x4] =	wrdreg s4  }
0xb6: {  	[dreg:$0x5] =	wrdreg s5  }
0xb7: {  	[dreg:$0x6] =	wrdreg s6  }
0xb8: {  	[dreg:$0x7] =	wrdreg s7  }
0xb9: {  	[dreg:$0x8] =	wrdreg $0x9  }
0xba: {  	_ =	task.clear_ibuf [dreg:s12], $0x9FFFF;
	_ =	strace $0x90000046  }
0xbb: {  	s29 =	simm.s32 $0x9;
	_ =	strace $0x80000048  }
0xbc: {  	_ =	swait.ge [sflag:s29], $0x1  }
0xbd: {  	[sflag:s29] =	ssyncadd.s32 $0xFFFFFFFF  }
0xbe: {  	_ =	strace $0x90000048  }
0xbf: {  	_ =	sfence  }
0xc0: {  	s30 =	sld [smem:$0x0];
	_ =	sdelay $0x2  }
0xc1: {  	s31 =	sshll.u32 s1, $0xD;
	s1 =	sshrl.u32 s1, $0x2  }
0xc2: {  	s3 =	sand.u32 $0x4000, s31;
	s1 =	sadd.s32 s1, s30  }
0xc3: {  	s0 =	sor.u32 s3, s0;
	s1 =	sshll.u32 s1, $0x11  }
0xc4: {  	s0 =	sor.u32 s1, s0  }
0xc5: {  	s0 =	sadd.s32 $0x8F2B, s0  }
0xc6: {  	[sflag:s0] =	ssyncadd.remote.s32 $0x1  }
0xc7: {  	_ =	sfence.sel $0xFFFF  }
0xc8: {  	[dreg:$0x0] =	wrdreg $0xFFFFFFFF;
	(pc) =	sbr.abs _section_cstart, $3  }
0xc9: {  	[dreg:$0x1] =	wrdreg $0xFFFFFFFF  }
0xca: {  	_ =	task.clear_ibuf [dreg:s12], $0x2FFFF;
	_ =	strace $0x9FFFFFFF  }
0xcb: {  	(tm) =	ssettm $0x7FFFFFFF  }
tec
execute0_lowered:
.L_overlay_start_1:
0x0: {  	(tag) =	ssettag $0x1  }
0x1: {  	s1 =	rddreg [dreg:$0x0]  }
0x2: {  	s2 =	rddreg [dreg:$0x1]  }
0x3: {  	s0 =	rddreg [dreg:$0x2]  }
0x4: {  	s3 =	rddreg [dreg:$0x3]  }
0x5: {  	s6 =	rddreg [dreg:$0x4]  }
0x6: {  	s9 =	rddreg [dreg:$0x5];
	v0 =	vlaneseq.u32  }
0x7: {  	s5 =	srdreg.scid;
	s4 =	simm.s32 $0x0;
	s8 =	stileid.u32;
	v1 =	vmul.u32 $0x10, v0  }
0x8: {  	s11 =	simm.s32 $0x400;
	s12 =	simm.s32 $0x11;
	[smem:$0x7FF] =	sst s4  }
0x9: {  	s13 =	simm.s32 $0x10;
	s28 =	simm.s32 $0xFE00;
	_ =	strace $0x80000047;
	v0 =	vor.u32 $0x1, v1;
	[tilespmem:$0x1FFF0] =	vst v1  }
0xa: {  	s29 =	simm.s32 $0x4F0;
	s30 =	simm.s32 $0x17E00;
	s5 =	sand.u32 $0x1, s5;
	v58 =	vor.u32 $0x2, v1;
	[tilespmem:$0x1FF80] =	vst v0  }
0xb: {  	s8 =	sshll.u32 s8, $0xA;
	s7 =	ssub.s32 $0x2, s5;
	s5 =	sshll.u32 s5, $0x9;
	v59 =	vor.u32 $0x3, v1;
	[tilespmem:$0x1FF90] =	vst v58  }
0xc: {  	s31 =	simm.s32 $0x18800;
	s10 =	sshrl.u32 s7, $0x1;
	s5 =	sor.u32 s5, s8;
	v60 =	vor.u32 $0x4, v1;
	[tilespmem:$0x1FFA0] =	vst v59  }
0xd: {  	s14 =	simm.s32 $0x0;
	v61 =	vor.u32 $0x5, v1;
	v62 =	vor.u32 $0x6, v1;
	s25 =	ssub.s32 s7, s10;
	s26 =	sshrl.u32 s5, $0x3;
	[tilespmem:$0x1FFB0] =	vst v60  }
0xe: {  	v63 =	vor.u32 $0x7, v1;
	v14 =	vor.u32 $0x9, v1;
	v15 =	vor.u32 $0xA, v1;
	s10 =	simm.s32 $0x200;
	[tilespmem:$0x1FFC0] =	vst v61;
	s5 =	sadd.s32 s0, s26;
	s6 =	sadd.s32 s6, s26  }
0xf: {  	v16 =	vor.u32 $0xB, v1;
	v7 =	vor.u32 $0xC, v1;
	v8 =	vor.u32 $0xD, v1;
	[tilespmem:$0x1FFD0] =	vst v62;
	s7 =	sadd.s32 s3, s26;
	s8 =	smax.u32 s25, $0x1;
	s20 =	sadd.s32 s26, s9  }
0x10: {  	v9 =	vor.u32 $0xE, v1;
	v10 =	vor.u32 $0xF, v1;
	[tilespmem:$0x1FFE0] =	vst v63;
	v63 =	vor.u32 $0x8, v1;
	s26 =	simm.s32 $0x2F0;
	s0 =	simm.s32 $0x18600;
	s3 =	simm.s32 $0x12  }
.LBB2_1:
0x11: {  	[tilespmem:s4], [sflag:$0x11] =	stream.linear.gather [hbm4b:s5+s4], $0x200, $0x38;
	[tilespmem:$0x18900] =	vst v63  }
0x12: {  	_ = 	snop  }
0x13: {  	[tilespmem:s10], [sflag:$0x11] =	stream.linear.gather [hbm4b:s6+s4], $0x200, $0x38;
	[tilespmem:$0x18900] =	vst v63  }
0x14: {  	_ = 	snop  }
0x15: {  	[tilespmem:s11], [sflag:$0x11] =	stream.linear.gather [hbm4b:s7+s4], $0x200, $0x38;
	[tilespmem:$0x18900] =	vst v63  }
0x16: {  	_ =	swait.ge [sflag:s12], $0x200  }
0x17: {  	[sflag:s12] =	ssyncset.done $0x0  }
0x18: {  	[sflag:s12] =	ssyncadd.s32 $0xFFFFFE00  }
0x19: {  	_ =	swait.ge [sflag:s12], $0x200  }
0x1a: {  	[sflag:s12] =	ssyncset.done $0x0  }
0x1b: {  	[sflag:s12] =	ssyncadd.s32 $0xFFFFFE00  }
0x1c: {  	_ =	swait.ge [sflag:s12], $0x200  }
0x1d: {  	[sflag:s12] =	ssyncset.done $0x0  }
0x1e: {  	s9 =	simm.s32 $0x600;
	[sflag:s12] =	ssyncadd.s32 $0xFFFFFE00  }
0x1f: {  	[tilespmem:s9], [sflag:$0x1] =	stream.indirect.gather [hbm4b:s1+s13], $0x80, s4, s13, $0xb8;
	[tilespmem:$0x18900] =	vst v63  }
0x20: {  	s19 =	simm.s32 $0x8600  }
0x21: {  	[tilespmem:s19], [sflag:$0x1] =	stream.indirect.gather [hbm4b:s1+s13], $0x80, s10, s13, $0xb8;
	[tilespmem:$0x18900] =	vst v63  }
0x22: {  	s21 =	simm.s32 $0x10600  }
0x23: {  	[tilespmem:s21], [sflag:$0x1] =	stream.indirect.gather [hbm4b:s2+s13], $0x80, s11, s13, $0xb8;
	[tilespmem:$0x18900] =	vst v63  }
0x24: {  	s22 =	simm.s32 $0xE00  }
0x25: {  	[tilespmem:s22], [sflag:$0x2] =	stream.indirect.gather [hbm4b:s1+s13], $0x80, s13, s13, $0xb8;
	[tilespmem:$0x18900] =	vst v63  }
0x26: {  	s23 =	simm.s32 $0x210;
	s15 =	simm.s32 $0x8E00  }
0x27: {  	[tilespmem:s15], [sflag:$0x2] =	stream.indirect.gather [hbm4b:s1+s13], $0x80, s23, s13, $0xb8;
	[tilespmem:$0x18900] =	vst v63  }
0x28: {  	s24 =	simm.s32 $0x410;
	s25 =	simm.s32 $0x10E00  }
0x29: {  	[tilespmem:s25], [sflag:$0x2] =	stream.indirect.gather [hbm4b:s2+s13], $0x80, s24, s13, $0xb8;
	[tilespmem:$0x18900] =	vst v63  }
0x2a: {  	s16 =	simm.s32 $0x1600;
	s15 =	simm.s32 $0x20  }
0x2b: {  	[tilespmem:s16], [sflag:$0x3] =	stream.indirect.gather [hbm4b:s1+s13], $0x80, s15, s13, $0xb8;
	[tilespmem:$0x18900] =	vst v63  }
0x2c: {  	s17 =	simm.s32 $0x220;
	s18 =	simm.s32 $0x9600  }
0x2d: {  	[tilespmem:s18], [sflag:$0x3] =	stream.indirect.gather [hbm4b:s1+s13], $0x80, s17, s13, $0xb8;
	[tilespmem:$0x18900] =	vst v63  }
0x2e: {  	s19 =	simm.s32 $0x420;
	s21 =	simm.s32 $0x11600  }
0x2f: {  	[tilespmem:s21], [sflag:$0x3] =	stream.indirect.gather [hbm4b:s2+s13], $0x80, s19, s13, $0xb8;
	[tilespmem:$0x18900] =	vst v63  }
0x30: {  	s22 =	simm.s32 $0x30;
	s23 =	simm.s32 $0x1E00  }
0x31: {  	[tilespmem:s23], [sflag:$0x4] =	stream.indirect.gather [hbm4b:s1+s13], $0x80, s22, s13, $0xb8;
	[tilespmem:$0x18900] =	vst v63  }
0x32: {  	s24 =	simm.s32 $0x230;
	s25 =	simm.s32 $0x9E00  }
0x33: {  	[tilespmem:s25], [sflag:$0x4] =	stream.indirect.gather [hbm4b:s1+s13], $0x80, s24, s13, $0xb8;
	[tilespmem:$0x18900] =	vst v63  }
0x34: {  	s15 =	simm.s32 $0x430;
	s16 =	simm.s32 $0x11E00  }
0x35: {  	[tilespmem:s16], [sflag:$0x4] =	stream.indirect.gather [hbm4b:s2+s13], $0x80, s15, s13, $0xb8;
	[tilespmem:$0x18900] =	vst v63  }
0x36: {  	s17 =	simm.s32 $0x40;
	s18 =	simm.s32 $0x2600  }
0x37: {  	[tilespmem:s18], [sflag:$0x5] =	stream.indirect.gather [hbm4b:s1+s13], $0x80, s17, s13, $0xb8;
	[tilespmem:$0x18900] =	vst v63  }
0x38: {  	s19 =	simm.s32 $0x240;
	s21 =	simm.s32 $0xA600  }
0x39: {  	[tilespmem:s21], [sflag:$0x5] =	stream.indirect.gather [hbm4b:s1+s13], $0x80, s19, s13, $0xb8;
	[tilespmem:$0x18900] =	vst v63  }
0x3a: {  	s22 =	simm.s32 $0x440;
	s23 =	simm.s32 $0x12600  }
0x3b: {  	[tilespmem:s23], [sflag:$0x5] =	stream.indirect.gather [hbm4b:s2+s13], $0x80, s22, s13, $0xb8;
	[tilespmem:$0x18900] =	vst v63  }
0x3c: {  	s24 =	simm.s32 $0x50;
	s25 =	simm.s32 $0x2E00  }
0x3d: {  	[tilespmem:s25], [sflag:$0x6] =	stream.indirect.gather [hbm4b:s1+s13], $0x80, s24, s13, $0xb8;
	[tilespmem:$0x18900] =	vst v63  }
0x3e: {  	s15 =	simm.s32 $0x250;
	s16 =	simm.s32 $0xAE00  }
0x3f: {  	[tilespmem:s16], [sflag:$0x6] =	stream.indirect.gather [hbm4b:s1+s13], $0x80, s15, s13, $0xb8;
	[tilespmem:$0x18900] =	vst v63  }
0x40: {  	s17 =	simm.s32 $0x450;
	s18 =	simm.s32 $0x12E00  }
0x41: {  	[tilespmem:s18], [sflag:$0x6] =	stream.indirect.gather [hbm4b:s2+s13], $0x80, s17, s13, $0xb8;
	[tilespmem:$0x18900] =	vst v63  }
0x42: {  	s19 =	simm.s32 $0x60;
	s21 =	simm.s32 $0x3600  }
0x43: {  	[tilespmem:s21], [sflag:$0x7] =	stream.indirect.gather [hbm4b:s1+s13], $0x80, s19, s13, $0xb8;
	[tilespmem:$0x18900] =	vst v63  }
0x44: {  	s22 =	simm.s32 $0x260;
	s23 =	simm.s32 $0xB600  }
0x45: {  	[tilespmem:s23], [sflag:$0x7] =	stream.indirect.gather [hbm4b:s1+s13], $0x80, s22, s13, $0xb8;
	[tilespmem:$0x18900] =	vst v63  }
0x46: {  	s24 =	simm.s32 $0x460;
	s25 =	simm.s32 $0x13600  }
0x47: {  	[tilespmem:s25], [sflag:$0x7] =	stream.indirect.gather [hbm4b:s2+s13], $0x80, s24, s13, $0xb8;
	[tilespmem:$0x18900] =	vst v63  }
0x48: {  	s15 =	simm.s32 $0x70;
	s16 =	simm.s32 $0x3E00  }
0x49: {  	[tilespmem:s16], [sflag:$0x8] =	stream.indirect.gather [hbm4b:s1+s13], $0x80, s15, s13, $0xb8;
	[tilespmem:$0x18900] =	vst v63  }
0x4a: {  	s17 =	simm.s32 $0x270;
	s18 =	simm.s32 $0xBE00  }
0x4b: {  	[tilespmem:s18], [sflag:$0x8] =	stream.indirect.gather [hbm4b:s1+s13], $0x80, s17, s13, $0xb8;
	[tilespmem:$0x18900] =	vst v63  }
0x4c: {  	s19 =	simm.s32 $0x470;
	s21 =	simm.s32 $0x13E00  }
0x4d: {  	[tilespmem:s21], [sflag:$0x8] =	stream.indirect.gather [hbm4b:s2+s13], $0x80, s19, s13, $0xb8;
	[tilespmem:$0x18900] =	vst v63  }
0x4e: {  	s22 =	simm.s32 $0x80;
	s23 =	simm.s32 $0x4600  }
0x4f: {  	[tilespmem:s23], [sflag:$0x9] =	stream.indirect.gather [hbm4b:s1+s13], $0x80, s22, s13, $0xb8;
	[tilespmem:$0x18900] =	vst v63  }
0x50: {  	s24 =	simm.s32 $0x280;
	s25 =	simm.s32 $0xC600  }
0x51: {  	[tilespmem:s25], [sflag:$0x9] =	stream.indirect.gather [hbm4b:s1+s13], $0x80, s24, s13, $0xb8;
	[tilespmem:$0x18900] =	vst v63  }
0x52: {  	s15 =	simm.s32 $0x480;
	s16 =	simm.s32 $0x14600  }
0x53: {  	[tilespmem:s16], [sflag:$0x9] =	stream.indirect.gather [hbm4b:s2+s13], $0x80, s15, s13, $0xb8;
	[tilespmem:$0x18900] =	vst v63  }
0x54: {  	s17 =	simm.s32 $0x90;
	s18 =	simm.s32 $0x4E00  }
0x55: {  	[tilespmem:s18], [sflag:$0xA] =	stream.indirect.gather [hbm4b:s1+s13], $0x80, s17, s13, $0xb8;
	[tilespmem:$0x18900] =	vst v63  }
0x56: {  	s19 =	simm.s32 $0x290;
	s21 =	simm.s32 $0xCE00  }
0x57: {  	[tilespmem:s21], [sflag:$0xA] =	stream.indirect.gather [hbm4b:s1+s13], $0x80, s19, s13, $0xb8;
	[tilespmem:$0x18900] =	vst v63  }
0x58: {  	s22 =	simm.s32 $0x490;
	s23 =	simm.s32 $0x14E00  }
0x59: {  	[tilespmem:s23], [sflag:$0xA] =	stream.indirect.gather [hbm4b:s2+s13], $0x80, s22, s13, $0xb8;
	[tilespmem:$0x18900] =	vst v63  }
0x5a: {  	s24 =	simm.s32 $0xA0;
	s25 =	simm.s32 $0x5600  }
0x5b: {  	[tilespmem:s25], [sflag:$0xB] =	stream.indirect.gather [hbm4b:s1+s13], $0x80, s24, s13, $0xb8;
	[tilespmem:$0x18900] =	vst v63  }
0x5c: {  	s15 =	simm.s32 $0x2A0;
	s16 =	simm.s32 $0xD600  }
0x5d: {  	[tilespmem:s16], [sflag:$0xB] =	stream.indirect.gather [hbm4b:s1+s13], $0x80, s15, s13, $0xb8;
	[tilespmem:$0x18900] =	vst v63  }
0x5e: {  	s17 =	simm.s32 $0x4A0;
	s18 =	simm.s32 $0x15600  }
0x5f: {  	[tilespmem:s18], [sflag:$0xB] =	stream.indirect.gather [hbm4b:s2+s13], $0x80, s17, s13, $0xb8;
	[tilespmem:$0x18900] =	vst v63  }
0x60: {  	s19 =	simm.s32 $0xB0;
	s21 =	simm.s32 $0x5E00  }
0x61: {  	[tilespmem:s21], [sflag:$0xC] =	stream.indirect.gather [hbm4b:s1+s13], $0x80, s19, s13, $0xb8;
	[tilespmem:$0x18900] =	vst v63  }
0x62: {  	s22 =	simm.s32 $0x2B0;
	s23 =	simm.s32 $0xDE00  }
0x63: {  	[tilespmem:s23], [sflag:$0xC] =	stream.indirect.gather [hbm4b:s1+s13], $0x80, s22, s13, $0xb8;
	[tilespmem:$0x18900] =	vst v63  }
0x64: {  	s24 =	simm.s32 $0x4B0;
	s25 =	simm.s32 $0x15E00  }
0x65: {  	[tilespmem:s25], [sflag:$0xC] =	stream.indirect.gather [hbm4b:s2+s13], $0x80, s24, s13, $0xb8;
	[tilespmem:$0x18900] =	vst v63  }
0x66: {  	s15 =	simm.s32 $0xC0;
	s16 =	simm.s32 $0x6600  }
0x67: {  	[tilespmem:s16], [sflag:$0xD] =	stream.indirect.gather [hbm4b:s1+s13], $0x80, s15, s13, $0xb8;
	[tilespmem:$0x18900] =	vst v63  }
0x68: {  	s17 =	simm.s32 $0x2C0;
	s18 =	simm.s32 $0xE600  }
0x69: {  	[tilespmem:s18], [sflag:$0xD] =	stream.indirect.gather [hbm4b:s1+s13], $0x80, s17, s13, $0xb8;
	[tilespmem:$0x18900] =	vst v63  }
0x6a: {  	s19 =	simm.s32 $0x4C0;
	s21 =	simm.s32 $0x16600  }
0x6b: {  	[tilespmem:s21], [sflag:$0xD] =	stream.indirect.gather [hbm4b:s2+s13], $0x80, s19, s13, $0xb8;
	[tilespmem:$0x18900] =	vst v63  }
0x6c: {  	s22 =	simm.s32 $0xD0;
	s23 =	simm.s32 $0x6E00  }
0x6d: {  	[tilespmem:s23], [sflag:$0xE] =	stream.indirect.gather [hbm4b:s1+s13], $0x80, s22, s13, $0xb8;
	[tilespmem:$0x18900] =	vst v63  }
0x6e: {  	s24 =	simm.s32 $0x2D0;
	s25 =	simm.s32 $0xEE00  }
0x6f: {  	[tilespmem:s25], [sflag:$0xE] =	stream.indirect.gather [hbm4b:s1+s13], $0x80, s24, s13, $0xb8;
	[tilespmem:$0x18900] =	vst v63  }
0x70: {  	s15 =	simm.s32 $0x4D0;
	s16 =	simm.s32 $0x16E00  }
0x71: {  	[tilespmem:s16], [sflag:$0xE] =	stream.indirect.gather [hbm4b:s2+s13], $0x80, s15, s13, $0xb8;
	[tilespmem:$0x18900] =	vst v63  }
0x72: {  	s17 =	simm.s32 $0xE0;
	s18 =	simm.s32 $0x7600  }
0x73: {  	[tilespmem:s18], [sflag:$0xF] =	stream.indirect.gather [hbm4b:s1+s13], $0x80, s17, s13, $0xb8;
	[tilespmem:$0x18900] =	vst v63  }
0x74: {  	s19 =	simm.s32 $0x2E0;
	s21 =	simm.s32 $0xF600  }
0x75: {  	[tilespmem:s21], [sflag:$0xF] =	stream.indirect.gather [hbm4b:s1+s13], $0x80, s19, s13, $0xb8;
	[tilespmem:$0x18900] =	vst v63  }
0x76: {  	s22 =	simm.s32 $0x4E0;
	s23 =	simm.s32 $0x17600  }
0x77: {  	[tilespmem:s23], [sflag:$0xF] =	stream.indirect.gather [hbm4b:s2+s13], $0x80, s22, s13, $0xb8;
	[tilespmem:$0x18900] =	vst v63  }
0x78: {  	s9 =	smov.u32 s20;
	s24 =	simm.s32 $0xF0;
	s25 =	simm.s32 $0x7E00  }
0x79: {  	[tilespmem:s25], [sflag:$0x10] =	stream.indirect.gather [hbm4b:s1+s13], $0x80, s24, s13, $0xb8;
	[tilespmem:$0x18900] =	vst v63  }
0x7a: {  	s15 =	simm.s32 $0x100;
	s16 =	simm.s32 $0x300;
	s17 =	simm.s32 $0x500  }
0x7b: {  	v11 =	vld [tilespmem:$0x1FFC0];
	[tilespmem:s28], [sflag:$0x10] =	stream.indirect.gather [hbm4b:s1+s13], $0x80, s26, s13, $0xb8  }
0x7c: {  	v12 =	vld [tilespmem:$0x1FFD0];
	s18 =	simm.s32 $0x18600;
	s19 =	simm.s32 $0x0;
	s21 =	simm.s32 $0x0  }
0x7d: {  	v13 =	vld [tilespmem:$0x1FFE0];
	[tilespmem:s30], [sflag:$0x10] =	stream.indirect.gather [hbm4b:s2+s13], $0x80, s29, s13, $0xb8  }
.LBB2_2:
0x7e: {  	s23 =	sand.u32 $0xF, s21  }
0x7f: {  	s22 =	sadd.s32 $0x1, s23  }
0x80: {  	_ =	swait.ge [sflag:s22], $0x800  }
0x81: {  	[sflag:s22] =	ssyncset.done $0x0  }
0x82: {  	[sflag:s22] =	ssyncadd.s32 $0xFFFFF800  }
0x83: {  	_ =	swait.ge [sflag:s22], $0x800  }
0x84: {  	[sflag:s22] =	ssyncset.done $0x0  }
0x85: {  	[sflag:s22] =	ssyncadd.s32 $0xFFFFF800  }
0x86: {  	_ =	swait.ge [sflag:s22], $0x800  }
0x87: {  	[sflag:s22] =	ssyncset.done $0x0  }
0x88: {  	s23 =	sshll.u32 s23, $0xB;
	[sflag:s22] =	ssyncadd.s32 $0xFFFFF800  }
0x89: {  	v17 =	vld [tilespmem:s23+$0x600]  }
0x8a: {  	v18 =	vld [tilespmem:s23+$0x10600]  }
0x8b: {  	v19 =	vld [tilespmem:s23+$0x8600]  }
0x8c: {  	v20 =	vld [tilespmem:s23+$0x680]  }
0x8d: {  	v21 =	vld [tilespmem:s23+$0x10680]  }
0x8e: {  	v22 =	vld [tilespmem:s23+$0x8680]  }
0x8f: {  	v23 =	vld [tilespmem:s23+$0x700]  }
0x90: {  	v24 =	vld [tilespmem:s23+$0x10700]  }
0x91: {  	v25 =	vld [tilespmem:s23+$0x8700]  }
0x92: {  	v26 =	vld [tilespmem:s23+$0x780]  }
0x93: {  	v27 =	vld [tilespmem:s23+$0x10780]  }
0x94: {  	v28 =	vld [tilespmem:s23+$0x8780]  }
0x95: {  	v29 =	vld [tilespmem:s23+$0x610]  }
0x96: {  	v30 =	vld [tilespmem:s23+$0x10610]  }
0x97: {  	v31 =	vld [tilespmem:s23+$0x8610]  }
0x98: {  	v32 =	vld [tilespmem:s23+$0x690]  }
0x99: {  	v33 =	vld [tilespmem:s23+$0x10690]  }
0x9a: {  	v34 =	vld [tilespmem:s23+$0x8690]  }
0x9b: {  	v35 =	vld [tilespmem:s23+$0x710]  }
0x9c: {  	v36 =	vld [tilespmem:s23+$0x10710]  }
0x9d: {  	v37 =	vld [tilespmem:s23+$0x8710]  }
0x9e: {  	v38 =	vld [tilespmem:s23+$0x790]  }
0x9f: {  	v39 =	vld [tilespmem:s23+$0x10790]  }
0xa0: {  	v40 =	vld [tilespmem:s23+$0x8790]  }
0xa1: {  	v41 =	vld [tilespmem:s23+$0x620]  }
0xa2: {  	v42 =	vld [tilespmem:s23+$0x10620]  }
0xa3: {  	v43 =	vld [tilespmem:s23+$0x8620]  }
0xa4: {  	v44 =	vld [tilespmem:s23+$0x6A0]  }
0xa5: {  	v45 =	vld [tilespmem:s23+$0x106A0]  }
0xa6: {  	v46 =	vld [tilespmem:s23+$0x86A0]  }
0xa7: {  	v47 =	vld [tilespmem:s23+$0x720]  }
0xa8: {  	v48 =	vld [tilespmem:s23+$0x10720]  }
0xa9: {  	v49 =	vld [tilespmem:s23+$0x8720]  }
0xaa: {  	v50 =	vld [tilespmem:s23+$0x7A0]  }
0xab: {  	v51 =	vld [tilespmem:s23+$0x107A0]  }
0xac: {  	v52 =	vld [tilespmem:s23+$0x87A0]  }
0xad: {  	v53 =	vld [tilespmem:s23+$0x630]  }
0xae: {  	v54 =	vld [tilespmem:s23+$0x10630]  }
0xaf: {  	v55 =	vld [tilespmem:s23+$0x8630]  }
0xb0: {  	v56 =	vld [tilespmem:s23+$0x6B0]  }
0xb1: {  	v57 =	vld [tilespmem:s23+$0x106B0]  }
0xb2: {  	v58 =	vld [tilespmem:s23+$0x86B0]  }
0xb3: {  	v59 =	vld [tilespmem:s23+$0x730]  }
0xb4: {  	v60 =	vld [tilespmem:s23+$0x10730]  }
0xb5: {  	v61 =	vld [tilespmem:s23+$0x8730]  }
0xb6: {  	v62 =	vld [tilespmem:s23+$0x7B0]  }
0xb7: {  	v1 =	vmovc v7;
	v7 =	vmovc v16;
	v16 =	vmov v15;
	v15 =	vmov v14;
	v14 =	vmov v63;
	v63 =	vld [tilespmem:s23+$0x107B0]  }
0xb8: {  	v0 =	vld [tilespmem:s23+$0x87B0]  }
0xb9: {  	v2 =	vld [tilespmem:s23+$0x640]  }
0xba: {  	v3 =	vld [tilespmem:s23+$0x10640]  }
0xbb: {  	v4 =	vld [tilespmem:s23+$0x8640]  }
0xbc: {  	v5 =	vld [tilespmem:s23+$0x6C0];
	v17 =	vadd.f32 v18, v17;
	v20 =	vadd.f32 v21, v20  }
0xbd: {  	v6 =	vld [tilespmem:s23+$0x106C0];
	v33 =	vadd.f32 v33, v32;
	v35 =	vadd.f32 v36, v35  }
0xbe: {  	v18 =	vld [tilespmem:s23+$0x86C0];
	v26 =	vadd.f32 v27, v26;
	v39 =	vadd.f32 v39, v38  }
0xbf: {  	v21 =	vld [tilespmem:s23+$0x740];
	v42 =	vadd.f32 v42, v41;
	v45 =	vadd.f32 v45, v44  }
0xc0: {  	v27 =	vld [tilespmem:s23+$0x87C0];
	v47 =	vadd.f32 v48, v47;
	v48 =	vadd.f32 v51, v50  }
0xc1: {  	v32 =	vld [tilespmem:s23+$0x650];
	v53 =	vadd.f32 v54, v53;
	v54 =	vadd.f32 v57, v56  }
0xc2: {  	v41 =	vld [tilespmem:s23+$0x87D0];
	v56 =	vadd.f32 v60, v59;
	v59 =	vadd.f32 v63, v62  }
0xc3: {  	v57 =	vld [tilespmem:s23+$0x660];
	v2 =	vadd.f32 v3, v2;
	v5 =	vadd.f32 v6, v5  }
0xc4: {  	v60 =	vld [tilespmem:s23+$0x10660];
	v17 =	vsub.f32 v17, v19;
	v19 =	vadd.f32 v24, v23  }
0xc5: {  	v62 =	vld [tilespmem:s23+$0x8660];
	v20 =	vsub.f32 v20, v22;
	v22 =	vadd.f32 v30, v29  }
0xc6: {  	v63 =	vld [tilespmem:s23+$0x6E0];
	v30 =	vsub.f32 v35, v37;
	v26 =	vsub.f32 v26, v28  }
0xc7: {  	v6 =	vld [tilespmem:s23+$0x760];
	v28 =	vsub.f32 v39, v40;
	v50 =	vsub.f32 v47, v49  }
0xc8: {  	v44 =	vld [tilespmem:s23+$0x10760];
	v38 =	vsub.f32 v48, v52;
	v0 =	vsub.f32 v59, v0  }
0xc9: {  	v23 =	vld [tilespmem:s23+$0x10740];
	v2 =	vsub.f32 v2, v4;
	v19 =	vsub.f32 v19, v25  }
0xca: {  	v24 =	vld [tilespmem:s23+$0x8740];
	v17 =	vand.u32 $0x7FFFFFFF, v17;
	v22 =	vsub.f32 v22, v31;
	v20 =	vand.u32 $0x7FFFFFFF, v20  }
0xcb: {  	v29 =	vld [tilespmem:s23+$0x7C0];
	v25 =	vsub.f32 v33, v34;
	v26 =	vand.u32 $0x7FFFFFFF, v26;
	v28 =	vand.u32 $0x7FFFFFFF, v28  }
0xcc: {  	v35 =	vld [tilespmem:s23+$0x106D0];
	v37 =	vand.u32 $0x7FFFFFFF, v30;
	v34 =	vsub.f32 v45, v46;
	v26 =	vadd.f32 v28, v26  }
0xcd: {  	v39 =	vld [tilespmem:s23+$0x750];
	v51 =	vand.u32 $0x7FFFFFFF, v50;
	v5 =	vsub.f32 v5, v18;
	v57 =	vadd.f32 v60, v57  }
0xce: {  	v31 =	vld [tilespmem:s23+$0x107C0];
	v6 =	vadd.f32 v44, v6;
	v22 =	vand.u32 $0x7FFFFFFF, v22;
	v36 =	vand.u32 $0x7FFFFFFF, v25  }
0xcf: {  	v33 =	vld [tilespmem:s23+$0x6D0];
	v19 =	vand.u32 $0x7FFFFFFF, v19;
	v17 =	vadd.f32 v22, v17;
	v20 =	vadd.f32 v36, v20  }
0xd0: {  	v40 =	vld [tilespmem:s23+$0x8750];
	v52 =	vand.u32 $0x7FFFFFFF, v38;
	v19 =	vadd.f32 v37, v19;
	v22 =	vsub.f32 v42, v43  }
0xd1: {  	v25 =	vld [tilespmem:s23+$0x10650];
	v34 =	vand.u32 $0x7FFFFFFF, v34;
	v42 =	vsub.f32 v56, v61;
	v3 =	vsub.f32 v57, v62  }
0xd2: {  	v4 =	vld [tilespmem:s23+$0x106E0];
	v0 =	vand.u32 $0x7FFFFFFF, v0;
	v20 =	vadd.f32 v34, v20;
	v19 =	vadd.f32 v51, v19  }
0xd3: {  	v30 =	vld [tilespmem:s23+$0x8650];
	v22 =	vand.u32 $0x7FFFFFFF, v22;
	v34 =	vsub.f32 v53, v55;
	v18 =	vadd.f32 v31, v29  }
0xd4: {  	v2 =	vand.u32 $0x7FFFFFFF, v2;
	v37 =	vld [tilespmem:s23+$0x86D0];
	v49 =	vadd.f32 v35, v33;
	v17 =	vadd.f32 v22, v17  }
0xd5: {  	v48 =	vld [tilespmem:s23+$0x7E0];
	v5 =	vand.u32 $0x7FFFFFFF, v5;
	v22 =	vadd.f32 v52, v26;
	v26 =	vsub.f32 v54, v58  }
0xd6: {  	v38 =	vld [tilespmem:s23+$0x107D0];
	v34 =	vand.u32 $0x7FFFFFFF, v34;
	v47 =	vadd.f32 v25, v32;
	v18 =	vsub.f32 v18, v27  }
0xd7: {  	v28 =	vld [tilespmem:s23+$0x7D0];
	v17 =	vadd.f32 v34, v17;
	v26 =	vand.u32 $0x7FFFFFFF, v26;
	v0 =	vadd.f32 v0, v22  }
0xd8: {  	v36 =	vld [tilespmem:s23+$0x10750];
	v42 =	vand.u32 $0x7FFFFFFF, v42;
	v20 =	vadd.f32 v26, v20;
	v51 =	vsub.f32 v47, v30  }
0xd9: {  	v59 =	vld [tilespmem:s23+$0x86F0];
	v25 =	vsub.f32 v49, v37;
	v18 =	vand.u32 $0x7FFFFFFF, v18;
	v2 =	vadd.f32 v2, v17  }
0xda: {  	v46 =	vld [tilespmem:s23+$0x8760];
	v0 =	vadd.f32 v18, v0;
	v5 =	vadd.f32 v5, v20;
	v18 =	vand.u32 $0x7FFFFFFF, v51  }
0xdb: {  	v19 =	vadd.f32 v42, v19;
	v42 =	vld [tilespmem:s23+$0x86E0];
	v2 =	vadd.f32 v18, v2;
	v18 =	vand.u32 $0x7FFFFFFF, v25  }
0xdc: {  	v50 =	vld [tilespmem:s23+$0x107E0];
	v5 =	vadd.f32 v18, v5;
	v18 =	vadd.f32 v38, v28  }
0xdd: {  	v60 =	vld [tilespmem:s23+$0x770];
	v54 =	vadd.f32 v36, v39;
	v17 =	vadd.f32 v23, v21  }
0xde: {  	v56 =	vld [tilespmem:s23+$0x6F0];
	v4 =	vadd.f32 v4, v63;
	v18 =	vsub.f32 v18, v41  }
0xdf: {  	v61 =	vld [tilespmem:s23+$0x10770];
	v3 =	vand.u32 $0x7FFFFFFF, v3;
	v20 =	vsub.f32 v54, v40;
	v17 =	vsub.f32 v17, v24  }
0xe0: {  	v6 =	vsub.f32 v6, v46;
	v52 =	vld [tilespmem:s23+$0x87E0];
	v4 =	vsub.f32 v4, v42;
	v18 =	vand.u32 $0x7FFFFFFF, v18  }
0xe1: {  	v20 =	vand.u32 $0x7FFFFFFF, v20;
	v17 =	vand.u32 $0x7FFFFFFF, v17;
	v0 =	vadd.f32 v18, v0;
	v18 =	vld [tilespmem:s23+$0x8770]  }
0xe2: {  	v62 =	vld [tilespmem:s23+$0x7F0];
	v2 =	vadd.f32 v3, v2;
	v63 =	vand.u32 $0x7FFFFFFF, v4;
	v17 =	vadd.f32 v17, v19  }
0xe3: {  	v53 =	vld [tilespmem:s23+$0x670];
	v3 =	vadd.f32 v63, v5;
	v5 =	vand.u32 $0x7FFFFFFF, v6;
	v6 =	vadd.f32 v50, v48  }
0xe4: {  	v55 =	vld [tilespmem:s23+$0x8670];
	v17 =	vadd.f32 v20, v17;
	v20 =	vadd.f32 v61, v60  }
0xe5: {  	v19 =	vld [tilespmem:s23+$0x10670];
	v6 =	vsub.f32 v6, v52  }
0xe6: {  	v58 =	vld [tilespmem:s23+$0x106F0];
	v18 =	vsub.f32 v20, v18  }
0xe7: {  	v27 =	vld [tilespmem:$0x1FF80];
	v5 =	vadd.f32 v5, v17;
	v6 =	vand.u32 $0x7FFFFFFF, v6  }
0xe8: {  	v4 =	vld [tilespmem:s23+$0x107F0];
	v0 =	vadd.f32 v6, v0;
	v6 =	vand.u32 $0x7FFFFFFF, v18  }
0xe9: {  	v5 =	vadd.f32 v6, v5;
	v6 =	vld [tilespmem:$0x1FFF0]  }
0xea: {  	v17 =	vadd.f32 v19, v53;
	v19 =	vld [tilespmem:s23+$0x87F0]  }
0xeb: {  	v24 =	vadd.f32 v58, v56;
	v28 =	vld [tilespmem:$0x1FF90]  }
0xec: {  	v29 =	vld [tilespmem:$0x1FFA0];
	v17 =	vsub.f32 v17, v55  }
0xed: {  	v26 =	vsub.f32 v24, v59;
	v4 =	vadd.f32 v4, v62  }
0xee: {  	v17 =	vand.u32 $0x7FFFFFFF, v17  }
0xef: {  	v2 =	vadd.f32 v17, v2;
	v17 =	vand.u32 $0x7FFFFFFF, v26;
	v4 =	vsub.f32 v4, v19  }
0xf0: {  	v3 =	vadd.f32 v17, v3  }
0xf1: {  	v4 =	vand.u32 $0x7FFFFFFF, v4;
	[tilespmem:v6+s31+$0x0] =	vst.idx.msk $0xffff, v2  }
0xf2: {  	v0 =	vadd.f32 v4, v0;
	[tilespmem:v27+s31+$0x0] =	vst.idx.msk $0xffff, v3  }
0xf3: {  	[tilespmem:v28+s31+$0x0] =	vst.idx.msk $0xffff, v5  }
0xf4: {  	[tilespmem:v29+s31+$0x0] =	vst.idx.msk $0xffff, v0  }
0xf5: {  	v0 =	vld [tilespmem:s23+$0x800]  }
0xf6: {  	v2 =	vld [tilespmem:s23+$0x10800]  }
0xf7: {  	v3 =	vld [tilespmem:s23+$0x8800]  }
0xf8: {  	v4 =	vld [tilespmem:s23+$0x880]  }
0xf9: {  	v5 =	vld [tilespmem:s23+$0x10880]  }
0xfa: {  	v6 =	vld [tilespmem:s23+$0x8880]  }
0xfb: {  	v17 =	vld [tilespmem:s23+$0x900]  }
0xfc: {  	v18 =	vld [tilespmem:s23+$0x10900]  }
0xfd: {  	v19 =	vld [tilespmem:s23+$0x8900]  }
0xfe: {  	v20 =	vld [tilespmem:s23+$0x980]  }
0xff: {  	v21 =	vld [tilespmem:s23+$0x10980]  }
0x100: {  	v22 =	vld [tilespmem:s23+$0x8980]  }
0x101: {  	v23 =	vld [tilespmem:s23+$0x810]  }
0x102: {  	v24 =	vld [tilespmem:s23+$0x10810]  }
0x103: {  	v25 =	vld [tilespmem:s23+$0x8810]  }
0x104: {  	v26 =	vld [tilespmem:s23+$0x890]  }
0x105: {  	v27 =	vld [tilespmem:s23+$0x10890]  }
0x106: {  	v28 =	vld [tilespmem:s23+$0x8890]  }
0x107: {  	v29 =	vld [tilespmem:s23+$0x910]  }
0x108: {  	v30 =	vld [tilespmem:s23+$0x10910]  }
0x109: {  	v31 =	vld [tilespmem:s23+$0x8910]  }
0x10a: {  	v32 =	vld [tilespmem:s23+$0x990]  }
0x10b: {  	v33 =	vld [tilespmem:s23+$0x10990]  }
0x10c: {  	v34 =	vld [tilespmem:s23+$0x8990]  }
0x10d: {  	v35 =	vld [tilespmem:s23+$0x820]  }
0x10e: {  	v36 =	vld [tilespmem:s23+$0x10820]  }
0x10f: {  	v37 =	vld [tilespmem:s23+$0x8820]  }
0x110: {  	v38 =	vld [tilespmem:s23+$0x8A0]  }
0x111: {  	v39 =	vld [tilespmem:s23+$0x108A0]  }
0x112: {  	v40 =	vld [tilespmem:s23+$0x88A0]  }
0x113: {  	v41 =	vld [tilespmem:s23+$0x920]  }
0x114: {  	v42 =	vld [tilespmem:s23+$0x10920]  }
0x115: {  	v43 =	vld [tilespmem:s23+$0x8920]  }
0x116: {  	v44 =	vld [tilespmem:s23+$0x9A0]  }
0x117: {  	v45 =	vld [tilespmem:s23+$0x109A0]  }
0x118: {  	v46 =	vld [tilespmem:s23+$0x89A0]  }
0x119: {  	v47 =	vld [tilespmem:s23+$0x830]  }
0x11a: {  	v48 =	vld [tilespmem:s23+$0x10830]  }
0x11b: {  	v49 =	vld [tilespmem:s23+$0x8830]  }
0x11c: {  	v50 =	vld [tilespmem:s23+$0x8B0]  }
0x11d: {  	v51 =	vld [tilespmem:s23+$0x108B0]  }
0x11e: {  	v52 =	vld [tilespmem:s23+$0x88B0]  }
0x11f: {  	v53 =	vld [tilespmem:s23+$0x930]  }
0x120: {  	v54 =	vld [tilespmem:s23+$0x10930]  }
0x121: {  	v55 =	vld [tilespmem:s23+$0x8930]  }
0x122: {  	v56 =	vld [tilespmem:s23+$0x9B0]  }
0x123: {  	v57 =	vld [tilespmem:s23+$0x109B0]  }
0x124: {  	v58 =	vld [tilespmem:s23+$0x89B0]  }
0x125: {  	v59 =	vld [tilespmem:s23+$0x840]  }
0x126: {  	v60 =	vld [tilespmem:s23+$0x10840]  }
0x127: {  	v61 =	vld [tilespmem:s23+$0x8840]  }
0x128: {  	v62 =	vld [tilespmem:s23+$0x8C0]  }
0x129: {  	v63 =	vld [tilespmem:s23+$0x108C0]  }
0x12a: {  	v0 =	vadd.f32 v2, v0;
	v2 =	vld [tilespmem:s23+$0x88C0]  }
0x12b: {  	v4 =	vadd.f32 v5, v4;
	v5 =	vld [tilespmem:s23+$0x940]  }
0x12c: {  	v30 =	vadd.f32 v30, v29;
	v20 =	vadd.f32 v21, v20;
	v21 =	vld [tilespmem:s23+$0x89C0]  }
0x12d: {  	v33 =	vadd.f32 v33, v32;
	v39 =	vadd.f32 v39, v38;
	v29 =	vld [tilespmem:s23+$0x108D0]  }
0x12e: {  	v53 =	vadd.f32 v54, v53;
	v54 =	vadd.f32 v57, v56;
	v56 =	vld [tilespmem:s23+$0x10860]  }
0x12f: {  	v42 =	vadd.f32 v42, v41;
	v44 =	vadd.f32 v45, v44;
	v41 =	vld [tilespmem:s23+$0x8860]  }
0x130: {  	v48 =	vadd.f32 v48, v47;
	v57 =	vadd.f32 v60, v59;
	v60 =	vld [tilespmem:s23+$0x8E0]  }
0x131: {  	v51 =	vadd.f32 v51, v50;
	v47 =	vld [tilespmem:s23+$0x960];
	v0 =	vsub.f32 v0, v3  }
0x132: {  	v3 =	vadd.f32 v18, v17;
	v17 =	vld [tilespmem:s23+$0x10940];
	v4 =	vsub.f32 v4, v6  }
0x133: {  	v6 =	vadd.f32 v24, v23;
	v18 =	vld [tilespmem:s23+$0x8940];
	v24 =	vsub.f32 v30, v31  }
0x134: {  	v23 =	vld [tilespmem:s23+$0x9C0];
	v20 =	vsub.f32 v20, v22;
	v22 =	vsub.f32 v33, v34  }
0x135: {  	v31 =	vld [tilespmem:s23+$0x88D0];
	v45 =	vsub.f32 v42, v43;
	v32 =	vsub.f32 v44, v46  }
0x136: {  	v33 =	vld [tilespmem:s23+$0x950];
	v59 =	vsub.f32 v54, v58;
	v46 =	vadd.f32 v63, v62  }
0x137: {  	v30 =	vld [tilespmem:s23+$0x10950];
	v3 =	vsub.f32 v3, v19;
	v19 =	vadd.f32 v27, v26  }
0x138: {  	v34 =	vld [tilespmem:s23+$0x8950];
	v0 =	vand.u32 $0x7FFFFFFF, v0;
	v6 =	vsub.f32 v6, v25;
	v4 =	vand.u32 $0x7FFFFFFF, v4  }
0x139: {  	v44 =	vld [tilespmem:s23+$0x88E0];
	v20 =	vand.u32 $0x7FFFFFFF, v20;
	v22 =	vand.u32 $0x7FFFFFFF, v22;
	v19 =	vsub.f32 v19, v28  }
0x13a: {  	v54 =	vld [tilespmem:s23+$0x8870];
	v20 =	vadd.f32 v22, v20;
	v2 =	vsub.f32 v46, v2;
	v6 =	vand.u32 $0x7FFFFFFF, v6  }
0x13b: {  	v27 =	vld [tilespmem:s23+$0x8D0];
	v3 =	vand.u32 $0x7FFFFFFF, v3;
	v0 =	vadd.f32 v6, v0;
	v6 =	vand.u32 $0x7FFFFFFF, v19  }
0x13c: {  	v62 =	vld [tilespmem:s23+$0x10970];
	v5 =	vadd.f32 v17, v5;
	v4 =	vadd.f32 v6, v4;
	v6 =	vand.u32 $0x7FFFFFFF, v24  }
0x13d: {  	v63 =	vld [tilespmem:s23+$0x9F0];
	v3 =	vadd.f32 v6, v3;
	v6 =	vadd.f32 v36, v35  }
0x13e: {  	v25 =	vld [tilespmem:s23+$0x109C0];
	v28 =	vsub.f32 v39, v40;
	v40 =	vsub.f32 v57, v61  }
0x13f: {  	v26 =	vld [tilespmem:s23+$0x850];
	v43 =	vand.u32 $0x7FFFFFFF, v59;
	v5 =	vsub.f32 v5, v18;
	v6 =	vsub.f32 v6, v37  }
0x140: {  	v61 =	vld [tilespmem:s23+$0x108E0];
	v28 =	vand.u32 $0x7FFFFFFF, v28;
	v50 =	vadd.f32 v29, v27;
	v36 =	vsub.f32 v53, v55  }
0x141: {  	v17 =	vld [tilespmem:s23+$0x10960];
	v53 =	vadd.f32 v30, v33;
	v4 =	vadd.f32 v28, v4;
	v6 =	vand.u32 $0x7FFFFFFF, v6  }
0x142: {  	v19 =	vld [tilespmem:s23+$0x10850];
	v28 =	vsub.f32 v48, v49;
	v0 =	vadd.f32 v6, v0;
	v6 =	vand.u32 $0x7FFFFFFF, v45  }
0x143: {  	v59 =	vld [tilespmem:s23+$0x88F0];
	v48 =	vadd.f32 v25, v23;
	v3 =	vadd.f32 v6, v3;
	v6 =	vand.u32 $0x7FFFFFFF, v32  }
0x144: {  	v24 =	vld [tilespmem:s23+$0x8850];
	v6 =	vadd.f32 v6, v20;
	v20 =	vsub.f32 v51, v52  }
0x145: {  	v22 =	vld [tilespmem:s23+$0x9D0];
	v58 =	vadd.f32 v61, v60;
	v36 =	vand.u32 $0x7FFFFFFF, v36;
	v28 =	vand.u32 $0x7FFFFFFF, v28  }
0x146: {  	v37 =	vld [tilespmem:s23+$0x860];
	v17 =	vadd.f32 v17, v47;
	v0 =	vadd.f32 v28, v0;
	v20 =	vand.u32 $0x7FFFFFFF, v20  }
0x147: {  	v57 =	vld [tilespmem:s23+$0x108F0];
	v18 =	vadd.f32 v19, v26;
	v45 =	vand.u32 $0x7FFFFFFF, v40;
	v4 =	vadd.f32 v20, v4  }
0x148: {  	v2 =	vand.u32 $0x7FFFFFFF, v2;
	v32 =	vld [tilespmem:s23+$0x109D0];
	v3 =	vadd.f32 v36, v3;
	v0 =	vadd.f32 v45, v0  }
0x149: {  	v35 =	vld [tilespmem:s23+$0x89D0];
	v2 =	vadd.f32 v2, v4;
	v4 =	vsub.f32 v18, v24  }
0x14a: {  	v55 =	vld [tilespmem:s23+$0x8F0];
	v5 =	vand.u32 $0x7FFFFFFF, v5;
	v20 =	vsub.f32 v48, v21;
	v21 =	vsub.f32 v50, v31  }
0x14b: {  	v49 =	vld [tilespmem:s23+$0x8960];
	v56 =	vadd.f32 v56, v37;
	v6 =	vadd.f32 v43, v6;
	v4 =	vand.u32 $0x7FFFFFFF, v4  }
0x14c: {  	v19 =	vld [tilespmem:s23+$0x9E0];
	v3 =	vadd.f32 v5, v3;
	v0 =	vadd.f32 v4, v0;
	v4 =	vand.u32 $0x7FFFFFFF, v21  }
0x14d: {  	v51 =	vld [tilespmem:s23+$0x109E0];
	v20 =	vand.u32 $0x7FFFFFFF, v20;
	v2 =	vadd.f32 v4, v2;
	v4 =	vadd.f32 v32, v22  }
0x14e: {  	v52 =	vld [tilespmem:s23+$0x870];
	v5 =	vadd.f32 v20, v6;
	v20 =	vsub.f32 v53, v34  }
0x14f: {  	v26 =	vsub.f32 v56, v41;
	v6 =	vld [tilespmem:s23+$0x10870];
	v4 =	vsub.f32 v4, v35  }
0x150: {  	v61 =	vsub.f32 v58, v44;
	v17 =	vsub.f32 v17, v49;
	v18 =	vld [tilespmem:s23+$0x89E0];
	v20 =	vand.u32 $0x7FFFFFFF, v20  }
0x151: {  	v60 =	vld [tilespmem:s23+$0x970];
	v26 =	vand.u32 $0x7FFFFFFF, v26;
	v3 =	vadd.f32 v20, v3;
	v4 =	vand.u32 $0x7FFFFFFF, v4  }
0x152: {  	v0 =	vadd.f32 v26, v0;
	v26 =	vld [tilespmem:s23+$0x109F0];
	v4 =	vadd.f32 v4, v5;
	v5 =	vand.u32 $0x7FFFFFFF, v61  }
0x153: {  	v2 =	vadd.f32 v5, v2;
	v5 =	vand.u32 $0x7FFFFFFF, v17;
	v17 =	vadd.f32 v51, v19;
	v19 =	vld [tilespmem:s23+$0x8970]  }
0x154: {  	v3 =	vadd.f32 v5, v3;
	v5 =	vadd.f32 v6, v52;
	v6 =	vld [tilespmem:s23+$0x89F0]  }
0x155: {  	v17 =	vsub.f32 v17, v18;
	v18 =	vadd.f32 v57, v55  }
0x156: {  	v28 =	vadd.f32 v62, v60;
	v5 =	vsub.f32 v5, v54  }
0x157: {  	v20 =	vadd.f32 v26, v63;
	v18 =	vsub.f32 v18, v59  }
0x158: {  	v5 =	vand.u32 $0x7FFFFFFF, v5;
	v19 =	vsub.f32 v28, v19  }
0x159: {  	v0 =	vadd.f32 v5, v0;
	v5 =	vand.u32 $0x7FFFFFFF, v18;
	v6 =	vsub.f32 v20, v6  }
0x15a: {  	v2 =	vadd.f32 v5, v2;
	v5 =	vand.u32 $0x7FFFFFFF, v19  }
0x15b: {  	v3 =	vadd.f32 v5, v3;
	v5 =	vand.u32 $0x7FFFFFFF, v6;
	v6 =	vld [tilespmem:$0x1FFB0];
	_ =	sdelay $0x5  }
0x15c: {  	v17 =	vand.u32 $0x7FFFFFFF, v17  }
0x15d: {  	v4 =	vadd.f32 v17, v4  }
0x15e: {  	[tilespmem:v6+s31+$0x0] =	vst.idx.msk $0xffff, v0  }
0x15f: {  	v29 =	vadd.f32 v5, v4;
	[tilespmem:v11+s31+$0x0] =	vst.idx.msk $0xffff, v2  }
0x160: {  	[tilespmem:v12+s31+$0x0] =	vst.idx.msk $0xffff, v3  }
0x161: {  	[tilespmem:v13+s31+$0x0] =	vst.idx.msk $0xffff, v29  }
0x162: {  	v0 =	vld [tilespmem:s23+$0xA00]  }
0x163: {  	v2 =	vld [tilespmem:s23+$0x10A00]  }
0x164: {  	v3 =	vld [tilespmem:s23+$0x8A00]  }
0x165: {  	v4 =	vld [tilespmem:s23+$0xA80]  }
0x166: {  	v5 =	vld [tilespmem:s23+$0x10A80]  }
0x167: {  	v6 =	vld [tilespmem:s23+$0x8A80]  }
0x168: {  	v17 =	vld [tilespmem:s23+$0xB00]  }
0x169: {  	v18 =	vld [tilespmem:s23+$0x10B00]  }
0x16a: {  	v19 =	vld [tilespmem:s23+$0x8B00]  }
0x16b: {  	v20 =	vld [tilespmem:s23+$0xB80]  }
0x16c: {  	v21 =	vld [tilespmem:s23+$0x10B80]  }
0x16d: {  	v22 =	vld [tilespmem:s23+$0x8B80]  }
0x16e: {  	v23 =	vld [tilespmem:s23+$0xA10]  }
0x16f: {  	v24 =	vld [tilespmem:s23+$0x10A10]  }
0x170: {  	v25 =	vld [tilespmem:s23+$0x8A10]  }
0x171: {  	v26 =	vld [tilespmem:s23+$0xA90]  }
0x172: {  	v27 =	vld [tilespmem:s23+$0x10A90]  }
0x173: {  	v28 =	vld [tilespmem:s23+$0x8A90]  }
0x174: {  	v29 =	vld [tilespmem:s23+$0xB10]  }
0x175: {  	v30 =	vld [tilespmem:s23+$0x10B10]  }
0x176: {  	v31 =	vld [tilespmem:s23+$0x8B10]  }
0x177: {  	v32 =	vld [tilespmem:s23+$0xB90]  }
0x178: {  	v33 =	vld [tilespmem:s23+$0x10B90]  }
0x179: {  	v34 =	vld [tilespmem:s23+$0x8B90]  }
0x17a: {  	v35 =	vld [tilespmem:s23+$0xA20]  }
0x17b: {  	v36 =	vld [tilespmem:s23+$0x10A20]  }
0x17c: {  	v37 =	vld [tilespmem:s23+$0x8A20]  }
0x17d: {  	v38 =	vld [tilespmem:s23+$0xAA0]  }
0x17e: {  	v39 =	vld [tilespmem:s23+$0x10AA0]  }
0x17f: {  	v40 =	vld [tilespmem:s23+$0x8AA0]  }
0x180: {  	v41 =	vld [tilespmem:s23+$0xB20]  }
0x181: {  	v42 =	vld [tilespmem:s23+$0x10B20]  }
0x182: {  	v43 =	vld [tilespmem:s23+$0x8B20]  }
0x183: {  	v44 =	vld [tilespmem:s23+$0xBA0]  }
0x184: {  	v45 =	vld [tilespmem:s23+$0x10BA0]  }
0x185: {  	v46 =	vld [tilespmem:s23+$0x8BA0]  }
0x186: {  	v47 =	vld [tilespmem:s23+$0xA30]  }
0x187: {  	v48 =	vld [tilespmem:s23+$0x10A30]  }
0x188: {  	v49 =	vld [tilespmem:s23+$0x8A30]  }
0x189: {  	v50 =	vld [tilespmem:s23+$0xAB0]  }
0x18a: {  	v51 =	vld [tilespmem:s23+$0x10AB0]  }
0x18b: {  	v52 =	vld [tilespmem:s23+$0x8AB0]  }
0x18c: {  	v53 =	vld [tilespmem:s23+$0xB30]  }
0x18d: {  	v54 =	vld [tilespmem:s23+$0x10B30]  }
0x18e: {  	v55 =	vld [tilespmem:s23+$0x8B30]  }
0x18f: {  	v56 =	vld [tilespmem:s23+$0xBB0]  }
0x190: {  	v57 =	vld [tilespmem:s23+$0x10BB0]  }
0x191: {  	v58 =	vld [tilespmem:s23+$0x8BB0]  }
0x192: {  	v59 =	vld [tilespmem:s23+$0xA40]  }
0x193: {  	v60 =	vld [tilespmem:s23+$0x10A40]  }
0x194: {  	v61 =	vld [tilespmem:s23+$0x8A40]  }
0x195: {  	v62 =	vld [tilespmem:s23+$0xAC0]  }
0x196: {  	v63 =	vld [tilespmem:s23+$0x10AC0]  }
0x197: {  	v0 =	vadd.f32 v2, v0;
	v2 =	vld [tilespmem:s23+$0x8AC0]  }
0x198: {  	v4 =	vadd.f32 v5, v4;
	v5 =	vld [tilespmem:s23+$0xB40]  }
0x199: {  	v20 =	vadd.f32 v21, v20;
	v21 =	vld [tilespmem:s23+$0x8BC0]  }
0x19a: {  	v30 =	vadd.f32 v30, v29;
	v33 =	vadd.f32 v33, v32;
	v29 =	vld [tilespmem:s23+$0x10AD0]  }
0x19b: {  	v42 =	vadd.f32 v42, v41;
	v53 =	vadd.f32 v54, v53;
	v41 =	vld [tilespmem:s23+$0x8A60]  }
0x19c: {  	v54 =	vadd.f32 v57, v56;
	v56 =	vadd.f32 v60, v59;
	v59 =	vld [tilespmem:s23+$0x10AE0]  }
0x19d: {  	v39 =	vadd.f32 v39, v38;
	v51 =	vadd.f32 v51, v50;
	v50 =	vld [tilespmem:s23+$0x10BE0]  }
0x19e: {  	v0 =	vsub.f32 v0, v3;
	v3 =	vadd.f32 v18, v17;
	v17 =	vld [tilespmem:s23+$0x10B40]  }
0x19f: {  	v44 =	vadd.f32 v45, v44;
	v48 =	vadd.f32 v48, v47;
	v18 =	vld [tilespmem:s23+$0x8B40]  }
0x1a0: {  	v4 =	vsub.f32 v4, v6;
	v6 =	vadd.f32 v24, v23;
	v23 =	vld [tilespmem:s23+$0xBC0]  }
0x1a1: {  	v24 =	vsub.f32 v30, v31;
	v20 =	vsub.f32 v20, v22;
	v31 =	vld [tilespmem:s23+$0x8AD0]  }
0x1a2: {  	v22 =	vsub.f32 v33, v34;
	v33 =	vld [tilespmem:s23+$0xB50];
	v45 =	vsub.f32 v42, v43  }
0x1a3: {  	v30 =	vld [tilespmem:s23+$0x10B50];
	v32 =	vsub.f32 v44, v46;
	v57 =	vsub.f32 v54, v58  }
0x1a4: {  	v34 =	vld [tilespmem:s23+$0x8B50];
	v3 =	vsub.f32 v3, v19;
	v19 =	vadd.f32 v27, v26  }
0x1a5: {  	v58 =	vld [tilespmem:s23+$0xAE0];
	v0 =	vand.u32 $0x7FFFFFFF, v0;
	v6 =	vsub.f32 v6, v25;
	v4 =	vand.u32 $0x7FFFFFFF, v4  }
0x1a6: {  	v46 =	vld [tilespmem:s23+$0xB60];
	v20 =	vand.u32 $0x7FFFFFFF, v20;
	v22 =	vand.u32 $0x7FFFFFFF, v22;
	v19 =	vsub.f32 v19, v28  }
0x1a7: {  	v25 =	vld [tilespmem:s23+$0x10BC0];
	v20 =	vadd.f32 v22, v20;
	v3 =	vand.u32 $0x7FFFFFFF, v3;
	v6 =	vand.u32 $0x7FFFFFFF, v6  }
0x1a8: {  	v54 =	vld [tilespmem:s23+$0xAF0];
	v28 =	vsub.f32 v39, v40;
	v0 =	vadd.f32 v6, v0;
	v6 =	vand.u32 $0x7FFFFFFF, v19  }
0x1a9: {  	v26 =	vld [tilespmem:s23+$0xA50];
	v40 =	vsub.f32 v56, v61;
	v4 =	vadd.f32 v6, v4;
	v6 =	vand.u32 $0x7FFFFFFF, v24  }
0x1aa: {  	v27 =	vld [tilespmem:s23+$0xAD0];
	v3 =	vadd.f32 v6, v3;
	v6 =	vadd.f32 v36, v35  }
0x1ab: {  	v43 =	vand.u32 $0x7FFFFFFF, v57;
	v22 =	vld [tilespmem:s23+$0xBD0];
	v5 =	vadd.f32 v17, v5;
	v57 =	vadd.f32 v59, v58  }
0x1ac: {  	v17 =	vld [tilespmem:s23+$0x10B60];
	v47 =	vadd.f32 v25, v23;
	v6 =	vsub.f32 v6, v37  }
0x1ad: {  	v19 =	vld [tilespmem:s23+$0x10A50];
	v28 =	vand.u32 $0x7FFFFFFF, v28;
	v5 =	vsub.f32 v5, v18;
	v36 =	vsub.f32 v53, v55  }
0x1ae: {  	v39 =	vld [tilespmem:s23+$0x10A60];
	v4 =	vadd.f32 v28, v4;
	v28 =	vsub.f32 v48, v49;
	v6 =	vand.u32 $0x7FFFFFFF, v6  }
0x1af: {  	v56 =	vld [tilespmem:s23+$0x10AF0];
	v49 =	vadd.f32 v29, v27;
	v0 =	vadd.f32 v6, v0;
	v6 =	vand.u32 $0x7FFFFFFF, v45  }
0x1b0: {  	v61 =	vld [tilespmem:s23+$0x10B70];
	v45 =	vadd.f32 v63, v62;
	v3 =	vadd.f32 v6, v3;
	v6 =	vand.u32 $0x7FFFFFFF, v32  }
0x1b1: {  	v44 =	vand.u32 $0x7FFFFFFF, v40;
	v24 =	vld [tilespmem:s23+$0x8A50];
	v6 =	vadd.f32 v6, v20;
	v20 =	vsub.f32 v51, v52  }
0x1b2: {  	v58 =	vld [tilespmem:s23+$0x8AF0];
	v17 =	vadd.f32 v17, v46;
	v28 =	vand.u32 $0x7FFFFFFF, v28;
	v18 =	vadd.f32 v19, v26  }
0x1b3: {  	v37 =	vld [tilespmem:s23+$0xA60];
	v0 =	vadd.f32 v28, v0;
	v2 =	vsub.f32 v45, v2;
	v20 =	vand.u32 $0x7FFFFFFF, v20  }
0x1b4: {  	v59 =	vld [tilespmem:s23+$0xB70];
	v36 =	vand.u32 $0x7FFFFFFF, v36;
	v52 =	vadd.f32 v30, v33;
	v4 =	vadd.f32 v20, v4  }
0x1b5: {  	v32 =	vld [tilespmem:s23+$0x10BD0];
	v3 =	vadd.f32 v36, v3;
	v0 =	vadd.f32 v44, v0;
	v2 =	vand.u32 $0x7FFFFFFF, v2  }
0x1b6: {  	v35 =	vld [tilespmem:s23+$0x8BD0];
	v2 =	vadd.f32 v2, v4;
	v4 =	vsub.f32 v18, v24  }
0x1b7: {  	v48 =	vld [tilespmem:s23+$0x8B60];
	v5 =	vand.u32 $0x7FFFFFFF, v5;
	v20 =	vsub.f32 v47, v21;
	v21 =	vsub.f32 v49, v31  }
0x1b8: {  	v28 =	vld [tilespmem:s23+$0x8AE0];
	v55 =	vadd.f32 v39, v37;
	v6 =	vadd.f32 v43, v6;
	v4 =	vand.u32 $0x7FFFFFFF, v4  }
0x1b9: {  	v53 =	vld [tilespmem:s23+$0x8A70];
	v3 =	vadd.f32 v5, v3;
	v0 =	vadd.f32 v4, v0;
	v4 =	vand.u32 $0x7FFFFFFF, v21  }
0x1ba: {  	v19 =	vld [tilespmem:s23+$0xBE0];
	v20 =	vand.u32 $0x7FFFFFFF, v20;
	v2 =	vadd.f32 v4, v2;
	v4 =	vadd.f32 v32, v22  }
0x1bb: {  	v51 =	vld [tilespmem:s23+$0xA70];
	v5 =	vadd.f32 v20, v6;
	v20 =	vsub.f32 v52, v34  }
0x1bc: {  	v26 =	vsub.f32 v55, v41;
	v6 =	vld [tilespmem:s23+$0x10A70];
	v4 =	vsub.f32 v4, v35  }
0x1bd: {  	v17 =	vsub.f32 v17, v48;
	v18 =	vld [tilespmem:s23+$0x8BE0];
	v60 =	vsub.f32 v57, v28;
	v20 =	vand.u32 $0x7FFFFFFF, v20  }
0x1be: {  	v62 =	vld [tilespmem:s23+$0xBF0];
	v26 =	vand.u32 $0x7FFFFFFF, v26;
	v3 =	vadd.f32 v20, v3;
	v4 =	vand.u32 $0x7FFFFFFF, v4  }
0x1bf: {  	v0 =	vadd.f32 v26, v0;
	v26 =	vld [tilespmem:s23+$0x10BF0];
	v4 =	vadd.f32 v4, v5;
	v5 =	vand.u32 $0x7FFFFFFF, v60  }
0x1c0: {  	v2 =	vadd.f32 v5, v2;
	v5 =	vand.u32 $0x7FFFFFFF, v17;
	v17 =	vadd.f32 v50, v19;
	v19 =	vld [tilespmem:s23+$0x8B70]  }
0x1c1: {  	v3 =	vadd.f32 v5, v3;
	v5 =	vadd.f32 v6, v51;
	v6 =	vld [tilespmem:s23+$0x8BF0]  }
0x1c2: {  	v17 =	vsub.f32 v17, v18;
	v18 =	vadd.f32 v56, v54  }
0x1c3: {  	v63 =	vmov v14;
	v28 =	vadd.f32 v61, v59;
	v5 =	vsub.f32 v5, v53  }
0x1c4: {  	v14 =	vmov v15;
	v20 =	vadd.f32 v26, v62;
	v18 =	vsub.f32 v18, v58  }
0x1c5: {  	v15 =	vmovc v16;
	v17 =	vand.u32 $0x7FFFFFFF, v17;
	v5 =	vand.u32 $0x7FFFFFFF, v5;
	v19 =	vsub.f32 v28, v19  }
0x1c6: {  	v16 =	vmovc v7;
	v0 =	vadd.f32 v5, v0;
	v5 =	vand.u32 $0x7FFFFFFF, v18;
	v6 =	vsub.f32 v20, v6  }
0x1c7: {  	v4 =	vadd.f32 v17, v4;
	v2 =	vadd.f32 v5, v2;
	v5 =	vand.u32 $0x7FFFFFFF, v19  }
0x1c8: {  	v3 =	vadd.f32 v5, v3;
	v5 =	vand.u32 $0x7FFFFFFF, v6;
	[tilespmem:v63+s31+$0x0] =	vst.idx.msk $0xffff, v0  }
0x1c9: {  	v29 =	vadd.f32 v5, v4;
	[tilespmem:v14+s31+$0x0] =	vst.idx.msk $0xffff, v2  }
0x1ca: {  	[tilespmem:v15+s31+$0x0] =	vst.idx.msk $0xffff, v3  }
0x1cb: {  	[tilespmem:v16+s31+$0x0] =	vst.idx.msk $0xffff, v29  }
0x1cc: {  	v0 =	vld [tilespmem:s23+$0xC00]  }
0x1cd: {  	v2 =	vld [tilespmem:s23+$0x10C00]  }
0x1ce: {  	v3 =	vld [tilespmem:s23+$0x8C00]  }
0x1cf: {  	v4 =	vld [tilespmem:s23+$0xC80]  }
0x1d0: {  	v5 =	vld [tilespmem:s23+$0x10C80]  }
0x1d1: {  	v6 =	vld [tilespmem:s23+$0x8C80]  }
0x1d2: {  	v17 =	vld [tilespmem:s23+$0xD00]  }
0x1d3: {  	v18 =	vld [tilespmem:s23+$0x10D00]  }
0x1d4: {  	v19 =	vld [tilespmem:s23+$0x8D00]  }
0x1d5: {  	v20 =	vld [tilespmem:s23+$0xD80]  }
0x1d6: {  	v21 =	vld [tilespmem:s23+$0x10D80]  }
0x1d7: {  	v22 =	vld [tilespmem:s23+$0x8D80]  }
0x1d8: {  	v23 =	vld [tilespmem:s23+$0xC10]  }
0x1d9: {  	v24 =	vld [tilespmem:s23+$0x10C10]  }
0x1da: {  	v25 =	vld [tilespmem:s23+$0x8C10]  }
0x1db: {  	v26 =	vld [tilespmem:s23+$0xC90]  }
0x1dc: {  	v27 =	vld [tilespmem:s23+$0x10C90]  }
0x1dd: {  	v28 =	vld [tilespmem:s23+$0x8C90]  }
0x1de: {  	v29 =	vld [tilespmem:s23+$0xD10]  }
0x1df: {  	v30 =	vld [tilespmem:s23+$0x10D10]  }
0x1e0: {  	v31 =	vld [tilespmem:s23+$0x8D10]  }
0x1e1: {  	v32 =	vld [tilespmem:s23+$0xD90]  }
0x1e2: {  	v33 =	vld [tilespmem:s23+$0x10D90]  }
0x1e3: {  	v34 =	vld [tilespmem:s23+$0x8D90]  }
0x1e4: {  	v35 =	vld [tilespmem:s23+$0xC20]  }
0x1e5: {  	v36 =	vld [tilespmem:s23+$0x10C20]  }
0x1e6: {  	v37 =	vld [tilespmem:s23+$0x8C20]  }
0x1e7: {  	v38 =	vld [tilespmem:s23+$0xCA0]  }
0x1e8: {  	v39 =	vld [tilespmem:s23+$0x10CA0]  }
0x1e9: {  	v40 =	vld [tilespmem:s23+$0x8CA0]  }
0x1ea: {  	v41 =	vld [tilespmem:s23+$0xD20]  }
0x1eb: {  	v42 =	vld [tilespmem:s23+$0x10D20]  }
0x1ec: {  	v43 =	vld [tilespmem:s23+$0x8D20]  }
0x1ed: {  	v44 =	vld [tilespmem:s23+$0xDA0]  }
0x1ee: {  	v45 =	vld [tilespmem:s23+$0x10DA0]  }
0x1ef: {  	v46 =	vld [tilespmem:s23+$0x8DA0]  }
0x1f0: {  	v47 =	vld [tilespmem:s23+$0xC30]  }
0x1f1: {  	v48 =	vld [tilespmem:s23+$0x10C30]  }
0x1f2: {  	v49 =	vld [tilespmem:s23+$0x8C30]  }
0x1f3: {  	v50 =	vld [tilespmem:s23+$0xCB0]  }
0x1f4: {  	v51 =	vld [tilespmem:s23+$0x10CB0]  }
0x1f5: {  	v52 =	vld [tilespmem:s23+$0x8CB0]  }
0x1f6: {  	v53 =	vld [tilespmem:s23+$0xD30]  }
0x1f7: {  	v54 =	vld [tilespmem:s23+$0x10D30]  }
0x1f8: {  	v55 =	vld [tilespmem:s23+$0x8D30]  }
0x1f9: {  	v56 =	vld [tilespmem:s23+$0xDB0]  }
0x1fa: {  	v57 =	vld [tilespmem:s23+$0x10DB0]  }
0x1fb: {  	v58 =	vld [tilespmem:s23+$0x8DB0]  }
0x1fc: {  	v59 =	vld [tilespmem:s23+$0xC40]  }
0x1fd: {  	v60 =	vld [tilespmem:s23+$0x10C40]  }
0x1fe: {  	v61 =	vld [tilespmem:s23+$0x8C40]  }
0x1ff: {  	v62 =	vld [tilespmem:s23+$0x10CC0]  }
0x200: {  	v0 =	vadd.f32 v2, v0;
	v2 =	vld [tilespmem:s23+$0xCC0]  }
0x201: {  	v20 =	vadd.f32 v21, v20;
	v21 =	vld [tilespmem:s23+$0xDC0]  }
0x202: {  	v30 =	vadd.f32 v30, v29;
	v35 =	vadd.f32 v36, v35;
	v29 =	vld [tilespmem:s23+$0xCD0]  }
0x203: {  	v36 =	vadd.f32 v39, v38;
	v39 =	vadd.f32 v45, v44;
	v45 =	vld [tilespmem:s23+$0xC60]  }
0x204: {  	v38 =	vadd.f32 v42, v41;
	v42 =	vadd.f32 v48, v47;
	v47 =	vld [tilespmem:s23+$0x10C60]  }
0x205: {  	v44 =	vadd.f32 v54, v53;
	v54 =	vld [tilespmem:s23+$0x8CE0]  }
0x206: {  	v48 =	vadd.f32 v60, v59;
	v59 =	vld [tilespmem:s23+$0xDE0]  }
0x207: {  	v60 =	vld [tilespmem:s23+$0x10DE0]  }
0x208: {  	v0 =	vsub.f32 v0, v3;
	v3 =	vadd.f32 v5, v4;
	v4 =	vld [tilespmem:s23+$0x8CC0]  }
0x209: {  	v5 =	vadd.f32 v18, v17;
	v18 =	vld [tilespmem:s23+$0xD40]  }
0x20a: {  	v17 =	vadd.f32 v24, v23;
	v23 =	vld [tilespmem:s23+$0x10D40];
	v20 =	vsub.f32 v20, v22  }
0x20b: {  	v31 =	vsub.f32 v30, v31;
	v24 =	vld [tilespmem:s23+$0xC50];
	v3 =	vsub.f32 v3, v6  }
0x20c: {  	v30 =	vld [tilespmem:s23+$0x10CD0];
	v6 =	vadd.f32 v27, v26;
	v5 =	vsub.f32 v5, v19  }
0x20d: {  	v17 =	vsub.f32 v17, v25;
	v19 =	vld [tilespmem:s23+$0x8D40];
	v0 =	vand.u32 $0x7FFFFFFF, v0;
	v27 =	vsub.f32 v35, v37  }
0x20e: {  	v25 =	vld [tilespmem:s23+$0x10DC0];
	v22 =	vand.u32 $0x7FFFFFFF, v31;
	v37 =	vsub.f32 v44, v55;
	v2 =	vadd.f32 v62, v2  }
0x20f: {  	v26 =	vld [tilespmem:s23+$0x10C50];
	v6 =	vsub.f32 v6, v28;
	v17 =	vand.u32 $0x7FFFFFFF, v17;
	v5 =	vand.u32 $0x7FFFFFFF, v5  }
0x210: {  	v31 =	vld [tilespmem:s23+$0x10D50];
	v0 =	vadd.f32 v17, v0;
	v5 =	vadd.f32 v22, v5  }
0x211: {  	v35 =	vld [tilespmem:s23+$0x8D50];
	v3 =	vand.u32 $0x7FFFFFFF, v3;
	v22 =	vsub.f32 v36, v40;
	v40 =	vsub.f32 v38, v43  }
0x212: {  	v44 =	vld [tilespmem:s23+$0xDF0];
	v43 =	vadd.f32 v51, v50;
	v18 =	vadd.f32 v23, v18;
	v6 =	vand.u32 $0x7FFFFFFF, v6  }
0x213: {  	v62 =	vld [tilespmem:s23+$0xC70];
	v2 =	vsub.f32 v2, v4;
	v3 =	vadd.f32 v6, v3  }
0x214: {  	v28 =	vld [tilespmem:s23+$0x8C50];
	v27 =	vand.u32 $0x7FFFFFFF, v27;
	v6 =	vadd.f32 v33, v32;
	v33 =	vsub.f32 v39, v46  }
0x215: {  	v17 =	vld [tilespmem:s23+$0x8DC0];
	v0 =	vadd.f32 v27, v0;
	v27 =	vsub.f32 v42, v49  }
0x216: {  	v36 =	vld [tilespmem:s23+$0x8DD0];
	v46 =	vadd.f32 v57, v56;
	v4 =	vadd.f32 v25, v21  }
0x217: {  	v32 =	vld [tilespmem:s23+$0x8CD0];
	v22 =	vand.u32 $0x7FFFFFFF, v22;
	v18 =	vsub.f32 v18, v19;
	v19 =	vadd.f32 v26, v24  }
0x218: {  	v20 =	vand.u32 $0x7FFFFFFF, v20;
	v6 =	vsub.f32 v6, v34;
	v34 =	vld [tilespmem:s23+$0xD50];
	v3 =	vadd.f32 v22, v3  }
0x219: {  	v22 =	vld [tilespmem:s23+$0xDD0];
	v41 =	vand.u32 $0x7FFFFFFF, v33;
	v27 =	vand.u32 $0x7FFFFFFF, v27;
	v50 =	vsub.f32 v46, v58  }
0x21a: {  	v33 =	vld [tilespmem:s23+$0x10DD0];
	v4 =	vsub.f32 v4, v17;
	v17 =	vadd.f32 v30, v29;
	v6 =	vand.u32 $0x7FFFFFFF, v6  }
0x21b: {  	v51 =	vld [tilespmem:s23+$0xCE0];
	v0 =	vadd.f32 v27, v0;
	v6 =	vadd.f32 v6, v20;
	v20 =	vand.u32 $0x7FFFFFFF, v40  }
0x21c: {  	v56 =	vld [tilespmem:s23+$0xD60];
	v17 =	vsub.f32 v17, v32;
	v5 =	vadd.f32 v20, v5  }
0x21d: {  	v37 =	vand.u32 $0x7FFFFFFF, v37;
	v57 =	vld [tilespmem:s23+$0x10D60];
	v20 =	vsub.f32 v43, v52;
	v6 =	vadd.f32 v41, v6  }
0x21e: {  	v38 =	vld [tilespmem:s23+$0x10CF0];
	v41 =	vsub.f32 v48, v61;
	v61 =	vsub.f32 v19, v28;
	v32 =	vand.u32 $0x7FFFFFFF, v17  }
0x21f: {  	v49 =	vld [tilespmem:s23+$0x8C60];
	v17 =	vadd.f32 v31, v34;
	v33 =	vadd.f32 v33, v22;
	v20 =	vand.u32 $0x7FFFFFFF, v20  }
0x220: {  	v53 =	vand.u32 $0x7FFFFFFF, v50;
	v52 =	vld [tilespmem:s23+$0x10CE0];
	v5 =	vadd.f32 v37, v5;
	v3 =	vadd.f32 v20, v3  }
0x221: {  	v2 =	vand.u32 $0x7FFFFFFF, v2;
	v42 =	vld [tilespmem:s23+$0xD70];
	v6 =	vadd.f32 v53, v6;
	v17 =	vsub.f32 v17, v35  }
0x222: {  	v58 =	vld [tilespmem:s23+$0x8D60];
	v55 =	vand.u32 $0x7FFFFFFF, v41;
	v35 =	vadd.f32 v47, v45;
	v20 =	vadd.f32 v57, v56  }
0x223: {  	v18 =	vand.u32 $0x7FFFFFFF, v18;
	v43 =	vld [tilespmem:s23+$0x10D70];
	v45 =	vadd.f32 v60, v59;
	v0 =	vadd.f32 v55, v0  }
0x224: {  	v4 =	vand.u32 $0x7FFFFFFF, v4;
	v19 =	vld [tilespmem:s23+$0x8DE0];
	v5 =	vadd.f32 v18, v5;
	v2 =	vadd.f32 v2, v3  }
0x225: {  	v34 =	vld [tilespmem:s23+$0xCF0];
	v4 =	vadd.f32 v4, v6;
	v3 =	vand.u32 $0x7FFFFFFF, v61;
	v40 =	vadd.f32 v52, v51  }
0x226: {  	v6 =	vld [tilespmem:s23+$0x10C70];
	v17 =	vand.u32 $0x7FFFFFFF, v17;
	v0 =	vadd.f32 v3, v0;
	v3 =	vsub.f32 v33, v36  }
0x227: {  	v41 =	vld [tilespmem:s23+$0x8CF0];
	v5 =	vadd.f32 v17, v5;
	v17 =	vsub.f32 v40, v54  }
0x228: {  	v18 =	vld [tilespmem:s23+$0x8C70];
	v20 =	vsub.f32 v20, v58;
	v2 =	vadd.f32 v32, v2;
	v3 =	vand.u32 $0x7FFFFFFF, v3  }
0x229: {  	v26 =	vsub.f32 v35, v49;
	v3 =	vadd.f32 v3, v4;
	v4 =	vand.u32 $0x7FFFFFFF, v17;
	v17 =	vld [tilespmem:s23+$0x10DF0]  }
0x22a: {  	v46 =	vld [tilespmem:s23+$0x8D70];
	v19 =	vsub.f32 v45, v19;
	v2 =	vadd.f32 v4, v2;
	v4 =	vand.u32 $0x7FFFFFFF, v20  }
0x22b: {  	v26 =	vand.u32 $0x7FFFFFFF, v26;
	v4 =	vadd.f32 v4, v5;
	v5 =	vadd.f32 v6, v62;
	v6 =	vld [tilespmem:s23+$0x8DF0]  }
0x22c: {  	v47 =	vadd.f32 v38, v34;
	v0 =	vadd.f32 v26, v0  }
0x22d: {  	v5 =	vsub.f32 v5, v18;
	v18 =	vadd.f32 v43, v42  }
0x22e: {  	v20 =	vsub.f32 v47, v41;
	v17 =	vadd.f32 v17, v44  }
0x22f: {  	v19 =	vand.u32 $0x7FFFFFFF, v19;
	v5 =	vand.u32 $0x7FFFFFFF, v5;
	v18 =	vsub.f32 v18, v46  }
0x230: {  	v0 =	vadd.f32 v5, v0;
	v5 =	vand.u32 $0x7FFFFFFF, v20;
	v6 =	vsub.f32 v17, v6  }
0x231: {  	v3 =	vadd.f32 v19, v3;
	v2 =	vadd.f32 v5, v2;
	v5 =	vand.u32 $0x7FFFFFFF, v18  }
0x232: {  	v4 =	vadd.f32 v5, v4;
	v5 =	vand.u32 $0x7FFFFFFF, v6;
	[tilespmem:v1+s31+$0x0] =	vst.idx.msk $0xffff, v0  }
0x233: {  	v48 =	vadd.f32 v5, v3;
	[tilespmem:v8+s31+$0x0] =	vst.idx.msk $0xffff, v2  }
0x234: {  	[tilespmem:v9+s31+$0x0] =	vst.idx.msk $0xffff, v4  }
0x235: {  	[tilespmem:v10+s31+$0x0] =	vst.idx.msk $0xffff, v48  }
0x236: {  	v0 =	vld [tilespmem:$0x18800]  }
0x237: {  	v2 =	vld [tilespmem:$0x18810]  }
0x238: {  	v49 =	vld [tilespmem:$0x18820]  }
0x239: {  	v4 =	vld [tilespmem:$0x18830]  }
0x23a: {  	v5 =	vld [tilespmem:$0x18840]  }
0x23b: {  	v6 =	vld [tilespmem:$0x18850]  }
0x23c: {  	v17 =	vld [tilespmem:$0x18860]  }
0x23d: {  	v18 =	vld [tilespmem:$0x18870]  }
0x23e: {  	v19 =	vld [tilespmem:$0x18880]  }
0x23f: {  	v50 =	vld [tilespmem:$0x18890]  }
0x240: {  	v51 =	vld [tilespmem:$0x188A0]  }
0x241: {  	v52 =	vld [tilespmem:$0x188B0]  }
0x242: {  	v53 =	vld [tilespmem:$0x188C0]  }
0x243: {  	v54 =	vld [tilespmem:$0x188D0]  }
0x244: {  	v55 =	vld [tilespmem:$0x188E0]  }
0x245: {  	v56 =	vld [tilespmem:$0x188F0];
	_ =	sdelay $0x1  }
0x246: {  	v0 =	vadd.f32 v2, v0;
	v57 =	vadd.f32 v4, v49  }
0x247: {  	v58 =	vadd.f32 v6, v5;
	v4 =	vadd.f32 v18, v17  }
0x248: {  	v5 =	vadd.f32 v50, v19;
	v6 =	vadd.f32 v52, v51  }
0x249: {  	v17 =	vadd.f32 v54, v53;
	v18 =	vadd.f32 v56, v55  }
0x24a: {  	v0 =	vadd.f32 v57, v0;
	v59 =	vadd.f32 v4, v58  }
0x24b: {  	v60 =	vadd.f32 v6, v5;
	v4 =	vadd.f32 v18, v17;
	_ =	sdelay $0x1  }
0x24c: {  	v62 =	vlaneseq.u32;
	v0 =	vadd.f32 v59, v0;
	v61 =	vadd.f32 v4, v60  }
0x24d: {  	v3 =	vor.u32 s19, v62  }
0x24e: {  	v0 =	vadd.f32 v61, v0;
	_ =	sdelay $0x1  }
0x24f: {  	v0 =	vsub.f32 $1.200000000e+01, v0  }
0x250: {  	p0 =	sgt.u32 s21, $0xF  }
0x251: {  	s25 =	simm.s32 @!p0 $0x10;
	s24 =	sor.u32 $0x600, s23;
	[tilespmem:v3+s0+$0x0] =	vst.idx.msk $0xffff, v0  }
0x252: {  	[tilespmem:s24], [sflag:s22] =	stream.indirect.gather @!p0 [hbm4b:s1+s25], $0x80, s15, s25, $0xb8;
	[tilespmem:$0x18900] =	vst v63  }
0x253: {  	s24 =	sor.u32 $0x8600, s23  }
0x254: {  	[tilespmem:s24], [sflag:s22] =	stream.indirect.gather @!p0 [hbm4b:s1+s25], $0x80, s16, s25, $0xb8;
	[tilespmem:$0x18900] =	vst v63  }
0x255: {  	s21 =	sadd.s32 $0x1, s21;
	s23 =	sor.u32 $0x10600, s23  }
0x256: {  	[tilespmem:s23], [sflag:s22] =	stream.indirect.gather @!p0 [hbm4b:s2+s25], $0x80, s17, s25, $0xb8;
	[tilespmem:$0x18900] =	vst v63  }
0x257: {  	p0 =	sne.s32 s21, $0x20  }
.Ltmp0:
0x258: {  	_ = 	snop;
	(pc) =	sbr.rel @p0 .LBB2_2-.Ltmp0, $4  }
0x259: {  	_ = 	snop  }
0x25a: {  	s19 =	sadd.s32 $0x10, s19;
	s15 =	sadd.s32 $0x10, s15;
	s16 =	sadd.s32 $0x10, s16  }
0x25b: {  	[hbm4b:s9+s4] =	stream.linear.scatter [tilespmem:s18], [sflag:$0x12], $0x10, $0x38;
	[tilespmem:$0x18900] =	vst v63  }
0x25c: {  	v7 =	vmov v1;
	s17 =	sadd.s32 $0x10, s17;
	s9 =	sadd.s32 $0x2, s9;
	s18 =	sadd.s32 $0x10, s18  }
0x25d: {  	_ =	swait.ge [sflag:s3], $0x10  }
0x25e: {  	[sflag:s3] =	ssyncset.done $0x0  }
0x25f: {  	[sflag:s3] =	ssyncadd.s32 $0xFFFFFFF0  }
0x260: {  	_ =	swait.ge [sflag:s3], $0x10  }
0x261: {  	[sflag:s3] =	ssyncset.done $0x0  }
0x262: {  	[sflag:s3] =	ssyncadd.s32 $0xFFFFFFF0  }
0x263: {  	_ =	swait.ge [sflag:s3], $0x10  }
0x264: {  	[sflag:s3] =	ssyncset.done $0x0  }
0x265: {  	[sflag:s3] =	ssyncadd.s32 $0xFFFFFFF0  }
0x266: {  	_ =	swait.ge [sflag:s3], $0x10  }
0x267: {  	[sflag:s3] =	ssyncset.done $0x0  }
0x268: {  	[sflag:s3] =	ssyncadd.s32 $0xFFFFFFF0  }
0x269: {  	_ =	swait.ge [sflag:s3], $0x10  }
0x26a: {  	[sflag:s3] =	ssyncset.done $0x0  }
0x26b: {  	[sflag:s3] =	ssyncadd.s32 $0xFFFFFFF0  }
0x26c: {  	_ =	swait.ge [sflag:s3], $0x10  }
0x26d: {  	[sflag:s3] =	ssyncset.done $0x0  }
0x26e: {  	[sflag:s3] =	ssyncadd.s32 $0xFFFFFFF0  }
0x26f: {  	_ =	swait.ge [sflag:s3], $0x10  }
0x270: {  	[sflag:s3] =	ssyncset.done $0x0  }
0x271: {  	[sflag:s3] =	ssyncadd.s32 $0xFFFFFFF0  }
0x272: {  	_ =	swait.ge [sflag:s3], $0x10  }
0x273: {  	[sflag:s3] =	ssyncset.done $0x0  }
0x274: {  	[sflag:s3] =	ssyncadd.s32 $0xFFFFFFF0  }
0x275: {  	_ =	swait.ge [sflag:s3], $0x10  }
0x276: {  	[sflag:s3] =	ssyncset.done $0x0  }
0x277: {  	[sflag:s3] =	ssyncadd.s32 $0xFFFFFFF0  }
0x278: {  	_ =	swait.ge [sflag:s3], $0x10  }
0x279: {  	[sflag:s3] =	ssyncset.done $0x0  }
0x27a: {  	[sflag:s3] =	ssyncadd.s32 $0xFFFFFFF0  }
0x27b: {  	_ =	swait.ge [sflag:s3], $0x10  }
0x27c: {  	[sflag:s3] =	ssyncset.done $0x0  }
0x27d: {  	[sflag:s3] =	ssyncadd.s32 $0xFFFFFFF0  }
0x27e: {  	_ =	swait.ge [sflag:s3], $0x10  }
0x27f: {  	[sflag:s3] =	ssyncset.done $0x0  }
0x280: {  	[sflag:s3] =	ssyncadd.s32 $0xFFFFFFF0  }
0x281: {  	_ =	swait.ge [sflag:s3], $0x10  }
0x282: {  	[sflag:s3] =	ssyncset.done $0x0  }
0x283: {  	[sflag:s3] =	ssyncadd.s32 $0xFFFFFFF0  }
0x284: {  	_ =	swait.ge [sflag:s3], $0x10  }
0x285: {  	[sflag:s3] =	ssyncset.done $0x0  }
0x286: {  	[sflag:s3] =	ssyncadd.s32 $0xFFFFFFF0  }
0x287: {  	_ =	swait.ge [sflag:s3], $0x10  }
0x288: {  	[sflag:s3] =	ssyncset.done $0x0  }
0x289: {  	[sflag:s3] =	ssyncadd.s32 $0xFFFFFFF0  }
0x28a: {  	_ =	swait.ge [sflag:s3], $0x10  }
0x28b: {  	[sflag:s3] =	ssyncset.done $0x0  }
0x28c: {  	[sflag:s3] =	ssyncadd.s32 $0xFFFFFFF0  }
0x28d: {  	_ =	swait.ge [sflag:s3], $0x10  }
0x28e: {  	[sflag:s3] =	ssyncset.done $0x0  }
0x28f: {  	[sflag:s3] =	ssyncadd.s32 $0xFFFFFFF0  }
0x290: {  	_ =	swait.ge [sflag:s3], $0x10  }
0x291: {  	[sflag:s3] =	ssyncset.done $0x0  }
0x292: {  	[sflag:s3] =	ssyncadd.s32 $0xFFFFFFF0  }
0x293: {  	_ =	swait.ge [sflag:s3], $0x10  }
0x294: {  	[sflag:s3] =	ssyncset.done $0x0  }
0x295: {  	[sflag:s3] =	ssyncadd.s32 $0xFFFFFFF0  }
0x296: {  	_ =	swait.ge [sflag:s3], $0x10  }
0x297: {  	[sflag:s3] =	ssyncset.done $0x0  }
0x298: {  	[sflag:s3] =	ssyncadd.s32 $0xFFFFFFF0  }
0x299: {  	_ =	swait.ge [sflag:s3], $0x10  }
0x29a: {  	[sflag:s3] =	ssyncset.done $0x0  }
0x29b: {  	[sflag:s3] =	ssyncadd.s32 $0xFFFFFFF0  }
0x29c: {  	_ =	swait.ge [sflag:s3], $0x10  }
0x29d: {  	[sflag:s3] =	ssyncset.done $0x0  }
0x29e: {  	[sflag:s3] =	ssyncadd.s32 $0xFFFFFFF0  }
0x29f: {  	_ =	swait.ge [sflag:s3], $0x10  }
0x2a0: {  	[sflag:s3] =	ssyncset.done $0x0  }
0x2a1: {  	[sflag:s3] =	ssyncadd.s32 $0xFFFFFFF0  }
0x2a2: {  	_ =	swait.ge [sflag:s3], $0x10  }
0x2a3: {  	[sflag:s3] =	ssyncset.done $0x0  }
0x2a4: {  	[sflag:s3] =	ssyncadd.s32 $0xFFFFFFF0  }
0x2a5: {  	_ =	swait.ge [sflag:s3], $0x10  }
0x2a6: {  	[sflag:s3] =	ssyncset.done $0x0  }
0x2a7: {  	[sflag:s3] =	ssyncadd.s32 $0xFFFFFFF0  }
0x2a8: {  	_ =	swait.ge [sflag:s3], $0x10  }
0x2a9: {  	[sflag:s3] =	ssyncset.done $0x0  }
0x2aa: {  	[sflag:s3] =	ssyncadd.s32 $0xFFFFFFF0  }
0x2ab: {  	_ =	swait.ge [sflag:s3], $0x10  }
0x2ac: {  	[sflag:s3] =	ssyncset.done $0x0  }
0x2ad: {  	[sflag:s3] =	ssyncadd.s32 $0xFFFFFFF0  }
0x2ae: {  	_ =	swait.ge [sflag:s3], $0x10  }
0x2af: {  	[sflag:s3] =	ssyncset.done $0x0  }
0x2b0: {  	[sflag:s3] =	ssyncadd.s32 $0xFFFFFFF0  }
0x2b1: {  	_ =	swait.ge [sflag:s3], $0x10  }
0x2b2: {  	[sflag:s3] =	ssyncset.done $0x0  }
0x2b3: {  	[sflag:s3] =	ssyncadd.s32 $0xFFFFFFF0  }
0x2b4: {  	_ =	swait.ge [sflag:s3], $0x10  }
0x2b5: {  	[sflag:s3] =	ssyncset.done $0x0  }
0x2b6: {  	s14 =	sadd.s32 $0x1, s14;
	[sflag:s3] =	ssyncadd.s32 $0xFFFFFFF0  }
0x2b7: {  	p0 =	sne.s32 s14, s8;
	_ =	swait.ge [sflag:s3], $0x10  }
.Ltmp1:
0x2b8: {  	[sflag:s3] =	ssyncset.done $0x0;
	(pc) =	sbr.rel @p0 .LBB2_1-.Ltmp1, $4  }
0x2b9: {  	[sflag:s3] =	ssyncadd.s32 $0xFFFFFFF0  }
0x2ba: {  	_ =	swait.ge [sflag:s3], $0x10  }
0x2bb: {  	[sflag:s3] =	ssyncset.done $0x0  }
0x2bc: {  	[sflag:s3] =	ssyncadd.s32 $0xFFFFFFF0  }
0x2bd: {  	_ =	sfence.sel $0x180000  }
0x2be: {  	[bflag:$0x0] =	sbarrier.arrive $0xFFFF  }
0x2bf: {  	_ =	strace $0x90000047  }
0x2c0: {  	s0 =	stileid.u32;
	[bflag:$0x2] =	sbarrier.arrive $0xFFFF  }
0x2c1: {  	p0 =	sne.s32 s0, $0x0;
	s0 =	rddreg [dreg:$0x6]  }
0x2c2: {  	s0 =	sadd.s32 @!p0 $0x100000, s0  }
0x2c3: {  	[sflag:s0] =	ssyncadd.tile.s32 @!p0 $0x1;
	_ =	shalt  }
.Lfunc_end2:
_tile_overlayer_lowered:
.L_overlay_start_2:
0x2c4: {  	(tag) =	ssettag $0x2  }
0x2c5: {  	s0 =	rddreg [dreg:$0x0];
	s2 =	stileid.u32  }
0x2c6: {  	s1 =	rddreg [dreg:$0x1];
	p0 =	sne.s32 s2, $0x0  }
0x2c7: {  	s3 =	rddreg [dreg:$0x2];
	[bflag:$0x3] =	sbarrier.arrive $0xFFFF;
	s2 =	simm.s32 @!p0 $0x1C13  }
0x2c8: {  	[timem:s3], [sflag:s2] =	dma.local @!p0 [hbm:s0], s1  }
0x2c9: {  	s0 =	simm.s32 @!p0 $0x13  }
0x2ca: {  	_ =	swait.ge @!p0 [sflag:s0], s1  }
0x2cb: {  	s1 =	ssub.s32 @!p0 $0x0, s1;
	[sflag:s0] =	ssyncset.done @!p0 $0x0  }
0x2cc: {  	[sflag:s0] =	ssyncadd.s32 @!p0 s1  }
0x2cd: {  	[bflag:$0x3] =	sbarrier.arrive $0xFFFF  }
0x2ce: {  	_ =	shalt  }

</sc_bundles>
